<compile_context>
chip_gen: v7x
topology: tpu7x:2x2x1
jax: 0.10.2.dev20260603
libtpu: 0.0.44.dev20260713+nightly
codegen_flags: <defaults>
</compile_context>

<pallas_src>
import jax
import jax.numpy as jnp
from jax import lax
from jax.experimental import pallas as pl
from jax.experimental.pallas import tpu as pltpu
from jax.experimental.pallas import tpu_sc as plsc

D = 128
E = 320000
NC = 2
NS = 16
NW = NC * NS
EPW = E // NW
C = 80
NCHUNK = EPW // C
NBUF = 4
SPLIT = 2
CS = C // SPLIT
UNROLL = 8


def _edge_dot_body(src_hbm, tgt_hbm, ids_hbm, out_hbm,
                   sidx_v, tidx_v, out_v, *bufs_and_sems):
    srows = bufs_and_sems[0:NBUF]
    trows = bufs_and_sems[NBUF:2 * NBUF]
    sems = bufs_and_sems[2 * NBUF:]
    wid = lax.axis_index("s") * NC + lax.axis_index("c")
    wbase = wid * EPW

    pltpu.sync_copy(ids_hbm.at[0, pl.ds(wbase, EPW)], sidx_v)
    pltpu.sync_copy(ids_hbm.at[1, pl.ds(wbase, EPW)], tidx_v)

    def fire(ci, b):
        for h in range(SPLIT):
            pltpu.async_copy(
                src_hbm.at[sidx_v.at[pl.ds(ci * C + h * CS, CS)]],
                srows[b].at[pl.ds(h * CS, CS)], sems[2 * b])
            pltpu.async_copy(
                tgt_hbm.at[tidx_v.at[pl.ds(ci * C + h * CS, CS)]],
                trows[b].at[pl.ds(h * CS, CS)], sems[2 * b + 1])

    def wait(b):
        pltpu.make_async_copy(
            src_hbm.at[pl.ds(0, C)], srows[b], sems[2 * b]).wait()
        pltpu.make_async_copy(
            tgt_hbm.at[pl.ds(0, C)], trows[b], sems[2 * b + 1]).wait()

    def compute(ci, b):
        sb = srows[b]
        tb = trows[b]
        lane = lax.iota(jnp.int32, 16)
        for g in range(C // 16):
            rows = lane + g * 16
            zero = jnp.zeros((16,), jnp.float32)

            def d_blk(k, carry):
                acc0, acc1 = carry
                base = k * UNROLL
                for j in range(UNROLL):
                    col = (jnp.full((16,), base + j, jnp.int32) + lane) & (D - 1)
                    s = plsc.load_gather(sb, [rows, col])
                    t = plsc.load_gather(tb, [rows, col])
                    if j % 2 == 0:
                        acc0 = acc0 + s * t
                    else:
                        acc1 = acc1 + s * t
                return acc0, acc1

            acc0, acc1 = lax.fori_loop(0, D // UNROLL, d_blk, (zero, zero))
            out_v[pl.ds(ci * C + g * 16, 16)] = acc0 + acc1

    for b in range(NBUF):
        fire(b, b)

    def loop_body(i, carry):
        for b in range(NBUF):
            ci = i * NBUF + b

            @pl.when(ci < NCHUNK)
            def _():
                wait(b)
                compute(ci, b)

                @pl.when(ci + NBUF < NCHUNK)
                def _():
                    fire(ci + NBUF, b)

        return carry

    lax.fori_loop(0, (NCHUNK + NBUF - 1) // NBUF, loop_body, 0)
    pltpu.sync_copy(out_v, out_hbm.at[pl.ds(wbase, EPW)])


def kernel(node_src_feats, node_tgt_feats, edge_ids):
    eids = edge_ids.astype(jnp.int32)
    mesh = plsc.VectorSubcoreMesh(core_axis_name="c", subcore_axis_name="s")
    fn = pl.kernel(
        _edge_dot_body,
        out_type=jax.ShapeDtypeStruct((E,), jnp.float32),
        mesh=mesh,
        scratch_types=[
            pltpu.VMEM((EPW,), jnp.int32),
            pltpu.VMEM((EPW,), jnp.int32),
            pltpu.VMEM((EPW,), jnp.float32),
        ] + [pltpu.VMEM((C, D), jnp.float32) for _ in range(2 * NBUF)]
          + [pltpu.SemaphoreType.DMA for _ in range(2 * NBUF)],
        compiler_params=pltpu.CompilerParams(
            needs_layout_passes=False, use_tc_tiling_on_sc=False),
    )
    return fn(node_src_feats, node_tgt_feats, eids)

# --- scband reference (transcript-rebuilt; emitter-appended) ---
"""Pipeline reference for scband-edge-dot-product-15255723835703 (READ-ONLY COPY).

The authoritative reference and input builder live on the scoring server;
editing this copy changes nothing except your own understanding.
"""

import jax, jax.numpy as jnp
import numpy as np


def setup_inputs(seed: int = 0) -> dict:
    key = jax.random.key(seed)
    k1, k2, k3 = jax.random.split(key, 3)
    num_nodes = 10000
    num_edges = 320000
    d_feat = 128
    node_src_feats = jax.random.normal(k1, (num_nodes, d_feat), dtype=jnp.float32)
    node_tgt_feats = jax.random.normal(k2, (num_nodes, d_feat), dtype=jnp.float32)
    edge_ids = jax.random.randint(k3, (2, num_edges), 0, num_nodes, dtype=jnp.int64)
    return {"node_src_feats": node_src_feats, "node_tgt_feats": node_tgt_feats, "edge_ids": edge_ids}


def reference(node_src_feats, node_tgt_feats, edge_ids):
    # Gather per-edge source and target features, then compute the dot product per edge.
    # Matches EdgeDotProduct.forward: edge_dot_prods has shape [num_edges].
    src_feats = jnp.take(node_src_feats, edge_ids[0], axis=0)  # [num_edges, src_feat_size]
    tgt_feats = jnp.take(node_tgt_feats, edge_ids[1], axis=0)  # [num_edges, tgt_feat_size]
    edge_dot_prods = jnp.sum(src_feats * tgt_feats, axis=-1)   # [num_edges]
    return edge_dot_prods

if __name__ == "__main__":
    import jax
    _d = setup_inputs()
    print(jax.jit(kernel)(*tuple(_d.values())))

</pallas_src>

<mosaic_0001>
#map = affine_map<(d0, d1) -> (0, 0)>
#map1 = affine_map<(d0, d1) -> (0)>
module attributes {stable_mosaic.version = 14 : i64} {
  func.func @_edge_dot_body(%arg0: i32, %arg1: i32, %arg2: memref<10000x128xf32, #tpu.memory_space<hbm>>, %arg3: memref<10000x128xf32, #tpu.memory_space<hbm>>, %arg4: memref<2x320000xi32, #tpu.memory_space<hbm>>, %arg5: memref<320000xf32, #tpu.memory_space<hbm>>, %arg6: memref<10000xi32, #tpu.memory_space<vmem>>, %arg7: memref<10000xi32, #tpu.memory_space<vmem>>, %arg8: memref<10000xf32, #tpu.memory_space<vmem>>, %arg9: memref<80x128xf32, #tpu.memory_space<vmem>>, %arg10: memref<80x128xf32, #tpu.memory_space<vmem>>, %arg11: memref<80x128xf32, #tpu.memory_space<vmem>>, %arg12: memref<80x128xf32, #tpu.memory_space<vmem>>, %arg13: memref<80x128xf32, #tpu.memory_space<vmem>>, %arg14: memref<80x128xf32, #tpu.memory_space<vmem>>, %arg15: memref<80x128xf32, #tpu.memory_space<vmem>>, %arg16: memref<80x128xf32, #tpu.memory_space<vmem>>, %arg17: memref<!tpu.dma_semaphore, #tpu.memory_space<semaphore_mem>>, %arg18: memref<!tpu.dma_semaphore, #tpu.memory_space<semaphore_mem>>, %arg19: memref<!tpu.dma_semaphore, #tpu.memory_space<semaphore_mem>>, %arg20: memref<!tpu.dma_semaphore, #tpu.memory_space<semaphore_mem>>, %arg21: memref<!tpu.dma_semaphore, #tpu.memory_space<semaphore_mem>>, %arg22: memref<!tpu.dma_semaphore, #tpu.memory_space<semaphore_mem>>, %arg23: memref<!tpu.dma_semaphore, #tpu.memory_space<semaphore_mem>>, %arg24: memref<!tpu.dma_semaphore, #tpu.memory_space<semaphore_mem>>) attributes {dimension_semantics = [#tpu.dimension_semantics<core_parallel>, #tpu.dimension_semantics<subcore_parallel>], iteration_bounds = array<i64: 2, 16>, scalar_prefetch = 0 : i64, scratch_operands = 19 : i64, tpu.core_type = #tpu.core_type<sc_vector_subcore>, window_params = [{transform_indices = #map}, {transform_indices = #map}, {transform_indices = #map}, {transform_indices = #map1}]} {
    %mul3A = arith.constant 2 : i32
    %mul3A_0 = arith.muli %arg1, %mul3A : i32
    %add3A = arith.addi %mul3A_0, %arg0 : i32
    %mul3A_1 = arith.constant 10000 : i32
    %mul3A_2 = arith.muli %add3A, %mul3A_1 : i32
    %run_scoped3A = arith.constant 0 : i32
    "tpu.region"() ({
      %run_scoped3A_136 = tpu.sem_alloc : memref<!tpu.dma_semaphore, #tpu.memory_space<semaphore_mem>>
      %dma_start3A_137 = tpu.memref_slice %arg4[%run_scoped3A, %mul3A_2] : memref<2x320000xi32, #tpu.memory_space<hbm>> -> memref<1x10000xi32, #tpu.memory_space<hbm>>
      %dma_start3A_138 = tpu.memref_squeeze %dma_start3A_137 : memref<1x10000xi32, #tpu.memory_space<hbm>> -> memref<10000xi32, #tpu.memory_space<hbm>>
      %dma_start3A_139 = tpu.memref_slice %arg4[%run_scoped3A, %mul3A_2] : memref<2x320000xi32, #tpu.memory_space<hbm>> -> memref<1x10000xi32, #tpu.memory_space<hbm>>
      %dma_start3A_140 = tpu.memref_squeeze %dma_start3A_139 : memref<1x10000xi32, #tpu.memory_space<hbm>> -> memref<10000xi32, #tpu.memory_space<hbm>>
      tpu.enqueue_dma source(%dma_start3A_140 : memref<10000xi32, #tpu.memory_space<hbm>>) target(%arg6 : memref<10000xi32, #tpu.memory_space<vmem>>) target_semaphore(%run_scoped3A_136 : memref<!tpu.dma_semaphore, #tpu.memory_space<semaphore_mem>>)
      %dma_wait3A = tpu.memref_slice %arg4[%run_scoped3A, %mul3A_2] : memref<2x320000xi32, #tpu.memory_space<hbm>> -> memref<1x10000xi32, #tpu.memory_space<hbm>>
      %dma_wait3A_141 = tpu.memref_squeeze %dma_wait3A : memref<1x10000xi32, #tpu.memory_space<hbm>> -> memref<10000xi32, #tpu.memory_space<hbm>>
      %dma_wait3A_142 = tpu.memref_slice %arg4[%run_scoped3A, %mul3A_2] : memref<2x320000xi32, #tpu.memory_space<hbm>> -> memref<1x10000xi32, #tpu.memory_space<hbm>>
      %dma_wait3A_143 = tpu.memref_squeeze %dma_wait3A_142 : memref<1x10000xi32, #tpu.memory_space<hbm>> -> memref<10000xi32, #tpu.memory_space<hbm>>
      tpu.wait_dma2 semaphore(%run_scoped3A_136 : memref<!tpu.dma_semaphore, #tpu.memory_space<semaphore_mem>>) src(%dma_wait3A_143 : memref<10000xi32, #tpu.memory_space<hbm>>) dst(%arg6 : memref<10000xi32, #tpu.memory_space<vmem>>)
      tpu.yield
    }) : () -> ()
    %run_scoped3A_3 = arith.constant 1 : i32
    "tpu.region"() ({
      %run_scoped3A_136 = tpu.sem_alloc : memref<!tpu.dma_semaphore, #tpu.memory_space<semaphore_mem>>
      %dma_start3A_137 = tpu.memref_slice %arg4[%run_scoped3A_3, %mul3A_2] : memref<2x320000xi32, #tpu.memory_space<hbm>> -> memref<1x10000xi32, #tpu.memory_space<hbm>>
      %dma_start3A_138 = tpu.memref_squeeze %dma_start3A_137 : memref<1x10000xi32, #tpu.memory_space<hbm>> -> memref<10000xi32, #tpu.memory_space<hbm>>
      %dma_start3A_139 = tpu.memref_slice %arg4[%run_scoped3A_3, %mul3A_2] : memref<2x320000xi32, #tpu.memory_space<hbm>> -> memref<1x10000xi32, #tpu.memory_space<hbm>>
      %dma_start3A_140 = tpu.memref_squeeze %dma_start3A_139 : memref<1x10000xi32, #tpu.memory_space<hbm>> -> memref<10000xi32, #tpu.memory_space<hbm>>
      tpu.enqueue_dma source(%dma_start3A_140 : memref<10000xi32, #tpu.memory_space<hbm>>) target(%arg7 : memref<10000xi32, #tpu.memory_space<vmem>>) target_semaphore(%run_scoped3A_136 : memref<!tpu.dma_semaphore, #tpu.memory_space<semaphore_mem>>)
      %dma_wait3A = tpu.memref_slice %arg4[%run_scoped3A_3, %mul3A_2] : memref<2x320000xi32, #tpu.memory_space<hbm>> -> memref<1x10000xi32, #tpu.memory_space<hbm>>
      %dma_wait3A_141 = tpu.memref_squeeze %dma_wait3A : memref<1x10000xi32, #tpu.memory_space<hbm>> -> memref<10000xi32, #tpu.memory_space<hbm>>
      %dma_wait3A_142 = tpu.memref_slice %arg4[%run_scoped3A_3, %mul3A_2] : memref<2x320000xi32, #tpu.memory_space<hbm>> -> memref<1x10000xi32, #tpu.memory_space<hbm>>
      %dma_wait3A_143 = tpu.memref_squeeze %dma_wait3A_142 : memref<1x10000xi32, #tpu.memory_space<hbm>> -> memref<10000xi32, #tpu.memory_space<hbm>>
      tpu.wait_dma2 semaphore(%run_scoped3A_136 : memref<!tpu.dma_semaphore, #tpu.memory_space<semaphore_mem>>) src(%dma_wait3A_143 : memref<10000xi32, #tpu.memory_space<hbm>>) dst(%arg7 : memref<10000xi32, #tpu.memory_space<vmem>>)
      tpu.yield
    }) : () -> ()
    %dma_start3A = arith.constant 0 : i32
    %dma_start3A_4 = arith.constant 0 : i32
    %dma_start3A_5 = tpu.memref_slice %arg9[%dma_start3A, %dma_start3A_4] : memref<80x128xf32, #tpu.memory_space<vmem>> -> memref<40x128xf32, #tpu.memory_space<vmem>>
    %dma_start3A_6 = arith.constant 0 : i32
    %dma_start3A_7 = tpu.memref_slice %arg6[%dma_start3A_6] : memref<10000xi32, #tpu.memory_space<vmem>> -> memref<40xi32, #tpu.memory_space<vmem>>
    %dma_start3A_8 = arith.constant 0 : i32
    %dma_start3A_9 = arith.constant 0 : i32
    %dma_start3A_10 = tpu.memref_slice %arg2[%dma_start3A_8, %dma_start3A_9] : memref<10000x128xf32, #tpu.memory_space<hbm>> -> memref<10000x128xf32, #tpu.memory_space<hbm>>
    tpu.enqueue_indirect_dma source(%dma_start3A_10 : memref<10000x128xf32, #tpu.memory_space<hbm>>) target(%dma_start3A_5 : memref<40x128xf32, #tpu.memory_space<vmem>>) offsets(%dma_start3A_7 : memref<40xi32, #tpu.memory_space<vmem>>) semaphore(%arg17 : memref<!tpu.dma_semaphore, #tpu.memory_space<semaphore_mem>>)
    %dma_start3A_11 = arith.constant 0 : i32
    %dma_start3A_12 = arith.constant 0 : i32
    %dma_start3A_13 = tpu.memref_slice %arg13[%dma_start3A_11, %dma_start3A_12] : memref<80x128xf32, #tpu.memory_space<vmem>> -> memref<40x128xf32, #tpu.memory_space<vmem>>
    %dma_start3A_14 = arith.constant 0 : i32
    %dma_start3A_15 = tpu.memref_slice %arg7[%dma_start3A_14] : memref<10000xi32, #tpu.memory_space<vmem>> -> memref<40xi32, #tpu.memory_space<vmem>>
    %dma_start3A_16 = arith.constant 0 : i32
    %dma_start3A_17 = arith.constant 0 : i32
    %dma_start3A_18 = tpu.memref_slice %arg3[%dma_start3A_16, %dma_start3A_17] : memref<10000x128xf32, #tpu.memory_space<hbm>> -> memref<10000x128xf32, #tpu.memory_space<hbm>>
    tpu.enqueue_indirect_dma source(%dma_start3A_18 : memref<10000x128xf32, #tpu.memory_space<hbm>>) target(%dma_start3A_13 : memref<40x128xf32, #tpu.memory_space<vmem>>) offsets(%dma_start3A_15 : memref<40xi32, #tpu.memory_space<vmem>>) semaphore(%arg18 : memref<!tpu.dma_semaphore, #tpu.memory_space<semaphore_mem>>)
    %dma_start3A_19 = arith.constant 40 : i32
    %dma_start3A_20 = arith.constant 0 : i32
    %dma_start3A_21 = tpu.memref_slice %arg9[%dma_start3A_19, %dma_start3A_20] : memref<80x128xf32, #tpu.memory_space<vmem>> -> memref<40x128xf32, #tpu.memory_space<vmem>>
    %dma_start3A_22 = arith.constant 40 : i32
    %dma_start3A_23 = tpu.memref_slice %arg6[%dma_start3A_22] : memref<10000xi32, #tpu.memory_space<vmem>> -> memref<40xi32, #tpu.memory_space<vmem>>
    %dma_start3A_24 = arith.constant 0 : i32
    %dma_start3A_25 = arith.constant 0 : i32
    %dma_start3A_26 = tpu.memref_slice %arg2[%dma_start3A_24, %dma_start3A_25] : memref<10000x128xf32, #tpu.memory_space<hbm>> -> memref<10000x128xf32, #tpu.memory_space<hbm>>
    tpu.enqueue_indirect_dma source(%dma_start3A_26 : memref<10000x128xf32, #tpu.memory_space<hbm>>) target(%dma_start3A_21 : memref<40x128xf32, #tpu.memory_space<vmem>>) offsets(%dma_start3A_23 : memref<40xi32, #tpu.memory_space<vmem>>) semaphore(%arg17 : memref<!tpu.dma_semaphore, #tpu.memory_space<semaphore_mem>>)
    %dma_start3A_27 = arith.constant 40 : i32
    %dma_start3A_28 = arith.constant 0 : i32
    %dma_start3A_29 = tpu.memref_slice %arg13[%dma_start3A_27, %dma_start3A_28] : memref<80x128xf32, #tpu.memory_space<vmem>> -> memref<40x128xf32, #tpu.memory_space<vmem>>
    %dma_start3A_30 = arith.constant 40 : i32
    %dma_start3A_31 = tpu.memref_slice %arg7[%dma_start3A_30] : memref<10000xi32, #tpu.memory_space<vmem>> -> memref<40xi32, #tpu.memory_space<vmem>>
    %dma_start3A_32 = arith.constant 0 : i32
    %dma_start3A_33 = arith.constant 0 : i32
    %dma_start3A_34 = tpu.memref_slice %arg3[%dma_start3A_32, %dma_start3A_33] : memref<10000x128xf32, #tpu.memory_space<hbm>> -> memref<10000x128xf32, #tpu.memory_space<hbm>>
    tpu.enqueue_indirect_dma source(%dma_start3A_34 : memref<10000x128xf32, #tpu.memory_space<hbm>>) target(%dma_start3A_29 : memref<40x128xf32, #tpu.memory_space<vmem>>) offsets(%dma_start3A_31 : memref<40xi32, #tpu.memory_space<vmem>>) semaphore(%arg18 : memref<!tpu.dma_semaphore, #tpu.memory_space<semaphore_mem>>)
    %dma_start3A_35 = arith.constant 0 : i32
    %dma_start3A_36 = arith.constant 0 : i32
    %dma_start3A_37 = tpu.memref_slice %arg10[%dma_start3A_35, %dma_start3A_36] : memref<80x128xf32, #tpu.memory_space<vmem>> -> memref<40x128xf32, #tpu.memory_space<vmem>>
    %dma_start3A_38 = arith.constant 80 : i32
    %dma_start3A_39 = tpu.memref_slice %arg6[%dma_start3A_38] : memref<10000xi32, #tpu.memory_space<vmem>> -> memref<40xi32, #tpu.memory_space<vmem>>
    %dma_start3A_40 = arith.constant 0 : i32
    %dma_start3A_41 = arith.constant 0 : i32
    %dma_start3A_42 = tpu.memref_slice %arg2[%dma_start3A_40, %dma_start3A_41] : memref<10000x128xf32, #tpu.memory_space<hbm>> -> memref<10000x128xf32, #tpu.memory_space<hbm>>
    tpu.enqueue_indirect_dma source(%dma_start3A_42 : memref<10000x128xf32, #tpu.memory_space<hbm>>) target(%dma_start3A_37 : memref<40x128xf32, #tpu.memory_space<vmem>>) offsets(%dma_start3A_39 : memref<40xi32, #tpu.memory_space<vmem>>) semaphore(%arg19 : memref<!tpu.dma_semaphore, #tpu.memory_space<semaphore_mem>>)
    %dma_start3A_43 = arith.constant 0 : i32
    %dma_start3A_44 = arith.constant 0 : i32
    %dma_start3A_45 = tpu.memref_slice %arg14[%dma_start3A_43, %dma_start3A_44] : memref<80x128xf32, #tpu.memory_space<vmem>> -> memref<40x128xf32, #tpu.memory_space<vmem>>
    %dma_start3A_46 = arith.constant 80 : i32
    %dma_start3A_47 = tpu.memref_slice %arg7[%dma_start3A_46] : memref<10000xi32, #tpu.memory_space<vmem>> -> memref<40xi32, #tpu.memory_space<vmem>>
    %dma_start3A_48 = arith.constant 0 : i32
    %dma_start3A_49 = arith.constant 0 : i32
    %dma_start3A_50 = tpu.memref_slice %arg3[%dma_start3A_48, %dma_start3A_49] : memref<10000x128xf32, #tpu.memory_space<hbm>> -> memref<10000x128xf32, #tpu.memory_space<hbm>>
    tpu.enqueue_indirect_dma source(%dma_start3A_50 : memref<10000x128xf32, #tpu.memory_space<hbm>>) target(%dma_start3A_45 : memref<40x128xf32, #tpu.memory_space<vmem>>) offsets(%dma_start3A_47 : memref<40xi32, #tpu.memory_space<vmem>>) semaphore(%arg20 : memref<!tpu.dma_semaphore, #tpu.memory_space<semaphore_mem>>)
    %dma_start3A_51 = arith.constant 40 : i32
    %dma_start3A_52 = arith.constant 0 : i32
    %dma_start3A_53 = tpu.memref_slice %arg10[%dma_start3A_51, %dma_start3A_52] : memref<80x128xf32, #tpu.memory_space<vmem>> -> memref<40x128xf32, #tpu.memory_space<vmem>>
    %dma_start3A_54 = arith.constant 120 : i32
    %dma_start3A_55 = tpu.memref_slice %arg6[%dma_start3A_54] : memref<10000xi32, #tpu.memory_space<vmem>> -> memref<40xi32, #tpu.memory_space<vmem>>
    %dma_start3A_56 = arith.constant 0 : i32
    %dma_start3A_57 = arith.constant 0 : i32
    %dma_start3A_58 = tpu.memref_slice %arg2[%dma_start3A_56, %dma_start3A_57] : memref<10000x128xf32, #tpu.memory_space<hbm>> -> memref<10000x128xf32, #tpu.memory_space<hbm>>
    tpu.enqueue_indirect_dma source(%dma_start3A_58 : memref<10000x128xf32, #tpu.memory_space<hbm>>) target(%dma_start3A_53 : memref<40x128xf32, #tpu.memory_space<vmem>>) offsets(%dma_start3A_55 : memref<40xi32, #tpu.memory_space<vmem>>) semaphore(%arg19 : memref<!tpu.dma_semaphore, #tpu.memory_space<semaphore_mem>>)
    %dma_start3A_59 = arith.constant 40 : i32
    %dma_start3A_60 = arith.constant 0 : i32
    %dma_start3A_61 = tpu.memref_slice %arg14[%dma_start3A_59, %dma_start3A_60] : memref<80x128xf32, #tpu.memory_space<vmem>> -> memref<40x128xf32, #tpu.memory_space<vmem>>
    %dma_start3A_62 = arith.constant 120 : i32
    %dma_start3A_63 = tpu.memref_slice %arg7[%dma_start3A_62] : memref<10000xi32, #tpu.memory_space<vmem>> -> memref<40xi32, #tpu.memory_space<vmem>>
    %dma_start3A_64 = arith.constant 0 : i32
    %dma_start3A_65 = arith.constant 0 : i32
    %dma_start3A_66 = tpu.memref_slice %arg3[%dma_start3A_64, %dma_start3A_65] : memref<10000x128xf32, #tpu.memory_space<hbm>> -> memref<10000x128xf32, #tpu.memory_space<hbm>>
    tpu.enqueue_indirect_dma source(%dma_start3A_66 : memref<10000x128xf32, #tpu.memory_space<hbm>>) target(%dma_start3A_61 : memref<40x128xf32, #tpu.memory_space<vmem>>) offsets(%dma_start3A_63 : memref<40xi32, #tpu.memory_space<vmem>>) semaphore(%arg20 : memref<!tpu.dma_semaphore, #tpu.memory_space<semaphore_mem>>)
    %dma_start3A_67 = arith.constant 0 : i32
    %dma_start3A_68 = arith.constant 0 : i32
    %dma_start3A_69 = tpu.memref_slice %arg11[%dma_start3A_67, %dma_start3A_68] : memref<80x128xf32, #tpu.memory_space<vmem>> -> memref<40x128xf32, #tpu.memory_space<vmem>>
    %dma_start3A_70 = arith.constant 160 : i32
    %dma_start3A_71 = tpu.memref_slice %arg6[%dma_start3A_70] : memref<10000xi32, #tpu.memory_space<vmem>> -> memref<40xi32, #tpu.memory_space<vmem>>
    %dma_start3A_72 = arith.constant 0 : i32
    %dma_start3A_73 = arith.constant 0 : i32
    %dma_start3A_74 = tpu.memref_slice %arg2[%dma_start3A_72, %dma_start3A_73] : memref<10000x128xf32, #tpu.memory_space<hbm>> -> memref<10000x128xf32, #tpu.memory_space<hbm>>
    tpu.enqueue_indirect_dma source(%dma_start3A_74 : memref<10000x128xf32, #tpu.memory_space<hbm>>) target(%dma_start3A_69 : memref<40x128xf32, #tpu.memory_space<vmem>>) offsets(%dma_start3A_71 : memref<40xi32, #tpu.memory_space<vmem>>) semaphore(%arg21 : memref<!tpu.dma_semaphore, #tpu.memory_space<semaphore_mem>>)
    %dma_start3A_75 = arith.constant 0 : i32
    %dma_start3A_76 = arith.constant 0 : i32
    %dma_start3A_77 = tpu.memref_slice %arg15[%dma_start3A_75, %dma_start3A_76] : memref<80x128xf32, #tpu.memory_space<vmem>> -> memref<40x128xf32, #tpu.memory_space<vmem>>
    %dma_start3A_78 = arith.constant 160 : i32
    %dma_start3A_79 = tpu.memref_slice %arg7[%dma_start3A_78] : memref<10000xi32, #tpu.memory_space<vmem>> -> memref<40xi32, #tpu.memory_space<vmem>>
    %dma_start3A_80 = arith.constant 0 : i32
    %dma_start3A_81 = arith.constant 0 : i32
    %dma_start3A_82 = tpu.memref_slice %arg3[%dma_start3A_80, %dma_start3A_81] : memref<10000x128xf32, #tpu.memory_space<hbm>> -> memref<10000x128xf32, #tpu.memory_space<hbm>>
    tpu.enqueue_indirect_dma source(%dma_start3A_82 : memref<10000x128xf32, #tpu.memory_space<hbm>>) target(%dma_start3A_77 : memref<40x128xf32, #tpu.memory_space<vmem>>) offsets(%dma_start3A_79 : memref<40xi32, #tpu.memory_space<vmem>>) semaphore(%arg22 : memref<!tpu.dma_semaphore, #tpu.memory_space<semaphore_mem>>)
    %dma_start3A_83 = arith.constant 40 : i32
    %dma_start3A_84 = arith.constant 0 : i32
    %dma_start3A_85 = tpu.memref_slice %arg11[%dma_start3A_83, %dma_start3A_84] : memref<80x128xf32, #tpu.memory_space<vmem>> -> memref<40x128xf32, #tpu.memory_space<vmem>>
    %dma_start3A_86 = arith.constant 200 : i32
    %dma_start3A_87 = tpu.memref_slice %arg6[%dma_start3A_86] : memref<10000xi32, #tpu.memory_space<vmem>> -> memref<40xi32, #tpu.memory_space<vmem>>
    %dma_start3A_88 = arith.constant 0 : i32
    %dma_start3A_89 = arith.constant 0 : i32
    %dma_start3A_90 = tpu.memref_slice %arg2[%dma_start3A_88, %dma_start3A_89] : memref<10000x128xf32, #tpu.memory_space<hbm>> -> memref<10000x128xf32, #tpu.memory_space<hbm>>
    tpu.enqueue_indirect_dma source(%dma_start3A_90 : memref<10000x128xf32, #tpu.memory_space<hbm>>) target(%dma_start3A_85 : memref<40x128xf32, #tpu.memory_space<vmem>>) offsets(%dma_start3A_87 : memref<40xi32, #tpu.memory_space<vmem>>) semaphore(%arg21 : memref<!tpu.dma_semaphore, #tpu.memory_space<semaphore_mem>>)
    %dma_start3A_91 = arith.constant 40 : i32
    %dma_start3A_92 = arith.constant 0 : i32
    %dma_start3A_93 = tpu.memref_slice %arg15[%dma_start3A_91, %dma_start3A_92] : memref<80x128xf32, #tpu.memory_space<vmem>> -> memref<40x128xf32, #tpu.memory_space<vmem>>
    %dma_start3A_94 = arith.constant 200 : i32
    %dma_start3A_95 = tpu.memref_slice %arg7[%dma_start3A_94] : memref<10000xi32, #tpu.memory_space<vmem>> -> memref<40xi32, #tpu.memory_space<vmem>>
    %dma_start3A_96 = arith.constant 0 : i32
    %dma_start3A_97 = arith.constant 0 : i32
    %dma_start3A_98 = tpu.memref_slice %arg3[%dma_start3A_96, %dma_start3A_97] : memref<10000x128xf32, #tpu.memory_space<hbm>> -> memref<10000x128xf32, #tpu.memory_space<hbm>>
    tpu.enqueue_indirect_dma source(%dma_start3A_98 : memref<10000x128xf32, #tpu.memory_space<hbm>>) target(%dma_start3A_93 : memref<40x128xf32, #tpu.memory_space<vmem>>) offsets(%dma_start3A_95 : memref<40xi32, #tpu.memory_space<vmem>>) semaphore(%arg22 : memref<!tpu.dma_semaphore, #tpu.memory_space<semaphore_mem>>)
    %dma_start3A_99 = arith.constant 0 : i32
    %dma_start3A_100 = arith.constant 0 : i32
    %dma_start3A_101 = tpu.memref_slice %arg12[%dma_start3A_99, %dma_start3A_100] : memref<80x128xf32, #tpu.memory_space<vmem>> -> memref<40x128xf32, #tpu.memory_space<vmem>>
    %dma_start3A_102 = arith.constant 240 : i32
    %dma_start3A_103 = tpu.memref_slice %arg6[%dma_start3A_102] : memref<10000xi32, #tpu.memory_space<vmem>> -> memref<40xi32, #tpu.memory_space<vmem>>
    %dma_start3A_104 = arith.constant 0 : i32
    %dma_start3A_105 = arith.constant 0 : i32
    %dma_start3A_106 = tpu.memref_slice %arg2[%dma_start3A_104, %dma_start3A_105] : memref<10000x128xf32, #tpu.memory_space<hbm>> -> memref<10000x128xf32, #tpu.memory_space<hbm>>
    tpu.enqueue_indirect_dma source(%dma_start3A_106 : memref<10000x128xf32, #tpu.memory_space<hbm>>) target(%dma_start3A_101 : memref<40x128xf32, #tpu.memory_space<vmem>>) offsets(%dma_start3A_103 : memref<40xi32, #tpu.memory_space<vmem>>) semaphore(%arg23 : memref<!tpu.dma_semaphore, #tpu.memory_space<semaphore_mem>>)
    %dma_start3A_107 = arith.constant 0 : i32
    %dma_start3A_108 = arith.constant 0 : i32
    %dma_start3A_109 = tpu.memref_slice %arg16[%dma_start3A_107, %dma_start3A_108] : memref<80x128xf32, #tpu.memory_space<vmem>> -> memref<40x128xf32, #tpu.memory_space<vmem>>
    %dma_start3A_110 = arith.constant 240 : i32
    %dma_start3A_111 = tpu.memref_slice %arg7[%dma_start3A_110] : memref<10000xi32, #tpu.memory_space<vmem>> -> memref<40xi32, #tpu.memory_space<vmem>>
    %dma_start3A_112 = arith.constant 0 : i32
    %dma_start3A_113 = arith.constant 0 : i32
    %dma_start3A_114 = tpu.memref_slice %arg3[%dma_start3A_112, %dma_start3A_113] : memref<10000x128xf32, #tpu.memory_space<hbm>> -> memref<10000x128xf32, #tpu.memory_space<hbm>>
    tpu.enqueue_indirect_dma source(%dma_start3A_114 : memref<10000x128xf32, #tpu.memory_space<hbm>>) target(%dma_start3A_109 : memref<40x128xf32, #tpu.memory_space<vmem>>) offsets(%dma_start3A_111 : memref<40xi32, #tpu.memory_space<vmem>>) semaphore(%arg24 : memref<!tpu.dma_semaphore, #tpu.memory_space<semaphore_mem>>)
    %dma_start3A_115 = arith.constant 40 : i32
    %dma_start3A_116 = arith.constant 0 : i32
    %dma_start3A_117 = tpu.memref_slice %arg12[%dma_start3A_115, %dma_start3A_116] : memref<80x128xf32, #tpu.memory_space<vmem>> -> memref<40x128xf32, #tpu.memory_space<vmem>>
    %dma_start3A_118 = arith.constant 280 : i32
    %dma_start3A_119 = tpu.memref_slice %arg6[%dma_start3A_118] : memref<10000xi32, #tpu.memory_space<vmem>> -> memref<40xi32, #tpu.memory_space<vmem>>
    %dma_start3A_120 = arith.constant 0 : i32
    %dma_start3A_121 = arith.constant 0 : i32
    %dma_start3A_122 = tpu.memref_slice %arg2[%dma_start3A_120, %dma_start3A_121] : memref<10000x128xf32, #tpu.memory_space<hbm>> -> memref<10000x128xf32, #tpu.memory_space<hbm>>
    tpu.enqueue_indirect_dma source(%dma_start3A_122 : memref<10000x128xf32, #tpu.memory_space<hbm>>) target(%dma_start3A_117 : memref<40x128xf32, #tpu.memory_space<vmem>>) offsets(%dma_start3A_119 : memref<40xi32, #tpu.memory_space<vmem>>) semaphore(%arg23 : memref<!tpu.dma_semaphore, #tpu.memory_space<semaphore_mem>>)
    %dma_start3A_123 = arith.constant 40 : i32
    %dma_start3A_124 = arith.constant 0 : i32
    %dma_start3A_125 = tpu.memref_slice %arg16[%dma_start3A_123, %dma_start3A_124] : memref<80x128xf32, #tpu.memory_space<vmem>> -> memref<40x128xf32, #tpu.memory_space<vmem>>
    %dma_start3A_126 = arith.constant 280 : i32
    %dma_start3A_127 = tpu.memref_slice %arg7[%dma_start3A_126] : memref<10000xi32, #tpu.memory_space<vmem>> -> memref<40xi32, #tpu.memory_space<vmem>>
    %dma_start3A_128 = arith.constant 0 : i32
    %dma_start3A_129 = arith.constant 0 : i32
    %dma_start3A_130 = tpu.memref_slice %arg3[%dma_start3A_128, %dma_start3A_129] : memref<10000x128xf32, #tpu.memory_space<hbm>> -> memref<10000x128xf32, #tpu.memory_space<hbm>>
    tpu.enqueue_indirect_dma source(%dma_start3A_130 : memref<10000x128xf32, #tpu.memory_space<hbm>>) target(%dma_start3A_125 : memref<40x128xf32, #tpu.memory_space<vmem>>) offsets(%dma_start3A_127 : memref<40xi32, #tpu.memory_space<vmem>>) semaphore(%arg24 : memref<!tpu.dma_semaphore, #tpu.memory_space<semaphore_mem>>)
    %scan3A = arith.constant 0 : i32
    %scan3A_131 = arith.constant 0 : i32
    %scan3A_132 = arith.constant 32 : i32
    %scan3A_133 = arith.addi %scan3A_131, %scan3A_132 : i32
    %scan3A_134 = arith.constant 1 : i32
    scf.for %scan3A_136 = %scan3A_131 to %scan3A_133 step %scan3A_134  : i32 {
      %mul3A_137 = arith.constant 4 : i32
      %mul3A_138 = arith.muli %scan3A_136, %mul3A_137 : i32
      %add3A_139 = arith.constant 0 : i32
      %add3A_140 = arith.addi %mul3A_138, %add3A_139 : i32
      %lt3A = arith.constant 125 : i32
      %lt3A_141 = arith.cmpi slt, %add3A_140, %lt3A : i32
      %convert_element_type3A = arith.extui %lt3A_141 : i1 to i32
      %cond3A = arith.constant 0 : i32
      %cond3A_142 = arith.cmpi ne, %convert_element_type3A, %cond3A : i32
      scf.if %cond3A_142 {
        %dma_wait3A = arith.constant 0 : i32
        %dma_wait3A_170 = arith.constant 0 : i32
        %dma_wait3A_171 = tpu.memref_slice %arg2[%dma_wait3A, %dma_wait3A_170] : memref<10000x128xf32, #tpu.memory_space<hbm>> -> memref<80x128xf32, #tpu.memory_space<hbm>>
        %dma_wait3A_172 = arith.constant 0 : i32
        %dma_wait3A_173 = arith.constant 0 : i32
        %dma_wait3A_174 = tpu.memref_slice %arg2[%dma_wait3A_172, %dma_wait3A_173] : memref<10000x128xf32, #tpu.memory_space<hbm>> -> memref<80x128xf32, #tpu.memory_space<hbm>>
        tpu.wait_dma2 semaphore(%arg17 : memref<!tpu.dma_semaphore, #tpu.memory_space<semaphore_mem>>) src(%dma_wait3A_174 : memref<80x128xf32, #tpu.memory_space<hbm>>) dst(%arg9 : memref<80x128xf32, #tpu.memory_space<vmem>>)
        %dma_wait3A_175 = arith.constant 0 : i32
        %dma_wait3A_176 = arith.constant 0 : i32
        %dma_wait3A_177 = tpu.memref_slice %arg3[%dma_wait3A_175, %dma_wait3A_176] : memref<10000x128xf32, #tpu.memory_space<hbm>> -> memref<80x128xf32, #tpu.memory_space<hbm>>
        %dma_wait3A_178 = arith.constant 0 : i32
        %dma_wait3A_179 = arith.constant 0 : i32
        %dma_wait3A_180 = tpu.memref_slice %arg3[%dma_wait3A_178, %dma_wait3A_179] : memref<10000x128xf32, #tpu.memory_space<hbm>> -> memref<80x128xf32, #tpu.memory_space<hbm>>
        tpu.wait_dma2 semaphore(%arg18 : memref<!tpu.dma_semaphore, #tpu.memory_space<semaphore_mem>>) src(%dma_wait3A_180 : memref<80x128xf32, #tpu.memory_space<hbm>>) dst(%arg13 : memref<80x128xf32, #tpu.memory_space<vmem>>)
        %iota3A = tpu.iota {dimensions = array<i32: 0>} : vector<16xi32>
        %add3A_181 = arith.constant 0 : i32
        %add3A_182 = vector.broadcast %add3A_181 : i32 to vector<16xi32>
        %add3A_183 = arith.addi %iota3A, %add3A_182 : vector<16xi32>
        %broadcast_in_dim3A = arith.constant 0.000000e+00 : f32
        %broadcast_in_dim3A_184 = vector.broadcast %broadcast_in_dim3A : f32 to vector<16xf32>
        %scan3A_185 = arith.constant 0 : i32
        %scan3A_186 = arith.constant 16 : i32
        %scan3A_187 = arith.addi %scan3A_185, %scan3A_186 : i32
        %scan3A_188 = arith.constant 1 : i32
        %scan3A_189:2 = scf.for %scan3A_276 = %scan3A_185 to %scan3A_187 step %scan3A_188 iter_args(%scan3A_277 = %broadcast_in_dim3A_184, %scan3A_278 = %broadcast_in_dim3A_184) -> (vector<16xf32>, vector<16xf32>)  : i32 {
          %mul3A_279 = arith.constant 8 : i32
          %mul3A_280 = arith.muli %scan3A_276, %mul3A_279 : i32
          %add3A_281 = arith.constant 0 : i32
          %add3A_282 = arith.addi %mul3A_280, %add3A_281 : i32
          %broadcast_in_dim3A_283 = vector.broadcast %add3A_282 : i32 to vector<16xi32>
          %add3A_284 = arith.addi %broadcast_in_dim3A_283, %iota3A : vector<16xi32>
          %and3A = arith.constant 127 : i32
          %and3A_285 = vector.broadcast %and3A : i32 to vector<16xi32>
          %and3A_286 = arith.andi %add3A_284, %and3A_285 : vector<16xi32>
          %gather3A = tpu.vector_load_idx %arg9[%add3A_183, %and3A_286] : memref<80x128xf32, #tpu.memory_space<vmem>>[vector<16xi32>, vector<16xi32>], vector<16xf32>,
          %gather3A_287 = tpu.vector_load_idx %arg13[%add3A_183, %and3A_286] : memref<80x128xf32, #tpu.memory_space<vmem>>[vector<16xi32>, vector<16xi32>], vector<16xf32>,
          %mul3A_288 = arith.mulf %gather3A, %gather3A_287 : vector<16xf32>
          %add3A_289 = arith.addf %scan3A_277, %mul3A_288 : vector<16xf32>
          %add3A_290 = arith.constant 1 : i32
          %add3A_291 = arith.addi %mul3A_280, %add3A_290 : i32
          %broadcast_in_dim3A_292 = vector.broadcast %add3A_291 : i32 to vector<16xi32>
          %add3A_293 = arith.addi %broadcast_in_dim3A_292, %iota3A : vector<16xi32>
          %and3A_294 = arith.constant 127 : i32
          %and3A_295 = vector.broadcast %and3A_294 : i32 to vector<16xi32>
          %and3A_296 = arith.andi %add3A_293, %and3A_295 : vector<16xi32>
          %gather3A_297 = tpu.vector_load_idx %arg9[%add3A_183, %and3A_296] : memref<80x128xf32, #tpu.memory_space<vmem>>[vector<16xi32>, vector<16xi32>], vector<16xf32>,
          %gather3A_298 = tpu.vector_load_idx %arg13[%add3A_183, %and3A_296] : memref<80x128xf32, #tpu.memory_space<vmem>>[vector<16xi32>, vector<16xi32>], vector<16xf32>,
          %mul3A_299 = arith.mulf %gather3A_297, %gather3A_298 : vector<16xf32>
          %add3A_300 = arith.addf %scan3A_278, %mul3A_299 : vector<16xf32>
          %add3A_301 = arith.constant 2 : i32
          %add3A_302 = arith.addi %mul3A_280, %add3A_301 : i32
          %broadcast_in_dim3A_303 = vector.broadcast %add3A_302 : i32 to vector<16xi32>
          %add3A_304 = arith.addi %broadcast_in_dim3A_303, %iota3A : vector<16xi32>
          %and3A_305 = arith.constant 127 : i32
          %and3A_306 = vector.broadcast %and3A_305 : i32 to vector<16xi32>
          %and3A_307 = arith.andi %add3A_304, %and3A_306 : vector<16xi32>
          %gather3A_308 = tpu.vector_load_idx %arg9[%add3A_183, %and3A_307] : memref<80x128xf32, #tpu.memory_space<vmem>>[vector<16xi32>, vector<16xi32>], vector<16xf32>,
          %gather3A_309 = tpu.vector_load_idx %arg13[%add3A_183, %and3A_307] : memref<80x128xf32, #tpu.memory_space<vmem>>[vector<16xi32>, vector<16xi32>], vector<16xf32>,
          %mul3A_310 = arith.mulf %gather3A_308, %gather3A_309 : vector<16xf32>
          %add3A_311 = arith.addf %add3A_289, %mul3A_310 : vector<16xf32>
          %add3A_312 = arith.constant 3 : i32
          %add3A_313 = arith.addi %mul3A_280, %add3A_312 : i32
          %broadcast_in_dim3A_314 = vector.broadcast %add3A_313 : i32 to vector<16xi32>
          %add3A_315 = arith.addi %broadcast_in_dim3A_314, %iota3A : vector<16xi32>
          %and3A_316 = arith.constant 127 : i32
          %and3A_317 = vector.broadcast %and3A_316 : i32 to vector<16xi32>
          %and3A_318 = arith.andi %add3A_315, %and3A_317 : vector<16xi32>
          %gather3A_319 = tpu.vector_load_idx %arg9[%add3A_183, %and3A_318] : memref<80x128xf32, #tpu.memory_space<vmem>>[vector<16xi32>, vector<16xi32>], vector<16xf32>,
          %gather3A_320 = tpu.vector_load_idx %arg13[%add3A_183, %and3A_318] : memref<80x128xf32, #tpu.memory_space<vmem>>[vector<16xi32>, vector<16xi32>], vector<16xf32>,
          %mul3A_321 = arith.mulf %gather3A_319, %gather3A_320 : vector<16xf32>
          %add3A_322 = arith.addf %add3A_300, %mul3A_321 : vector<16xf32>
          %add3A_323 = arith.constant 4 : i32
          %add3A_324 = arith.addi %mul3A_280, %add3A_323 : i32
          %broadcast_in_dim3A_325 = vector.broadcast %add3A_324 : i32 to vector<16xi32>
          %add3A_326 = arith.addi %broadcast_in_dim3A_325, %iota3A : vector<16xi32>
          %and3A_327 = arith.constant 127 : i32
          %and3A_328 = vector.broadcast %and3A_327 : i32 to vector<16xi32>
          %and3A_329 = arith.andi %add3A_326, %and3A_328 : vector<16xi32>
          %gather3A_330 = tpu.vector_load_idx %arg9[%add3A_183, %and3A_329] : memref<80x128xf32, #tpu.memory_space<vmem>>[vector<16xi32>, vector<16xi32>], vector<16xf32>,
          %gather3A_331 = tpu.vector_load_idx %arg13[%add3A_183, %and3A_329] : memref<80x128xf32, #tpu.memory_space<vmem>>[vector<16xi32>, vector<16xi32>], vector<16xf32>,
          %mul3A_332 = arith.mulf %gather3A_330, %gather3A_331 : vector<16xf32>
          %add3A_333 = arith.addf %add3A_311, %mul3A_332 : vector<16xf32>
          %add3A_334 = arith.constant 5 : i32
          %add3A_335 = arith.addi %mul3A_280, %add3A_334 : i32
          %broadcast_in_dim3A_336 = vector.broadcast %add3A_335 : i32 to vector<16xi32>
          %add3A_337 = arith.addi %broadcast_in_dim3A_336, %iota3A : vector<16xi32>
          %and3A_338 = arith.constant 127 : i32
          %and3A_339 = vector.broadcast %and3A_338 : i32 to vector<16xi32>
          %and3A_340 = arith.andi %add3A_337, %and3A_339 : vector<16xi32>
          %gather3A_341 = tpu.vector_load_idx %arg9[%add3A_183, %and3A_340] : memref<80x128xf32, #tpu.memory_space<vmem>>[vector<16xi32>, vector<16xi32>], vector<16xf32>,
          %gather3A_342 = tpu.vector_load_idx %arg13[%add3A_183, %and3A_340] : memref<80x128xf32, #tpu.memory_space<vmem>>[vector<16xi32>, vector<16xi32>], vector<16xf32>,
          %mul3A_343 = arith.mulf %gather3A_341, %gather3A_342 : vector<16xf32>
          %add3A_344 = arith.addf %add3A_322, %mul3A_343 : vector<16xf32>
          %add3A_345 = arith.constant 6 : i32
          %add3A_346 = arith.addi %mul3A_280, %add3A_345 : i32
          %broadcast_in_dim3A_347 = vector.broadcast %add3A_346 : i32 to vector<16xi32>
          %add3A_348 = arith.addi %broadcast_in_dim3A_347, %iota3A : vector<16xi32>
          %and3A_349 = arith.constant 127 : i32
          %and3A_350 = vector.broadcast %and3A_349 : i32 to vector<16xi32>
          %and3A_351 = arith.andi %add3A_348, %and3A_350 : vector<16xi32>
          %gather3A_352 = tpu.vector_load_idx %arg9[%add3A_183, %and3A_351] : memref<80x128xf32, #tpu.memory_space<vmem>>[vector<16xi32>, vector<16xi32>], vector<16xf32>,
          %gather3A_353 = tpu.vector_load_idx %arg13[%add3A_183, %and3A_351] : memref<80x128xf32, #tpu.memory_space<vmem>>[vector<16xi32>, vector<16xi32>], vector<16xf32>,
          %mul3A_354 = arith.mulf %gather3A_352, %gather3A_353 : vector<16xf32>
          %add3A_355 = arith.addf %add3A_333, %mul3A_354 : vector<16xf32>
          %add3A_356 = arith.constant 7 : i32
          %add3A_357 = arith.addi %mul3A_280, %add3A_356 : i32
          %broadcast_in_dim3A_358 = vector.broadcast %add3A_357 : i32 to vector<16xi32>
          %add3A_359 = arith.addi %broadcast_in_dim3A_358, %iota3A : vector<16xi32>
          %and3A_360 = arith.constant 127 : i32
          %and3A_361 = vector.broadcast %and3A_360 : i32 to vector<16xi32>
          %and3A_362 = arith.andi %add3A_359, %and3A_361 : vector<16xi32>
          %gather3A_363 = tpu.vector_load_idx %arg9[%add3A_183, %and3A_362] : memref<80x128xf32, #tpu.memory_space<vmem>>[vector<16xi32>, vector<16xi32>], vector<16xf32>,
          %gather3A_364 = tpu.vector_load_idx %arg13[%add3A_183, %and3A_362] : memref<80x128xf32, #tpu.memory_space<vmem>>[vector<16xi32>, vector<16xi32>], vector<16xf32>,
          %mul3A_365 = arith.mulf %gather3A_363, %gather3A_364 : vector<16xf32>
          %add3A_366 = arith.addf %add3A_344, %mul3A_365 : vector<16xf32>
          scf.yield %add3A_355, %add3A_366 : vector<16xf32>, vector<16xf32>
        }
        %scan3A_190 = arith.constant 16 : i32
        %add3A_191 = arith.addf %scan3A_189#0, %scan3A_189#1 : vector<16xf32>
        %mul3A_192 = arith.constant 80 : i32
        %mul3A_193 = arith.muli %add3A_140, %mul3A_192 : i32
        %add3A_194 = arith.constant 0 : i32
        %add3A_195 = arith.addi %mul3A_193, %add3A_194 : i32
        %swap3A = arith.index_cast %add3A_195 : i32 to index
        %swap3A_196 = tpu.vector_load %arg8[%swap3A] {strides = array<i32>} : memref<10000xf32, #tpu.memory_space<vmem>>, vector<16xf32>,
        tpu.vector_store %arg8[%swap3A], %add3A_191 {strides = array<i32>} : memref<10000xf32, #tpu.memory_space<vmem>>, vector<16xf32>,
        %add3A_197 = arith.constant 16 : i32
        %add3A_198 = vector.broadcast %add3A_197 : i32 to vector<16xi32>
        %add3A_199 = arith.addi %iota3A, %add3A_198 : vector<16xi32>
        %broadcast_in_dim3A_200 = arith.constant 0.000000e+00 : f32
        %broadcast_in_dim3A_201 = vector.broadcast %broadcast_in_dim3A_200 : f32 to vector<16xf32>
        %scan3A_202 = arith.constant 0 : i32
        %scan3A_203 = arith.constant 16 : i32
        %scan3A_204 = arith.addi %scan3A_202, %scan3A_203 : i32
        %scan3A_205 = arith.constant 1 : i32
        %scan3A_206:2 = scf.for %scan3A_276 = %scan3A_202 to %scan3A_204 step %scan3A_205 iter_args(%scan3A_277 = %broadcast_in_dim3A_201, %scan3A_278 = %broadcast_in_dim3A_201) -> (vector<16xf32>, vector<16xf32>)  : i32 {
          %mul3A_279 = arith.constant 8 : i32
          %mul3A_280 = arith.muli %scan3A_276, %mul3A_279 : i32
          %add3A_281 = arith.constant 0 : i32
          %add3A_282 = arith.addi %mul3A_280, %add3A_281 : i32
          %broadcast_in_dim3A_283 = vector.broadcast %add3A_282 : i32 to vector<16xi32>
          %add3A_284 = arith.addi %broadcast_in_dim3A_283, %iota3A : vector<16xi32>
          %and3A = arith.constant 127 : i32
          %and3A_285 = vector.broadcast %and3A : i32 to vector<16xi32>
          %and3A_286 = arith.andi %add3A_284, %and3A_285 : vector<16xi32>
          %gather3A = tpu.vector_load_idx %arg9[%add3A_199, %and3A_286] : memref<80x128xf32, #tpu.memory_space<vmem>>[vector<16xi32>, vector<16xi32>], vector<16xf32>,
          %gather3A_287 = tpu.vector_load_idx %arg13[%add3A_199, %and3A_286] : memref<80x128xf32, #tpu.memory_space<vmem>>[vector<16xi32>, vector<16xi32>], vector<16xf32>,
          %mul3A_288 = arith.mulf %gather3A, %gather3A_287 : vector<16xf32>
          %add3A_289 = arith.addf %scan3A_277, %mul3A_288 : vector<16xf32>
          %add3A_290 = arith.constant 1 : i32
          %add3A_291 = arith.addi %mul3A_280, %add3A_290 : i32
          %broadcast_in_dim3A_292 = vector.broadcast %add3A_291 : i32 to vector<16xi32>
          %add3A_293 = arith.addi %broadcast_in_dim3A_292, %iota3A : vector<16xi32>
          %and3A_294 = arith.constant 127 : i32
          %and3A_295 = vector.broadcast %and3A_294 : i32 to vector<16xi32>
          %and3A_296 = arith.andi %add3A_293, %and3A_295 : vector<16xi32>
          %gather3A_297 = tpu.vector_load_idx %arg9[%add3A_199, %and3A_296] : memref<80x128xf32, #tpu.memory_space<vmem>>[vector<16xi32>, vector<16xi32>], vector<16xf32>,
          %gather3A_298 = tpu.vector_load_idx %arg13[%add3A_199, %and3A_296] : memref<80x128xf32, #tpu.memory_space<vmem>>[vector<16xi32>, vector<16xi32>], vector<16xf32>,
          %mul3A_299 = arith.mulf %gather3A_297, %gather3A_298 : vector<16xf32>
          %add3A_300 = arith.addf %scan3A_278, %mul3A_299 : vector<16xf32>
          %add3A_301 = arith.constant 2 : i32
          %add3A_302 = arith.addi %mul3A_280, %add3A_301 : i32
          %broadcast_in_dim3A_303 = vector.broadcast %add3A_302 : i32 to vector<16xi32>
          %add3A_304 = arith.addi %broadcast_in_dim3A_303, %iota3A : vector<16xi32>
          %and3A_305 = arith.constant 127 : i32
          %and3A_306 = vector.broadcast %and3A_305 : i32 to vector<16xi32>
          %and3A_307 = arith.andi %add3A_304, %and3A_306 : vector<16xi32>
          %gather3A_308 = tpu.vector_load_idx %arg9[%add3A_199, %and3A_307] : memref<80x128xf32, #tpu.memory_space<vmem>>[vector<16xi32>, vector<16xi32>], vector<16xf32>,
          %gather3A_309 = tpu.vector_load_idx %arg13[%add3A_199, %and3A_307] : memref<80x128xf32, #tpu.memory_space<vmem>>[vector<16xi32>, vector<16xi32>], vector<16xf32>,
          %mul3A_310 = arith.mulf %gather3A_308, %gather3A_309 : vector<16xf32>
          %add3A_311 = arith.addf %add3A_289, %mul3A_310 : vector<16xf32>
          %add3A_312 = arith.constant 3 : i32
          %add3A_313 = arith.addi %mul3A_280, %add3A_312 : i32
          %broadcast_in_dim3A_314 = vector.broadcast %add3A_313 : i32 to vector<16xi32>
          %add3A_315 = arith.addi %broadcast_in_dim3A_314, %iota3A : vector<16xi32>
          %and3A_316 = arith.constant 127 : i32
          %and3A_317 = vector.broadcast %and3A_316 : i32 to vector<16xi32>
          %and3A_318 = arith.andi %add3A_315, %and3A_317 : vector<16xi32>
          %gather3A_319 = tpu.vector_load_idx %arg9[%add3A_199, %and3A_318] : memref<80x128xf32, #tpu.memory_space<vmem>>[vector<16xi32>, vector<16xi32>], vector<16xf32>,
          %gather3A_320 = tpu.vector_load_idx %arg13[%add3A_199, %and3A_318] : memref<80x128xf32, #tpu.memory_space<vmem>>[vector<16xi32>, vector<16xi32>], vector<16xf32>,
          %mul3A_321 = arith.mulf %gather3A_319, %gather3A_320 : vector<16xf32>
          %add3A_322 = arith.addf %add3A_300, %mul3A_321 : vector<16xf32>
          %add3A_323 = arith.constant 4 : i32
          %add3A_324 = arith.addi %mul3A_280, %add3A_323 : i32
          %broadcast_in_dim3A_325 = vector.broadcast %add3A_324 : i32 to vector<16xi32>
          %add3A_326 = arith.addi %broadcast_in_dim3A_325, %iota3A : vector<16xi32>
          %and3A_327 = arith.constant 127 : i32
          %and3A_328 = vector.broadcast %and3A_327 : i32 to vector<16xi32>
          %and3A_329 = arith.andi %add3A_326, %and3A_328 : vector<16xi32>
          %gather3A_330 = tpu.vector_load_idx %arg9[%add3A_199, %and3A_329] : memref<80x128xf32, #tpu.memory_space<vmem>>[vector<16xi32>, vector<16xi32>], vector<16xf32>,
          %gather3A_331 = tpu.vector_load_idx %arg13[%add3A_199, %and3A_329] : memref<80x128xf32, #tpu.memory_space<vmem>>[vector<16xi32>, vector<16xi32>], vector<16xf32>,
          %mul3A_332 = arith.mulf %gather3A_330, %gather3A_331 : vector<16xf32>
          %add3A_333 = arith.addf %add3A_311, %mul3A_332 : vector<16xf32>
          %add3A_334 = arith.constant 5 : i32
          %add3A_335 = arith.addi %mul3A_280, %add3A_334 : i32
          %broadcast_in_dim3A_336 = vector.broadcast %add3A_335 : i32 to vector<16xi32>
          %add3A_337 = arith.addi %broadcast_in_dim3A_336, %iota3A : vector<16xi32>
          %and3A_338 = arith.constant 127 : i32
          %and3A_339 = vector.broadcast %and3A_338 : i32 to vector<16xi32>
          %and3A_340 = arith.andi %add3A_337, %and3A_339 : vector<16xi32>
          %gather3A_341 = tpu.vector_load_idx %arg9[%add3A_199, %and3A_340] : memref<80x128xf32, #tpu.memory_space<vmem>>[vector<16xi32>, vector<16xi32>], vector<16xf32>,
          %gather3A_342 = tpu.vector_load_idx %arg13[%add3A_199, %and3A_340] : memref<80x128xf32, #tpu.memory_space<vmem>>[vector<16xi32>, vector<16xi32>], vector<16xf32>,
          %mul3A_343 = arith.mulf %gather3A_341, %gather3A_342 : vector<16xf32>
          %add3A_344 = arith.addf %add3A_322, %mul3A_343 : vector<16xf32>
          %add3A_345 = arith.constant 6 : i32
          %add3A_346 = arith.addi %mul3A_280, %add3A_345 : i32
          %broadcast_in_dim3A_347 = vector.broadcast %add3A_346 : i32 to vector<16xi32>
          %add3A_348 = arith.addi %broadcast_in_dim3A_347, %iota3A : vector<16xi32>
          %and3A_349 = arith.constant 127 : i32
          %and3A_350 = vector.broadcast %and3A_349 : i32 to vector<16xi32>
          %and3A_351 = arith.andi %add3A_348, %and3A_350 : vector<16xi32>
          %gather3A_352 = tpu.vector_load_idx %arg9[%add3A_199, %and3A_351] : memref<80x128xf32, #tpu.memory_space<vmem>>[vector<16xi32>, vector<16xi32>], vector<16xf32>,
          %gather3A_353 = tpu.vector_load_idx %arg13[%add3A_199, %and3A_351] : memref<80x128xf32, #tpu.memory_space<vmem>>[vector<16xi32>, vector<16xi32>], vector<16xf32>,
          %mul3A_354 = arith.mulf %gather3A_352, %gather3A_353 : vector<16xf32>
          %add3A_355 = arith.addf %add3A_333, %mul3A_354 : vector<16xf32>
          %add3A_356 = arith.constant 7 : i32
          %add3A_357 = arith.addi %mul3A_280, %add3A_356 : i32
          %broadcast_in_dim3A_358 = vector.broadcast %add3A_357 : i32 to vector<16xi32>
          %add3A_359 = arith.addi %broadcast_in_dim3A_358, %iota3A : vector<16xi32>
          %and3A_360 = arith.constant 127 : i32
          %and3A_361 = vector.broadcast %and3A_360 : i32 to vector<16xi32>
          %and3A_362 = arith.andi %add3A_359, %and3A_361 : vector<16xi32>
          %gather3A_363 = tpu.vector_load_idx %arg9[%add3A_199, %and3A_362] : memref<80x128xf32, #tpu.memory_space<vmem>>[vector<16xi32>, vector<16xi32>], vector<16xf32>,
          %gather3A_364 = tpu.vector_load_idx %arg13[%add3A_199, %and3A_362] : memref<80x128xf32, #tpu.memory_space<vmem>>[vector<16xi32>, vector<16xi32>], vector<16xf32>,
          %mul3A_365 = arith.mulf %gather3A_363, %gather3A_364 : vector<16xf32>
          %add3A_366 = arith.addf %add3A_344, %mul3A_365 : vector<16xf32>
          scf.yield %add3A_355, %add3A_366 : vector<16xf32>, vector<16xf32>
        }
        %scan3A_207 = arith.constant 16 : i32
        %add3A_208 = arith.addf %scan3A_206#0, %scan3A_206#1 : vector<16xf32>
        %mul3A_209 = arith.constant 80 : i32
        %mul3A_210 = arith.muli %add3A_140, %mul3A_209 : i32
        %add3A_211 = arith.constant 16 : i32
        %add3A_212 = arith.addi %mul3A_210, %add3A_211 : i32
        %swap3A_213 = arith.index_cast %add3A_212 : i32 to index
        %swap3A_214 = tpu.vector_load %arg8[%swap3A_213] {strides = array<i32>} : memref<10000xf32, #tpu.memory_space<vmem>>, vector<16xf32>,
        tpu.vector_store %arg8[%swap3A_213], %add3A_208 {strides = array<i32>} : memref<10000xf32, #tpu.memory_space<vmem>>, vector<16xf32>,
        %add3A_215 = arith.constant 32 : i32
        %add3A_216 = vector.broadcast %add3A_215 : i32 to vector<16xi32>
        %add3A_217 = arith.addi %iota3A, %add3A_216 : vector<16xi32>
        %broadcast_in_dim3A_218 = arith.constant 0.000000e+00 : f32
        %broadcast_in_dim3A_219 = vector.broadcast %broadcast_in_dim3A_218 : f32 to vector<16xf32>
        %scan3A_220 = arith.constant 0 : i32
        %scan3A_221 = arith.constant 16 : i32
        %scan3A_222 = arith.addi %scan3A_220, %scan3A_221 : i32
        %scan3A_223 = arith.constant 1 : i32
        %scan3A_224:2 = scf.for %scan3A_276 = %scan3A_220 to %scan3A_222 step %scan3A_223 iter_args(%scan3A_277 = %broadcast_in_dim3A_219, %scan3A_278 = %broadcast_in_dim3A_219) -> (vector<16xf32>, vector<16xf32>)  : i32 {
          %mul3A_279 = arith.constant 8 : i32
          %mul3A_280 = arith.muli %scan3A_276, %mul3A_279 : i32
          %add3A_281 = arith.constant 0 : i32
          %add3A_282 = arith.addi %mul3A_280, %add3A_281 : i32
          %broadcast_in_dim3A_283 = vector.broadcast %add3A_282 : i32 to vector<16xi32>
          %add3A_284 = arith.addi %broadcast_in_dim3A_283, %iota3A : vector<16xi32>
          %and3A = arith.constant 127 : i32
          %and3A_285 = vector.broadcast %and3A : i32 to vector<16xi32>
          %and3A_286 = arith.andi %add3A_284, %and3A_285 : vector<16xi32>
          %gather3A = tpu.vector_load_idx %arg9[%add3A_217, %and3A_286] : memref<80x128xf32, #tpu.memory_space<vmem>>[vector<16xi32>, vector<16xi32>], vector<16xf32>,
          %gather3A_287 = tpu.vector_load_idx %arg13[%add3A_217, %and3A_286] : memref<80x128xf32, #tpu.memory_space<vmem>>[vector<16xi32>, vector<16xi32>], vector<16xf32>,
          %mul3A_288 = arith.mulf %gather3A, %gather3A_287 : vector<16xf32>
          %add3A_289 = arith.addf %scan3A_277, %mul3A_288 : vector<16xf32>
          %add3A_290 = arith.constant 1 : i32
          %add3A_291 = arith.addi %mul3A_280, %add3A_290 : i32
          %broadcast_in_dim3A_292 = vector.broadcast %add3A_291 : i32 to vector<16xi32>
          %add3A_293 = arith.addi %broadcast_in_dim3A_292, %iota3A : vector<16xi32>
          %and3A_294 = arith.constant 127 : i32
          %and3A_295 = vector.broadcast %and3A_294 : i32 to vector<16xi32>
          %and3A_296 = arith.andi %add3A_293, %and3A_295 : vector<16xi32>
          %gather3A_297 = tpu.vector_load_idx %arg9[%add3A_217, %and3A_296] : memref<80x128xf32, #tpu.memory_space<vmem>>[vector<16xi32>, vector<16xi32>], vector<16xf32>,
          %gather3A_298 = tpu.vector_load_idx %arg13[%add3A_217, %and3A_296] : memref<80x128xf32, #tpu.memory_space<vmem>>[vector<16xi32>, vector<16xi32>], vector<16xf32>,
          %mul3A_299 = arith.mulf %gather3A_297, %gather3A_298 : vector<16xf32>
          %add3A_300 = arith.addf %scan3A_278, %mul3A_299 : vector<16xf32>
          %add3A_301 = arith.constant 2 : i32
          %add3A_302 = arith.addi %mul3A_280, %add3A_301 : i32
          %broadcast_in_dim3A_303 = vector.broadcast %add3A_302 : i32 to vector<16xi32>
          %add3A_304 = arith.addi %broadcast_in_dim3A_303, %iota3A : vector<16xi32>
          %and3A_305 = arith.constant 127 : i32
          %and3A_306 = vector.broadcast %and3A_305 : i32 to vector<16xi32>
          %and3A_307 = arith.andi %add3A_304, %and3A_306 : vector<16xi32>
          %gather3A_308 = tpu.vector_load_idx %arg9[%add3A_217, %and3A_307] : memref<80x128xf32, #tpu.memory_space<vmem>>[vector<16xi32>, vector<16xi32>], vector<16xf32>,
          %gather3A_309 = tpu.vector_load_idx %arg13[%add3A_217, %and3A_307] : memref<80x128xf32, #tpu.memory_space<vmem>>[vector<16xi32>, vector<16xi32>], vector<16xf32>,
          %mul3A_310 = arith.mulf %gather3A_308, %gather3A_309 : vector<16xf32>
          %add3A_311 = arith.addf %add3A_289, %mul3A_310 : vector<16xf32>
          %add3A_312 = arith.constant 3 : i32
          %add3A_313 = arith.addi %mul3A_280, %add3A_312 : i32
          %broadcast_in_dim3A_314 = vector.broadcast %add3A_313 : i32 to vector<16xi32>
          %add3A_315 = arith.addi %broadcast_in_dim3A_314, %iota3A : vector<16xi32>
          %and3A_316 = arith.constant 127 : i32
          %and3A_317 = vector.broadcast %and3A_316 : i32 to vector<16xi32>
          %and3A_318 = arith.andi %add3A_315, %and3A_317 : vector<16xi32>
          %gather3A_319 = tpu.vector_load_idx %arg9[%add3A_217, %and3A_318] : memref<80x128xf32, #tpu.memory_space<vmem>>[vector<16xi32>, vector<16xi32>], vector<16xf32>,
          %gather3A_320 = tpu.vector_load_idx %arg13[%add3A_217, %and3A_318] : memref<80x128xf32, #tpu.memory_space<vmem>>[vector<16xi32>, vector<16xi32>], vector<16xf32>,
          %mul3A_321 = arith.mulf %gather3A_319, %gather3A_320 : vector<16xf32>
          %add3A_322 = arith.addf %add3A_300, %mul3A_321 : vector<16xf32>
          %add3A_323 = arith.constant 4 : i32
          %add3A_324 = arith.addi %mul3A_280, %add3A_323 : i32
          %broadcast_in_dim3A_325 = vector.broadcast %add3A_324 : i32 to vector<16xi32>
          %add3A_326 = arith.addi %broadcast_in_dim3A_325, %iota3A : vector<16xi32>
          %and3A_327 = arith.constant 127 : i32
          %and3A_328 = vector.broadcast %and3A_327 : i32 to vector<16xi32>
          %and3A_329 = arith.andi %add3A_326, %and3A_328 : vector<16xi32>
          %gather3A_330 = tpu.vector_load_idx %arg9[%add3A_217, %and3A_329] : memref<80x128xf32, #tpu.memory_space<vmem>>[vector<16xi32>, vector<16xi32>], vector<16xf32>,
          %gather3A_331 = tpu.vector_load_idx %arg13[%add3A_217, %and3A_329] : memref<80x128xf32, #tpu.memory_space<vmem>>[vector<16xi32>, vector<16xi32>], vector<16xf32>,
          %mul3A_332 = arith.mulf %gather3A_330, %gather3A_331 : vector<16xf32>
          %add3A_333 = arith.addf %add3A_311, %mul3A_332 : vector<16xf32>
          %add3A_334 = arith.constant 5 : i32
          %add3A_335 = arith.addi %mul3A_280, %add3A_334 : i32
          %broadcast_in_dim3A_336 = vector.broadcast %add3A_335 : i32 to vector<16xi32>
          %add3A_337 = arith.addi %broadcast_in_dim3A_336, %iota3A : vector<16xi32>
          %and3A_338 = arith.constant 127 : i32
          %and3A_339 = vector.broadcast %and3A_338 : i32 to vector<16xi32>
          %and3A_340 = arith.andi %add3A_337, %and3A_339 : vector<16xi32>
          %gather3A_341 = tpu.vector_load_idx %arg9[%add3A_217, %and3A_340] : memref<80x128xf32, #tpu.memory_space<vmem>>[vector<16xi32>, vector<16xi32>], vector<16xf32>,
          %gather3A_342 = tpu.vector_load_idx %arg13[%add3A_217, %and3A_340] : memref<80x128xf32, #tpu.memory_space<vmem>>[vector<16xi32>, vector<16xi32>], vector<16xf32>,
          %mul3A_343 = arith.mulf %gather3A_341, %gather3A_342 : vector<16xf32>
          %add3A_344 = arith.addf %add3A_322, %mul3A_343 : vector<16xf32>
          %add3A_345 = arith.constant 6 : i32
          %add3A_346 = arith.addi %mul3A_280, %add3A_345 : i32
          %broadcast_in_dim3A_347 = vector.broadcast %add3A_346 : i32 to vector<16xi32>
          %add3A_348 = arith.addi %broadcast_in_dim3A_347, %iota3A : vector<16xi32>
          %and3A_349 = arith.constant 127 : i32
          %and3A_350 = vector.broadcast %and3A_349 : i32 to vector<16xi32>
          %and3A_351 = arith.andi %add3A_348, %and3A_350 : vector<16xi32>
          %gather3A_352 = tpu.vector_load_idx %arg9[%add3A_217, %and3A_351] : memref<80x128xf32, #tpu.memory_space<vmem>>[vector<16xi32>, vector<16xi32>], vector<16xf32>,
          %gather3A_353 = tpu.vector_load_idx %arg13[%add3A_217, %and3A_351] : memref<80x128xf32, #tpu.memory_space<vmem>>[vector<16xi32>, vector<16xi32>], vector<16xf32>,
          %mul3A_354 = arith.mulf %gather3A_352, %gather3A_353 : vector<16xf32>
          %add3A_355 = arith.addf %add3A_333, %mul3A_354 : vector<16xf32>
          %add3A_356 = arith.constant 7 : i32
          %add3A_357 = arith.addi %mul3A_280, %add3A_356 : i32
          %broadcast_in_dim3A_358 = vector.broadcast %add3A_357 : i32 to vector<16xi32>
          %add3A_359 = arith.addi %broadcast_in_dim3A_358, %iota3A : vector<16xi32>
          %and3A_360 = arith.constant 127 : i32
          %and3A_361 = vector.broadcast %and3A_360 : i32 to vector<16xi32>
          %and3A_362 = arith.andi %add3A_359, %and3A_361 : vector<16xi32>
          %gather3A_363 = tpu.vector_load_idx %arg9[%add3A_217, %and3A_362] : memref<80x128xf32, #tpu.memory_space<vmem>>[vector<16xi32>, vector<16xi32>], vector<16xf32>,
          %gather3A_364 = tpu.vector_load_idx %arg13[%add3A_217, %and3A_362] : memref<80x128xf32, #tpu.memory_space<vmem>>[vector<16xi32>, vector<16xi32>], vector<16xf32>,
          %mul3A_365 = arith.mulf %gather3A_363, %gather3A_364 : vector<16xf32>
          %add3A_366 = arith.addf %add3A_344, %mul3A_365 : vector<16xf32>
          scf.yield %add3A_355, %add3A_366 : vector<16xf32>, vector<16xf32>
        }
        %scan3A_225 = arith.constant 16 : i32
        %add3A_226 = arith.addf %scan3A_224#0, %scan3A_224#1 : vector<16xf32>
        %mul3A_227 = arith.constant 80 : i32
        %mul3A_228 = arith.muli %add3A_140, %mul3A_227 : i32
        %add3A_229 = arith.constant 32 : i32
        %add3A_230 = arith.addi %mul3A_228, %add3A_229 : i32
        %swap3A_231 = arith.index_cast %add3A_230 : i32 to index
        %swap3A_232 = tpu.vector_load %arg8[%swap3A_231] {strides = array<i32>} : memref<10000xf32, #tpu.memory_space<vmem>>, vector<16xf32>,
        tpu.vector_store %arg8[%swap3A_231], %add3A_226 {strides = array<i32>} : memref<10000xf32, #tpu.memory_space<vmem>>, vector<16xf32>,
        %add3A_233 = arith.constant 48 : i32
        %add3A_234 = vector.broadcast %add3A_233 : i32 to vector<16xi32>
        %add3A_235 = arith.addi %iota3A, %add3A_234 : vector<16xi32>
        %broadcast_in_dim3A_236 = arith.constant 0.000000e+00 : f32
        %broadcast_in_dim3A_237 = vector.broadcast %broadcast_in_dim3A_236 : f32 to vector<16xf32>
        %scan3A_238 = arith.constant 0 : i32
        %scan3A_239 = arith.constant 16 : i32
        %scan3A_240 = arith.addi %scan3A_238, %scan3A_239 : i32
        %scan3A_241 = arith.constant 1 : i32
        %scan3A_242:2 = scf.for %scan3A_276 = %scan3A_238 to %scan3A_240 step %scan3A_241 iter_args(%scan3A_277 = %broadcast_in_dim3A_237, %scan3A_278 = %broadcast_in_dim3A_237) -> (vector<16xf32>, vector<16xf32>)  : i32 {
          %mul3A_279 = arith.constant 8 : i32
          %mul3A_280 = arith.muli %scan3A_276, %mul3A_279 : i32
          %add3A_281 = arith.constant 0 : i32
          %add3A_282 = arith.addi %mul3A_280, %add3A_281 : i32
          %broadcast_in_dim3A_283 = vector.broadcast %add3A_282 : i32 to vector<16xi32>
          %add3A_284 = arith.addi %broadcast_in_dim3A_283, %iota3A : vector<16xi32>
          %and3A = arith.constant 127 : i32
          %and3A_285 = vector.broadcast %and3A : i32 to vector<16xi32>
          %and3A_286 = arith.andi %add3A_284, %and3A_285 : vector<16xi32>
          %gather3A = tpu.vector_load_idx %arg9[%add3A_235, %and3A_286] : memref<80x128xf32, #tpu.memory_space<vmem>>[vector<16xi32>, vector<16xi32>], vector<16xf32>,
          %gather3A_287 = tpu.vector_load_idx %arg13[%add3A_235, %and3A_286] : memref<80x128xf32, #tpu.memory_space<vmem>>[vector<16xi32>, vector<16xi32>], vector<16xf32>,
          %mul3A_288 = arith.mulf %gather3A, %gather3A_287 : vector<16xf32>
          %add3A_289 = arith.addf %scan3A_277, %mul3A_288 : vector<16xf32>
          %add3A_290 = arith.constant 1 : i32
          %add3A_291 = arith.addi %mul3A_280, %add3A_290 : i32
          %broadcast_in_dim3A_292 = vector.broadcast %add3A_291 : i32 to vector<16xi32>
          %add3A_293 = arith.addi %broadcast_in_dim3A_292, %iota3A : vector<16xi32>
          %and3A_294 = arith.constant 127 : i32
          %and3A_295 = vector.broadcast %and3A_294 : i32 to vector<16xi32>
          %and3A_296 = arith.andi %add3A_293, %and3A_295 : vector<16xi32>
          %gather3A_297 = tpu.vector_load_idx %arg9[%add3A_235, %and3A_296] : memref<80x128xf32, #tpu.memory_space<vmem>>[vector<16xi32>, vector<16xi32>], vector<16xf32>,
          %gather3A_298 = tpu.vector_load_idx %arg13[%add3A_235, %and3A_296] : memref<80x128xf32, #tpu.memory_space<vmem>>[vector<16xi32>, vector<16xi32>], vector<16xf32>,
          %mul3A_299 = arith.mulf %gather3A_297, %gather3A_298 : vector<16xf32>
          %add3A_300 = arith.addf %scan3A_278, %mul3A_299 : vector<16xf32>
          %add3A_301 = arith.constant 2 : i32
          %add3A_302 = arith.addi %mul3A_280, %add3A_301 : i32
          %broadcast_in_dim3A_303 = vector.broadcast %add3A_302 : i32 to vector<16xi32>
          %add3A_304 = arith.addi %broadcast_in_dim3A_303, %iota3A : vector<16xi32>
          %and3A_305 = arith.constant 127 : i32
          %and3A_306 = vector.broadcast %and3A_305 : i32 to vector<16xi32>
          %and3A_307 = arith.andi %add3A_304, %and3A_306 : vector<16xi32>
          %gather3A_308 = tpu.vector_load_idx %arg9[%add3A_235, %and3A_307] : memref<80x128xf32, #tpu.memory_space<vmem>>[vector<16xi32>, vector<16xi32>], vector<16xf32>,
          %gather3A_309 = tpu.vector_load_idx %arg13[%add3A_235, %and3A_307] : memref<80x128xf32, #tpu.memory_space<vmem>>[vector<16xi32>, vector<16xi32>], vector<16xf32>,
          %mul3A_310 = arith.mulf %gather3A_308, %gather3A_309 : vector<16xf32>
          %add3A_311 = arith.addf %add3A_289, %mul3A_310 : vector<16xf32>
          %add3A_312 = arith.constant 3 : i32
          %add3A_313 = arith.addi %mul3A_280, %add3A_312 : i32
          %broadcast_in_dim3A_314 = vector.broadcast %add3A_313 : i32 to vector<16xi32>
          %add3A_315 = arith.addi %broadcast_in_dim3A_314, %iota3A : vector<16xi32>
          %and3A_316 = arith.constant 127 : i32
          %and3A_317 = vector.broadcast %and3A_316 : i32 to vector<16xi32>
          %and3A_318 = arith.andi %add3A_315, %and3A_317 : vector<16xi32>
          %gather3A_319 = tpu.vector_load_idx %arg9[%add3A_235, %and3A_318] : memref<80x128xf32, #tpu.memory_space<vmem>>[vector<16xi32>, vector<16xi32>], vector<16xf32>,
          %gather3A_320 = tpu.vector_load_idx %arg13[%add3A_235, %and3A_318] : memref<80x128xf32, #tpu.memory_space<vmem>>[vector<16xi32>, vector<16xi32>], vector<16xf32>,
          %mul3A_321 = arith.mulf %gather3A_319, %gather3A_320 : vector<16xf32>
          %add3A_322 = arith.addf %add3A_300, %mul3A_321 : vector<16xf32>
          %add3A_323 = arith.constant 4 : i32
          %add3A_324 = arith.addi %mul3A_280, %add3A_323 : i32
          %broadcast_in_dim3A_325 = vector.broadcast %add3A_324 : i32 to vector<16xi32>
          %add3A_326 = arith.addi %broadcast_in_dim3A_325, %iota3A : vector<16xi32>
          %and3A_327 = arith.constant 127 : i32
          %and3A_328 = vector.broadcast %and3A_327 : i32 to vector<16xi32>
          %and3A_329 = arith.andi %add3A_326, %and3A_328 : vector<16xi32>
          %gather3A_330 = tpu.vector_load_idx %arg9[%add3A_235, %and3A_329] : memref<80x128xf32, #tpu.memory_space<vmem>>[vector<16xi32>, vector<16xi32>], vector<16xf32>,
          %gather3A_331 = tpu.vector_load_idx %arg13[%add3A_235, %and3A_329] : memref<80x128xf32, #tpu.memory_space<vmem>>[vector<16xi32>, vector<16xi32>], vector<16xf32>,
          %mul3A_332 = arith.mulf %gather3A_330, %gather3A_331 : vector<16xf32>
          %add3A_333 = arith.addf %add3A_311, %mul3A_332 : vector<16xf32>
          %add3A_334 = arith.constant 5 : i32
          %add3A_335 = arith.addi %mul3A_280, %add3A_334 : i32
          %broadcast_in_dim3A_336 = vector.broadcast %add3A_335 : i32 to vector<16xi32>
          %add3A_337 = arith.addi %broadcast_in_dim3A_336, %iota3A : vector<16xi32>
          %and3A_338 = arith.constant 127 : i32
          %and3A_339 = vector.broadcast %and3A_338 : i32 to vector<16xi32>
          %and3A_340 = arith.andi %add3A_337, %and3A_339 : vector<16xi32>
          %gather3A_341 = tpu.vector_load_idx %arg9[%add3A_235, %and3A_340] : memref<80x128xf32, #tpu.memory_space<vmem>>[vector<16xi32>, vector<16xi32>], vector<16xf32>,
          %gather3A_342 = tpu.vector_load_idx %arg13[%add3A_235, %and3A_340] : memref<80x128xf32, #tpu.memory_space<vmem>>[vector<16xi32>, vector<16xi32>], vector<16xf32>,
          %mul3A_343 = arith.mulf %gather3A_341, %gather3A_342 : vector<16xf32>
          %add3A_344 = arith.addf %add3A_322, %mul3A_343 : vector<16xf32>
          %add3A_345 = arith.constant 6 : i32
          %add3A_346 = arith.addi %mul3A_280, %add3A_345 : i32
          %broadcast_in_dim3A_347 = vector.broadcast %add3A_346 : i32 to vector<16xi32>
          %add3A_348 = arith.addi %broadcast_in_dim3A_347, %iota3A : vector<16xi32>
          %and3A_349 = arith.constant 127 : i32
          %and3A_350 = vector.broadcast %and3A_349 : i32 to vector<16xi32>
          %and3A_351 = arith.andi %add3A_348, %and3A_350 : vector<16xi32>
          %gather3A_352 = tpu.vector_load_idx %arg9[%add3A_235, %and3A_351] : memref<80x128xf32, #tpu.memory_space<vmem>>[vector<16xi32>, vector<16xi32>], vector<16xf32>,
          %gather3A_353 = tpu.vector_load_idx %arg13[%add3A_235, %and3A_351] : memref<80x128xf32, #tpu.memory_space<vmem>>[vector<16xi32>, vector<16xi32>], vector<16xf32>,
          %mul3A_354 = arith.mulf %gather3A_352, %gather3A_353 : vector<16xf32>
          %add3A_355 = arith.addf %add3A_333, %mul3A_354 : vector<16xf32>
          %add3A_356 = arith.constant 7 : i32
          %add3A_357 = arith.addi %mul3A_280, %add3A_356 : i32
          %broadcast_in_dim3A_358 = vector.broadcast %add3A_357 : i32 to vector<16xi32>
          %add3A_359 = arith.addi %broadcast_in_dim3A_358, %iota3A : vector<16xi32>
          %and3A_360 = arith.constant 127 : i32
          %and3A_361 = vector.broadcast %and3A_360 : i32 to vector<16xi32>
          %and3A_362 = arith.andi %add3A_359, %and3A_361 : vector<16xi32>
          %gather3A_363 = tpu.vector_load_idx %arg9[%add3A_235, %and3A_362] : memref<80x128xf32, #tpu.memory_space<vmem>>[vector<16xi32>, vector<16xi32>], vector<16xf32>,
          %gather3A_364 = tpu.vector_load_idx %arg13[%add3A_235, %and3A_362] : memref<80x128xf32, #tpu.memory_space<vmem>>[vector<16xi32>, vector<16xi32>], vector<16xf32>,
          %mul3A_365 = arith.mulf %gather3A_363, %gather3A_364 : vector<16xf32>
          %add3A_366 = arith.addf %add3A_344, %mul3A_365 : vector<16xf32>
          scf.yield %add3A_355, %add3A_366 : vector<16xf32>, vector<16xf32>
        }
        %scan3A_243 = arith.constant 16 : i32
        %add3A_244 = arith.addf %scan3A_242#0, %scan3A_242#1 : vector<16xf32>
        %mul3A_245 = arith.constant 80 : i32
        %mul3A_246 = arith.muli %add3A_140, %mul3A_245 : i32
        %add3A_247 = arith.constant 48 : i32
        %add3A_248 = arith.addi %mul3A_246, %add3A_247 : i32
        %swap3A_249 = arith.index_cast %add3A_248 : i32 to index
        %swap3A_250 = tpu.vector_load %arg8[%swap3A_249] {strides = array<i32>} : memref<10000xf32, #tpu.memory_space<vmem>>, vector<16xf32>,
        tpu.vector_store %arg8[%swap3A_249], %add3A_244 {strides = array<i32>} : memref<10000xf32, #tpu.memory_space<vmem>>, vector<16xf32>,
        %add3A_251 = arith.constant 64 : i32
        %add3A_252 = vector.broadcast %add3A_251 : i32 to vector<16xi32>
        %add3A_253 = arith.addi %iota3A, %add3A_252 : vector<16xi32>
        %broadcast_in_dim3A_254 = arith.constant 0.000000e+00 : f32
        %broadcast_in_dim3A_255 = vector.broadcast %broadcast_in_dim3A_254 : f32 to vector<16xf32>
        %scan3A_256 = arith.constant 0 : i32
        %scan3A_257 = arith.constant 16 : i32
        %scan3A_258 = arith.addi %scan3A_256, %scan3A_257 : i32
        %scan3A_259 = arith.constant 1 : i32
        %scan3A_260:2 = scf.for %scan3A_276 = %scan3A_256 to %scan3A_258 step %scan3A_259 iter_args(%scan3A_277 = %broadcast_in_dim3A_255, %scan3A_278 = %broadcast_in_dim3A_255) -> (vector<16xf32>, vector<16xf32>)  : i32 {
          %mul3A_279 = arith.constant 8 : i32
          %mul3A_280 = arith.muli %scan3A_276, %mul3A_279 : i32
          %add3A_281 = arith.constant 0 : i32
          %add3A_282 = arith.addi %mul3A_280, %add3A_281 : i32
          %broadcast_in_dim3A_283 = vector.broadcast %add3A_282 : i32 to vector<16xi32>
          %add3A_284 = arith.addi %broadcast_in_dim3A_283, %iota3A : vector<16xi32>
          %and3A = arith.constant 127 : i32
          %and3A_285 = vector.broadcast %and3A : i32 to vector<16xi32>
          %and3A_286 = arith.andi %add3A_284, %and3A_285 : vector<16xi32>
          %gather3A = tpu.vector_load_idx %arg9[%add3A_253, %and3A_286] : memref<80x128xf32, #tpu.memory_space<vmem>>[vector<16xi32>, vector<16xi32>], vector<16xf32>,
          %gather3A_287 = tpu.vector_load_idx %arg13[%add3A_253, %and3A_286] : memref<80x128xf32, #tpu.memory_space<vmem>>[vector<16xi32>, vector<16xi32>], vector<16xf32>,
          %mul3A_288 = arith.mulf %gather3A, %gather3A_287 : vector<16xf32>
          %add3A_289 = arith.addf %scan3A_277, %mul3A_288 : vector<16xf32>
          %add3A_290 = arith.constant 1 : i32
          %add3A_291 = arith.addi %mul3A_280, %add3A_290 : i32
          %broadcast_in_dim3A_292 = vector.broadcast %add3A_291 : i32 to vector<16xi32>
          %add3A_293 = arith.addi %broadcast_in_dim3A_292, %iota3A : vector<16xi32>
          %and3A_294 = arith.constant 127 : i32
          %and3A_295 = vector.broadcast %and3A_294 : i32 to vector<16xi32>
          %and3A_296 = arith.andi %add3A_293, %and3A_295 : vector<16xi32>
          %gather3A_297 = tpu.vector_load_idx %arg9[%add3A_253, %and3A_296] : memref<80x128xf32, #tpu.memory_space<vmem>>[vector<16xi32>, vector<16xi32>], vector<16xf32>,
          %gather3A_298 = tpu.vector_load_idx %arg13[%add3A_253, %and3A_296] : memref<80x128xf32, #tpu.memory_space<vmem>>[vector<16xi32>, vector<16xi32>], vector<16xf32>,
          %mul3A_299 = arith.mulf %gather3A_297, %gather3A_298 : vector<16xf32>
          %add3A_300 = arith.addf %scan3A_278, %mul3A_299 : vector<16xf32>
          %add3A_301 = arith.constant 2 : i32
          %add3A_302 = arith.addi %mul3A_280, %add3A_301 : i32
          %broadcast_in_dim3A_303 = vector.broadcast %add3A_302 : i32 to vector<16xi32>
          %add3A_304 = arith.addi %broadcast_in_dim3A_303, %iota3A : vector<16xi32>
          %and3A_305 = arith.constant 127 : i32
          %and3A_306 = vector.broadcast %and3A_305 : i32 to vector<16xi32>
          %and3A_307 = arith.andi %add3A_304, %and3A_306 : vector<16xi32>
          %gather3A_308 = tpu.vector_load_idx %arg9[%add3A_253, %and3A_307] : memref<80x128xf32, #tpu.memory_space<vmem>>[vector<16xi32>, vector<16xi32>], vector<16xf32>,
          %gather3A_309 = tpu.vector_load_idx %arg13[%add3A_253, %and3A_307] : memref<80x128xf32, #tpu.memory_space<vmem>>[vector<16xi32>, vector<16xi32>], vector<16xf32>,
          %mul3A_310 = arith.mulf %gather3A_308, %gather3A_309 : vector<16xf32>
          %add3A_311 = arith.addf %add3A_289, %mul3A_310 : vector<16xf32>
          %add3A_312 = arith.constant 3 : i32
          %add3A_313 = arith.addi %mul3A_280, %add3A_312 : i32
          %broadcast_in_dim3A_314 = vector.broadcast %add3A_313 : i32 to vector<16xi32>
          %add3A_315 = arith.addi %broadcast_in_dim3A_314, %iota3A : vector<16xi32>
          %and3A_316 = arith.constant 127 : i32
          %and3A_317 = vector.broadcast %and3A_316 : i32 to vector<16xi32>
          %and3A_318 = arith.andi %add3A_315, %and3A_317 : vector<16xi32>
          %gather3A_319 = tpu.vector_load_idx %arg9[%add3A_253, %and3A_318] : memref<80x128xf32, #tpu.memory_space<vmem>>[vector<16xi32>, vector<16xi32>], vector<16xf32>,
          %gather3A_320 = tpu.vector_load_idx %arg13[%add3A_253, %and3A_318] : memref<80x128xf32, #tpu.memory_space<vmem>>[vector<16xi32>, vector<16xi32>], vector<16xf32>,
          %mul3A_321 = arith.mulf %gather3A_319, %gather3A_320 : vector<16xf32>
          %add3A_322 = arith.addf %add3A_300, %mul3A_321 : vector<16xf32>
          %add3A_323 = arith.constant 4 : i32
          %add3A_324 = arith.addi %mul3A_280, %add3A_323 : i32
          %broadcast_in_dim3A_325 = vector.broadcast %add3A_324 : i32 to vector<16xi32>
          %add3A_326 = arith.addi %broadcast_in_dim3A_325, %iota3A : vector<16xi32>
          %and3A_327 = arith.constant 127 : i32
          %and3A_328 = vector.broadcast %and3A_327 : i32 to vector<16xi32>
          %and3A_329 = arith.andi %add3A_326, %and3A_328 : vector<16xi32>
          %gather3A_330 = tpu.vector_load_idx %arg9[%add3A_253, %and3A_329] : memref<80x128xf32, #tpu.memory_space<vmem>>[vector<16xi32>, vector<16xi32>], vector<16xf32>,
          %gather3A_331 = tpu.vector_load_idx %arg13[%add3A_253, %and3A_329] : memref<80x128xf32, #tpu.memory_space<vmem>>[vector<16xi32>, vector<16xi32>], vector<16xf32>,
          %mul3A_332 = arith.mulf %gather3A_330, %gather3A_331 : vector<16xf32>
          %add3A_333 = arith.addf %add3A_311, %mul3A_332 : vector<16xf32>
          %add3A_334 = arith.constant 5 : i32
          %add3A_335 = arith.addi %mul3A_280, %add3A_334 : i32
          %broadcast_in_dim3A_336 = vector.broadcast %add3A_335 : i32 to vector<16xi32>
          %add3A_337 = arith.addi %broadcast_in_dim3A_336, %iota3A : vector<16xi32>
          %and3A_338 = arith.constant 127 : i32
          %and3A_339 = vector.broadcast %and3A_338 : i32 to vector<16xi32>
          %and3A_340 = arith.andi %add3A_337, %and3A_339 : vector<16xi32>
          %gather3A_341 = tpu.vector_load_idx %arg9[%add3A_253, %and3A_340] : memref<80x128xf32, #tpu.memory_space<vmem>>[vector<16xi32>, vector<16xi32>], vector<16xf32>,
          %gather3A_342 = tpu.vector_load_idx %arg13[%add3A_253, %and3A_340] : memref<80x128xf32, #tpu.memory_space<vmem>>[vector<16xi32>, vector<16xi32>], vector<16xf32>,
          %mul3A_343 = arith.mulf %gather3A_341, %gather3A_342 : vector<16xf32>
          %add3A_344 = arith.addf %add3A_322, %mul3A_343 : vector<16xf32>
          %add3A_345 = arith.constant 6 : i32
          %add3A_346 = arith.addi %mul3A_280, %add3A_345 : i32
          %broadcast_in_dim3A_347 = vector.broadcast %add3A_346 : i32 to vector<16xi32>
          %add3A_348 = arith.addi %broadcast_in_dim3A_347, %iota3A : vector<16xi32>
          %and3A_349 = arith.constant 127 : i32
          %and3A_350 = vector.broadcast %and3A_349 : i32 to vector<16xi32>
          %and3A_351 = arith.andi %add3A_348, %and3A_350 : vector<16xi32>
          %gather3A_352 = tpu.vector_load_idx %arg9[%add3A_253, %and3A_351] : memref<80x128xf32, #tpu.memory_space<vmem>>[vector<16xi32>, vector<16xi32>], vector<16xf32>,
          %gather3A_353 = tpu.vector_load_idx %arg13[%add3A_253, %and3A_351] : memref<80x128xf32, #tpu.memory_space<vmem>>[vector<16xi32>, vector<16xi32>], vector<16xf32>,
          %mul3A_354 = arith.mulf %gather3A_352, %gather3A_353 : vector<16xf32>
          %add3A_355 = arith.addf %add3A_333, %mul3A_354 : vector<16xf32>
          %add3A_356 = arith.constant 7 : i32
          %add3A_357 = arith.addi %mul3A_280, %add3A_356 : i32
          %broadcast_in_dim3A_358 = vector.broadcast %add3A_357 : i32 to vector<16xi32>
          %add3A_359 = arith.addi %broadcast_in_dim3A_358, %iota3A : vector<16xi32>
          %and3A_360 = arith.constant 127 : i32
          %and3A_361 = vector.broadcast %and3A_360 : i32 to vector<16xi32>
          %and3A_362 = arith.andi %add3A_359, %and3A_361 : vector<16xi32>
          %gather3A_363 = tpu.vector_load_idx %arg9[%add3A_253, %and3A_362] : memref<80x128xf32, #tpu.memory_space<vmem>>[vector<16xi32>, vector<16xi32>], vector<16xf32>,
          %gather3A_364 = tpu.vector_load_idx %arg13[%add3A_253, %and3A_362] : memref<80x128xf32, #tpu.memory_space<vmem>>[vector<16xi32>, vector<16xi32>], vector<16xf32>,
          %mul3A_365 = arith.mulf %gather3A_363, %gather3A_364 : vector<16xf32>
          %add3A_366 = arith.addf %add3A_344, %mul3A_365 : vector<16xf32>
          scf.yield %add3A_355, %add3A_366 : vector<16xf32>, vector<16xf32>
        }
        %scan3A_261 = arith.constant 16 : i32
        %add3A_262 = arith.addf %scan3A_260#0, %scan3A_260#1 : vector<16xf32>
        %mul3A_263 = arith.constant 80 : i32
        %mul3A_264 = arith.muli %add3A_140, %mul3A_263 : i32
        %add3A_265 = arith.constant 64 : i32
        %add3A_266 = arith.addi %mul3A_264, %add3A_265 : i32
        %swap3A_267 = arith.index_cast %add3A_266 : i32 to index
        %swap3A_268 = tpu.vector_load %arg8[%swap3A_267] {strides = array<i32>} : memref<10000xf32, #tpu.memory_space<vmem>>, vector<16xf32>,
        tpu.vector_store %arg8[%swap3A_267], %add3A_262 {strides = array<i32>} : memref<10000xf32, #tpu.memory_space<vmem>>, vector<16xf32>,
        %add3A_269 = arith.constant 4 : i32
        %add3A_270 = arith.addi %add3A_140, %add3A_269 : i32
        %lt3A_271 = arith.constant 125 : i32
        %lt3A_272 = arith.cmpi slt, %add3A_270, %lt3A_271 : i32
        %convert_element_type3A_273 = arith.extui %lt3A_272 : i1 to i32
        %cond3A_274 = arith.constant 0 : i32
        %cond3A_275 = arith.cmpi ne, %convert_element_type3A_273, %cond3A_274 : i32
        scf.if %cond3A_275 {
          %add3A_276 = arith.constant 4 : i32
          %add3A_277 = arith.addi %add3A_140, %add3A_276 : i32
          %mul3A_278 = arith.constant 80 : i32
          %mul3A_279 = arith.muli %add3A_277, %mul3A_278 : i32
          %add3A_280 = arith.constant 0 : i32
          %add3A_281 = arith.addi %mul3A_279, %add3A_280 : i32
          %dma_start3A_282 = arith.constant 0 : i32
          %dma_start3A_283 = arith.constant 0 : i32
          %dma_start3A_284 = tpu.memref_slice %arg9[%dma_start3A_282, %dma_start3A_283] : memref<80x128xf32, #tpu.memory_space<vmem>> -> memref<40x128xf32, #tpu.memory_space<vmem>>
          %dma_start3A_285 = tpu.memref_slice %arg6[%add3A_281] : memref<10000xi32, #tpu.memory_space<vmem>> -> memref<40xi32, #tpu.memory_space<vmem>>
          %dma_start3A_286 = arith.constant 0 : i32
          %dma_start3A_287 = arith.constant 0 : i32
          %dma_start3A_288 = tpu.memref_slice %arg2[%dma_start3A_286, %dma_start3A_287] : memref<10000x128xf32, #tpu.memory_space<hbm>> -> memref<10000x128xf32, #tpu.memory_space<hbm>>
          tpu.enqueue_indirect_dma source(%dma_start3A_288 : memref<10000x128xf32, #tpu.memory_space<hbm>>) target(%dma_start3A_284 : memref<40x128xf32, #tpu.memory_space<vmem>>) offsets(%dma_start3A_285 : memref<40xi32, #tpu.memory_space<vmem>>) semaphore(%arg17 : memref<!tpu.dma_semaphore, #tpu.memory_space<semaphore_mem>>)
          %mul3A_289 = arith.constant 80 : i32
          %mul3A_290 = arith.muli %add3A_277, %mul3A_289 : i32
          %add3A_291 = arith.constant 0 : i32
          %add3A_292 = arith.addi %mul3A_290, %add3A_291 : i32
          %dma_start3A_293 = arith.constant 0 : i32
          %dma_start3A_294 = arith.constant 0 : i32
          %dma_start3A_295 = tpu.memref_slice %arg13[%dma_start3A_293, %dma_start3A_294] : memref<80x128xf32, #tpu.memory_space<vmem>> -> memref<40x128xf32, #tpu.memory_space<vmem>>
          %dma_start3A_296 = tpu.memref_slice %arg7[%add3A_292] : memref<10000xi32, #tpu.memory_space<vmem>> -> memref<40xi32, #tpu.memory_space<vmem>>
          %dma_start3A_297 = arith.constant 0 : i32
          %dma_start3A_298 = arith.constant 0 : i32
          %dma_start3A_299 = tpu.memref_slice %arg3[%dma_start3A_297, %dma_start3A_298] : memref<10000x128xf32, #tpu.memory_space<hbm>> -> memref<10000x128xf32, #tpu.memory_space<hbm>>
          tpu.enqueue_indirect_dma source(%dma_start3A_299 : memref<10000x128xf32, #tpu.memory_space<hbm>>) target(%dma_start3A_295 : memref<40x128xf32, #tpu.memory_space<vmem>>) offsets(%dma_start3A_296 : memref<40xi32, #tpu.memory_space<vmem>>) semaphore(%arg18 : memref<!tpu.dma_semaphore, #tpu.memory_space<semaphore_mem>>)
          %mul3A_300 = arith.constant 80 : i32
          %mul3A_301 = arith.muli %add3A_277, %mul3A_300 : i32
          %add3A_302 = arith.constant 40 : i32
          %add3A_303 = arith.addi %mul3A_301, %add3A_302 : i32
          %dma_start3A_304 = arith.constant 40 : i32
          %dma_start3A_305 = arith.constant 0 : i32
          %dma_start3A_306 = tpu.memref_slice %arg9[%dma_start3A_304, %dma_start3A_305] : memref<80x128xf32, #tpu.memory_space<vmem>> -> memref<40x128xf32, #tpu.memory_space<vmem>>
          %dma_start3A_307 = tpu.memref_slice %arg6[%add3A_303] : memref<10000xi32, #tpu.memory_space<vmem>> -> memref<40xi32, #tpu.memory_space<vmem>>
          %dma_start3A_308 = arith.constant 0 : i32
          %dma_start3A_309 = arith.constant 0 : i32
          %dma_start3A_310 = tpu.memref_slice %arg2[%dma_start3A_308, %dma_start3A_309] : memref<10000x128xf32, #tpu.memory_space<hbm>> -> memref<10000x128xf32, #tpu.memory_space<hbm>>
          tpu.enqueue_indirect_dma source(%dma_start3A_310 : memref<10000x128xf32, #tpu.memory_space<hbm>>) target(%dma_start3A_306 : memref<40x128xf32, #tpu.memory_space<vmem>>) offsets(%dma_start3A_307 : memref<40xi32, #tpu.memory_space<vmem>>) semaphore(%arg17 : memref<!tpu.dma_semaphore, #tpu.memory_space<semaphore_mem>>)
          %mul3A_311 = arith.constant 80 : i32
          %mul3A_312 = arith.muli %add3A_277, %mul3A_311 : i32
          %add3A_313 = arith.constant 40 : i32
          %add3A_314 = arith.addi %mul3A_312, %add3A_313 : i32
          %dma_start3A_315 = arith.constant 40 : i32
          %dma_start3A_316 = arith.constant 0 : i32
          %dma_start3A_317 = tpu.memref_slice %arg13[%dma_start3A_315, %dma_start3A_316] : memref<80x128xf32, #tpu.memory_space<vmem>> -> memref<40x128xf32, #tpu.memory_space<vmem>>
          %dma_start3A_318 = tpu.memref_slice %arg7[%add3A_314] : memref<10000xi32, #tpu.memory_space<vmem>> -> memref<40xi32, #tpu.memory_space<vmem>>
          %dma_start3A_319 = arith.constant 0 : i32
          %dma_start3A_320 = arith.constant 0 : i32
          %dma_start3A_321 = tpu.memref_slice %arg3[%dma_start3A_319, %dma_start3A_320] : memref<10000x128xf32, #tpu.memory_space<hbm>> -> memref<10000x128xf32, #tpu.memory_space<hbm>>
          tpu.enqueue_indirect_dma source(%dma_start3A_321 : memref<10000x128xf32, #tpu.memory_space<hbm>>) target(%dma_start3A_317 : memref<40x128xf32, #tpu.memory_space<vmem>>) offsets(%dma_start3A_318 : memref<40xi32, #tpu.memory_space<vmem>>) semaphore(%arg18 : memref<!tpu.dma_semaphore, #tpu.memory_space<semaphore_mem>>)
        } else {
        }
      } else {
      }
      %mul3A_143 = arith.constant 4 : i32
      %mul3A_144 = arith.muli %scan3A_136, %mul3A_143 : i32
      %add3A_145 = arith.constant 1 : i32
      %add3A_146 = arith.addi %mul3A_144, %add3A_145 : i32
      %lt3A_147 = arith.constant 125 : i32
      %lt3A_148 = arith.cmpi slt, %add3A_146, %lt3A_147 : i32
      %convert_element_type3A_149 = arith.extui %lt3A_148 : i1 to i32
      %cond3A_150 = arith.constant 0 : i32
      %cond3A_151 = arith.cmpi ne, %convert_element_type3A_149, %cond3A_150 : i32
      scf.if %cond3A_151 {
        %dma_wait3A = arith.constant 0 : i32
        %dma_wait3A_170 = arith.constant 0 : i32
        %dma_wait3A_171 = tpu.memref_slice %arg2[%dma_wait3A, %dma_wait3A_170] : memref<10000x128xf32, #tpu.memory_space<hbm>> -> memref<80x128xf32, #tpu.memory_space<hbm>>
        %dma_wait3A_172 = arith.constant 0 : i32
        %dma_wait3A_173 = arith.constant 0 : i32
        %dma_wait3A_174 = tpu.memref_slice %arg2[%dma_wait3A_172, %dma_wait3A_173] : memref<10000x128xf32, #tpu.memory_space<hbm>> -> memref<80x128xf32, #tpu.memory_space<hbm>>
        tpu.wait_dma2 semaphore(%arg19 : memref<!tpu.dma_semaphore, #tpu.memory_space<semaphore_mem>>) src(%dma_wait3A_174 : memref<80x128xf32, #tpu.memory_space<hbm>>) dst(%arg10 : memref<80x128xf32, #tpu.memory_space<vmem>>)
        %dma_wait3A_175 = arith.constant 0 : i32
        %dma_wait3A_176 = arith.constant 0 : i32
        %dma_wait3A_177 = tpu.memref_slice %arg3[%dma_wait3A_175, %dma_wait3A_176] : memref<10000x128xf32, #tpu.memory_space<hbm>> -> memref<80x128xf32, #tpu.memory_space<hbm>>
        %dma_wait3A_178 = arith.constant 0 : i32
        %dma_wait3A_179 = arith.constant 0 : i32
        %dma_wait3A_180 = tpu.memref_slice %arg3[%dma_wait3A_178, %dma_wait3A_179] : memref<10000x128xf32, #tpu.memory_space<hbm>> -> memref<80x128xf32, #tpu.memory_space<hbm>>
        tpu.wait_dma2 semaphore(%arg20 : memref<!tpu.dma_semaphore, #tpu.memory_space<semaphore_mem>>) src(%dma_wait3A_180 : memref<80x128xf32, #tpu.memory_space<hbm>>) dst(%arg14 : memref<80x128xf32, #tpu.memory_space<vmem>>)
        %iota3A = tpu.iota {dimensions = array<i32: 0>} : vector<16xi32>
        %add3A_181 = arith.constant 0 : i32
        %add3A_182 = vector.broadcast %add3A_181 : i32 to vector<16xi32>
        %add3A_183 = arith.addi %iota3A, %add3A_182 : vector<16xi32>
        %broadcast_in_dim3A = arith.constant 0.000000e+00 : f32
        %broadcast_in_dim3A_184 = vector.broadcast %broadcast_in_dim3A : f32 to vector<16xf32>
        %scan3A_185 = arith.constant 0 : i32
        %scan3A_186 = arith.constant 16 : i32
        %scan3A_187 = arith.addi %scan3A_185, %scan3A_186 : i32
        %scan3A_188 = arith.constant 1 : i32
        %scan3A_189:2 = scf.for %scan3A_276 = %scan3A_185 to %scan3A_187 step %scan3A_188 iter_args(%scan3A_277 = %broadcast_in_dim3A_184, %scan3A_278 = %broadcast_in_dim3A_184) -> (vector<16xf32>, vector<16xf32>)  : i32 {
          %mul3A_279 = arith.constant 8 : i32
          %mul3A_280 = arith.muli %scan3A_276, %mul3A_279 : i32
          %add3A_281 = arith.constant 0 : i32
          %add3A_282 = arith.addi %mul3A_280, %add3A_281 : i32
          %broadcast_in_dim3A_283 = vector.broadcast %add3A_282 : i32 to vector<16xi32>
          %add3A_284 = arith.addi %broadcast_in_dim3A_283, %iota3A : vector<16xi32>
          %and3A = arith.constant 127 : i32
          %and3A_285 = vector.broadcast %and3A : i32 to vector<16xi32>
          %and3A_286 = arith.andi %add3A_284, %and3A_285 : vector<16xi32>
          %gather3A = tpu.vector_load_idx %arg10[%add3A_183, %and3A_286] : memref<80x128xf32, #tpu.memory_space<vmem>>[vector<16xi32>, vector<16xi32>], vector<16xf32>,
          %gather3A_287 = tpu.vector_load_idx %arg14[%add3A_183, %and3A_286] : memref<80x128xf32, #tpu.memory_space<vmem>>[vector<16xi32>, vector<16xi32>], vector<16xf32>,
          %mul3A_288 = arith.mulf %gather3A, %gather3A_287 : vector<16xf32>
          %add3A_289 = arith.addf %scan3A_277, %mul3A_288 : vector<16xf32>
          %add3A_290 = arith.constant 1 : i32
          %add3A_291 = arith.addi %mul3A_280, %add3A_290 : i32
          %broadcast_in_dim3A_292 = vector.broadcast %add3A_291 : i32 to vector<16xi32>
          %add3A_293 = arith.addi %broadcast_in_dim3A_292, %iota3A : vector<16xi32>
          %and3A_294 = arith.constant 127 : i32
          %and3A_295 = vector.broadcast %and3A_294 : i32 to vector<16xi32>
          %and3A_296 = arith.andi %add3A_293, %and3A_295 : vector<16xi32>
          %gather3A_297 = tpu.vector_load_idx %arg10[%add3A_183, %and3A_296] : memref<80x128xf32, #tpu.memory_space<vmem>>[vector<16xi32>, vector<16xi32>], vector<16xf32>,
          %gather3A_298 = tpu.vector_load_idx %arg14[%add3A_183, %and3A_296] : memref<80x128xf32, #tpu.memory_space<vmem>>[vector<16xi32>, vector<16xi32>], vector<16xf32>,
          %mul3A_299 = arith.mulf %gather3A_297, %gather3A_298 : vector<16xf32>
          %add3A_300 = arith.addf %scan3A_278, %mul3A_299 : vector<16xf32>
          %add3A_301 = arith.constant 2 : i32
          %add3A_302 = arith.addi %mul3A_280, %add3A_301 : i32
          %broadcast_in_dim3A_303 = vector.broadcast %add3A_302 : i32 to vector<16xi32>
          %add3A_304 = arith.addi %broadcast_in_dim3A_303, %iota3A : vector<16xi32>
          %and3A_305 = arith.constant 127 : i32
          %and3A_306 = vector.broadcast %and3A_305 : i32 to vector<16xi32>
          %and3A_307 = arith.andi %add3A_304, %and3A_306 : vector<16xi32>
          %gather3A_308 = tpu.vector_load_idx %arg10[%add3A_183, %and3A_307] : memref<80x128xf32, #tpu.memory_space<vmem>>[vector<16xi32>, vector<16xi32>], vector<16xf32>,
          %gather3A_309 = tpu.vector_load_idx %arg14[%add3A_183, %and3A_307] : memref<80x128xf32, #tpu.memory_space<vmem>>[vector<16xi32>, vector<16xi32>], vector<16xf32>,
          %mul3A_310 = arith.mulf %gather3A_308, %gather3A_309 : vector<16xf32>
          %add3A_311 = arith.addf %add3A_289, %mul3A_310 : vector<16xf32>
          %add3A_312 = arith.constant 3 : i32
          %add3A_313 = arith.addi %mul3A_280, %add3A_312 : i32
          %broadcast_in_dim3A_314 = vector.broadcast %add3A_313 : i32 to vector<16xi32>
          %add3A_315 = arith.addi %broadcast_in_dim3A_314, %iota3A : vector<16xi32>
          %and3A_316 = arith.constant 127 : i32
          %and3A_317 = vector.broadcast %and3A_316 : i32 to vector<16xi32>
          %and3A_318 = arith.andi %add3A_315, %and3A_317 : vector<16xi32>
          %gather3A_319 = tpu.vector_load_idx %arg10[%add3A_183, %and3A_318] : memref<80x128xf32, #tpu.memory_space<vmem>>[vector<16xi32>, vector<16xi32>], vector<16xf32>,
          %gather3A_320 = tpu.vector_load_idx %arg14[%add3A_183, %and3A_318] : memref<80x128xf32, #tpu.memory_space<vmem>>[vector<16xi32>, vector<16xi32>], vector<16xf32>,
          %mul3A_321 = arith.mulf %gather3A_319, %gather3A_320 : vector<16xf32>
          %add3A_322 = arith.addf %add3A_300, %mul3A_321 : vector<16xf32>
          %add3A_323 = arith.constant 4 : i32
          %add3A_324 = arith.addi %mul3A_280, %add3A_323 : i32
          %broadcast_in_dim3A_325 = vector.broadcast %add3A_324 : i32 to vector<16xi32>
          %add3A_326 = arith.addi %broadcast_in_dim3A_325, %iota3A : vector<16xi32>
          %and3A_327 = arith.constant 127 : i32
          %and3A_328 = vector.broadcast %and3A_327 : i32 to vector<16xi32>
          %and3A_329 = arith.andi %add3A_326, %and3A_328 : vector<16xi32>
          %gather3A_330 = tpu.vector_load_idx %arg10[%add3A_183, %and3A_329] : memref<80x128xf32, #tpu.memory_space<vmem>>[vector<16xi32>, vector<16xi32>], vector<16xf32>,
          %gather3A_331 = tpu.vector_load_idx %arg14[%add3A_183, %and3A_329] : memref<80x128xf32, #tpu.memory_space<vmem>>[vector<16xi32>, vector<16xi32>], vector<16xf32>,
          %mul3A_332 = arith.mulf %gather3A_330, %gather3A_331 : vector<16xf32>
          %add3A_333 = arith.addf %add3A_311, %mul3A_332 : vector<16xf32>
          %add3A_334 = arith.constant 5 : i32
          %add3A_335 = arith.addi %mul3A_280, %add3A_334 : i32
          %broadcast_in_dim3A_336 = vector.broadcast %add3A_335 : i32 to vector<16xi32>
          %add3A_337 = arith.addi %broadcast_in_dim3A_336, %iota3A : vector<16xi32>
          %and3A_338 = arith.constant 127 : i32
          %and3A_339 = vector.broadcast %and3A_338 : i32 to vector<16xi32>
          %and3A_340 = arith.andi %add3A_337, %and3A_339 : vector<16xi32>
          %gather3A_341 = tpu.vector_load_idx %arg10[%add3A_183, %and3A_340] : memref<80x128xf32, #tpu.memory_space<vmem>>[vector<16xi32>, vector<16xi32>], vector<16xf32>,
          %gather3A_342 = tpu.vector_load_idx %arg14[%add3A_183, %and3A_340] : memref<80x128xf32, #tpu.memory_space<vmem>>[vector<16xi32>, vector<16xi32>], vector<16xf32>,
          %mul3A_343 = arith.mulf %gather3A_341, %gather3A_342 : vector<16xf32>
          %add3A_344 = arith.addf %add3A_322, %mul3A_343 : vector<16xf32>
          %add3A_345 = arith.constant 6 : i32
          %add3A_346 = arith.addi %mul3A_280, %add3A_345 : i32
          %broadcast_in_dim3A_347 = vector.broadcast %add3A_346 : i32 to vector<16xi32>
          %add3A_348 = arith.addi %broadcast_in_dim3A_347, %iota3A : vector<16xi32>
          %and3A_349 = arith.constant 127 : i32
          %and3A_350 = vector.broadcast %and3A_349 : i32 to vector<16xi32>
          %and3A_351 = arith.andi %add3A_348, %and3A_350 : vector<16xi32>
          %gather3A_352 = tpu.vector_load_idx %arg10[%add3A_183, %and3A_351] : memref<80x128xf32, #tpu.memory_space<vmem>>[vector<16xi32>, vector<16xi32>], vector<16xf32>,
          %gather3A_353 = tpu.vector_load_idx %arg14[%add3A_183, %and3A_351] : memref<80x128xf32, #tpu.memory_space<vmem>>[vector<16xi32>, vector<16xi32>], vector<16xf32>,
          %mul3A_354 = arith.mulf %gather3A_352, %gather3A_353 : vector<16xf32>
          %add3A_355 = arith.addf %add3A_333, %mul3A_354 : vector<16xf32>
          %add3A_356 = arith.constant 7 : i32
          %add3A_357 = arith.addi %mul3A_280, %add3A_356 : i32
          %broadcast_in_dim3A_358 = vector.broadcast %add3A_357 : i32 to vector<16xi32>
          %add3A_359 = arith.addi %broadcast_in_dim3A_358, %iota3A : vector<16xi32>
          %and3A_360 = arith.constant 127 : i32
          %and3A_361 = vector.broadcast %and3A_360 : i32 to vector<16xi32>
          %and3A_362 = arith.andi %add3A_359, %and3A_361 : vector<16xi32>
          %gather3A_363 = tpu.vector_load_idx %arg10[%add3A_183, %and3A_362] : memref<80x128xf32, #tpu.memory_space<vmem>>[vector<16xi32>, vector<16xi32>], vector<16xf32>,
          %gather3A_364 = tpu.vector_load_idx %arg14[%add3A_183, %and3A_362] : memref<80x128xf32, #tpu.memory_space<vmem>>[vector<16xi32>, vector<16xi32>], vector<16xf32>,
          %mul3A_365 = arith.mulf %gather3A_363, %gather3A_364 : vector<16xf32>
          %add3A_366 = arith.addf %add3A_344, %mul3A_365 : vector<16xf32>
          scf.yield %add3A_355, %add3A_366 : vector<16xf32>, vector<16xf32>
        }
        %scan3A_190 = arith.constant 16 : i32
        %add3A_191 = arith.addf %scan3A_189#0, %scan3A_189#1 : vector<16xf32>
        %mul3A_192 = arith.constant 80 : i32
        %mul3A_193 = arith.muli %add3A_146, %mul3A_192 : i32
        %add3A_194 = arith.constant 0 : i32
        %add3A_195 = arith.addi %mul3A_193, %add3A_194 : i32
        %swap3A = arith.index_cast %add3A_195 : i32 to index
        %swap3A_196 = tpu.vector_load %arg8[%swap3A] {strides = array<i32>} : memref<10000xf32, #tpu.memory_space<vmem>>, vector<16xf32>,
        tpu.vector_store %arg8[%swap3A], %add3A_191 {strides = array<i32>} : memref<10000xf32, #tpu.memory_space<vmem>>, vector<16xf32>,
        %add3A_197 = arith.constant 16 : i32
        %add3A_198 = vector.broadcast %add3A_197 : i32 to vector<16xi32>
        %add3A_199 = arith.addi %iota3A, %add3A_198 : vector<16xi32>
        %broadcast_in_dim3A_200 = arith.constant 0.000000e+00 : f32
        %broadcast_in_dim3A_201 = vector.broadcast %broadcast_in_dim3A_200 : f32 to vector<16xf32>
        %scan3A_202 = arith.constant 0 : i32
        %scan3A_203 = arith.constant 16 : i32
        %scan3A_204 = arith.addi %scan3A_202, %scan3A_203 : i32
        %scan3A_205 = arith.constant 1 : i32
        %scan3A_206:2 = scf.for %scan3A_276 = %scan3A_202 to %scan3A_204 step %scan3A_205 iter_args(%scan3A_277 = %broadcast_in_dim3A_201, %scan3A_278 = %broadcast_in_dim3A_201) -> (vector<16xf32>, vector<16xf32>)  : i32 {
          %mul3A_279 = arith.constant 8 : i32
          %mul3A_280 = arith.muli %scan3A_276, %mul3A_279 : i32
          %add3A_281 = arith.constant 0 : i32
          %add3A_282 = arith.addi %mul3A_280, %add3A_281 : i32
          %broadcast_in_dim3A_283 = vector.broadcast %add3A_282 : i32 to vector<16xi32>
          %add3A_284 = arith.addi %broadcast_in_dim3A_283, %iota3A : vector<16xi32>
          %and3A = arith.constant 127 : i32
          %and3A_285 = vector.broadcast %and3A : i32 to vector<16xi32>
          %and3A_286 = arith.andi %add3A_284, %and3A_285 : vector<16xi32>
          %gather3A = tpu.vector_load_idx %arg10[%add3A_199, %and3A_286] : memref<80x128xf32, #tpu.memory_space<vmem>>[vector<16xi32>, vector<16xi32>], vector<16xf32>,
          %gather3A_287 = tpu.vector_load_idx %arg14[%add3A_199, %and3A_286] : memref<80x128xf32, #tpu.memory_space<vmem>>[vector<16xi32>, vector<16xi32>], vector<16xf32>,
          %mul3A_288 = arith.mulf %gather3A, %gather3A_287 : vector<16xf32>
          %add3A_289 = arith.addf %scan3A_277, %mul3A_288 : vector<16xf32>
          %add3A_290 = arith.constant 1 : i32
          %add3A_291 = arith.addi %mul3A_280, %add3A_290 : i32
          %broadcast_in_dim3A_292 = vector.broadcast %add3A_291 : i32 to vector<16xi32>
          %add3A_293 = arith.addi %broadcast_in_dim3A_292, %iota3A : vector<16xi32>
          %and3A_294 = arith.constant 127 : i32
          %and3A_295 = vector.broadcast %and3A_294 : i32 to vector<16xi32>
          %and3A_296 = arith.andi %add3A_293, %and3A_295 : vector<16xi32>
          %gather3A_297 = tpu.vector_load_idx %arg10[%add3A_199, %and3A_296] : memref<80x128xf32, #tpu.memory_space<vmem>>[vector<16xi32>, vector<16xi32>], vector<16xf32>,
          %gather3A_298 = tpu.vector_load_idx %arg14[%add3A_199, %and3A_296] : memref<80x128xf32, #tpu.memory_space<vmem>>[vector<16xi32>, vector<16xi32>], vector<16xf32>,
          %mul3A_299 = arith.mulf %gather3A_297, %gather3A_298 : vector<16xf32>
          %add3A_300 = arith.addf %scan3A_278, %mul3A_299 : vector<16xf32>
          %add3A_301 = arith.constant 2 : i32
          %add3A_302 = arith.addi %mul3A_280, %add3A_301 : i32
          %broadcast_in_dim3A_303 = vector.broadcast %add3A_302 : i32 to vector<16xi32>
          %add3A_304 = arith.addi %broadcast_in_dim3A_303, %iota3A : vector<16xi32>
          %and3A_305 = arith.constant 127 : i32
          %and3A_306 = vector.broadcast %and3A_305 : i32 to vector<16xi32>
          %and3A_307 = arith.andi %add3A_304, %and3A_306 : vector<16xi32>
          %gather3A_308 = tpu.vector_load_idx %arg10[%add3A_199, %and3A_307] : memref<80x128xf32, #tpu.memory_space<vmem>>[vector<16xi32>, vector<16xi32>], vector<16xf32>,
          %gather3A_309 = tpu.vector_load_idx %arg14[%add3A_199, %and3A_307] : memref<80x128xf32, #tpu.memory_space<vmem>>[vector<16xi32>, vector<16xi32>], vector<16xf32>,
          %mul3A_310 = arith.mulf %gather3A_308, %gather3A_309 : vector<16xf32>
          %add3A_311 = arith.addf %add3A_289, %mul3A_310 : vector<16xf32>
          %add3A_312 = arith.constant 3 : i32
          %add3A_313 = arith.addi %mul3A_280, %add3A_312 : i32
          %broadcast_in_dim3A_314 = vector.broadcast %add3A_313 : i32 to vector<16xi32>
          %add3A_315 = arith.addi %broadcast_in_dim3A_314, %iota3A : vector<16xi32>
          %and3A_316 = arith.constant 127 : i32
          %and3A_317 = vector.broadcast %and3A_316 : i32 to vector<16xi32>
          %and3A_318 = arith.andi %add3A_315, %and3A_317 : vector<16xi32>
          %gather3A_319 = tpu.vector_load_idx %arg10[%add3A_199, %and3A_318] : memref<80x128xf32, #tpu.memory_space<vmem>>[vector<16xi32>, vector<16xi32>], vector<16xf32>,
          %gather3A_320 = tpu.vector_load_idx %arg14[%add3A_199, %and3A_318] : memref<80x128xf32, #tpu.memory_space<vmem>>[vector<16xi32>, vector<16xi32>], vector<16xf32>,
          %mul3A_321 = arith.mulf %gather3A_319, %gather3A_320 : vector<16xf32>
          %add3A_322 = arith.addf %add3A_300, %mul3A_321 : vector<16xf32>
          %add3A_323 = arith.constant 4 : i32
          %add3A_324 = arith.addi %mul3A_280, %add3A_323 : i32
          %broadcast_in_dim3A_325 = vector.broadcast %add3A_324 : i32 to vector<16xi32>
          %add3A_326 = arith.addi %broadcast_in_dim3A_325, %iota3A : vector<16xi32>
          %and3A_327 = arith.constant 127 : i32
          %and3A_328 = vector.broadcast %and3A_327 : i32 to vector<16xi32>
          %and3A_329 = arith.andi %add3A_326, %and3A_328 : vector<16xi32>
          %gather3A_330 = tpu.vector_load_idx %arg10[%add3A_199, %and3A_329] : memref<80x128xf32, #tpu.memory_space<vmem>>[vector<16xi32>, vector<16xi32>], vector<16xf32>,
          %gather3A_331 = tpu.vector_load_idx %arg14[%add3A_199, %and3A_329] : memref<80x128xf32, #tpu.memory_space<vmem>>[vector<16xi32>, vector<16xi32>], vector<16xf32>,
          %mul3A_332 = arith.mulf %gather3A_330, %gather3A_331 : vector<16xf32>
          %add3A_333 = arith.addf %add3A_311, %mul3A_332 : vector<16xf32>
          %add3A_334 = arith.constant 5 : i32
          %add3A_335 = arith.addi %mul3A_280, %add3A_334 : i32
          %broadcast_in_dim3A_336 = vector.broadcast %add3A_335 : i32 to vector<16xi32>
          %add3A_337 = arith.addi %broadcast_in_dim3A_336, %iota3A : vector<16xi32>
          %and3A_338 = arith.constant 127 : i32
          %and3A_339 = vector.broadcast %and3A_338 : i32 to vector<16xi32>
          %and3A_340 = arith.andi %add3A_337, %and3A_339 : vector<16xi32>
          %gather3A_341 = tpu.vector_load_idx %arg10[%add3A_199, %and3A_340] : memref<80x128xf32, #tpu.memory_space<vmem>>[vector<16xi32>, vector<16xi32>], vector<16xf32>,
          %gather3A_342 = tpu.vector_load_idx %arg14[%add3A_199, %and3A_340] : memref<80x128xf32, #tpu.memory_space<vmem>>[vector<16xi32>, vector<16xi32>], vector<16xf32>,
          %mul3A_343 = arith.mulf %gather3A_341, %gather3A_342 : vector<16xf32>
          %add3A_344 = arith.addf %add3A_322, %mul3A_343 : vector<16xf32>
          %add3A_345 = arith.constant 6 : i32
          %add3A_346 = arith.addi %mul3A_280, %add3A_345 : i32
          %broadcast_in_dim3A_347 = vector.broadcast %add3A_346 : i32 to vector<16xi32>
          %add3A_348 = arith.addi %broadcast_in_dim3A_347, %iota3A : vector<16xi32>
          %and3A_349 = arith.constant 127 : i32
          %and3A_350 = vector.broadcast %and3A_349 : i32 to vector<16xi32>
          %and3A_351 = arith.andi %add3A_348, %and3A_350 : vector<16xi32>
          %gather3A_352 = tpu.vector_load_idx %arg10[%add3A_199, %and3A_351] : memref<80x128xf32, #tpu.memory_space<vmem>>[vector<16xi32>, vector<16xi32>], vector<16xf32>,
          %gather3A_353 = tpu.vector_load_idx %arg14[%add3A_199, %and3A_351] : memref<80x128xf32, #tpu.memory_space<vmem>>[vector<16xi32>, vector<16xi32>], vector<16xf32>,
          %mul3A_354 = arith.mulf %gather3A_352, %gather3A_353 : vector<16xf32>
          %add3A_355 = arith.addf %add3A_333, %mul3A_354 : vector<16xf32>
          %add3A_356 = arith.constant 7 : i32
          %add3A_357 = arith.addi %mul3A_280, %add3A_356 : i32
          %broadcast_in_dim3A_358 = vector.broadcast %add3A_357 : i32 to vector<16xi32>
          %add3A_359 = arith.addi %broadcast_in_dim3A_358, %iota3A : vector<16xi32>
          %and3A_360 = arith.constant 127 : i32
          %and3A_361 = vector.broadcast %and3A_360 : i32 to vector<16xi32>
          %and3A_362 = arith.andi %add3A_359, %and3A_361 : vector<16xi32>
          %gather3A_363 = tpu.vector_load_idx %arg10[%add3A_199, %and3A_362] : memref<80x128xf32, #tpu.memory_space<vmem>>[vector<16xi32>, vector<16xi32>], vector<16xf32>,
          %gather3A_364 = tpu.vector_load_idx %arg14[%add3A_199, %and3A_362] : memref<80x128xf32, #tpu.memory_space<vmem>>[vector<16xi32>, vector<16xi32>], vector<16xf32>,
          %mul3A_365 = arith.mulf %gather3A_363, %gather3A_364 : vector<16xf32>
          %add3A_366 = arith.addf %add3A_344, %mul3A_365 : vector<16xf32>
          scf.yield %add3A_355, %add3A_366 : vector<16xf32>, vector<16xf32>
        }
        %scan3A_207 = arith.constant 16 : i32
        %add3A_208 = arith.addf %scan3A_206#0, %scan3A_206#1 : vector<16xf32>
        %mul3A_209 = arith.constant 80 : i32
        %mul3A_210 = arith.muli %add3A_146, %mul3A_209 : i32
        %add3A_211 = arith.constant 16 : i32
        %add3A_212 = arith.addi %mul3A_210, %add3A_211 : i32
        %swap3A_213 = arith.index_cast %add3A_212 : i32 to index
        %swap3A_214 = tpu.vector_load %arg8[%swap3A_213] {strides = array<i32>} : memref<10000xf32, #tpu.memory_space<vmem>>, vector<16xf32>,
        tpu.vector_store %arg8[%swap3A_213], %add3A_208 {strides = array<i32>} : memref<10000xf32, #tpu.memory_space<vmem>>, vector<16xf32>,
        %add3A_215 = arith.constant 32 : i32
        %add3A_216 = vector.broadcast %add3A_215 : i32 to vector<16xi32>
        %add3A_217 = arith.addi %iota3A, %add3A_216 : vector<16xi32>
        %broadcast_in_dim3A_218 = arith.constant 0.000000e+00 : f32
        %broadcast_in_dim3A_219 = vector.broadcast %broadcast_in_dim3A_218 : f32 to vector<16xf32>
        %scan3A_220 = arith.constant 0 : i32
        %scan3A_221 = arith.constant 16 : i32
        %scan3A_222 = arith.addi %scan3A_220, %scan3A_221 : i32
        %scan3A_223 = arith.constant 1 : i32
        %scan3A_224:2 = scf.for %scan3A_276 = %scan3A_220 to %scan3A_222 step %scan3A_223 iter_args(%scan3A_277 = %broadcast_in_dim3A_219, %scan3A_278 = %broadcast_in_dim3A_219) -> (vector<16xf32>, vector<16xf32>)  : i32 {
          %mul3A_279 = arith.constant 8 : i32
          %mul3A_280 = arith.muli %scan3A_276, %mul3A_279 : i32
          %add3A_281 = arith.constant 0 : i32
          %add3A_282 = arith.addi %mul3A_280, %add3A_281 : i32
          %broadcast_in_dim3A_283 = vector.broadcast %add3A_282 : i32 to vector<16xi32>
          %add3A_284 = arith.addi %broadcast_in_dim3A_283, %iota3A : vector<16xi32>
          %and3A = arith.constant 127 : i32
          %and3A_285 = vector.broadcast %and3A : i32 to vector<16xi32>
          %and3A_286 = arith.andi %add3A_284, %and3A_285 : vector<16xi32>
          %gather3A = tpu.vector_load_idx %arg10[%add3A_217, %and3A_286] : memref<80x128xf32, #tpu.memory_space<vmem>>[vector<16xi32>, vector<16xi32>], vector<16xf32>,
          %gather3A_287 = tpu.vector_load_idx %arg14[%add3A_217, %and3A_286] : memref<80x128xf32, #tpu.memory_space<vmem>>[vector<16xi32>, vector<16xi32>], vector<16xf32>,
          %mul3A_288 = arith.mulf %gather3A, %gather3A_287 : vector<16xf32>
          %add3A_289 = arith.addf %scan3A_277, %mul3A_288 : vector<16xf32>
          %add3A_290 = arith.constant 1 : i32
          %add3A_291 = arith.addi %mul3A_280, %add3A_290 : i32
          %broadcast_in_dim3A_292 = vector.broadcast %add3A_291 : i32 to vector<16xi32>
          %add3A_293 = arith.addi %broadcast_in_dim3A_292, %iota3A : vector<16xi32>
          %and3A_294 = arith.constant 127 : i32
          %and3A_295 = vector.broadcast %and3A_294 : i32 to vector<16xi32>
          %and3A_296 = arith.andi %add3A_293, %and3A_295 : vector<16xi32>
          %gather3A_297 = tpu.vector_load_idx %arg10[%add3A_217, %and3A_296] : memref<80x128xf32, #tpu.memory_space<vmem>>[vector<16xi32>, vector<16xi32>], vector<16xf32>,
          %gather3A_298 = tpu.vector_load_idx %arg14[%add3A_217, %and3A_296] : memref<80x128xf32, #tpu.memory_space<vmem>>[vector<16xi32>, vector<16xi32>], vector<16xf32>,
          %mul3A_299 = arith.mulf %gather3A_297, %gather3A_298 : vector<16xf32>
          %add3A_300 = arith.addf %scan3A_278, %mul3A_299 : vector<16xf32>
          %add3A_301 = arith.constant 2 : i32
          %add3A_302 = arith.addi %mul3A_280, %add3A_301 : i32
          %broadcast_in_dim3A_303 = vector.broadcast %add3A_302 : i32 to vector<16xi32>
          %add3A_304 = arith.addi %broadcast_in_dim3A_303, %iota3A : vector<16xi32>
          %and3A_305 = arith.constant 127 : i32
          %and3A_306 = vector.broadcast %and3A_305 : i32 to vector<16xi32>
          %and3A_307 = arith.andi %add3A_304, %and3A_306 : vector<16xi32>
          %gather3A_308 = tpu.vector_load_idx %arg10[%add3A_217, %and3A_307] : memref<80x128xf32, #tpu.memory_space<vmem>>[vector<16xi32>, vector<16xi32>], vector<16xf32>,
          %gather3A_309 = tpu.vector_load_idx %arg14[%add3A_217, %and3A_307] : memref<80x128xf32, #tpu.memory_space<vmem>>[vector<16xi32>, vector<16xi32>], vector<16xf32>,
          %mul3A_310 = arith.mulf %gather3A_308, %gather3A_309 : vector<16xf32>
          %add3A_311 = arith.addf %add3A_289, %mul3A_310 : vector<16xf32>
          %add3A_312 = arith.constant 3 : i32
          %add3A_313 = arith.addi %mul3A_280, %add3A_312 : i32
          %broadcast_in_dim3A_314 = vector.broadcast %add3A_313 : i32 to vector<16xi32>
          %add3A_315 = arith.addi %broadcast_in_dim3A_314, %iota3A : vector<16xi32>
          %and3A_316 = arith.constant 127 : i32
          %and3A_317 = vector.broadcast %and3A_316 : i32 to vector<16xi32>
          %and3A_318 = arith.andi %add3A_315, %and3A_317 : vector<16xi32>
          %gather3A_319 = tpu.vector_load_idx %arg10[%add3A_217, %and3A_318] : memref<80x128xf32, #tpu.memory_space<vmem>>[vector<16xi32>, vector<16xi32>], vector<16xf32>,
          %gather3A_320 = tpu.vector_load_idx %arg14[%add3A_217, %and3A_318] : memref<80x128xf32, #tpu.memory_space<vmem>>[vector<16xi32>, vector<16xi32>], vector<16xf32>,
          %mul3A_321 = arith.mulf %gather3A_319, %gather3A_320 : vector<16xf32>
          %add3A_322 = arith.addf %add3A_300, %mul3A_321 : vector<16xf32>
          %add3A_323 = arith.constant 4 : i32
          %add3A_324 = arith.addi %mul3A_280, %add3A_323 : i32
          %broadcast_in_dim3A_325 = vector.broadcast %add3A_324 : i32 to vector<16xi32>
          %add3A_326 = arith.addi %broadcast_in_dim3A_325, %iota3A : vector<16xi32>
          %and3A_327 = arith.constant 127 : i32
          %and3A_328 = vector.broadcast %and3A_327 : i32 to vector<16xi32>
          %and3A_329 = arith.andi %add3A_326, %and3A_328 : vector<16xi32>
          %gather3A_330 = tpu.vector_load_idx %arg10[%add3A_217, %and3A_329] : memref<80x128xf32, #tpu.memory_space<vmem>>[vector<16xi32>, vector<16xi32>], vector<16xf32>,
          %gather3A_331 = tpu.vector_load_idx %arg14[%add3A_217, %and3A_329] : memref<80x128xf32, #tpu.memory_space<vmem>>[vector<16xi32>, vector<16xi32>], vector<16xf32>,
          %mul3A_332 = arith.mulf %gather3A_330, %gather3A_331 : vector<16xf32>
          %add3A_333 = arith.addf %add3A_311, %mul3A_332 : vector<16xf32>
          %add3A_334 = arith.constant 5 : i32
          %add3A_335 = arith.addi %mul3A_280, %add3A_334 : i32
          %broadcast_in_dim3A_336 = vector.broadcast %add3A_335 : i32 to vector<16xi32>
          %add3A_337 = arith.addi %broadcast_in_dim3A_336, %iota3A : vector<16xi32>
          %and3A_338 = arith.constant 127 : i32
          %and3A_339 = vector.broadcast %and3A_338 : i32 to vector<16xi32>
          %and3A_340 = arith.andi %add3A_337, %and3A_339 : vector<16xi32>
          %gather3A_341 = tpu.vector_load_idx %arg10[%add3A_217, %and3A_340] : memref<80x128xf32, #tpu.memory_space<vmem>>[vector<16xi32>, vector<16xi32>], vector<16xf32>,
          %gather3A_342 = tpu.vector_load_idx %arg14[%add3A_217, %and3A_340] : memref<80x128xf32, #tpu.memory_space<vmem>>[vector<16xi32>, vector<16xi32>], vector<16xf32>,
          %mul3A_343 = arith.mulf %gather3A_341, %gather3A_342 : vector<16xf32>
          %add3A_344 = arith.addf %add3A_322, %mul3A_343 : vector<16xf32>
          %add3A_345 = arith.constant 6 : i32
          %add3A_346 = arith.addi %mul3A_280, %add3A_345 : i32
          %broadcast_in_dim3A_347 = vector.broadcast %add3A_346 : i32 to vector<16xi32>
          %add3A_348 = arith.addi %broadcast_in_dim3A_347, %iota3A : vector<16xi32>
          %and3A_349 = arith.constant 127 : i32
          %and3A_350 = vector.broadcast %and3A_349 : i32 to vector<16xi32>
          %and3A_351 = arith.andi %add3A_348, %and3A_350 : vector<16xi32>
          %gather3A_352 = tpu.vector_load_idx %arg10[%add3A_217, %and3A_351] : memref<80x128xf32, #tpu.memory_space<vmem>>[vector<16xi32>, vector<16xi32>], vector<16xf32>,
          %gather3A_353 = tpu.vector_load_idx %arg14[%add3A_217, %and3A_351] : memref<80x128xf32, #tpu.memory_space<vmem>>[vector<16xi32>, vector<16xi32>], vector<16xf32>,
          %mul3A_354 = arith.mulf %gather3A_352, %gather3A_353 : vector<16xf32>
          %add3A_355 = arith.addf %add3A_333, %mul3A_354 : vector<16xf32>
          %add3A_356 = arith.constant 7 : i32
          %add3A_357 = arith.addi %mul3A_280, %add3A_356 : i32
          %broadcast_in_dim3A_358 = vector.broadcast %add3A_357 : i32 to vector<16xi32>
          %add3A_359 = arith.addi %broadcast_in_dim3A_358, %iota3A : vector<16xi32>
          %and3A_360 = arith.constant 127 : i32
          %and3A_361 = vector.broadcast %and3A_360 : i32 to vector<16xi32>
          %and3A_362 = arith.andi %add3A_359, %and3A_361 : vector<16xi32>
          %gather3A_363 = tpu.vector_load_idx %arg10[%add3A_217, %and3A_362] : memref<80x128xf32, #tpu.memory_space<vmem>>[vector<16xi32>, vector<16xi32>], vector<16xf32>,
          %gather3A_364 = tpu.vector_load_idx %arg14[%add3A_217, %and3A_362] : memref<80x128xf32, #tpu.memory_space<vmem>>[vector<16xi32>, vector<16xi32>], vector<16xf32>,
          %mul3A_365 = arith.mulf %gather3A_363, %gather3A_364 : vector<16xf32>
          %add3A_366 = arith.addf %add3A_344, %mul3A_365 : vector<16xf32>
          scf.yield %add3A_355, %add3A_366 : vector<16xf32>, vector<16xf32>
        }
        %scan3A_225 = arith.constant 16 : i32
        %add3A_226 = arith.addf %scan3A_224#0, %scan3A_224#1 : vector<16xf32>
        %mul3A_227 = arith.constant 80 : i32
        %mul3A_228 = arith.muli %add3A_146, %mul3A_227 : i32
        %add3A_229 = arith.constant 32 : i32
        %add3A_230 = arith.addi %mul3A_228, %add3A_229 : i32
        %swap3A_231 = arith.index_cast %add3A_230 : i32 to index
        %swap3A_232 = tpu.vector_load %arg8[%swap3A_231] {strides = array<i32>} : memref<10000xf32, #tpu.memory_space<vmem>>, vector<16xf32>,
        tpu.vector_store %arg8[%swap3A_231], %add3A_226 {strides = array<i32>} : memref<10000xf32, #tpu.memory_space<vmem>>, vector<16xf32>,
        %add3A_233 = arith.constant 48 : i32
        %add3A_234 = vector.broadcast %add3A_233 : i32 to vector<16xi32>
        %add3A_235 = arith.addi %iota3A, %add3A_234 : vector<16xi32>
        %broadcast_in_dim3A_236 = arith.constant 0.000000e+00 : f32
        %broadcast_in_dim3A_237 = vector.broadcast %broadcast_in_dim3A_236 : f32 to vector<16xf32>
        %scan3A_238 = arith.constant 0 : i32
        %scan3A_239 = arith.constant 16 : i32
        %scan3A_240 = arith.addi %scan3A_238, %scan3A_239 : i32
        %scan3A_241 = arith.constant 1 : i32
        %scan3A_242:2 = scf.for %scan3A_276 = %scan3A_238 to %scan3A_240 step %scan3A_241 iter_args(%scan3A_277 = %broadcast_in_dim3A_237, %scan3A_278 = %broadcast_in_dim3A_237) -> (vector<16xf32>, vector<16xf32>)  : i32 {
          %mul3A_279 = arith.constant 8 : i32
          %mul3A_280 = arith.muli %scan3A_276, %mul3A_279 : i32
          %add3A_281 = arith.constant 0 : i32
          %add3A_282 = arith.addi %mul3A_280, %add3A_281 : i32
          %broadcast_in_dim3A_283 = vector.broadcast %add3A_282 : i32 to vector<16xi32>
          %add3A_284 = arith.addi %broadcast_in_dim3A_283, %iota3A : vector<16xi32>
          %and3A = arith.constant 127 : i32
          %and3A_285 = vector.broadcast %and3A : i32 to vector<16xi32>
          %and3A_286 = arith.andi %add3A_284, %and3A_285 : vector<16xi32>
          %gather3A = tpu.vector_load_idx %arg10[%add3A_235, %and3A_286] : memref<80x128xf32, #tpu.memory_space<vmem>>[vector<16xi32>, vector<16xi32>], vector<16xf32>,
          %gather3A_287 = tpu.vector_load_idx %arg14[%add3A_235, %and3A_286] : memref<80x128xf32, #tpu.memory_space<vmem>>[vector<16xi32>, vector<16xi32>], vector<16xf32>,
          %mul3A_288 = arith.mulf %gather3A, %gather3A_287 : vector<16xf32>
          %add3A_289 = arith.addf %scan3A_277, %mul3A_288 : vector<16xf32>
          %add3A_290 = arith.constant 1 : i32
          %add3A_291 = arith.addi %mul3A_280, %add3A_290 : i32
          %broadcast_in_dim3A_292 = vector.broadcast %add3A_291 : i32 to vector<16xi32>
          %add3A_293 = arith.addi %broadcast_in_dim3A_292, %iota3A : vector<16xi32>
          %and3A_294 = arith.constant 127 : i32
          %and3A_295 = vector.broadcast %and3A_294 : i32 to vector<16xi32>
          %and3A_296 = arith.andi %add3A_293, %and3A_295 : vector<16xi32>
          %gather3A_297 = tpu.vector_load_idx %arg10[%add3A_235, %and3A_296] : memref<80x128xf32, #tpu.memory_space<vmem>>[vector<16xi32>, vector<16xi32>], vector<16xf32>,
          %gather3A_298 = tpu.vector_load_idx %arg14[%add3A_235, %and3A_296] : memref<80x128xf32, #tpu.memory_space<vmem>>[vector<16xi32>, vector<16xi32>], vector<16xf32>,
          %mul3A_299 = arith.mulf %gather3A_297, %gather3A_298 : vector<16xf32>
          %add3A_300 = arith.addf %scan3A_278, %mul3A_299 : vector<16xf32>
          %add3A_301 = arith.constant 2 : i32
          %add3A_302 = arith.addi %mul3A_280, %add3A_301 : i32
          %broadcast_in_dim3A_303 = vector.broadcast %add3A_302 : i32 to vector<16xi32>
          %add3A_304 = arith.addi %broadcast_in_dim3A_303, %iota3A : vector<16xi32>
          %and3A_305 = arith.constant 127 : i32
          %and3A_306 = vector.broadcast %and3A_305 : i32 to vector<16xi32>
          %and3A_307 = arith.andi %add3A_304, %and3A_306 : vector<16xi32>
          %gather3A_308 = tpu.vector_load_idx %arg10[%add3A_235, %and3A_307] : memref<80x128xf32, #tpu.memory_space<vmem>>[vector<16xi32>, vector<16xi32>], vector<16xf32>,
          %gather3A_309 = tpu.vector_load_idx %arg14[%add3A_235, %and3A_307] : memref<80x128xf32, #tpu.memory_space<vmem>>[vector<16xi32>, vector<16xi32>], vector<16xf32>,
          %mul3A_310 = arith.mulf %gather3A_308, %gather3A_309 : vector<16xf32>
          %add3A_311 = arith.addf %add3A_289, %mul3A_310 : vector<16xf32>
          %add3A_312 = arith.constant 3 : i32
          %add3A_313 = arith.addi %mul3A_280, %add3A_312 : i32
          %broadcast_in_dim3A_314 = vector.broadcast %add3A_313 : i32 to vector<16xi32>
          %add3A_315 = arith.addi %broadcast_in_dim3A_314, %iota3A : vector<16xi32>
          %and3A_316 = arith.constant 127 : i32
          %and3A_317 = vector.broadcast %and3A_316 : i32 to vector<16xi32>
          %and3A_318 = arith.andi %add3A_315, %and3A_317 : vector<16xi32>
          %gather3A_319 = tpu.vector_load_idx %arg10[%add3A_235, %and3A_318] : memref<80x128xf32, #tpu.memory_space<vmem>>[vector<16xi32>, vector<16xi32>], vector<16xf32>,
          %gather3A_320 = tpu.vector_load_idx %arg14[%add3A_235, %and3A_318] : memref<80x128xf32, #tpu.memory_space<vmem>>[vector<16xi32>, vector<16xi32>], vector<16xf32>,
          %mul3A_321 = arith.mulf %gather3A_319, %gather3A_320 : vector<16xf32>
          %add3A_322 = arith.addf %add3A_300, %mul3A_321 : vector<16xf32>
          %add3A_323 = arith.constant 4 : i32
          %add3A_324 = arith.addi %mul3A_280, %add3A_323 : i32
          %broadcast_in_dim3A_325 = vector.broadcast %add3A_324 : i32 to vector<16xi32>
          %add3A_326 = arith.addi %broadcast_in_dim3A_325, %iota3A : vector<16xi32>
          %and3A_327 = arith.constant 127 : i32
          %and3A_328 = vector.broadcast %and3A_327 : i32 to vector<16xi32>
          %and3A_329 = arith.andi %add3A_326, %and3A_328 : vector<16xi32>
          %gather3A_330 = tpu.vector_load_idx %arg10[%add3A_235, %and3A_329] : memref<80x128xf32, #tpu.memory_space<vmem>>[vector<16xi32>, vector<16xi32>], vector<16xf32>,
          %gather3A_331 = tpu.vector_load_idx %arg14[%add3A_235, %and3A_329] : memref<80x128xf32, #tpu.memory_space<vmem>>[vector<16xi32>, vector<16xi32>], vector<16xf32>,
          %mul3A_332 = arith.mulf %gather3A_330, %gather3A_331 : vector<16xf32>
          %add3A_333 = arith.addf %add3A_311, %mul3A_332 : vector<16xf32>
          %add3A_334 = arith.constant 5 : i32
          %add3A_335 = arith.addi %mul3A_280, %add3A_334 : i32
          %broadcast_in_dim3A_336 = vector.broadcast %add3A_335 : i32 to vector<16xi32>
          %add3A_337 = arith.addi %broadcast_in_dim3A_336, %iota3A : vector<16xi32>
          %and3A_338 = arith.constant 127 : i32
          %and3A_339 = vector.broadcast %and3A_338 : i32 to vector<16xi32>
          %and3A_340 = arith.andi %add3A_337, %and3A_339 : vector<16xi32>
          %gather3A_341 = tpu.vector_load_idx %arg10[%add3A_235, %and3A_340] : memref<80x128xf32, #tpu.memory_space<vmem>>[vector<16xi32>, vector<16xi32>], vector<16xf32>,
          %gather3A_342 = tpu.vector_load_idx %arg14[%add3A_235, %and3A_340] : memref<80x128xf32, #tpu.memory_space<vmem>>[vector<16xi32>, vector<16xi32>], vector<16xf32>,
          %mul3A_343 = arith.mulf %gather3A_341, %gather3A_342 : vector<16xf32>
          %add3A_344 = arith.addf %add3A_322, %mul3A_343 : vector<16xf32>
          %add3A_345 = arith.constant 6 : i32
          %add3A_346 = arith.addi %mul3A_280, %add3A_345 : i32
          %broadcast_in_dim3A_347 = vector.broadcast %add3A_346 : i32 to vector<16xi32>
          %add3A_348 = arith.addi %broadcast_in_dim3A_347, %iota3A : vector<16xi32>
          %and3A_349 = arith.constant 127 : i32
          %and3A_350 = vector.broadcast %and3A_349 : i32 to vector<16xi32>
          %and3A_351 = arith.andi %add3A_348, %and3A_350 : vector<16xi32>
          %gather3A_352 = tpu.vector_load_idx %arg10[%add3A_235, %and3A_351] : memref<80x128xf32, #tpu.memory_space<vmem>>[vector<16xi32>, vector<16xi32>], vector<16xf32>,
          %gather3A_353 = tpu.vector_load_idx %arg14[%add3A_235, %and3A_351] : memref<80x128xf32, #tpu.memory_space<vmem>>[vector<16xi32>, vector<16xi32>], vector<16xf32>,
          %mul3A_354 = arith.mulf %gather3A_352, %gather3A_353 : vector<16xf32>
          %add3A_355 = arith.addf %add3A_333, %mul3A_354 : vector<16xf32>
          %add3A_356 = arith.constant 7 : i32
          %add3A_357 = arith.addi %mul3A_280, %add3A_356 : i32
          %broadcast_in_dim3A_358 = vector.broadcast %add3A_357 : i32 to vector<16xi32>
          %add3A_359 = arith.addi %broadcast_in_dim3A_358, %iota3A : vector<16xi32>
          %and3A_360 = arith.constant 127 : i32
          %and3A_361 = vector.broadcast %and3A_360 : i32 to vector<16xi32>
          %and3A_362 = arith.andi %add3A_359, %and3A_361 : vector<16xi32>
          %gather3A_363 = tpu.vector_load_idx %arg10[%add3A_235, %and3A_362] : memref<80x128xf32, #tpu.memory_space<vmem>>[vector<16xi32>, vector<16xi32>], vector<16xf32>,
          %gather3A_364 = tpu.vector_load_idx %arg14[%add3A_235, %and3A_362] : memref<80x128xf32, #tpu.memory_space<vmem>>[vector<16xi32>, vector<16xi32>], vector<16xf32>,
          %mul3A_365 = arith.mulf %gather3A_363, %gather3A_364 : vector<16xf32>
          %add3A_366 = arith.addf %add3A_344, %mul3A_365 : vector<16xf32>
          scf.yield %add3A_355, %add3A_366 : vector<16xf32>, vector<16xf32>
        }
        %scan3A_243 = arith.constant 16 : i32
        %add3A_244 = arith.addf %scan3A_242#0, %scan3A_242#1 : vector<16xf32>
        %mul3A_245 = arith.constant 80 : i32
        %mul3A_246 = arith.muli %add3A_146, %mul3A_245 : i32
        %add3A_247 = arith.constant 48 : i32
        %add3A_248 = arith.addi %mul3A_246, %add3A_247 : i32
        %swap3A_249 = arith.index_cast %add3A_248 : i32 to index
        %swap3A_250 = tpu.vector_load %arg8[%swap3A_249] {strides = array<i32>} : memref<10000xf32, #tpu.memory_space<vmem>>, vector<16xf32>,
        tpu.vector_store %arg8[%swap3A_249], %add3A_244 {strides = array<i32>} : memref<10000xf32, #tpu.memory_space<vmem>>, vector<16xf32>,
        %add3A_251 = arith.constant 64 : i32
        %add3A_252 = vector.broadcast %add3A_251 : i32 to vector<16xi32>
        %add3A_253 = arith.addi %iota3A, %add3A_252 : vector<16xi32>
        %broadcast_in_dim3A_254 = arith.constant 0.000000e+00 : f32
        %broadcast_in_dim3A_255 = vector.broadcast %broadcast_in_dim3A_254 : f32 to vector<16xf32>
        %scan3A_256 = arith.constant 0 : i32
        %scan3A_257 = arith.constant 16 : i32
        %scan3A_258 = arith.addi %scan3A_256, %scan3A_257 : i32
        %scan3A_259 = arith.constant 1 : i32
        %scan3A_260:2 = scf.for %scan3A_276 = %scan3A_256 to %scan3A_258 step %scan3A_259 iter_args(%scan3A_277 = %broadcast_in_dim3A_255, %scan3A_278 = %broadcast_in_dim3A_255) -> (vector<16xf32>, vector<16xf32>)  : i32 {
          %mul3A_279 = arith.constant 8 : i32
          %mul3A_280 = arith.muli %scan3A_276, %mul3A_279 : i32
          %add3A_281 = arith.constant 0 : i32
          %add3A_282 = arith.addi %mul3A_280, %add3A_281 : i32
          %broadcast_in_dim3A_283 = vector.broadcast %add3A_282 : i32 to vector<16xi32>
          %add3A_284 = arith.addi %broadcast_in_dim3A_283, %iota3A : vector<16xi32>
          %and3A = arith.constant 127 : i32
          %and3A_285 = vector.broadcast %and3A : i32 to vector<16xi32>
          %and3A_286 = arith.andi %add3A_284, %and3A_285 : vector<16xi32>
          %gather3A = tpu.vector_load_idx %arg10[%add3A_253, %and3A_286] : memref<80x128xf32, #tpu.memory_space<vmem>>[vector<16xi32>, vector<16xi32>], vector<16xf32>,
          %gather3A_287 = tpu.vector_load_idx %arg14[%add3A_253, %and3A_286] : memref<80x128xf32, #tpu.memory_space<vmem>>[vector<16xi32>, vector<16xi32>], vector<16xf32>,
          %mul3A_288 = arith.mulf %gather3A, %gather3A_287 : vector<16xf32>
          %add3A_289 = arith.addf %scan3A_277, %mul3A_288 : vector<16xf32>
          %add3A_290 = arith.constant 1 : i32
          %add3A_291 = arith.addi %mul3A_280, %add3A_290 : i32
          %broadcast_in_dim3A_292 = vector.broadcast %add3A_291 : i32 to vector<16xi32>
          %add3A_293 = arith.addi %broadcast_in_dim3A_292, %iota3A : vector<16xi32>
          %and3A_294 = arith.constant 127 : i32
          %and3A_295 = vector.broadcast %and3A_294 : i32 to vector<16xi32>
          %and3A_296 = arith.andi %add3A_293, %and3A_295 : vector<16xi32>
          %gather3A_297 = tpu.vector_load_idx %arg10[%add3A_253, %and3A_296] : memref<80x128xf32, #tpu.memory_space<vmem>>[vector<16xi32>, vector<16xi32>], vector<16xf32>,
          %gather3A_298 = tpu.vector_load_idx %arg14[%add3A_253, %and3A_296] : memref<80x128xf32, #tpu.memory_space<vmem>>[vector<16xi32>, vector<16xi32>], vector<16xf32>,
          %mul3A_299 = arith.mulf %gather3A_297, %gather3A_298 : vector<16xf32>
          %add3A_300 = arith.addf %scan3A_278, %mul3A_299 : vector<16xf32>
          %add3A_301 = arith.constant 2 : i32
          %add3A_302 = arith.addi %mul3A_280, %add3A_301 : i32
          %broadcast_in_dim3A_303 = vector.broadcast %add3A_302 : i32 to vector<16xi32>
          %add3A_304 = arith.addi %broadcast_in_dim3A_303, %iota3A : vector<16xi32>
          %and3A_305 = arith.constant 127 : i32
          %and3A_306 = vector.broadcast %and3A_305 : i32 to vector<16xi32>
          %and3A_307 = arith.andi %add3A_304, %and3A_306 : vector<16xi32>
          %gather3A_308 = tpu.vector_load_idx %arg10[%add3A_253, %and3A_307] : memref<80x128xf32, #tpu.memory_space<vmem>>[vector<16xi32>, vector<16xi32>], vector<16xf32>,
          %gather3A_309 = tpu.vector_load_idx %arg14[%add3A_253, %and3A_307] : memref<80x128xf32, #tpu.memory_space<vmem>>[vector<16xi32>, vector<16xi32>], vector<16xf32>,
          %mul3A_310 = arith.mulf %gather3A_308, %gather3A_309 : vector<16xf32>
          %add3A_311 = arith.addf %add3A_289, %mul3A_310 : vector<16xf32>
          %add3A_312 = arith.constant 3 : i32
          %add3A_313 = arith.addi %mul3A_280, %add3A_312 : i32
          %broadcast_in_dim3A_314 = vector.broadcast %add3A_313 : i32 to vector<16xi32>
          %add3A_315 = arith.addi %broadcast_in_dim3A_314, %iota3A : vector<16xi32>
          %and3A_316 = arith.constant 127 : i32
          %and3A_317 = vector.broadcast %and3A_316 : i32 to vector<16xi32>
          %and3A_318 = arith.andi %add3A_315, %and3A_317 : vector<16xi32>
          %gather3A_319 = tpu.vector_load_idx %arg10[%add3A_253, %and3A_318] : memref<80x128xf32, #tpu.memory_space<vmem>>[vector<16xi32>, vector<16xi32>], vector<16xf32>,
          %gather3A_320 = tpu.vector_load_idx %arg14[%add3A_253, %and3A_318] : memref<80x128xf32, #tpu.memory_space<vmem>>[vector<16xi32>, vector<16xi32>], vector<16xf32>,
          %mul3A_321 = arith.mulf %gather3A_319, %gather3A_320 : vector<16xf32>
          %add3A_322 = arith.addf %add3A_300, %mul3A_321 : vector<16xf32>
          %add3A_323 = arith.constant 4 : i32
          %add3A_324 = arith.addi %mul3A_280, %add3A_323 : i32
          %broadcast_in_dim3A_325 = vector.broadcast %add3A_324 : i32 to vector<16xi32>
          %add3A_326 = arith.addi %broadcast_in_dim3A_325, %iota3A : vector<16xi32>
          %and3A_327 = arith.constant 127 : i32
          %and3A_328 = vector.broadcast %and3A_327 : i32 to vector<16xi32>
          %and3A_329 = arith.andi %add3A_326, %and3A_328 : vector<16xi32>
          %gather3A_330 = tpu.vector_load_idx %arg10[%add3A_253, %and3A_329] : memref<80x128xf32, #tpu.memory_space<vmem>>[vector<16xi32>, vector<16xi32>], vector<16xf32>,
          %gather3A_331 = tpu.vector_load_idx %arg14[%add3A_253, %and3A_329] : memref<80x128xf32, #tpu.memory_space<vmem>>[vector<16xi32>, vector<16xi32>], vector<16xf32>,
          %mul3A_332 = arith.mulf %gather3A_330, %gather3A_331 : vector<16xf32>
          %add3A_333 = arith.addf %add3A_311, %mul3A_332 : vector<16xf32>
          %add3A_334 = arith.constant 5 : i32
          %add3A_335 = arith.addi %mul3A_280, %add3A_334 : i32
          %broadcast_in_dim3A_336 = vector.broadcast %add3A_335 : i32 to vector<16xi32>
          %add3A_337 = arith.addi %broadcast_in_dim3A_336, %iota3A : vector<16xi32>
          %and3A_338 = arith.constant 127 : i32
          %and3A_339 = vector.broadcast %and3A_338 : i32 to vector<16xi32>
          %and3A_340 = arith.andi %add3A_337, %and3A_339 : vector<16xi32>
          %gather3A_341 = tpu.vector_load_idx %arg10[%add3A_253, %and3A_340] : memref<80x128xf32, #tpu.memory_space<vmem>>[vector<16xi32>, vector<16xi32>], vector<16xf32>,
          %gather3A_342 = tpu.vector_load_idx %arg14[%add3A_253, %and3A_340] : memref<80x128xf32, #tpu.memory_space<vmem>>[vector<16xi32>, vector<16xi32>], vector<16xf32>,
          %mul3A_343 = arith.mulf %gather3A_341, %gather3A_342 : vector<16xf32>
          %add3A_344 = arith.addf %add3A_322, %mul3A_343 : vector<16xf32>
          %add3A_345 = arith.constant 6 : i32
          %add3A_346 = arith.addi %mul3A_280, %add3A_345 : i32
          %broadcast_in_dim3A_347 = vector.broadcast %add3A_346 : i32 to vector<16xi32>
          %add3A_348 = arith.addi %broadcast_in_dim3A_347, %iota3A : vector<16xi32>
          %and3A_349 = arith.constant 127 : i32
          %and3A_350 = vector.broadcast %and3A_349 : i32 to vector<16xi32>
          %and3A_351 = arith.andi %add3A_348, %and3A_350 : vector<16xi32>
          %gather3A_352 = tpu.vector_load_idx %arg10[%add3A_253, %and3A_351] : memref<80x128xf32, #tpu.memory_space<vmem>>[vector<16xi32>, vector<16xi32>], vector<16xf32>,
          %gather3A_353 = tpu.vector_load_idx %arg14[%add3A_253, %and3A_351] : memref<80x128xf32, #tpu.memory_space<vmem>>[vector<16xi32>, vector<16xi32>], vector<16xf32>,
          %mul3A_354 = arith.mulf %gather3A_352, %gather3A_353 : vector<16xf32>
          %add3A_355 = arith.addf %add3A_333, %mul3A_354 : vector<16xf32>
          %add3A_356 = arith.constant 7 : i32
          %add3A_357 = arith.addi %mul3A_280, %add3A_356 : i32
          %broadcast_in_dim3A_358 = vector.broadcast %add3A_357 : i32 to vector<16xi32>
          %add3A_359 = arith.addi %broadcast_in_dim3A_358, %iota3A : vector<16xi32>
          %and3A_360 = arith.constant 127 : i32
          %and3A_361 = vector.broadcast %and3A_360 : i32 to vector<16xi32>
          %and3A_362 = arith.andi %add3A_359, %and3A_361 : vector<16xi32>
          %gather3A_363 = tpu.vector_load_idx %arg10[%add3A_253, %and3A_362] : memref<80x128xf32, #tpu.memory_space<vmem>>[vector<16xi32>, vector<16xi32>], vector<16xf32>,
          %gather3A_364 = tpu.vector_load_idx %arg14[%add3A_253, %and3A_362] : memref<80x128xf32, #tpu.memory_space<vmem>>[vector<16xi32>, vector<16xi32>], vector<16xf32>,
          %mul3A_365 = arith.mulf %gather3A_363, %gather3A_364 : vector<16xf32>
          %add3A_366 = arith.addf %add3A_344, %mul3A_365 : vector<16xf32>
          scf.yield %add3A_355, %add3A_366 : vector<16xf32>, vector<16xf32>
        }
        %scan3A_261 = arith.constant 16 : i32
        %add3A_262 = arith.addf %scan3A_260#0, %scan3A_260#1 : vector<16xf32>
        %mul3A_263 = arith.constant 80 : i32
        %mul3A_264 = arith.muli %add3A_146, %mul3A_263 : i32
        %add3A_265 = arith.constant 64 : i32
        %add3A_266 = arith.addi %mul3A_264, %add3A_265 : i32
        %swap3A_267 = arith.index_cast %add3A_266 : i32 to index
        %swap3A_268 = tpu.vector_load %arg8[%swap3A_267] {strides = array<i32>} : memref<10000xf32, #tpu.memory_space<vmem>>, vector<16xf32>,
        tpu.vector_store %arg8[%swap3A_267], %add3A_262 {strides = array<i32>} : memref<10000xf32, #tpu.memory_space<vmem>>, vector<16xf32>,
        %add3A_269 = arith.constant 4 : i32
        %add3A_270 = arith.addi %add3A_146, %add3A_269 : i32
        %lt3A_271 = arith.constant 125 : i32
        %lt3A_272 = arith.cmpi slt, %add3A_270, %lt3A_271 : i32
        %convert_element_type3A_273 = arith.extui %lt3A_272 : i1 to i32
        %cond3A_274 = arith.constant 0 : i32
        %cond3A_275 = arith.cmpi ne, %convert_element_type3A_273, %cond3A_274 : i32
        scf.if %cond3A_275 {
          %add3A_276 = arith.constant 4 : i32
          %add3A_277 = arith.addi %add3A_146, %add3A_276 : i32
          %mul3A_278 = arith.constant 80 : i32
          %mul3A_279 = arith.muli %add3A_277, %mul3A_278 : i32
          %add3A_280 = arith.constant 0 : i32
          %add3A_281 = arith.addi %mul3A_279, %add3A_280 : i32
          %dma_start3A_282 = arith.constant 0 : i32
          %dma_start3A_283 = arith.constant 0 : i32
          %dma_start3A_284 = tpu.memref_slice %arg10[%dma_start3A_282, %dma_start3A_283] : memref<80x128xf32, #tpu.memory_space<vmem>> -> memref<40x128xf32, #tpu.memory_space<vmem>>
          %dma_start3A_285 = tpu.memref_slice %arg6[%add3A_281] : memref<10000xi32, #tpu.memory_space<vmem>> -> memref<40xi32, #tpu.memory_space<vmem>>
          %dma_start3A_286 = arith.constant 0 : i32
          %dma_start3A_287 = arith.constant 0 : i32
          %dma_start3A_288 = tpu.memref_slice %arg2[%dma_start3A_286, %dma_start3A_287] : memref<10000x128xf32, #tpu.memory_space<hbm>> -> memref<10000x128xf32, #tpu.memory_space<hbm>>
          tpu.enqueue_indirect_dma source(%dma_start3A_288 : memref<10000x128xf32, #tpu.memory_space<hbm>>) target(%dma_start3A_284 : memref<40x128xf32, #tpu.memory_space<vmem>>) offsets(%dma_start3A_285 : memref<40xi32, #tpu.memory_space<vmem>>) semaphore(%arg19 : memref<!tpu.dma_semaphore, #tpu.memory_space<semaphore_mem>>)
          %mul3A_289 = arith.constant 80 : i32
          %mul3A_290 = arith.muli %add3A_277, %mul3A_289 : i32
          %add3A_291 = arith.constant 0 : i32
          %add3A_292 = arith.addi %mul3A_290, %add3A_291 : i32
          %dma_start3A_293 = arith.constant 0 : i32
          %dma_start3A_294 = arith.constant 0 : i32
          %dma_start3A_295 = tpu.memref_slice %arg14[%dma_start3A_293, %dma_start3A_294] : memref<80x128xf32, #tpu.memory_space<vmem>> -> memref<40x128xf32, #tpu.memory_space<vmem>>
          %dma_start3A_296 = tpu.memref_slice %arg7[%add3A_292] : memref<10000xi32, #tpu.memory_space<vmem>> -> memref<40xi32, #tpu.memory_space<vmem>>
          %dma_start3A_297 = arith.constant 0 : i32
          %dma_start3A_298 = arith.constant 0 : i32
          %dma_start3A_299 = tpu.memref_slice %arg3[%dma_start3A_297, %dma_start3A_298] : memref<10000x128xf32, #tpu.memory_space<hbm>> -> memref<10000x128xf32, #tpu.memory_space<hbm>>
          tpu.enqueue_indirect_dma source(%dma_start3A_299 : memref<10000x128xf32, #tpu.memory_space<hbm>>) target(%dma_start3A_295 : memref<40x128xf32, #tpu.memory_space<vmem>>) offsets(%dma_start3A_296 : memref<40xi32, #tpu.memory_space<vmem>>) semaphore(%arg20 : memref<!tpu.dma_semaphore, #tpu.memory_space<semaphore_mem>>)
          %mul3A_300 = arith.constant 80 : i32
          %mul3A_301 = arith.muli %add3A_277, %mul3A_300 : i32
          %add3A_302 = arith.constant 40 : i32
          %add3A_303 = arith.addi %mul3A_301, %add3A_302 : i32
          %dma_start3A_304 = arith.constant 40 : i32
          %dma_start3A_305 = arith.constant 0 : i32
          %dma_start3A_306 = tpu.memref_slice %arg10[%dma_start3A_304, %dma_start3A_305] : memref<80x128xf32, #tpu.memory_space<vmem>> -> memref<40x128xf32, #tpu.memory_space<vmem>>
          %dma_start3A_307 = tpu.memref_slice %arg6[%add3A_303] : memref<10000xi32, #tpu.memory_space<vmem>> -> memref<40xi32, #tpu.memory_space<vmem>>
          %dma_start3A_308 = arith.constant 0 : i32
          %dma_start3A_309 = arith.constant 0 : i32
          %dma_start3A_310 = tpu.memref_slice %arg2[%dma_start3A_308, %dma_start3A_309] : memref<10000x128xf32, #tpu.memory_space<hbm>> -> memref<10000x128xf32, #tpu.memory_space<hbm>>
          tpu.enqueue_indirect_dma source(%dma_start3A_310 : memref<10000x128xf32, #tpu.memory_space<hbm>>) target(%dma_start3A_306 : memref<40x128xf32, #tpu.memory_space<vmem>>) offsets(%dma_start3A_307 : memref<40xi32, #tpu.memory_space<vmem>>) semaphore(%arg19 : memref<!tpu.dma_semaphore, #tpu.memory_space<semaphore_mem>>)
          %mul3A_311 = arith.constant 80 : i32
          %mul3A_312 = arith.muli %add3A_277, %mul3A_311 : i32
          %add3A_313 = arith.constant 40 : i32
          %add3A_314 = arith.addi %mul3A_312, %add3A_313 : i32
          %dma_start3A_315 = arith.constant 40 : i32
          %dma_start3A_316 = arith.constant 0 : i32
          %dma_start3A_317 = tpu.memref_slice %arg14[%dma_start3A_315, %dma_start3A_316] : memref<80x128xf32, #tpu.memory_space<vmem>> -> memref<40x128xf32, #tpu.memory_space<vmem>>
          %dma_start3A_318 = tpu.memref_slice %arg7[%add3A_314] : memref<10000xi32, #tpu.memory_space<vmem>> -> memref<40xi32, #tpu.memory_space<vmem>>
          %dma_start3A_319 = arith.constant 0 : i32
          %dma_start3A_320 = arith.constant 0 : i32
          %dma_start3A_321 = tpu.memref_slice %arg3[%dma_start3A_319, %dma_start3A_320] : memref<10000x128xf32, #tpu.memory_space<hbm>> -> memref<10000x128xf32, #tpu.memory_space<hbm>>
          tpu.enqueue_indirect_dma source(%dma_start3A_321 : memref<10000x128xf32, #tpu.memory_space<hbm>>) target(%dma_start3A_317 : memref<40x128xf32, #tpu.memory_space<vmem>>) offsets(%dma_start3A_318 : memref<40xi32, #tpu.memory_space<vmem>>) semaphore(%arg20 : memref<!tpu.dma_semaphore, #tpu.memory_space<semaphore_mem>>)
        } else {
        }
      } else {
      }
      %mul3A_152 = arith.constant 4 : i32
      %mul3A_153 = arith.muli %scan3A_136, %mul3A_152 : i32
      %add3A_154 = arith.constant 2 : i32
      %add3A_155 = arith.addi %mul3A_153, %add3A_154 : i32
      %lt3A_156 = arith.constant 125 : i32
      %lt3A_157 = arith.cmpi slt, %add3A_155, %lt3A_156 : i32
      %convert_element_type3A_158 = arith.extui %lt3A_157 : i1 to i32
      %cond3A_159 = arith.constant 0 : i32
      %cond3A_160 = arith.cmpi ne, %convert_element_type3A_158, %cond3A_159 : i32
      scf.if %cond3A_160 {
        %dma_wait3A = arith.constant 0 : i32
        %dma_wait3A_170 = arith.constant 0 : i32
        %dma_wait3A_171 = tpu.memref_slice %arg2[%dma_wait3A, %dma_wait3A_170] : memref<10000x128xf32, #tpu.memory_space<hbm>> -> memref<80x128xf32, #tpu.memory_space<hbm>>
        %dma_wait3A_172 = arith.constant 0 : i32
        %dma_wait3A_173 = arith.constant 0 : i32
        %dma_wait3A_174 = tpu.memref_slice %arg2[%dma_wait3A_172, %dma_wait3A_173] : memref<10000x128xf32, #tpu.memory_space<hbm>> -> memref<80x128xf32, #tpu.memory_space<hbm>>
        tpu.wait_dma2 semaphore(%arg21 : memref<!tpu.dma_semaphore, #tpu.memory_space<semaphore_mem>>) src(%dma_wait3A_174 : memref<80x128xf32, #tpu.memory_space<hbm>>) dst(%arg11 : memref<80x128xf32, #tpu.memory_space<vmem>>)
        %dma_wait3A_175 = arith.constant 0 : i32
        %dma_wait3A_176 = arith.constant 0 : i32
        %dma_wait3A_177 = tpu.memref_slice %arg3[%dma_wait3A_175, %dma_wait3A_176] : memref<10000x128xf32, #tpu.memory_space<hbm>> -> memref<80x128xf32, #tpu.memory_space<hbm>>
        %dma_wait3A_178 = arith.constant 0 : i32
        %dma_wait3A_179 = arith.constant 0 : i32
        %dma_wait3A_180 = tpu.memref_slice %arg3[%dma_wait3A_178, %dma_wait3A_179] : memref<10000x128xf32, #tpu.memory_space<hbm>> -> memref<80x128xf32, #tpu.memory_space<hbm>>
        tpu.wait_dma2 semaphore(%arg22 : memref<!tpu.dma_semaphore, #tpu.memory_space<semaphore_mem>>) src(%dma_wait3A_180 : memref<80x128xf32, #tpu.memory_space<hbm>>) dst(%arg15 : memref<80x128xf32, #tpu.memory_space<vmem>>)
        %iota3A = tpu.iota {dimensions = array<i32: 0>} : vector<16xi32>
        %add3A_181 = arith.constant 0 : i32
        %add3A_182 = vector.broadcast %add3A_181 : i32 to vector<16xi32>
        %add3A_183 = arith.addi %iota3A, %add3A_182 : vector<16xi32>
        %broadcast_in_dim3A = arith.constant 0.000000e+00 : f32
        %broadcast_in_dim3A_184 = vector.broadcast %broadcast_in_dim3A : f32 to vector<16xf32>
        %scan3A_185 = arith.constant 0 : i32
        %scan3A_186 = arith.constant 16 : i32
        %scan3A_187 = arith.addi %scan3A_185, %scan3A_186 : i32
        %scan3A_188 = arith.constant 1 : i32
        %scan3A_189:2 = scf.for %scan3A_276 = %scan3A_185 to %scan3A_187 step %scan3A_188 iter_args(%scan3A_277 = %broadcast_in_dim3A_184, %scan3A_278 = %broadcast_in_dim3A_184) -> (vector<16xf32>, vector<16xf32>)  : i32 {
          %mul3A_279 = arith.constant 8 : i32
          %mul3A_280 = arith.muli %scan3A_276, %mul3A_279 : i32
          %add3A_281 = arith.constant 0 : i32
          %add3A_282 = arith.addi %mul3A_280, %add3A_281 : i32
          %broadcast_in_dim3A_283 = vector.broadcast %add3A_282 : i32 to vector<16xi32>
          %add3A_284 = arith.addi %broadcast_in_dim3A_283, %iota3A : vector<16xi32>
          %and3A = arith.constant 127 : i32
          %and3A_285 = vector.broadcast %and3A : i32 to vector<16xi32>
          %and3A_286 = arith.andi %add3A_284, %and3A_285 : vector<16xi32>
          %gather3A = tpu.vector_load_idx %arg11[%add3A_183, %and3A_286] : memref<80x128xf32, #tpu.memory_space<vmem>>[vector<16xi32>, vector<16xi32>], vector<16xf32>,
          %gather3A_287 = tpu.vector_load_idx %arg15[%add3A_183, %and3A_286] : memref<80x128xf32, #tpu.memory_space<vmem>>[vector<16xi32>, vector<16xi32>], vector<16xf32>,
          %mul3A_288 = arith.mulf %gather3A, %gather3A_287 : vector<16xf32>
          %add3A_289 = arith.addf %scan3A_277, %mul3A_288 : vector<16xf32>
          %add3A_290 = arith.constant 1 : i32
          %add3A_291 = arith.addi %mul3A_280, %add3A_290 : i32
          %broadcast_in_dim3A_292 = vector.broadcast %add3A_291 : i32 to vector<16xi32>
          %add3A_293 = arith.addi %broadcast_in_dim3A_292, %iota3A : vector<16xi32>
          %and3A_294 = arith.constant 127 : i32
          %and3A_295 = vector.broadcast %and3A_294 : i32 to vector<16xi32>
          %and3A_296 = arith.andi %add3A_293, %and3A_295 : vector<16xi32>
          %gather3A_297 = tpu.vector_load_idx %arg11[%add3A_183, %and3A_296] : memref<80x128xf32, #tpu.memory_space<vmem>>[vector<16xi32>, vector<16xi32>], vector<16xf32>,
          %gather3A_298 = tpu.vector_load_idx %arg15[%add3A_183, %and3A_296] : memref<80x128xf32, #tpu.memory_space<vmem>>[vector<16xi32>, vector<16xi32>], vector<16xf32>,
          %mul3A_299 = arith.mulf %gather3A_297, %gather3A_298 : vector<16xf32>
          %add3A_300 = arith.addf %scan3A_278, %mul3A_299 : vector<16xf32>
          %add3A_301 = arith.constant 2 : i32
          %add3A_302 = arith.addi %mul3A_280, %add3A_301 : i32
          %broadcast_in_dim3A_303 = vector.broadcast %add3A_302 : i32 to vector<16xi32>
          %add3A_304 = arith.addi %broadcast_in_dim3A_303, %iota3A : vector<16xi32>
          %and3A_305 = arith.constant 127 : i32
          %and3A_306 = vector.broadcast %and3A_305 : i32 to vector<16xi32>
          %and3A_307 = arith.andi %add3A_304, %and3A_306 : vector<16xi32>
          %gather3A_308 = tpu.vector_load_idx %arg11[%add3A_183, %and3A_307] : memref<80x128xf32, #tpu.memory_space<vmem>>[vector<16xi32>, vector<16xi32>], vector<16xf32>,
          %gather3A_309 = tpu.vector_load_idx %arg15[%add3A_183, %and3A_307] : memref<80x128xf32, #tpu.memory_space<vmem>>[vector<16xi32>, vector<16xi32>], vector<16xf32>,
          %mul3A_310 = arith.mulf %gather3A_308, %gather3A_309 : vector<16xf32>
          %add3A_311 = arith.addf %add3A_289, %mul3A_310 : vector<16xf32>
          %add3A_312 = arith.constant 3 : i32
          %add3A_313 = arith.addi %mul3A_280, %add3A_312 : i32
          %broadcast_in_dim3A_314 = vector.broadcast %add3A_313 : i32 to vector<16xi32>
          %add3A_315 = arith.addi %broadcast_in_dim3A_314, %iota3A : vector<16xi32>
          %and3A_316 = arith.constant 127 : i32
          %and3A_317 = vector.broadcast %and3A_316 : i32 to vector<16xi32>
          %and3A_318 = arith.andi %add3A_315, %and3A_317 : vector<16xi32>
          %gather3A_319 = tpu.vector_load_idx %arg11[%add3A_183, %and3A_318] : memref<80x128xf32, #tpu.memory_space<vmem>>[vector<16xi32>, vector<16xi32>], vector<16xf32>,
          %gather3A_320 = tpu.vector_load_idx %arg15[%add3A_183, %and3A_318] : memref<80x128xf32, #tpu.memory_space<vmem>>[vector<16xi32>, vector<16xi32>], vector<16xf32>,
          %mul3A_321 = arith.mulf %gather3A_319, %gather3A_320 : vector<16xf32>
          %add3A_322 = arith.addf %add3A_300, %mul3A_321 : vector<16xf32>
          %add3A_323 = arith.constant 4 : i32
          %add3A_324 = arith.addi %mul3A_280, %add3A_323 : i32
          %broadcast_in_dim3A_325 = vector.broadcast %add3A_324 : i32 to vector<16xi32>
          %add3A_326 = arith.addi %broadcast_in_dim3A_325, %iota3A : vector<16xi32>
          %and3A_327 = arith.constant 127 : i32
          %and3A_328 = vector.broadcast %and3A_327 : i32 to vector<16xi32>
          %and3A_329 = arith.andi %add3A_326, %and3A_328 : vector<16xi32>
          %gather3A_330 = tpu.vector_load_idx %arg11[%add3A_183, %and3A_329] : memref<80x128xf32, #tpu.memory_space<vmem>>[vector<16xi32>, vector<16xi32>], vector<16xf32>,
          %gather3A_331 = tpu.vector_load_idx %arg15[%add3A_183, %and3A_329] : memref<80x128xf32, #tpu.memory_space<vmem>>[vector<16xi32>, vector<16xi32>], vector<16xf32>,
          %mul3A_332 = arith.mulf %gather3A_330, %gather3A_331 : vector<16xf32>
          %add3A_333 = arith.addf %add3A_311, %mul3A_332 : vector<16xf32>
          %add3A_334 = arith.constant 5 : i32
          %add3A_335 = arith.addi %mul3A_280, %add3A_334 : i32
          %broadcast_in_dim3A_336 = vector.broadcast %add3A_335 : i32 to vector<16xi32>
          %add3A_337 = arith.addi %broadcast_in_dim3A_336, %iota3A : vector<16xi32>
          %and3A_338 = arith.constant 127 : i32
          %and3A_339 = vector.broadcast %and3A_338 : i32 to vector<16xi32>
          %and3A_340 = arith.andi %add3A_337, %and3A_339 : vector<16xi32>
          %gather3A_341 = tpu.vector_load_idx %arg11[%add3A_183, %and3A_340] : memref<80x128xf32, #tpu.memory_space<vmem>>[vector<16xi32>, vector<16xi32>], vector<16xf32>,
          %gather3A_342 = tpu.vector_load_idx %arg15[%add3A_183, %and3A_340] : memref<80x128xf32, #tpu.memory_space<vmem>>[vector<16xi32>, vector<16xi32>], vector<16xf32>,
          %mul3A_343 = arith.mulf %gather3A_341, %gather3A_342 : vector<16xf32>
          %add3A_344 = arith.addf %add3A_322, %mul3A_343 : vector<16xf32>
          %add3A_345 = arith.constant 6 : i32
          %add3A_346 = arith.addi %mul3A_280, %add3A_345 : i32
          %broadcast_in_dim3A_347 = vector.broadcast %add3A_346 : i32 to vector<16xi32>
          %add3A_348 = arith.addi %broadcast_in_dim3A_347, %iota3A : vector<16xi32>
          %and3A_349 = arith.constant 127 : i32
          %and3A_350 = vector.broadcast %and3A_349 : i32 to vector<16xi32>
          %and3A_351 = arith.andi %add3A_348, %and3A_350 : vector<16xi32>
          %gather3A_352 = tpu.vector_load_idx %arg11[%add3A_183, %and3A_351] : memref<80x128xf32, #tpu.memory_space<vmem>>[vector<16xi32>, vector<16xi32>], vector<16xf32>,
          %gather3A_353 = tpu.vector_load_idx %arg15[%add3A_183, %and3A_351] : memref<80x128xf32, #tpu.memory_space<vmem>>[vector<16xi32>, vector<16xi32>], vector<16xf32>,
          %mul3A_354 = arith.mulf %gather3A_352, %gather3A_353 : vector<16xf32>
          %add3A_355 = arith.addf %add3A_333, %mul3A_354 : vector<16xf32>
          %add3A_356 = arith.constant 7 : i32
          %add3A_357 = arith.addi %mul3A_280, %add3A_356 : i32
          %broadcast_in_dim3A_358 = vector.broadcast %add3A_357 : i32 to vector<16xi32>
          %add3A_359 = arith.addi %broadcast_in_dim3A_358, %iota3A : vector<16xi32>
          %and3A_360 = arith.constant 127 : i32
          %and3A_361 = vector.broadcast %and3A_360 : i32 to vector<16xi32>
          %and3A_362 = arith.andi %add3A_359, %and3A_361 : vector<16xi32>
          %gather3A_363 = tpu.vector_load_idx %arg11[%add3A_183, %and3A_362] : memref<80x128xf32, #tpu.memory_space<vmem>>[vector<16xi32>, vector<16xi32>], vector<16xf32>,
          %gather3A_364 = tpu.vector_load_idx %arg15[%add3A_183, %and3A_362] : memref<80x128xf32, #tpu.memory_space<vmem>>[vector<16xi32>, vector<16xi32>], vector<16xf32>,
          %mul3A_365 = arith.mulf %gather3A_363, %gather3A_364 : vector<16xf32>
          %add3A_366 = arith.addf %add3A_344, %mul3A_365 : vector<16xf32>
          scf.yield %add3A_355, %add3A_366 : vector<16xf32>, vector<16xf32>
        }
        %scan3A_190 = arith.constant 16 : i32
        %add3A_191 = arith.addf %scan3A_189#0, %scan3A_189#1 : vector<16xf32>
        %mul3A_192 = arith.constant 80 : i32
        %mul3A_193 = arith.muli %add3A_155, %mul3A_192 : i32
        %add3A_194 = arith.constant 0 : i32
        %add3A_195 = arith.addi %mul3A_193, %add3A_194 : i32
        %swap3A = arith.index_cast %add3A_195 : i32 to index
        %swap3A_196 = tpu.vector_load %arg8[%swap3A] {strides = array<i32>} : memref<10000xf32, #tpu.memory_space<vmem>>, vector<16xf32>,
        tpu.vector_store %arg8[%swap3A], %add3A_191 {strides = array<i32>} : memref<10000xf32, #tpu.memory_space<vmem>>, vector<16xf32>,
        %add3A_197 = arith.constant 16 : i32
        %add3A_198 = vector.broadcast %add3A_197 : i32 to vector<16xi32>
        %add3A_199 = arith.addi %iota3A, %add3A_198 : vector<16xi32>
        %broadcast_in_dim3A_200 = arith.constant 0.000000e+00 : f32
        %broadcast_in_dim3A_201 = vector.broadcast %broadcast_in_dim3A_200 : f32 to vector<16xf32>
        %scan3A_202 = arith.constant 0 : i32
        %scan3A_203 = arith.constant 16 : i32
        %scan3A_204 = arith.addi %scan3A_202, %scan3A_203 : i32
        %scan3A_205 = arith.constant 1 : i32
        %scan3A_206:2 = scf.for %scan3A_276 = %scan3A_202 to %scan3A_204 step %scan3A_205 iter_args(%scan3A_277 = %broadcast_in_dim3A_201, %scan3A_278 = %broadcast_in_dim3A_201) -> (vector<16xf32>, vector<16xf32>)  : i32 {
          %mul3A_279 = arith.constant 8 : i32
          %mul3A_280 = arith.muli %scan3A_276, %mul3A_279 : i32
          %add3A_281 = arith.constant 0 : i32
          %add3A_282 = arith.addi %mul3A_280, %add3A_281 : i32
          %broadcast_in_dim3A_283 = vector.broadcast %add3A_282 : i32 to vector<16xi32>
          %add3A_284 = arith.addi %broadcast_in_dim3A_283, %iota3A : vector<16xi32>
          %and3A = arith.constant 127 : i32
          %and3A_285 = vector.broadcast %and3A : i32 to vector<16xi32>
          %and3A_286 = arith.andi %add3A_284, %and3A_285 : vector<16xi32>
          %gather3A = tpu.vector_load_idx %arg11[%add3A_199, %and3A_286] : memref<80x128xf32, #tpu.memory_space<vmem>>[vector<16xi32>, vector<16xi32>], vector<16xf32>,
          %gather3A_287 = tpu.vector_load_idx %arg15[%add3A_199, %and3A_286] : memref<80x128xf32, #tpu.memory_space<vmem>>[vector<16xi32>, vector<16xi32>], vector<16xf32>,
          %mul3A_288 = arith.mulf %gather3A, %gather3A_287 : vector<16xf32>
          %add3A_289 = arith.addf %scan3A_277, %mul3A_288 : vector<16xf32>
          %add3A_290 = arith.constant 1 : i32
          %add3A_291 = arith.addi %mul3A_280, %add3A_290 : i32
          %broadcast_in_dim3A_292 = vector.broadcast %add3A_291 : i32 to vector<16xi32>
          %add3A_293 = arith.addi %broadcast_in_dim3A_292, %iota3A : vector<16xi32>
          %and3A_294 = arith.constant 127 : i32
          %and3A_295 = vector.broadcast %and3A_294 : i32 to vector<16xi32>
          %and3A_296 = arith.andi %add3A_293, %and3A_295 : vector<16xi32>
          %gather3A_297 = tpu.vector_load_idx %arg11[%add3A_199, %and3A_296] : memref<80x128xf32, #tpu.memory_space<vmem>>[vector<16xi32>, vector<16xi32>], vector<16xf32>,
          %gather3A_298 = tpu.vector_load_idx %arg15[%add3A_199, %and3A_296] : memref<80x128xf32, #tpu.memory_space<vmem>>[vector<16xi32>, vector<16xi32>], vector<16xf32>,
          %mul3A_299 = arith.mulf %gather3A_297, %gather3A_298 : vector<16xf32>
          %add3A_300 = arith.addf %scan3A_278, %mul3A_299 : vector<16xf32>
          %add3A_301 = arith.constant 2 : i32
          %add3A_302 = arith.addi %mul3A_280, %add3A_301 : i32
          %broadcast_in_dim3A_303 = vector.broadcast %add3A_302 : i32 to vector<16xi32>
          %add3A_304 = arith.addi %broadcast_in_dim3A_303, %iota3A : vector<16xi32>
          %and3A_305 = arith.constant 127 : i32
          %and3A_306 = vector.broadcast %and3A_305 : i32 to vector<16xi32>
          %and3A_307 = arith.andi %add3A_304, %and3A_306 : vector<16xi32>
          %gather3A_308 = tpu.vector_load_idx %arg11[%add3A_199, %and3A_307] : memref<80x128xf32, #tpu.memory_space<vmem>>[vector<16xi32>, vector<16xi32>], vector<16xf32>,
          %gather3A_309 = tpu.vector_load_idx %arg15[%add3A_199, %and3A_307] : memref<80x128xf32, #tpu.memory_space<vmem>>[vector<16xi32>, vector<16xi32>], vector<16xf32>,
          %mul3A_310 = arith.mulf %gather3A_308, %gather3A_309 : vector<16xf32>
          %add3A_311 = arith.addf %add3A_289, %mul3A_310 : vector<16xf32>
          %add3A_312 = arith.constant 3 : i32
          %add3A_313 = arith.addi %mul3A_280, %add3A_312 : i32
          %broadcast_in_dim3A_314 = vector.broadcast %add3A_313 : i32 to vector<16xi32>
          %add3A_315 = arith.addi %broadcast_in_dim3A_314, %iota3A : vector<16xi32>
          %and3A_316 = arith.constant 127 : i32
          %and3A_317 = vector.broadcast %and3A_316 : i32 to vector<16xi32>
          %and3A_318 = arith.andi %add3A_315, %and3A_317 : vector<16xi32>
          %gather3A_319 = tpu.vector_load_idx %arg11[%add3A_199, %and3A_318] : memref<80x128xf32, #tpu.memory_space<vmem>>[vector<16xi32>, vector<16xi32>], vector<16xf32>,
          %gather3A_320 = tpu.vector_load_idx %arg15[%add3A_199, %and3A_318] : memref<80x128xf32, #tpu.memory_space<vmem>>[vector<16xi32>, vector<16xi32>], vector<16xf32>,
          %mul3A_321 = arith.mulf %gather3A_319, %gather3A_320 : vector<16xf32>
          %add3A_322 = arith.addf %add3A_300, %mul3A_321 : vector<16xf32>
          %add3A_323 = arith.constant 4 : i32
          %add3A_324 = arith.addi %mul3A_280, %add3A_323 : i32
          %broadcast_in_dim3A_325 = vector.broadcast %add3A_324 : i32 to vector<16xi32>
          %add3A_326 = arith.addi %broadcast_in_dim3A_325, %iota3A : vector<16xi32>
          %and3A_327 = arith.constant 127 : i32
          %and3A_328 = vector.broadcast %and3A_327 : i32 to vector<16xi32>
          %and3A_329 = arith.andi %add3A_326, %and3A_328 : vector<16xi32>
          %gather3A_330 = tpu.vector_load_idx %arg11[%add3A_199, %and3A_329] : memref<80x128xf32, #tpu.memory_space<vmem>>[vector<16xi32>, vector<16xi32>], vector<16xf32>,
          %gather3A_331 = tpu.vector_load_idx %arg15[%add3A_199, %and3A_329] : memref<80x128xf32, #tpu.memory_space<vmem>>[vector<16xi32>, vector<16xi32>], vector<16xf32>,
          %mul3A_332 = arith.mulf %gather3A_330, %gather3A_331 : vector<16xf32>
          %add3A_333 = arith.addf %add3A_311, %mul3A_332 : vector<16xf32>
          %add3A_334 = arith.constant 5 : i32
          %add3A_335 = arith.addi %mul3A_280, %add3A_334 : i32
          %broadcast_in_dim3A_336 = vector.broadcast %add3A_335 : i32 to vector<16xi32>
          %add3A_337 = arith.addi %broadcast_in_dim3A_336, %iota3A : vector<16xi32>
          %and3A_338 = arith.constant 127 : i32
          %and3A_339 = vector.broadcast %and3A_338 : i32 to vector<16xi32>
          %and3A_340 = arith.andi %add3A_337, %and3A_339 : vector<16xi32>
          %gather3A_341 = tpu.vector_load_idx %arg11[%add3A_199, %and3A_340] : memref<80x128xf32, #tpu.memory_space<vmem>>[vector<16xi32>, vector<16xi32>], vector<16xf32>,
          %gather3A_342 = tpu.vector_load_idx %arg15[%add3A_199, %and3A_340] : memref<80x128xf32, #tpu.memory_space<vmem>>[vector<16xi32>, vector<16xi32>], vector<16xf32>,
          %mul3A_343 = arith.mulf %gather3A_341, %gather3A_342 : vector<16xf32>
          %add3A_344 = arith.addf %add3A_322, %mul3A_343 : vector<16xf32>
          %add3A_345 = arith.constant 6 : i32
          %add3A_346 = arith.addi %mul3A_280, %add3A_345 : i32
          %broadcast_in_dim3A_347 = vector.broadcast %add3A_346 : i32 to vector<16xi32>
          %add3A_348 = arith.addi %broadcast_in_dim3A_347, %iota3A : vector<16xi32>
          %and3A_349 = arith.constant 127 : i32
          %and3A_350 = vector.broadcast %and3A_349 : i32 to vector<16xi32>
          %and3A_351 = arith.andi %add3A_348, %and3A_350 : vector<16xi32>
          %gather3A_352 = tpu.vector_load_idx %arg11[%add3A_199, %and3A_351] : memref<80x128xf32, #tpu.memory_space<vmem>>[vector<16xi32>, vector<16xi32>], vector<16xf32>,
          %gather3A_353 = tpu.vector_load_idx %arg15[%add3A_199, %and3A_351] : memref<80x128xf32, #tpu.memory_space<vmem>>[vector<16xi32>, vector<16xi32>], vector<16xf32>,
          %mul3A_354 = arith.mulf %gather3A_352, %gather3A_353 : vector<16xf32>
          %add3A_355 = arith.addf %add3A_333, %mul3A_354 : vector<16xf32>
          %add3A_356 = arith.constant 7 : i32
          %add3A_357 = arith.addi %mul3A_280, %add3A_356 : i32
          %broadcast_in_dim3A_358 = vector.broadcast %add3A_357 : i32 to vector<16xi32>
          %add3A_359 = arith.addi %broadcast_in_dim3A_358, %iota3A : vector<16xi32>
          %and3A_360 = arith.constant 127 : i32
          %and3A_361 = vector.broadcast %and3A_360 : i32 to vector<16xi32>
          %and3A_362 = arith.andi %add3A_359, %and3A_361 : vector<16xi32>
          %gather3A_363 = tpu.vector_load_idx %arg11[%add3A_199, %and3A_362] : memref<80x128xf32, #tpu.memory_space<vmem>>[vector<16xi32>, vector<16xi32>], vector<16xf32>,
          %gather3A_364 = tpu.vector_load_idx %arg15[%add3A_199, %and3A_362] : memref<80x128xf32, #tpu.memory_space<vmem>>[vector<16xi32>, vector<16xi32>], vector<16xf32>,
          %mul3A_365 = arith.mulf %gather3A_363, %gather3A_364 : vector<16xf32>
          %add3A_366 = arith.addf %add3A_344, %mul3A_365 : vector<16xf32>
          scf.yield %add3A_355, %add3A_366 : vector<16xf32>, vector<16xf32>
        }
        %scan3A_207 = arith.constant 16 : i32
        %add3A_208 = arith.addf %scan3A_206#0, %scan3A_206#1 : vector<16xf32>
        %mul3A_209 = arith.constant 80 : i32
        %mul3A_210 = arith.muli %add3A_155, %mul3A_209 : i32
        %add3A_211 = arith.constant 16 : i32
        %add3A_212 = arith.addi %mul3A_210, %add3A_211 : i32
        %swap3A_213 = arith.index_cast %add3A_212 : i32 to index
        %swap3A_214 = tpu.vector_load %arg8[%swap3A_213] {strides = array<i32>} : memref<10000xf32, #tpu.memory_space<vmem>>, vector<16xf32>,
        tpu.vector_store %arg8[%swap3A_213], %add3A_208 {strides = array<i32>} : memref<10000xf32, #tpu.memory_space<vmem>>, vector<16xf32>,
        %add3A_215 = arith.constant 32 : i32
        %add3A_216 = vector.broadcast %add3A_215 : i32 to vector<16xi32>
        %add3A_217 = arith.addi %iota3A, %add3A_216 : vector<16xi32>
        %broadcast_in_dim3A_218 = arith.constant 0.000000e+00 : f32
        %broadcast_in_dim3A_219 = vector.broadcast %broadcast_in_dim3A_218 : f32 to vector<16xf32>
        %scan3A_220 = arith.constant 0 : i32
        %scan3A_221 = arith.constant 16 : i32
        %scan3A_222 = arith.addi %scan3A_220, %scan3A_221 : i32
        %scan3A_223 = arith.constant 1 : i32
        %scan3A_224:2 = scf.for %scan3A_276 = %scan3A_220 to %scan3A_222 step %scan3A_223 iter_args(%scan3A_277 = %broadcast_in_dim3A_219, %scan3A_278 = %broadcast_in_dim3A_219) -> (vector<16xf32>, vector<16xf32>)  : i32 {
          %mul3A_279 = arith.constant 8 : i32
          %mul3A_280 = arith.muli %scan3A_276, %mul3A_279 : i32
          %add3A_281 = arith.constant 0 : i32
          %add3A_282 = arith.addi %mul3A_280, %add3A_281 : i32
          %broadcast_in_dim3A_283 = vector.broadcast %add3A_282 : i32 to vector<16xi32>
          %add3A_284 = arith.addi %broadcast_in_dim3A_283, %iota3A : vector<16xi32>
          %and3A = arith.constant 127 : i32
          %and3A_285 = vector.broadcast %and3A : i32 to vector<16xi32>
          %and3A_286 = arith.andi %add3A_284, %and3A_285 : vector<16xi32>
          %gather3A = tpu.vector_load_idx %arg11[%add3A_217, %and3A_286] : memref<80x128xf32, #tpu.memory_space<vmem>>[vector<16xi32>, vector<16xi32>], vector<16xf32>,
          %gather3A_287 = tpu.vector_load_idx %arg15[%add3A_217, %and3A_286] : memref<80x128xf32, #tpu.memory_space<vmem>>[vector<16xi32>, vector<16xi32>], vector<16xf32>,
          %mul3A_288 = arith.mulf %gather3A, %gather3A_287 : vector<16xf32>
          %add3A_289 = arith.addf %scan3A_277, %mul3A_288 : vector<16xf32>
          %add3A_290 = arith.constant 1 : i32
          %add3A_291 = arith.addi %mul3A_280, %add3A_290 : i32
          %broadcast_in_dim3A_292 = vector.broadcast %add3A_291 : i32 to vector<16xi32>
          %add3A_293 = arith.addi %broadcast_in_dim3A_292, %iota3A : vector<16xi32>
          %and3A_294 = arith.constant 127 : i32
          %and3A_295 = vector.broadcast %and3A_294 : i32 to vector<16xi32>
          %and3A_296 = arith.andi %add3A_293, %and3A_295 : vector<16xi32>
          %gather3A_297 = tpu.vector_load_idx %arg11[%add3A_217, %and3A_296] : memref<80x128xf32, #tpu.memory_space<vmem>>[vector<16xi32>, vector<16xi32>], vector<16xf32>,
          %gather3A_298 = tpu.vector_load_idx %arg15[%add3A_217, %and3A_296] : memref<80x128xf32, #tpu.memory_space<vmem>>[vector<16xi32>, vector<16xi32>], vector<16xf32>,
          %mul3A_299 = arith.mulf %gather3A_297, %gather3A_298 : vector<16xf32>
          %add3A_300 = arith.addf %scan3A_278, %mul3A_299 : vector<16xf32>
          %add3A_301 = arith.constant 2 : i32
          %add3A_302 = arith.addi %mul3A_280, %add3A_301 : i32
          %broadcast_in_dim3A_303 = vector.broadcast %add3A_302 : i32 to vector<16xi32>
          %add3A_304 = arith.addi %broadcast_in_dim3A_303, %iota3A : vector<16xi32>
          %and3A_305 = arith.constant 127 : i32
          %and3A_306 = vector.broadcast %and3A_305 : i32 to vector<16xi32>
          %and3A_307 = arith.andi %add3A_304, %and3A_306 : vector<16xi32>
          %gather3A_308 = tpu.vector_load_idx %arg11[%add3A_217, %and3A_307] : memref<80x128xf32, #tpu.memory_space<vmem>>[vector<16xi32>, vector<16xi32>], vector<16xf32>,
          %gather3A_309 = tpu.vector_load_idx %arg15[%add3A_217, %and3A_307] : memref<80x128xf32, #tpu.memory_space<vmem>>[vector<16xi32>, vector<16xi32>], vector<16xf32>,
          %mul3A_310 = arith.mulf %gather3A_308, %gather3A_309 : vector<16xf32>
          %add3A_311 = arith.addf %add3A_289, %mul3A_310 : vector<16xf32>
          %add3A_312 = arith.constant 3 : i32
          %add3A_313 = arith.addi %mul3A_280, %add3A_312 : i32
          %broadcast_in_dim3A_314 = vector.broadcast %add3A_313 : i32 to vector<16xi32>
          %add3A_315 = arith.addi %broadcast_in_dim3A_314, %iota3A : vector<16xi32>
          %and3A_316 = arith.constant 127 : i32
          %and3A_317 = vector.broadcast %and3A_316 : i32 to vector<16xi32>
          %and3A_318 = arith.andi %add3A_315, %and3A_317 : vector<16xi32>
          %gather3A_319 = tpu.vector_load_idx %arg11[%add3A_217, %and3A_318] : memref<80x128xf32, #tpu.memory_space<vmem>>[vector<16xi32>, vector<16xi32>], vector<16xf32>,
          %gather3A_320 = tpu.vector_load_idx %arg15[%add3A_217, %and3A_318] : memref<80x128xf32, #tpu.memory_space<vmem>>[vector<16xi32>, vector<16xi32>], vector<16xf32>,
          %mul3A_321 = arith.mulf %gather3A_319, %gather3A_320 : vector<16xf32>
          %add3A_322 = arith.addf %add3A_300, %mul3A_321 : vector<16xf32>
          %add3A_323 = arith.constant 4 : i32
          %add3A_324 = arith.addi %mul3A_280, %add3A_323 : i32
          %broadcast_in_dim3A_325 = vector.broadcast %add3A_324 : i32 to vector<16xi32>
          %add3A_326 = arith.addi %broadcast_in_dim3A_325, %iota3A : vector<16xi32>
          %and3A_327 = arith.constant 127 : i32
          %and3A_328 = vector.broadcast %and3A_327 : i32 to vector<16xi32>
          %and3A_329 = arith.andi %add3A_326, %and3A_328 : vector<16xi32>
          %gather3A_330 = tpu.vector_load_idx %arg11[%add3A_217, %and3A_329] : memref<80x128xf32, #tpu.memory_space<vmem>>[vector<16xi32>, vector<16xi32>], vector<16xf32>,
          %gather3A_331 = tpu.vector_load_idx %arg15[%add3A_217, %and3A_329] : memref<80x128xf32, #tpu.memory_space<vmem>>[vector<16xi32>, vector<16xi32>], vector<16xf32>,
          %mul3A_332 = arith.mulf %gather3A_330, %gather3A_331 : vector<16xf32>
          %add3A_333 = arith.addf %add3A_311, %mul3A_332 : vector<16xf32>
          %add3A_334 = arith.constant 5 : i32
          %add3A_335 = arith.addi %mul3A_280, %add3A_334 : i32
          %broadcast_in_dim3A_336 = vector.broadcast %add3A_335 : i32 to vector<16xi32>
          %add3A_337 = arith.addi %broadcast_in_dim3A_336, %iota3A : vector<16xi32>
          %and3A_338 = arith.constant 127 : i32
          %and3A_339 = vector.broadcast %and3A_338 : i32 to vector<16xi32>
          %and3A_340 = arith.andi %add3A_337, %and3A_339 : vector<16xi32>
          %gather3A_341 = tpu.vector_load_idx %arg11[%add3A_217, %and3A_340] : memref<80x128xf32, #tpu.memory_space<vmem>>[vector<16xi32>, vector<16xi32>], vector<16xf32>,
          %gather3A_342 = tpu.vector_load_idx %arg15[%add3A_217, %and3A_340] : memref<80x128xf32, #tpu.memory_space<vmem>>[vector<16xi32>, vector<16xi32>], vector<16xf32>,
          %mul3A_343 = arith.mulf %gather3A_341, %gather3A_342 : vector<16xf32>
          %add3A_344 = arith.addf %add3A_322, %mul3A_343 : vector<16xf32>
          %add3A_345 = arith.constant 6 : i32
          %add3A_346 = arith.addi %mul3A_280, %add3A_345 : i32
          %broadcast_in_dim3A_347 = vector.broadcast %add3A_346 : i32 to vector<16xi32>
          %add3A_348 = arith.addi %broadcast_in_dim3A_347, %iota3A : vector<16xi32>
          %and3A_349 = arith.constant 127 : i32
          %and3A_350 = vector.broadcast %and3A_349 : i32 to vector<16xi32>
          %and3A_351 = arith.andi %add3A_348, %and3A_350 : vector<16xi32>
          %gather3A_352 = tpu.vector_load_idx %arg11[%add3A_217, %and3A_351] : memref<80x128xf32, #tpu.memory_space<vmem>>[vector<16xi32>, vector<16xi32>], vector<16xf32>,
          %gather3A_353 = tpu.vector_load_idx %arg15[%add3A_217, %and3A_351] : memref<80x128xf32, #tpu.memory_space<vmem>>[vector<16xi32>, vector<16xi32>], vector<16xf32>,
          %mul3A_354 = arith.mulf %gather3A_352, %gather3A_353 : vector<16xf32>
          %add3A_355 = arith.addf %add3A_333, %mul3A_354 : vector<16xf32>
          %add3A_356 = arith.constant 7 : i32
          %add3A_357 = arith.addi %mul3A_280, %add3A_356 : i32
          %broadcast_in_dim3A_358 = vector.broadcast %add3A_357 : i32 to vector<16xi32>
          %add3A_359 = arith.addi %broadcast_in_dim3A_358, %iota3A : vector<16xi32>
          %and3A_360 = arith.constant 127 : i32
          %and3A_361 = vector.broadcast %and3A_360 : i32 to vector<16xi32>
          %and3A_362 = arith.andi %add3A_359, %and3A_361 : vector<16xi32>
          %gather3A_363 = tpu.vector_load_idx %arg11[%add3A_217, %and3A_362] : memref<80x128xf32, #tpu.memory_space<vmem>>[vector<16xi32>, vector<16xi32>], vector<16xf32>,
          %gather3A_364 = tpu.vector_load_idx %arg15[%add3A_217, %and3A_362] : memref<80x128xf32, #tpu.memory_space<vmem>>[vector<16xi32>, vector<16xi32>], vector<16xf32>,
          %mul3A_365 = arith.mulf %gather3A_363, %gather3A_364 : vector<16xf32>
          %add3A_366 = arith.addf %add3A_344, %mul3A_365 : vector<16xf32>
          scf.yield %add3A_355, %add3A_366 : vector<16xf32>, vector<16xf32>
        }
        %scan3A_225 = arith.constant 16 : i32
        %add3A_226 = arith.addf %scan3A_224#0, %scan3A_224#1 : vector<16xf32>
        %mul3A_227 = arith.constant 80 : i32
        %mul3A_228 = arith.muli %add3A_155, %mul3A_227 : i32
        %add3A_229 = arith.constant 32 : i32
        %add3A_230 = arith.addi %mul3A_228, %add3A_229 : i32
        %swap3A_231 = arith.index_cast %add3A_230 : i32 to index
        %swap3A_232 = tpu.vector_load %arg8[%swap3A_231] {strides = array<i32>} : memref<10000xf32, #tpu.memory_space<vmem>>, vector<16xf32>,
        tpu.vector_store %arg8[%swap3A_231], %add3A_226 {strides = array<i32>} : memref<10000xf32, #tpu.memory_space<vmem>>, vector<16xf32>,
        %add3A_233 = arith.constant 48 : i32
        %add3A_234 = vector.broadcast %add3A_233 : i32 to vector<16xi32>
        %add3A_235 = arith.addi %iota3A, %add3A_234 : vector<16xi32>
        %broadcast_in_dim3A_236 = arith.constant 0.000000e+00 : f32
        %broadcast_in_dim3A_237 = vector.broadcast %broadcast_in_dim3A_236 : f32 to vector<16xf32>
        %scan3A_238 = arith.constant 0 : i32
        %scan3A_239 = arith.constant 16 : i32
        %scan3A_240 = arith.addi %scan3A_238, %scan3A_239 : i32
        %scan3A_241 = arith.constant 1 : i32
        %scan3A_242:2 = scf.for %scan3A_276 = %scan3A_238 to %scan3A_240 step %scan3A_241 iter_args(%scan3A_277 = %broadcast_in_dim3A_237, %scan3A_278 = %broadcast_in_dim3A_237) -> (vector<16xf32>, vector<16xf32>)  : i32 {
          %mul3A_279 = arith.constant 8 : i32
          %mul3A_280 = arith.muli %scan3A_276, %mul3A_279 : i32
          %add3A_281 = arith.constant 0 : i32
          %add3A_282 = arith.addi %mul3A_280, %add3A_281 : i32
          %broadcast_in_dim3A_283 = vector.broadcast %add3A_282 : i32 to vector<16xi32>
          %add3A_284 = arith.addi %broadcast_in_dim3A_283, %iota3A : vector<16xi32>
          %and3A = arith.constant 127 : i32
          %and3A_285 = vector.broadcast %and3A : i32 to vector<16xi32>
          %and3A_286 = arith.andi %add3A_284, %and3A_285 : vector<16xi32>
          %gather3A = tpu.vector_load_idx %arg11[%add3A_235, %and3A_286] : memref<80x128xf32, #tpu.memory_space<vmem>>[vector<16xi32>, vector<16xi32>], vector<16xf32>,
          %gather3A_287 = tpu.vector_load_idx %arg15[%add3A_235, %and3A_286] : memref<80x128xf32, #tpu.memory_space<vmem>>[vector<16xi32>, vector<16xi32>], vector<16xf32>,
          %mul3A_288 = arith.mulf %gather3A, %gather3A_287 : vector<16xf32>
          %add3A_289 = arith.addf %scan3A_277, %mul3A_288 : vector<16xf32>
          %add3A_290 = arith.constant 1 : i32
          %add3A_291 = arith.addi %mul3A_280, %add3A_290 : i32
          %broadcast_in_dim3A_292 = vector.broadcast %add3A_291 : i32 to vector<16xi32>
          %add3A_293 = arith.addi %broadcast_in_dim3A_292, %iota3A : vector<16xi32>
          %and3A_294 = arith.constant 127 : i32
          %and3A_295 = vector.broadcast %and3A_294 : i32 to vector<16xi32>
          %and3A_296 = arith.andi %add3A_293, %and3A_295 : vector<16xi32>
          %gather3A_297 = tpu.vector_load_idx %arg11[%add3A_235, %and3A_296] : memref<80x128xf32, #tpu.memory_space<vmem>>[vector<16xi32>, vector<16xi32>], vector<16xf32>,
          %gather3A_298 = tpu.vector_load_idx %arg15[%add3A_235, %and3A_296] : memref<80x128xf32, #tpu.memory_space<vmem>>[vector<16xi32>, vector<16xi32>], vector<16xf32>,
          %mul3A_299 = arith.mulf %gather3A_297, %gather3A_298 : vector<16xf32>
          %add3A_300 = arith.addf %scan3A_278, %mul3A_299 : vector<16xf32>
          %add3A_301 = arith.constant 2 : i32
          %add3A_302 = arith.addi %mul3A_280, %add3A_301 : i32
          %broadcast_in_dim3A_303 = vector.broadcast %add3A_302 : i32 to vector<16xi32>
          %add3A_304 = arith.addi %broadcast_in_dim3A_303, %iota3A : vector<16xi32>
          %and3A_305 = arith.constant 127 : i32
          %and3A_306 = vector.broadcast %and3A_305 : i32 to vector<16xi32>
          %and3A_307 = arith.andi %add3A_304, %and3A_306 : vector<16xi32>
          %gather3A_308 = tpu.vector_load_idx %arg11[%add3A_235, %and3A_307] : memref<80x128xf32, #tpu.memory_space<vmem>>[vector<16xi32>, vector<16xi32>], vector<16xf32>,
          %gather3A_309 = tpu.vector_load_idx %arg15[%add3A_235, %and3A_307] : memref<80x128xf32, #tpu.memory_space<vmem>>[vector<16xi32>, vector<16xi32>], vector<16xf32>,
          %mul3A_310 = arith.mulf %gather3A_308, %gather3A_309 : vector<16xf32>
          %add3A_311 = arith.addf %add3A_289, %mul3A_310 : vector<16xf32>
          %add3A_312 = arith.constant 3 : i32
          %add3A_313 = arith.addi %mul3A_280, %add3A_312 : i32
          %broadcast_in_dim3A_314 = vector.broadcast %add3A_313 : i32 to vector<16xi32>
          %add3A_315 = arith.addi %broadcast_in_dim3A_314, %iota3A : vector<16xi32>
          %and3A_316 = arith.constant 127 : i32
          %and3A_317 = vector.broadcast %and3A_316 : i32 to vector<16xi32>
          %and3A_318 = arith.andi %add3A_315, %and3A_317 : vector<16xi32>
          %gather3A_319 = tpu.vector_load_idx %arg11[%add3A_235, %and3A_318] : memref<80x128xf32, #tpu.memory_space<vmem>>[vector<16xi32>, vector<16xi32>], vector<16xf32>,
          %gather3A_320 = tpu.vector_load_idx %arg15[%add3A_235, %and3A_318] : memref<80x128xf32, #tpu.memory_space<vmem>>[vector<16xi32>, vector<16xi32>], vector<16xf32>,
          %mul3A_321 = arith.mulf %gather3A_319, %gather3A_320 : vector<16xf32>
          %add3A_322 = arith.addf %add3A_300, %mul3A_321 : vector<16xf32>
          %add3A_323 = arith.constant 4 : i32
          %add3A_324 = arith.addi %mul3A_280, %add3A_323 : i32
          %broadcast_in_dim3A_325 = vector.broadcast %add3A_324 : i32 to vector<16xi32>
          %add3A_326 = arith.addi %broadcast_in_dim3A_325, %iota3A : vector<16xi32>
          %and3A_327 = arith.constant 127 : i32
          %and3A_328 = vector.broadcast %and3A_327 : i32 to vector<16xi32>
          %and3A_329 = arith.andi %add3A_326, %and3A_328 : vector<16xi32>
          %gather3A_330 = tpu.vector_load_idx %arg11[%add3A_235, %and3A_329] : memref<80x128xf32, #tpu.memory_space<vmem>>[vector<16xi32>, vector<16xi32>], vector<16xf32>,
          %gather3A_331 = tpu.vector_load_idx %arg15[%add3A_235, %and3A_329] : memref<80x128xf32, #tpu.memory_space<vmem>>[vector<16xi32>, vector<16xi32>], vector<16xf32>,
          %mul3A_332 = arith.mulf %gather3A_330, %gather3A_331 : vector<16xf32>
          %add3A_333 = arith.addf %add3A_311, %mul3A_332 : vector<16xf32>
          %add3A_334 = arith.constant 5 : i32
          %add3A_335 = arith.addi %mul3A_280, %add3A_334 : i32
          %broadcast_in_dim3A_336 = vector.broadcast %add3A_335 : i32 to vector<16xi32>
          %add3A_337 = arith.addi %broadcast_in_dim3A_336, %iota3A : vector<16xi32>
          %and3A_338 = arith.constant 127 : i32
          %and3A_339 = vector.broadcast %and3A_338 : i32 to vector<16xi32>
          %and3A_340 = arith.andi %add3A_337, %and3A_339 : vector<16xi32>
          %gather3A_341 = tpu.vector_load_idx %arg11[%add3A_235, %and3A_340] : memref<80x128xf32, #tpu.memory_space<vmem>>[vector<16xi32>, vector<16xi32>], vector<16xf32>,
          %gather3A_342 = tpu.vector_load_idx %arg15[%add3A_235, %and3A_340] : memref<80x128xf32, #tpu.memory_space<vmem>>[vector<16xi32>, vector<16xi32>], vector<16xf32>,
          %mul3A_343 = arith.mulf %gather3A_341, %gather3A_342 : vector<16xf32>
          %add3A_344 = arith.addf %add3A_322, %mul3A_343 : vector<16xf32>
          %add3A_345 = arith.constant 6 : i32
          %add3A_346 = arith.addi %mul3A_280, %add3A_345 : i32
          %broadcast_in_dim3A_347 = vector.broadcast %add3A_346 : i32 to vector<16xi32>
          %add3A_348 = arith.addi %broadcast_in_dim3A_347, %iota3A : vector<16xi32>
          %and3A_349 = arith.constant 127 : i32
          %and3A_350 = vector.broadcast %and3A_349 : i32 to vector<16xi32>
          %and3A_351 = arith.andi %add3A_348, %and3A_350 : vector<16xi32>
          %gather3A_352 = tpu.vector_load_idx %arg11[%add3A_235, %and3A_351] : memref<80x128xf32, #tpu.memory_space<vmem>>[vector<16xi32>, vector<16xi32>], vector<16xf32>,
          %gather3A_353 = tpu.vector_load_idx %arg15[%add3A_235, %and3A_351] : memref<80x128xf32, #tpu.memory_space<vmem>>[vector<16xi32>, vector<16xi32>], vector<16xf32>,
          %mul3A_354 = arith.mulf %gather3A_352, %gather3A_353 : vector<16xf32>
          %add3A_355 = arith.addf %add3A_333, %mul3A_354 : vector<16xf32>
          %add3A_356 = arith.constant 7 : i32
          %add3A_357 = arith.addi %mul3A_280, %add3A_356 : i32
          %broadcast_in_dim3A_358 = vector.broadcast %add3A_357 : i32 to vector<16xi32>
          %add3A_359 = arith.addi %broadcast_in_dim3A_358, %iota3A : vector<16xi32>
          %and3A_360 = arith.constant 127 : i32
          %and3A_361 = vector.broadcast %and3A_360 : i32 to vector<16xi32>
          %and3A_362 = arith.andi %add3A_359, %and3A_361 : vector<16xi32>
          %gather3A_363 = tpu.vector_load_idx %arg11[%add3A_235, %and3A_362] : memref<80x128xf32, #tpu.memory_space<vmem>>[vector<16xi32>, vector<16xi32>], vector<16xf32>,
          %gather3A_364 = tpu.vector_load_idx %arg15[%add3A_235, %and3A_362] : memref<80x128xf32, #tpu.memory_space<vmem>>[vector<16xi32>, vector<16xi32>], vector<16xf32>,
          %mul3A_365 = arith.mulf %gather3A_363, %gather3A_364 : vector<16xf32>
          %add3A_366 = arith.addf %add3A_344, %mul3A_365 : vector<16xf32>
          scf.yield %add3A_355, %add3A_366 : vector<16xf32>, vector<16xf32>
        }
        %scan3A_243 = arith.constant 16 : i32
        %add3A_244 = arith.addf %scan3A_242#0, %scan3A_242#1 : vector<16xf32>
        %mul3A_245 = arith.constant 80 : i32
        %mul3A_246 = arith.muli %add3A_155, %mul3A_245 : i32
        %add3A_247 = arith.constant 48 : i32
        %add3A_248 = arith.addi %mul3A_246, %add3A_247 : i32
        %swap3A_249 = arith.index_cast %add3A_248 : i32 to index
        %swap3A_250 = tpu.vector_load %arg8[%swap3A_249] {strides = array<i32>} : memref<10000xf32, #tpu.memory_space<vmem>>, vector<16xf32>,
        tpu.vector_store %arg8[%swap3A_249], %add3A_244 {strides = array<i32>} : memref<10000xf32, #tpu.memory_space<vmem>>, vector<16xf32>,
        %add3A_251 = arith.constant 64 : i32
        %add3A_252 = vector.broadcast %add3A_251 : i32 to vector<16xi32>
        %add3A_253 = arith.addi %iota3A, %add3A_252 : vector<16xi32>
        %broadcast_in_dim3A_254 = arith.constant 0.000000e+00 : f32
        %broadcast_in_dim3A_255 = vector.broadcast %broadcast_in_dim3A_254 : f32 to vector<16xf32>
        %scan3A_256 = arith.constant 0 : i32
        %scan3A_257 = arith.constant 16 : i32
        %scan3A_258 = arith.addi %scan3A_256, %scan3A_257 : i32
        %scan3A_259 = arith.constant 1 : i32
        %scan3A_260:2 = scf.for %scan3A_276 = %scan3A_256 to %scan3A_258 step %scan3A_259 iter_args(%scan3A_277 = %broadcast_in_dim3A_255, %scan3A_278 = %broadcast_in_dim3A_255) -> (vector<16xf32>, vector<16xf32>)  : i32 {
          %mul3A_279 = arith.constant 8 : i32
          %mul3A_280 = arith.muli %scan3A_276, %mul3A_279 : i32
          %add3A_281 = arith.constant 0 : i32
          %add3A_282 = arith.addi %mul3A_280, %add3A_281 : i32
          %broadcast_in_dim3A_283 = vector.broadcast %add3A_282 : i32 to vector<16xi32>
          %add3A_284 = arith.addi %broadcast_in_dim3A_283, %iota3A : vector<16xi32>
          %and3A = arith.constant 127 : i32
          %and3A_285 = vector.broadcast %and3A : i32 to vector<16xi32>
          %and3A_286 = arith.andi %add3A_284, %and3A_285 : vector<16xi32>
          %gather3A = tpu.vector_load_idx %arg11[%add3A_253, %and3A_286] : memref<80x128xf32, #tpu.memory_space<vmem>>[vector<16xi32>, vector<16xi32>], vector<16xf32>,
          %gather3A_287 = tpu.vector_load_idx %arg15[%add3A_253, %and3A_286] : memref<80x128xf32, #tpu.memory_space<vmem>>[vector<16xi32>, vector<16xi32>], vector<16xf32>,
          %mul3A_288 = arith.mulf %gather3A, %gather3A_287 : vector<16xf32>
          %add3A_289 = arith.addf %scan3A_277, %mul3A_288 : vector<16xf32>
          %add3A_290 = arith.constant 1 : i32
          %add3A_291 = arith.addi %mul3A_280, %add3A_290 : i32
          %broadcast_in_dim3A_292 = vector.broadcast %add3A_291 : i32 to vector<16xi32>
          %add3A_293 = arith.addi %broadcast_in_dim3A_292, %iota3A : vector<16xi32>
          %and3A_294 = arith.constant 127 : i32
          %and3A_295 = vector.broadcast %and3A_294 : i32 to vector<16xi32>
          %and3A_296 = arith.andi %add3A_293, %and3A_295 : vector<16xi32>
          %gather3A_297 = tpu.vector_load_idx %arg11[%add3A_253, %and3A_296] : memref<80x128xf32, #tpu.memory_space<vmem>>[vector<16xi32>, vector<16xi32>], vector<16xf32>,
          %gather3A_298 = tpu.vector_load_idx %arg15[%add3A_253, %and3A_296] : memref<80x128xf32, #tpu.memory_space<vmem>>[vector<16xi32>, vector<16xi32>], vector<16xf32>,
          %mul3A_299 = arith.mulf %gather3A_297, %gather3A_298 : vector<16xf32>
          %add3A_300 = arith.addf %scan3A_278, %mul3A_299 : vector<16xf32>
          %add3A_301 = arith.constant 2 : i32
          %add3A_302 = arith.addi %mul3A_280, %add3A_301 : i32
          %broadcast_in_dim3A_303 = vector.broadcast %add3A_302 : i32 to vector<16xi32>
          %add3A_304 = arith.addi %broadcast_in_dim3A_303, %iota3A : vector<16xi32>
          %and3A_305 = arith.constant 127 : i32
          %and3A_306 = vector.broadcast %and3A_305 : i32 to vector<16xi32>
          %and3A_307 = arith.andi %add3A_304, %and3A_306 : vector<16xi32>
          %gather3A_308 = tpu.vector_load_idx %arg11[%add3A_253, %and3A_307] : memref<80x128xf32, #tpu.memory_space<vmem>>[vector<16xi32>, vector<16xi32>], vector<16xf32>,
          %gather3A_309 = tpu.vector_load_idx %arg15[%add3A_253, %and3A_307] : memref<80x128xf32, #tpu.memory_space<vmem>>[vector<16xi32>, vector<16xi32>], vector<16xf32>,
          %mul3A_310 = arith.mulf %gather3A_308, %gather3A_309 : vector<16xf32>
          %add3A_311 = arith.addf %add3A_289, %mul3A_310 : vector<16xf32>
          %add3A_312 = arith.constant 3 : i32
          %add3A_313 = arith.addi %mul3A_280, %add3A_312 : i32
          %broadcast_in_dim3A_314 = vector.broadcast %add3A_313 : i32 to vector<16xi32>
          %add3A_315 = arith.addi %broadcast_in_dim3A_314, %iota3A : vector<16xi32>
          %and3A_316 = arith.constant 127 : i32
          %and3A_317 = vector.broadcast %and3A_316 : i32 to vector<16xi32>
          %and3A_318 = arith.andi %add3A_315, %and3A_317 : vector<16xi32>
          %gather3A_319 = tpu.vector_load_idx %arg11[%add3A_253, %and3A_318] : memref<80x128xf32, #tpu.memory_space<vmem>>[vector<16xi32>, vector<16xi32>], vector<16xf32>,
          %gather3A_320 = tpu.vector_load_idx %arg15[%add3A_253, %and3A_318] : memref<80x128xf32, #tpu.memory_space<vmem>>[vector<16xi32>, vector<16xi32>], vector<16xf32>,
          %mul3A_321 = arith.mulf %gather3A_319, %gather3A_320 : vector<16xf32>
          %add3A_322 = arith.addf %add3A_300, %mul3A_321 : vector<16xf32>
          %add3A_323 = arith.constant 4 : i32
          %add3A_324 = arith.addi %mul3A_280, %add3A_323 : i32
          %broadcast_in_dim3A_325 = vector.broadcast %add3A_324 : i32 to vector<16xi32>
          %add3A_326 = arith.addi %broadcast_in_dim3A_325, %iota3A : vector<16xi32>
          %and3A_327 = arith.constant 127 : i32
          %and3A_328 = vector.broadcast %and3A_327 : i32 to vector<16xi32>
          %and3A_329 = arith.andi %add3A_326, %and3A_328 : vector<16xi32>
          %gather3A_330 = tpu.vector_load_idx %arg11[%add3A_253, %and3A_329] : memref<80x128xf32, #tpu.memory_space<vmem>>[vector<16xi32>, vector<16xi32>], vector<16xf32>,
          %gather3A_331 = tpu.vector_load_idx %arg15[%add3A_253, %and3A_329] : memref<80x128xf32, #tpu.memory_space<vmem>>[vector<16xi32>, vector<16xi32>], vector<16xf32>,
          %mul3A_332 = arith.mulf %gather3A_330, %gather3A_331 : vector<16xf32>
          %add3A_333 = arith.addf %add3A_311, %mul3A_332 : vector<16xf32>
          %add3A_334 = arith.constant 5 : i32
          %add3A_335 = arith.addi %mul3A_280, %add3A_334 : i32
          %broadcast_in_dim3A_336 = vector.broadcast %add3A_335 : i32 to vector<16xi32>
          %add3A_337 = arith.addi %broadcast_in_dim3A_336, %iota3A : vector<16xi32>
          %and3A_338 = arith.constant 127 : i32
          %and3A_339 = vector.broadcast %and3A_338 : i32 to vector<16xi32>
          %and3A_340 = arith.andi %add3A_337, %and3A_339 : vector<16xi32>
          %gather3A_341 = tpu.vector_load_idx %arg11[%add3A_253, %and3A_340] : memref<80x128xf32, #tpu.memory_space<vmem>>[vector<16xi32>, vector<16xi32>], vector<16xf32>,
          %gather3A_342 = tpu.vector_load_idx %arg15[%add3A_253, %and3A_340] : memref<80x128xf32, #tpu.memory_space<vmem>>[vector<16xi32>, vector<16xi32>], vector<16xf32>,
          %mul3A_343 = arith.mulf %gather3A_341, %gather3A_342 : vector<16xf32>
          %add3A_344 = arith.addf %add3A_322, %mul3A_343 : vector<16xf32>
          %add3A_345 = arith.constant 6 : i32
          %add3A_346 = arith.addi %mul3A_280, %add3A_345 : i32
          %broadcast_in_dim3A_347 = vector.broadcast %add3A_346 : i32 to vector<16xi32>
          %add3A_348 = arith.addi %broadcast_in_dim3A_347, %iota3A : vector<16xi32>
          %and3A_349 = arith.constant 127 : i32
          %and3A_350 = vector.broadcast %and3A_349 : i32 to vector<16xi32>
          %and3A_351 = arith.andi %add3A_348, %and3A_350 : vector<16xi32>
          %gather3A_352 = tpu.vector_load_idx %arg11[%add3A_253, %and3A_351] : memref<80x128xf32, #tpu.memory_space<vmem>>[vector<16xi32>, vector<16xi32>], vector<16xf32>,
          %gather3A_353 = tpu.vector_load_idx %arg15[%add3A_253, %and3A_351] : memref<80x128xf32, #tpu.memory_space<vmem>>[vector<16xi32>, vector<16xi32>], vector<16xf32>,
          %mul3A_354 = arith.mulf %gather3A_352, %gather3A_353 : vector<16xf32>
          %add3A_355 = arith.addf %add3A_333, %mul3A_354 : vector<16xf32>
          %add3A_356 = arith.constant 7 : i32
          %add3A_357 = arith.addi %mul3A_280, %add3A_356 : i32
          %broadcast_in_dim3A_358 = vector.broadcast %add3A_357 : i32 to vector<16xi32>
          %add3A_359 = arith.addi %broadcast_in_dim3A_358, %iota3A : vector<16xi32>
          %and3A_360 = arith.constant 127 : i32
          %and3A_361 = vector.broadcast %and3A_360 : i32 to vector<16xi32>
          %and3A_362 = arith.andi %add3A_359, %and3A_361 : vector<16xi32>
          %gather3A_363 = tpu.vector_load_idx %arg11[%add3A_253, %and3A_362] : memref<80x128xf32, #tpu.memory_space<vmem>>[vector<16xi32>, vector<16xi32>], vector<16xf32>,
          %gather3A_364 = tpu.vector_load_idx %arg15[%add3A_253, %and3A_362] : memref<80x128xf32, #tpu.memory_space<vmem>>[vector<16xi32>, vector<16xi32>], vector<16xf32>,
          %mul3A_365 = arith.mulf %gather3A_363, %gather3A_364 : vector<16xf32>
          %add3A_366 = arith.addf %add3A_344, %mul3A_365 : vector<16xf32>
          scf.yield %add3A_355, %add3A_366 : vector<16xf32>, vector<16xf32>
        }
        %scan3A_261 = arith.constant 16 : i32
        %add3A_262 = arith.addf %scan3A_260#0, %scan3A_260#1 : vector<16xf32>
        %mul3A_263 = arith.constant 80 : i32
        %mul3A_264 = arith.muli %add3A_155, %mul3A_263 : i32
        %add3A_265 = arith.constant 64 : i32
        %add3A_266 = arith.addi %mul3A_264, %add3A_265 : i32
        %swap3A_267 = arith.index_cast %add3A_266 : i32 to index
        %swap3A_268 = tpu.vector_load %arg8[%swap3A_267] {strides = array<i32>} : memref<10000xf32, #tpu.memory_space<vmem>>, vector<16xf32>,
        tpu.vector_store %arg8[%swap3A_267], %add3A_262 {strides = array<i32>} : memref<10000xf32, #tpu.memory_space<vmem>>, vector<16xf32>,
        %add3A_269 = arith.constant 4 : i32
        %add3A_270 = arith.addi %add3A_155, %add3A_269 : i32
        %lt3A_271 = arith.constant 125 : i32
        %lt3A_272 = arith.cmpi slt, %add3A_270, %lt3A_271 : i32
        %convert_element_type3A_273 = arith.extui %lt3A_272 : i1 to i32
        %cond3A_274 = arith.constant 0 : i32
        %cond3A_275 = arith.cmpi ne, %convert_element_type3A_273, %cond3A_274 : i32
        scf.if %cond3A_275 {
          %add3A_276 = arith.constant 4 : i32
          %add3A_277 = arith.addi %add3A_155, %add3A_276 : i32
          %mul3A_278 = arith.constant 80 : i32
          %mul3A_279 = arith.muli %add3A_277, %mul3A_278 : i32
          %add3A_280 = arith.constant 0 : i32
          %add3A_281 = arith.addi %mul3A_279, %add3A_280 : i32
          %dma_start3A_282 = arith.constant 0 : i32
          %dma_start3A_283 = arith.constant 0 : i32
          %dma_start3A_284 = tpu.memref_slice %arg11[%dma_start3A_282, %dma_start3A_283] : memref<80x128xf32, #tpu.memory_space<vmem>> -> memref<40x128xf32, #tpu.memory_space<vmem>>
          %dma_start3A_285 = tpu.memref_slice %arg6[%add3A_281] : memref<10000xi32, #tpu.memory_space<vmem>> -> memref<40xi32, #tpu.memory_space<vmem>>
          %dma_start3A_286 = arith.constant 0 : i32
          %dma_start3A_287 = arith.constant 0 : i32
          %dma_start3A_288 = tpu.memref_slice %arg2[%dma_start3A_286, %dma_start3A_287] : memref<10000x128xf32, #tpu.memory_space<hbm>> -> memref<10000x128xf32, #tpu.memory_space<hbm>>
          tpu.enqueue_indirect_dma source(%dma_start3A_288 : memref<10000x128xf32, #tpu.memory_space<hbm>>) target(%dma_start3A_284 : memref<40x128xf32, #tpu.memory_space<vmem>>) offsets(%dma_start3A_285 : memref<40xi32, #tpu.memory_space<vmem>>) semaphore(%arg21 : memref<!tpu.dma_semaphore, #tpu.memory_space<semaphore_mem>>)
          %mul3A_289 = arith.constant 80 : i32
          %mul3A_290 = arith.muli %add3A_277, %mul3A_289 : i32
          %add3A_291 = arith.constant 0 : i32
          %add3A_292 = arith.addi %mul3A_290, %add3A_291 : i32
          %dma_start3A_293 = arith.constant 0 : i32
          %dma_start3A_294 = arith.constant 0 : i32
          %dma_start3A_295 = tpu.memref_slice %arg15[%dma_start3A_293, %dma_start3A_294] : memref<80x128xf32, #tpu.memory_space<vmem>> -> memref<40x128xf32, #tpu.memory_space<vmem>>
          %dma_start3A_296 = tpu.memref_slice %arg7[%add3A_292] : memref<10000xi32, #tpu.memory_space<vmem>> -> memref<40xi32, #tpu.memory_space<vmem>>
          %dma_start3A_297 = arith.constant 0 : i32
          %dma_start3A_298 = arith.constant 0 : i32
          %dma_start3A_299 = tpu.memref_slice %arg3[%dma_start3A_297, %dma_start3A_298] : memref<10000x128xf32, #tpu.memory_space<hbm>> -> memref<10000x128xf32, #tpu.memory_space<hbm>>
          tpu.enqueue_indirect_dma source(%dma_start3A_299 : memref<10000x128xf32, #tpu.memory_space<hbm>>) target(%dma_start3A_295 : memref<40x128xf32, #tpu.memory_space<vmem>>) offsets(%dma_start3A_296 : memref<40xi32, #tpu.memory_space<vmem>>) semaphore(%arg22 : memref<!tpu.dma_semaphore, #tpu.memory_space<semaphore_mem>>)
          %mul3A_300 = arith.constant 80 : i32
          %mul3A_301 = arith.muli %add3A_277, %mul3A_300 : i32
          %add3A_302 = arith.constant 40 : i32
          %add3A_303 = arith.addi %mul3A_301, %add3A_302 : i32
          %dma_start3A_304 = arith.constant 40 : i32
          %dma_start3A_305 = arith.constant 0 : i32
          %dma_start3A_306 = tpu.memref_slice %arg11[%dma_start3A_304, %dma_start3A_305] : memref<80x128xf32, #tpu.memory_space<vmem>> -> memref<40x128xf32, #tpu.memory_space<vmem>>
          %dma_start3A_307 = tpu.memref_slice %arg6[%add3A_303] : memref<10000xi32, #tpu.memory_space<vmem>> -> memref<40xi32, #tpu.memory_space<vmem>>
          %dma_start3A_308 = arith.constant 0 : i32
          %dma_start3A_309 = arith.constant 0 : i32
          %dma_start3A_310 = tpu.memref_slice %arg2[%dma_start3A_308, %dma_start3A_309] : memref<10000x128xf32, #tpu.memory_space<hbm>> -> memref<10000x128xf32, #tpu.memory_space<hbm>>
          tpu.enqueue_indirect_dma source(%dma_start3A_310 : memref<10000x128xf32, #tpu.memory_space<hbm>>) target(%dma_start3A_306 : memref<40x128xf32, #tpu.memory_space<vmem>>) offsets(%dma_start3A_307 : memref<40xi32, #tpu.memory_space<vmem>>) semaphore(%arg21 : memref<!tpu.dma_semaphore, #tpu.memory_space<semaphore_mem>>)
          %mul3A_311 = arith.constant 80 : i32
          %mul3A_312 = arith.muli %add3A_277, %mul3A_311 : i32
          %add3A_313 = arith.constant 40 : i32
          %add3A_314 = arith.addi %mul3A_312, %add3A_313 : i32
          %dma_start3A_315 = arith.constant 40 : i32
          %dma_start3A_316 = arith.constant 0 : i32
          %dma_start3A_317 = tpu.memref_slice %arg15[%dma_start3A_315, %dma_start3A_316] : memref<80x128xf32, #tpu.memory_space<vmem>> -> memref<40x128xf32, #tpu.memory_space<vmem>>
          %dma_start3A_318 = tpu.memref_slice %arg7[%add3A_314] : memref<10000xi32, #tpu.memory_space<vmem>> -> memref<40xi32, #tpu.memory_space<vmem>>
          %dma_start3A_319 = arith.constant 0 : i32
          %dma_start3A_320 = arith.constant 0 : i32
          %dma_start3A_321 = tpu.memref_slice %arg3[%dma_start3A_319, %dma_start3A_320] : memref<10000x128xf32, #tpu.memory_space<hbm>> -> memref<10000x128xf32, #tpu.memory_space<hbm>>
          tpu.enqueue_indirect_dma source(%dma_start3A_321 : memref<10000x128xf32, #tpu.memory_space<hbm>>) target(%dma_start3A_317 : memref<40x128xf32, #tpu.memory_space<vmem>>) offsets(%dma_start3A_318 : memref<40xi32, #tpu.memory_space<vmem>>) semaphore(%arg22 : memref<!tpu.dma_semaphore, #tpu.memory_space<semaphore_mem>>)
        } else {
        }
      } else {
      }
      %mul3A_161 = arith.constant 4 : i32
      %mul3A_162 = arith.muli %scan3A_136, %mul3A_161 : i32
      %add3A_163 = arith.constant 3 : i32
      %add3A_164 = arith.addi %mul3A_162, %add3A_163 : i32
      %lt3A_165 = arith.constant 125 : i32
      %lt3A_166 = arith.cmpi slt, %add3A_164, %lt3A_165 : i32
      %convert_element_type3A_167 = arith.extui %lt3A_166 : i1 to i32
      %cond3A_168 = arith.constant 0 : i32
      %cond3A_169 = arith.cmpi ne, %convert_element_type3A_167, %cond3A_168 : i32
      scf.if %cond3A_169 {
        %dma_wait3A = arith.constant 0 : i32
        %dma_wait3A_170 = arith.constant 0 : i32
        %dma_wait3A_171 = tpu.memref_slice %arg2[%dma_wait3A, %dma_wait3A_170] : memref<10000x128xf32, #tpu.memory_space<hbm>> -> memref<80x128xf32, #tpu.memory_space<hbm>>
        %dma_wait3A_172 = arith.constant 0 : i32
        %dma_wait3A_173 = arith.constant 0 : i32
        %dma_wait3A_174 = tpu.memref_slice %arg2[%dma_wait3A_172, %dma_wait3A_173] : memref<10000x128xf32, #tpu.memory_space<hbm>> -> memref<80x128xf32, #tpu.memory_space<hbm>>
        tpu.wait_dma2 semaphore(%arg23 : memref<!tpu.dma_semaphore, #tpu.memory_space<semaphore_mem>>) src(%dma_wait3A_174 : memref<80x128xf32, #tpu.memory_space<hbm>>) dst(%arg12 : memref<80x128xf32, #tpu.memory_space<vmem>>)
        %dma_wait3A_175 = arith.constant 0 : i32
        %dma_wait3A_176 = arith.constant 0 : i32
        %dma_wait3A_177 = tpu.memref_slice %arg3[%dma_wait3A_175, %dma_wait3A_176] : memref<10000x128xf32, #tpu.memory_space<hbm>> -> memref<80x128xf32, #tpu.memory_space<hbm>>
        %dma_wait3A_178 = arith.constant 0 : i32
        %dma_wait3A_179 = arith.constant 0 : i32
        %dma_wait3A_180 = tpu.memref_slice %arg3[%dma_wait3A_178, %dma_wait3A_179] : memref<10000x128xf32, #tpu.memory_space<hbm>> -> memref<80x128xf32, #tpu.memory_space<hbm>>
        tpu.wait_dma2 semaphore(%arg24 : memref<!tpu.dma_semaphore, #tpu.memory_space<semaphore_mem>>) src(%dma_wait3A_180 : memref<80x128xf32, #tpu.memory_space<hbm>>) dst(%arg16 : memref<80x128xf32, #tpu.memory_space<vmem>>)
        %iota3A = tpu.iota {dimensions = array<i32: 0>} : vector<16xi32>
        %add3A_181 = arith.constant 0 : i32
        %add3A_182 = vector.broadcast %add3A_181 : i32 to vector<16xi32>
        %add3A_183 = arith.addi %iota3A, %add3A_182 : vector<16xi32>
        %broadcast_in_dim3A = arith.constant 0.000000e+00 : f32
        %broadcast_in_dim3A_184 = vector.broadcast %broadcast_in_dim3A : f32 to vector<16xf32>
        %scan3A_185 = arith.constant 0 : i32
        %scan3A_186 = arith.constant 16 : i32
        %scan3A_187 = arith.addi %scan3A_185, %scan3A_186 : i32
        %scan3A_188 = arith.constant 1 : i32
        %scan3A_189:2 = scf.for %scan3A_276 = %scan3A_185 to %scan3A_187 step %scan3A_188 iter_args(%scan3A_277 = %broadcast_in_dim3A_184, %scan3A_278 = %broadcast_in_dim3A_184) -> (vector<16xf32>, vector<16xf32>)  : i32 {
          %mul3A_279 = arith.constant 8 : i32
          %mul3A_280 = arith.muli %scan3A_276, %mul3A_279 : i32
          %add3A_281 = arith.constant 0 : i32
          %add3A_282 = arith.addi %mul3A_280, %add3A_281 : i32
          %broadcast_in_dim3A_283 = vector.broadcast %add3A_282 : i32 to vector<16xi32>
          %add3A_284 = arith.addi %broadcast_in_dim3A_283, %iota3A : vector<16xi32>
          %and3A = arith.constant 127 : i32
          %and3A_285 = vector.broadcast %and3A : i32 to vector<16xi32>
          %and3A_286 = arith.andi %add3A_284, %and3A_285 : vector<16xi32>
          %gather3A = tpu.vector_load_idx %arg12[%add3A_183, %and3A_286] : memref<80x128xf32, #tpu.memory_space<vmem>>[vector<16xi32>, vector<16xi32>], vector<16xf32>,
          %gather3A_287 = tpu.vector_load_idx %arg16[%add3A_183, %and3A_286] : memref<80x128xf32, #tpu.memory_space<vmem>>[vector<16xi32>, vector<16xi32>], vector<16xf32>,
          %mul3A_288 = arith.mulf %gather3A, %gather3A_287 : vector<16xf32>
          %add3A_289 = arith.addf %scan3A_277, %mul3A_288 : vector<16xf32>
          %add3A_290 = arith.constant 1 : i32
          %add3A_291 = arith.addi %mul3A_280, %add3A_290 : i32
          %broadcast_in_dim3A_292 = vector.broadcast %add3A_291 : i32 to vector<16xi32>
          %add3A_293 = arith.addi %broadcast_in_dim3A_292, %iota3A : vector<16xi32>
          %and3A_294 = arith.constant 127 : i32
          %and3A_295 = vector.broadcast %and3A_294 : i32 to vector<16xi32>
          %and3A_296 = arith.andi %add3A_293, %and3A_295 : vector<16xi32>
          %gather3A_297 = tpu.vector_load_idx %arg12[%add3A_183, %and3A_296] : memref<80x128xf32, #tpu.memory_space<vmem>>[vector<16xi32>, vector<16xi32>], vector<16xf32>,
          %gather3A_298 = tpu.vector_load_idx %arg16[%add3A_183, %and3A_296] : memref<80x128xf32, #tpu.memory_space<vmem>>[vector<16xi32>, vector<16xi32>], vector<16xf32>,
          %mul3A_299 = arith.mulf %gather3A_297, %gather3A_298 : vector<16xf32>
          %add3A_300 = arith.addf %scan3A_278, %mul3A_299 : vector<16xf32>
          %add3A_301 = arith.constant 2 : i32
          %add3A_302 = arith.addi %mul3A_280, %add3A_301 : i32
          %broadcast_in_dim3A_303 = vector.broadcast %add3A_302 : i32 to vector<16xi32>
          %add3A_304 = arith.addi %broadcast_in_dim3A_303, %iota3A : vector<16xi32>
          %and3A_305 = arith.constant 127 : i32
          %and3A_306 = vector.broadcast %and3A_305 : i32 to vector<16xi32>
          %and3A_307 = arith.andi %add3A_304, %and3A_306 : vector<16xi32>
          %gather3A_308 = tpu.vector_load_idx %arg12[%add3A_183, %and3A_307] : memref<80x128xf32, #tpu.memory_space<vmem>>[vector<16xi32>, vector<16xi32>], vector<16xf32>,
          %gather3A_309 = tpu.vector_load_idx %arg16[%add3A_183, %and3A_307] : memref<80x128xf32, #tpu.memory_space<vmem>>[vector<16xi32>, vector<16xi32>], vector<16xf32>,
          %mul3A_310 = arith.mulf %gather3A_308, %gather3A_309 : vector<16xf32>
          %add3A_311 = arith.addf %add3A_289, %mul3A_310 : vector<16xf32>
          %add3A_312 = arith.constant 3 : i32
          %add3A_313 = arith.addi %mul3A_280, %add3A_312 : i32
          %broadcast_in_dim3A_314 = vector.broadcast %add3A_313 : i32 to vector<16xi32>
          %add3A_315 = arith.addi %broadcast_in_dim3A_314, %iota3A : vector<16xi32>
          %and3A_316 = arith.constant 127 : i32
          %and3A_317 = vector.broadcast %and3A_316 : i32 to vector<16xi32>
          %and3A_318 = arith.andi %add3A_315, %and3A_317 : vector<16xi32>
          %gather3A_319 = tpu.vector_load_idx %arg12[%add3A_183, %and3A_318] : memref<80x128xf32, #tpu.memory_space<vmem>>[vector<16xi32>, vector<16xi32>], vector<16xf32>,
          %gather3A_320 = tpu.vector_load_idx %arg16[%add3A_183, %and3A_318] : memref<80x128xf32, #tpu.memory_space<vmem>>[vector<16xi32>, vector<16xi32>], vector<16xf32>,
          %mul3A_321 = arith.mulf %gather3A_319, %gather3A_320 : vector<16xf32>
          %add3A_322 = arith.addf %add3A_300, %mul3A_321 : vector<16xf32>
          %add3A_323 = arith.constant 4 : i32
          %add3A_324 = arith.addi %mul3A_280, %add3A_323 : i32
          %broadcast_in_dim3A_325 = vector.broadcast %add3A_324 : i32 to vector<16xi32>
          %add3A_326 = arith.addi %broadcast_in_dim3A_325, %iota3A : vector<16xi32>
          %and3A_327 = arith.constant 127 : i32
          %and3A_328 = vector.broadcast %and3A_327 : i32 to vector<16xi32>
          %and3A_329 = arith.andi %add3A_326, %and3A_328 : vector<16xi32>
          %gather3A_330 = tpu.vector_load_idx %arg12[%add3A_183, %and3A_329] : memref<80x128xf32, #tpu.memory_space<vmem>>[vector<16xi32>, vector<16xi32>], vector<16xf32>,
          %gather3A_331 = tpu.vector_load_idx %arg16[%add3A_183, %and3A_329] : memref<80x128xf32, #tpu.memory_space<vmem>>[vector<16xi32>, vector<16xi32>], vector<16xf32>,
          %mul3A_332 = arith.mulf %gather3A_330, %gather3A_331 : vector<16xf32>
          %add3A_333 = arith.addf %add3A_311, %mul3A_332 : vector<16xf32>
          %add3A_334 = arith.constant 5 : i32
          %add3A_335 = arith.addi %mul3A_280, %add3A_334 : i32
          %broadcast_in_dim3A_336 = vector.broadcast %add3A_335 : i32 to vector<16xi32>
          %add3A_337 = arith.addi %broadcast_in_dim3A_336, %iota3A : vector<16xi32>
          %and3A_338 = arith.constant 127 : i32
          %and3A_339 = vector.broadcast %and3A_338 : i32 to vector<16xi32>
          %and3A_340 = arith.andi %add3A_337, %and3A_339 : vector<16xi32>
          %gather3A_341 = tpu.vector_load_idx %arg12[%add3A_183, %and3A_340] : memref<80x128xf32, #tpu.memory_space<vmem>>[vector<16xi32>, vector<16xi32>], vector<16xf32>,
          %gather3A_342 = tpu.vector_load_idx %arg16[%add3A_183, %and3A_340] : memref<80x128xf32, #tpu.memory_space<vmem>>[vector<16xi32>, vector<16xi32>], vector<16xf32>,
          %mul3A_343 = arith.mulf %gather3A_341, %gather3A_342 : vector<16xf32>
          %add3A_344 = arith.addf %add3A_322, %mul3A_343 : vector<16xf32>
          %add3A_345 = arith.constant 6 : i32
          %add3A_346 = arith.addi %mul3A_280, %add3A_345 : i32
          %broadcast_in_dim3A_347 = vector.broadcast %add3A_346 : i32 to vector<16xi32>
          %add3A_348 = arith.addi %broadcast_in_dim3A_347, %iota3A : vector<16xi32>
          %and3A_349 = arith.constant 127 : i32
          %and3A_350 = vector.broadcast %and3A_349 : i32 to vector<16xi32>
          %and3A_351 = arith.andi %add3A_348, %and3A_350 : vector<16xi32>
          %gather3A_352 = tpu.vector_load_idx %arg12[%add3A_183, %and3A_351] : memref<80x128xf32, #tpu.memory_space<vmem>>[vector<16xi32>, vector<16xi32>], vector<16xf32>,
          %gather3A_353 = tpu.vector_load_idx %arg16[%add3A_183, %and3A_351] : memref<80x128xf32, #tpu.memory_space<vmem>>[vector<16xi32>, vector<16xi32>], vector<16xf32>,
          %mul3A_354 = arith.mulf %gather3A_352, %gather3A_353 : vector<16xf32>
          %add3A_355 = arith.addf %add3A_333, %mul3A_354 : vector<16xf32>
          %add3A_356 = arith.constant 7 : i32
          %add3A_357 = arith.addi %mul3A_280, %add3A_356 : i32
          %broadcast_in_dim3A_358 = vector.broadcast %add3A_357 : i32 to vector<16xi32>
          %add3A_359 = arith.addi %broadcast_in_dim3A_358, %iota3A : vector<16xi32>
          %and3A_360 = arith.constant 127 : i32
          %and3A_361 = vector.broadcast %and3A_360 : i32 to vector<16xi32>
          %and3A_362 = arith.andi %add3A_359, %and3A_361 : vector<16xi32>
          %gather3A_363 = tpu.vector_load_idx %arg12[%add3A_183, %and3A_362] : memref<80x128xf32, #tpu.memory_space<vmem>>[vector<16xi32>, vector<16xi32>], vector<16xf32>,
          %gather3A_364 = tpu.vector_load_idx %arg16[%add3A_183, %and3A_362] : memref<80x128xf32, #tpu.memory_space<vmem>>[vector<16xi32>, vector<16xi32>], vector<16xf32>,
          %mul3A_365 = arith.mulf %gather3A_363, %gather3A_364 : vector<16xf32>
          %add3A_366 = arith.addf %add3A_344, %mul3A_365 : vector<16xf32>
          scf.yield %add3A_355, %add3A_366 : vector<16xf32>, vector<16xf32>
        }
        %scan3A_190 = arith.constant 16 : i32
        %add3A_191 = arith.addf %scan3A_189#0, %scan3A_189#1 : vector<16xf32>
        %mul3A_192 = arith.constant 80 : i32
        %mul3A_193 = arith.muli %add3A_164, %mul3A_192 : i32
        %add3A_194 = arith.constant 0 : i32
        %add3A_195 = arith.addi %mul3A_193, %add3A_194 : i32
        %swap3A = arith.index_cast %add3A_195 : i32 to index
        %swap3A_196 = tpu.vector_load %arg8[%swap3A] {strides = array<i32>} : memref<10000xf32, #tpu.memory_space<vmem>>, vector<16xf32>,
        tpu.vector_store %arg8[%swap3A], %add3A_191 {strides = array<i32>} : memref<10000xf32, #tpu.memory_space<vmem>>, vector<16xf32>,
        %add3A_197 = arith.constant 16 : i32
        %add3A_198 = vector.broadcast %add3A_197 : i32 to vector<16xi32>
        %add3A_199 = arith.addi %iota3A, %add3A_198 : vector<16xi32>
        %broadcast_in_dim3A_200 = arith.constant 0.000000e+00 : f32
        %broadcast_in_dim3A_201 = vector.broadcast %broadcast_in_dim3A_200 : f32 to vector<16xf32>
        %scan3A_202 = arith.constant 0 : i32
        %scan3A_203 = arith.constant 16 : i32
        %scan3A_204 = arith.addi %scan3A_202, %scan3A_203 : i32
        %scan3A_205 = arith.constant 1 : i32
        %scan3A_206:2 = scf.for %scan3A_276 = %scan3A_202 to %scan3A_204 step %scan3A_205 iter_args(%scan3A_277 = %broadcast_in_dim3A_201, %scan3A_278 = %broadcast_in_dim3A_201) -> (vector<16xf32>, vector<16xf32>)  : i32 {
          %mul3A_279 = arith.constant 8 : i32
          %mul3A_280 = arith.muli %scan3A_276, %mul3A_279 : i32
          %add3A_281 = arith.constant 0 : i32
          %add3A_282 = arith.addi %mul3A_280, %add3A_281 : i32
          %broadcast_in_dim3A_283 = vector.broadcast %add3A_282 : i32 to vector<16xi32>
          %add3A_284 = arith.addi %broadcast_in_dim3A_283, %iota3A : vector<16xi32>
          %and3A = arith.constant 127 : i32
          %and3A_285 = vector.broadcast %and3A : i32 to vector<16xi32>
          %and3A_286 = arith.andi %add3A_284, %and3A_285 : vector<16xi32>
          %gather3A = tpu.vector_load_idx %arg12[%add3A_199, %and3A_286] : memref<80x128xf32, #tpu.memory_space<vmem>>[vector<16xi32>, vector<16xi32>], vector<16xf32>,
          %gather3A_287 = tpu.vector_load_idx %arg16[%add3A_199, %and3A_286] : memref<80x128xf32, #tpu.memory_space<vmem>>[vector<16xi32>, vector<16xi32>], vector<16xf32>,
          %mul3A_288 = arith.mulf %gather3A, %gather3A_287 : vector<16xf32>
          %add3A_289 = arith.addf %scan3A_277, %mul3A_288 : vector<16xf32>
          %add3A_290 = arith.constant 1 : i32
          %add3A_291 = arith.addi %mul3A_280, %add3A_290 : i32
          %broadcast_in_dim3A_292 = vector.broadcast %add3A_291 : i32 to vector<16xi32>
          %add3A_293 = arith.addi %broadcast_in_dim3A_292, %iota3A : vector<16xi32>
          %and3A_294 = arith.constant 127 : i32
          %and3A_295 = vector.broadcast %and3A_294 : i32 to vector<16xi32>
          %and3A_296 = arith.andi %add3A_293, %and3A_295 : vector<16xi32>
          %gather3A_297 = tpu.vector_load_idx %arg12[%add3A_199, %and3A_296] : memref<80x128xf32, #tpu.memory_space<vmem>>[vector<16xi32>, vector<16xi32>], vector<16xf32>,
          %gather3A_298 = tpu.vector_load_idx %arg16[%add3A_199, %and3A_296] : memref<80x128xf32, #tpu.memory_space<vmem>>[vector<16xi32>, vector<16xi32>], vector<16xf32>,
          %mul3A_299 = arith.mulf %gather3A_297, %gather3A_298 : vector<16xf32>
          %add3A_300 = arith.addf %scan3A_278, %mul3A_299 : vector<16xf32>
          %add3A_301 = arith.constant 2 : i32
          %add3A_302 = arith.addi %mul3A_280, %add3A_301 : i32
          %broadcast_in_dim3A_303 = vector.broadcast %add3A_302 : i32 to vector<16xi32>
          %add3A_304 = arith.addi %broadcast_in_dim3A_303, %iota3A : vector<16xi32>
          %and3A_305 = arith.constant 127 : i32
          %and3A_306 = vector.broadcast %and3A_305 : i32 to vector<16xi32>
          %and3A_307 = arith.andi %add3A_304, %and3A_306 : vector<16xi32>
          %gather3A_308 = tpu.vector_load_idx %arg12[%add3A_199, %and3A_307] : memref<80x128xf32, #tpu.memory_space<vmem>>[vector<16xi32>, vector<16xi32>], vector<16xf32>,
          %gather3A_309 = tpu.vector_load_idx %arg16[%add3A_199, %and3A_307] : memref<80x128xf32, #tpu.memory_space<vmem>>[vector<16xi32>, vector<16xi32>], vector<16xf32>,
          %mul3A_310 = arith.mulf %gather3A_308, %gather3A_309 : vector<16xf32>
          %add3A_311 = arith.addf %add3A_289, %mul3A_310 : vector<16xf32>
          %add3A_312 = arith.constant 3 : i32
          %add3A_313 = arith.addi %mul3A_280, %add3A_312 : i32
          %broadcast_in_dim3A_314 = vector.broadcast %add3A_313 : i32 to vector<16xi32>
          %add3A_315 = arith.addi %broadcast_in_dim3A_314, %iota3A : vector<16xi32>
          %and3A_316 = arith.constant 127 : i32
          %and3A_317 = vector.broadcast %and3A_316 : i32 to vector<16xi32>
          %and3A_318 = arith.andi %add3A_315, %and3A_317 : vector<16xi32>
          %gather3A_319 = tpu.vector_load_idx %arg12[%add3A_199, %and3A_318] : memref<80x128xf32, #tpu.memory_space<vmem>>[vector<16xi32>, vector<16xi32>], vector<16xf32>,
          %gather3A_320 = tpu.vector_load_idx %arg16[%add3A_199, %and3A_318] : memref<80x128xf32, #tpu.memory_space<vmem>>[vector<16xi32>, vector<16xi32>], vector<16xf32>,
          %mul3A_321 = arith.mulf %gather3A_319, %gather3A_320 : vector<16xf32>
          %add3A_322 = arith.addf %add3A_300, %mul3A_321 : vector<16xf32>
          %add3A_323 = arith.constant 4 : i32
          %add3A_324 = arith.addi %mul3A_280, %add3A_323 : i32
          %broadcast_in_dim3A_325 = vector.broadcast %add3A_324 : i32 to vector<16xi32>
          %add3A_326 = arith.addi %broadcast_in_dim3A_325, %iota3A : vector<16xi32>
          %and3A_327 = arith.constant 127 : i32
          %and3A_328 = vector.broadcast %and3A_327 : i32 to vector<16xi32>
          %and3A_329 = arith.andi %add3A_326, %and3A_328 : vector<16xi32>
          %gather3A_330 = tpu.vector_load_idx %arg12[%add3A_199, %and3A_329] : memref<80x128xf32, #tpu.memory_space<vmem>>[vector<16xi32>, vector<16xi32>], vector<16xf32>,
          %gather3A_331 = tpu.vector_load_idx %arg16[%add3A_199, %and3A_329] : memref<80x128xf32, #tpu.memory_space<vmem>>[vector<16xi32>, vector<16xi32>], vector<16xf32>,
          %mul3A_332 = arith.mulf %gather3A_330, %gather3A_331 : vector<16xf32>
          %add3A_333 = arith.addf %add3A_311, %mul3A_332 : vector<16xf32>
          %add3A_334 = arith.constant 5 : i32
          %add3A_335 = arith.addi %mul3A_280, %add3A_334 : i32
          %broadcast_in_dim3A_336 = vector.broadcast %add3A_335 : i32 to vector<16xi32>
          %add3A_337 = arith.addi %broadcast_in_dim3A_336, %iota3A : vector<16xi32>
          %and3A_338 = arith.constant 127 : i32
          %and3A_339 = vector.broadcast %and3A_338 : i32 to vector<16xi32>
          %and3A_340 = arith.andi %add3A_337, %and3A_339 : vector<16xi32>
          %gather3A_341 = tpu.vector_load_idx %arg12[%add3A_199, %and3A_340] : memref<80x128xf32, #tpu.memory_space<vmem>>[vector<16xi32>, vector<16xi32>], vector<16xf32>,
          %gather3A_342 = tpu.vector_load_idx %arg16[%add3A_199, %and3A_340] : memref<80x128xf32, #tpu.memory_space<vmem>>[vector<16xi32>, vector<16xi32>], vector<16xf32>,
          %mul3A_343 = arith.mulf %gather3A_341, %gather3A_342 : vector<16xf32>
          %add3A_344 = arith.addf %add3A_322, %mul3A_343 : vector<16xf32>
          %add3A_345 = arith.constant 6 : i32
          %add3A_346 = arith.addi %mul3A_280, %add3A_345 : i32
          %broadcast_in_dim3A_347 = vector.broadcast %add3A_346 : i32 to vector<16xi32>
          %add3A_348 = arith.addi %broadcast_in_dim3A_347, %iota3A : vector<16xi32>
          %and3A_349 = arith.constant 127 : i32
          %and3A_350 = vector.broadcast %and3A_349 : i32 to vector<16xi32>
          %and3A_351 = arith.andi %add3A_348, %and3A_350 : vector<16xi32>
          %gather3A_352 = tpu.vector_load_idx %arg12[%add3A_199, %and3A_351] : memref<80x128xf32, #tpu.memory_space<vmem>>[vector<16xi32>, vector<16xi32>], vector<16xf32>,
          %gather3A_353 = tpu.vector_load_idx %arg16[%add3A_199, %and3A_351] : memref<80x128xf32, #tpu.memory_space<vmem>>[vector<16xi32>, vector<16xi32>], vector<16xf32>,
          %mul3A_354 = arith.mulf %gather3A_352, %gather3A_353 : vector<16xf32>
          %add3A_355 = arith.addf %add3A_333, %mul3A_354 : vector<16xf32>
          %add3A_356 = arith.constant 7 : i32
          %add3A_357 = arith.addi %mul3A_280, %add3A_356 : i32
          %broadcast_in_dim3A_358 = vector.broadcast %add3A_357 : i32 to vector<16xi32>
          %add3A_359 = arith.addi %broadcast_in_dim3A_358, %iota3A : vector<16xi32>
          %and3A_360 = arith.constant 127 : i32
          %and3A_361 = vector.broadcast %and3A_360 : i32 to vector<16xi32>
          %and3A_362 = arith.andi %add3A_359, %and3A_361 : vector<16xi32>
          %gather3A_363 = tpu.vector_load_idx %arg12[%add3A_199, %and3A_362] : memref<80x128xf32, #tpu.memory_space<vmem>>[vector<16xi32>, vector<16xi32>], vector<16xf32>,
          %gather3A_364 = tpu.vector_load_idx %arg16[%add3A_199, %and3A_362] : memref<80x128xf32, #tpu.memory_space<vmem>>[vector<16xi32>, vector<16xi32>], vector<16xf32>,
          %mul3A_365 = arith.mulf %gather3A_363, %gather3A_364 : vector<16xf32>
          %add3A_366 = arith.addf %add3A_344, %mul3A_365 : vector<16xf32>
          scf.yield %add3A_355, %add3A_366 : vector<16xf32>, vector<16xf32>
        }
        %scan3A_207 = arith.constant 16 : i32
        %add3A_208 = arith.addf %scan3A_206#0, %scan3A_206#1 : vector<16xf32>
        %mul3A_209 = arith.constant 80 : i32
        %mul3A_210 = arith.muli %add3A_164, %mul3A_209 : i32
        %add3A_211 = arith.constant 16 : i32
        %add3A_212 = arith.addi %mul3A_210, %add3A_211 : i32
        %swap3A_213 = arith.index_cast %add3A_212 : i32 to index
        %swap3A_214 = tpu.vector_load %arg8[%swap3A_213] {strides = array<i32>} : memref<10000xf32, #tpu.memory_space<vmem>>, vector<16xf32>,
        tpu.vector_store %arg8[%swap3A_213], %add3A_208 {strides = array<i32>} : memref<10000xf32, #tpu.memory_space<vmem>>, vector<16xf32>,
        %add3A_215 = arith.constant 32 : i32
        %add3A_216 = vector.broadcast %add3A_215 : i32 to vector<16xi32>
        %add3A_217 = arith.addi %iota3A, %add3A_216 : vector<16xi32>
        %broadcast_in_dim3A_218 = arith.constant 0.000000e+00 : f32
        %broadcast_in_dim3A_219 = vector.broadcast %broadcast_in_dim3A_218 : f32 to vector<16xf32>
        %scan3A_220 = arith.constant 0 : i32
        %scan3A_221 = arith.constant 16 : i32
        %scan3A_222 = arith.addi %scan3A_220, %scan3A_221 : i32
        %scan3A_223 = arith.constant 1 : i32
        %scan3A_224:2 = scf.for %scan3A_276 = %scan3A_220 to %scan3A_222 step %scan3A_223 iter_args(%scan3A_277 = %broadcast_in_dim3A_219, %scan3A_278 = %broadcast_in_dim3A_219) -> (vector<16xf32>, vector<16xf32>)  : i32 {
          %mul3A_279 = arith.constant 8 : i32
          %mul3A_280 = arith.muli %scan3A_276, %mul3A_279 : i32
          %add3A_281 = arith.constant 0 : i32
          %add3A_282 = arith.addi %mul3A_280, %add3A_281 : i32
          %broadcast_in_dim3A_283 = vector.broadcast %add3A_282 : i32 to vector<16xi32>
          %add3A_284 = arith.addi %broadcast_in_dim3A_283, %iota3A : vector<16xi32>
          %and3A = arith.constant 127 : i32
          %and3A_285 = vector.broadcast %and3A : i32 to vector<16xi32>
          %and3A_286 = arith.andi %add3A_284, %and3A_285 : vector<16xi32>
          %gather3A = tpu.vector_load_idx %arg12[%add3A_217, %and3A_286] : memref<80x128xf32, #tpu.memory_space<vmem>>[vector<16xi32>, vector<16xi32>], vector<16xf32>,
          %gather3A_287 = tpu.vector_load_idx %arg16[%add3A_217, %and3A_286] : memref<80x128xf32, #tpu.memory_space<vmem>>[vector<16xi32>, vector<16xi32>], vector<16xf32>,
          %mul3A_288 = arith.mulf %gather3A, %gather3A_287 : vector<16xf32>
          %add3A_289 = arith.addf %scan3A_277, %mul3A_288 : vector<16xf32>
          %add3A_290 = arith.constant 1 : i32
          %add3A_291 = arith.addi %mul3A_280, %add3A_290 : i32
          %broadcast_in_dim3A_292 = vector.broadcast %add3A_291 : i32 to vector<16xi32>
          %add3A_293 = arith.addi %broadcast_in_dim3A_292, %iota3A : vector<16xi32>
          %and3A_294 = arith.constant 127 : i32
          %and3A_295 = vector.broadcast %and3A_294 : i32 to vector<16xi32>
          %and3A_296 = arith.andi %add3A_293, %and3A_295 : vector<16xi32>
          %gather3A_297 = tpu.vector_load_idx %arg12[%add3A_217, %and3A_296] : memref<80x128xf32, #tpu.memory_space<vmem>>[vector<16xi32>, vector<16xi32>], vector<16xf32>,
          %gather3A_298 = tpu.vector_load_idx %arg16[%add3A_217, %and3A_296] : memref<80x128xf32, #tpu.memory_space<vmem>>[vector<16xi32>, vector<16xi32>], vector<16xf32>,
          %mul3A_299 = arith.mulf %gather3A_297, %gather3A_298 : vector<16xf32>
          %add3A_300 = arith.addf %scan3A_278, %mul3A_299 : vector<16xf32>
          %add3A_301 = arith.constant 2 : i32
          %add3A_302 = arith.addi %mul3A_280, %add3A_301 : i32
          %broadcast_in_dim3A_303 = vector.broadcast %add3A_302 : i32 to vector<16xi32>
          %add3A_304 = arith.addi %broadcast_in_dim3A_303, %iota3A : vector<16xi32>
          %and3A_305 = arith.constant 127 : i32
          %and3A_306 = vector.broadcast %and3A_305 : i32 to vector<16xi32>
          %and3A_307 = arith.andi %add3A_304, %and3A_306 : vector<16xi32>
          %gather3A_308 = tpu.vector_load_idx %arg12[%add3A_217, %and3A_307] : memref<80x128xf32, #tpu.memory_space<vmem>>[vector<16xi32>, vector<16xi32>], vector<16xf32>,
          %gather3A_309 = tpu.vector_load_idx %arg16[%add3A_217, %and3A_307] : memref<80x128xf32, #tpu.memory_space<vmem>>[vector<16xi32>, vector<16xi32>], vector<16xf32>,
          %mul3A_310 = arith.mulf %gather3A_308, %gather3A_309 : vector<16xf32>
          %add3A_311 = arith.addf %add3A_289, %mul3A_310 : vector<16xf32>
          %add3A_312 = arith.constant 3 : i32
          %add3A_313 = arith.addi %mul3A_280, %add3A_312 : i32
          %broadcast_in_dim3A_314 = vector.broadcast %add3A_313 : i32 to vector<16xi32>
          %add3A_315 = arith.addi %broadcast_in_dim3A_314, %iota3A : vector<16xi32>
          %and3A_316 = arith.constant 127 : i32
          %and3A_317 = vector.broadcast %and3A_316 : i32 to vector<16xi32>
          %and3A_318 = arith.andi %add3A_315, %and3A_317 : vector<16xi32>
          %gather3A_319 = tpu.vector_load_idx %arg12[%add3A_217, %and3A_318] : memref<80x128xf32, #tpu.memory_space<vmem>>[vector<16xi32>, vector<16xi32>], vector<16xf32>,
          %gather3A_320 = tpu.vector_load_idx %arg16[%add3A_217, %and3A_318] : memref<80x128xf32, #tpu.memory_space<vmem>>[vector<16xi32>, vector<16xi32>], vector<16xf32>,
          %mul3A_321 = arith.mulf %gather3A_319, %gather3A_320 : vector<16xf32>
          %add3A_322 = arith.addf %add3A_300, %mul3A_321 : vector<16xf32>
          %add3A_323 = arith.constant 4 : i32
          %add3A_324 = arith.addi %mul3A_280, %add3A_323 : i32
          %broadcast_in_dim3A_325 = vector.broadcast %add3A_324 : i32 to vector<16xi32>
          %add3A_326 = arith.addi %broadcast_in_dim3A_325, %iota3A : vector<16xi32>
          %and3A_327 = arith.constant 127 : i32
          %and3A_328 = vector.broadcast %and3A_327 : i32 to vector<16xi32>
          %and3A_329 = arith.andi %add3A_326, %and3A_328 : vector<16xi32>
          %gather3A_330 = tpu.vector_load_idx %arg12[%add3A_217, %and3A_329] : memref<80x128xf32, #tpu.memory_space<vmem>>[vector<16xi32>, vector<16xi32>], vector<16xf32>,
          %gather3A_331 = tpu.vector_load_idx %arg16[%add3A_217, %and3A_329] : memref<80x128xf32, #tpu.memory_space<vmem>>[vector<16xi32>, vector<16xi32>], vector<16xf32>,
          %mul3A_332 = arith.mulf %gather3A_330, %gather3A_331 : vector<16xf32>
          %add3A_333 = arith.addf %add3A_311, %mul3A_332 : vector<16xf32>
          %add3A_334 = arith.constant 5 : i32
          %add3A_335 = arith.addi %mul3A_280, %add3A_334 : i32
          %broadcast_in_dim3A_336 = vector.broadcast %add3A_335 : i32 to vector<16xi32>
          %add3A_337 = arith.addi %broadcast_in_dim3A_336, %iota3A : vector<16xi32>
          %and3A_338 = arith.constant 127 : i32
          %and3A_339 = vector.broadcast %and3A_338 : i32 to vector<16xi32>
          %and3A_340 = arith.andi %add3A_337, %and3A_339 : vector<16xi32>
          %gather3A_341 = tpu.vector_load_idx %arg12[%add3A_217, %and3A_340] : memref<80x128xf32, #tpu.memory_space<vmem>>[vector<16xi32>, vector<16xi32>], vector<16xf32>,
          %gather3A_342 = tpu.vector_load_idx %arg16[%add3A_217, %and3A_340] : memref<80x128xf32, #tpu.memory_space<vmem>>[vector<16xi32>, vector<16xi32>], vector<16xf32>,
          %mul3A_343 = arith.mulf %gather3A_341, %gather3A_342 : vector<16xf32>
          %add3A_344 = arith.addf %add3A_322, %mul3A_343 : vector<16xf32>
          %add3A_345 = arith.constant 6 : i32
          %add3A_346 = arith.addi %mul3A_280, %add3A_345 : i32
          %broadcast_in_dim3A_347 = vector.broadcast %add3A_346 : i32 to vector<16xi32>
          %add3A_348 = arith.addi %broadcast_in_dim3A_347, %iota3A : vector<16xi32>
          %and3A_349 = arith.constant 127 : i32
          %and3A_350 = vector.broadcast %and3A_349 : i32 to vector<16xi32>
          %and3A_351 = arith.andi %add3A_348, %and3A_350 : vector<16xi32>
          %gather3A_352 = tpu.vector_load_idx %arg12[%add3A_217, %and3A_351] : memref<80x128xf32, #tpu.memory_space<vmem>>[vector<16xi32>, vector<16xi32>], vector<16xf32>,
          %gather3A_353 = tpu.vector_load_idx %arg16[%add3A_217, %and3A_351] : memref<80x128xf32, #tpu.memory_space<vmem>>[vector<16xi32>, vector<16xi32>], vector<16xf32>,
          %mul3A_354 = arith.mulf %gather3A_352, %gather3A_353 : vector<16xf32>
          %add3A_355 = arith.addf %add3A_333, %mul3A_354 : vector<16xf32>
          %add3A_356 = arith.constant 7 : i32
          %add3A_357 = arith.addi %mul3A_280, %add3A_356 : i32
          %broadcast_in_dim3A_358 = vector.broadcast %add3A_357 : i32 to vector<16xi32>
          %add3A_359 = arith.addi %broadcast_in_dim3A_358, %iota3A : vector<16xi32>
          %and3A_360 = arith.constant 127 : i32
          %and3A_361 = vector.broadcast %and3A_360 : i32 to vector<16xi32>
          %and3A_362 = arith.andi %add3A_359, %and3A_361 : vector<16xi32>
          %gather3A_363 = tpu.vector_load_idx %arg12[%add3A_217, %and3A_362] : memref<80x128xf32, #tpu.memory_space<vmem>>[vector<16xi32>, vector<16xi32>], vector<16xf32>,
          %gather3A_364 = tpu.vector_load_idx %arg16[%add3A_217, %and3A_362] : memref<80x128xf32, #tpu.memory_space<vmem>>[vector<16xi32>, vector<16xi32>], vector<16xf32>,
          %mul3A_365 = arith.mulf %gather3A_363, %gather3A_364 : vector<16xf32>
          %add3A_366 = arith.addf %add3A_344, %mul3A_365 : vector<16xf32>
          scf.yield %add3A_355, %add3A_366 : vector<16xf32>, vector<16xf32>
        }
        %scan3A_225 = arith.constant 16 : i32
        %add3A_226 = arith.addf %scan3A_224#0, %scan3A_224#1 : vector<16xf32>
        %mul3A_227 = arith.constant 80 : i32
        %mul3A_228 = arith.muli %add3A_164, %mul3A_227 : i32
        %add3A_229 = arith.constant 32 : i32
        %add3A_230 = arith.addi %mul3A_228, %add3A_229 : i32
        %swap3A_231 = arith.index_cast %add3A_230 : i32 to index
        %swap3A_232 = tpu.vector_load %arg8[%swap3A_231] {strides = array<i32>} : memref<10000xf32, #tpu.memory_space<vmem>>, vector<16xf32>,
        tpu.vector_store %arg8[%swap3A_231], %add3A_226 {strides = array<i32>} : memref<10000xf32, #tpu.memory_space<vmem>>, vector<16xf32>,
        %add3A_233 = arith.constant 48 : i32
        %add3A_234 = vector.broadcast %add3A_233 : i32 to vector<16xi32>
        %add3A_235 = arith.addi %iota3A, %add3A_234 : vector<16xi32>
        %broadcast_in_dim3A_236 = arith.constant 0.000000e+00 : f32
        %broadcast_in_dim3A_237 = vector.broadcast %broadcast_in_dim3A_236 : f32 to vector<16xf32>
        %scan3A_238 = arith.constant 0 : i32
        %scan3A_239 = arith.constant 16 : i32
        %scan3A_240 = arith.addi %scan3A_238, %scan3A_239 : i32
        %scan3A_241 = arith.constant 1 : i32
        %scan3A_242:2 = scf.for %scan3A_276 = %scan3A_238 to %scan3A_240 step %scan3A_241 iter_args(%scan3A_277 = %broadcast_in_dim3A_237, %scan3A_278 = %broadcast_in_dim3A_237) -> (vector<16xf32>, vector<16xf32>)  : i32 {
          %mul3A_279 = arith.constant 8 : i32
          %mul3A_280 = arith.muli %scan3A_276, %mul3A_279 : i32
          %add3A_281 = arith.constant 0 : i32
          %add3A_282 = arith.addi %mul3A_280, %add3A_281 : i32
          %broadcast_in_dim3A_283 = vector.broadcast %add3A_282 : i32 to vector<16xi32>
          %add3A_284 = arith.addi %broadcast_in_dim3A_283, %iota3A : vector<16xi32>
          %and3A = arith.constant 127 : i32
          %and3A_285 = vector.broadcast %and3A : i32 to vector<16xi32>
          %and3A_286 = arith.andi %add3A_284, %and3A_285 : vector<16xi32>
          %gather3A = tpu.vector_load_idx %arg12[%add3A_235, %and3A_286] : memref<80x128xf32, #tpu.memory_space<vmem>>[vector<16xi32>, vector<16xi32>], vector<16xf32>,
          %gather3A_287 = tpu.vector_load_idx %arg16[%add3A_235, %and3A_286] : memref<80x128xf32, #tpu.memory_space<vmem>>[vector<16xi32>, vector<16xi32>], vector<16xf32>,
          %mul3A_288 = arith.mulf %gather3A, %gather3A_287 : vector<16xf32>
          %add3A_289 = arith.addf %scan3A_277, %mul3A_288 : vector<16xf32>
          %add3A_290 = arith.constant 1 : i32
          %add3A_291 = arith.addi %mul3A_280, %add3A_290 : i32
          %broadcast_in_dim3A_292 = vector.broadcast %add3A_291 : i32 to vector<16xi32>
          %add3A_293 = arith.addi %broadcast_in_dim3A_292, %iota3A : vector<16xi32>
          %and3A_294 = arith.constant 127 : i32
          %and3A_295 = vector.broadcast %and3A_294 : i32 to vector<16xi32>
          %and3A_296 = arith.andi %add3A_293, %and3A_295 : vector<16xi32>
          %gather3A_297 = tpu.vector_load_idx %arg12[%add3A_235, %and3A_296] : memref<80x128xf32, #tpu.memory_space<vmem>>[vector<16xi32>, vector<16xi32>], vector<16xf32>,
          %gather3A_298 = tpu.vector_load_idx %arg16[%add3A_235, %and3A_296] : memref<80x128xf32, #tpu.memory_space<vmem>>[vector<16xi32>, vector<16xi32>], vector<16xf32>,
          %mul3A_299 = arith.mulf %gather3A_297, %gather3A_298 : vector<16xf32>
          %add3A_300 = arith.addf %scan3A_278, %mul3A_299 : vector<16xf32>
          %add3A_301 = arith.constant 2 : i32
          %add3A_302 = arith.addi %mul3A_280, %add3A_301 : i32
          %broadcast_in_dim3A_303 = vector.broadcast %add3A_302 : i32 to vector<16xi32>
          %add3A_304 = arith.addi %broadcast_in_dim3A_303, %iota3A : vector<16xi32>
          %and3A_305 = arith.constant 127 : i32
          %and3A_306 = vector.broadcast %and3A_305 : i32 to vector<16xi32>
          %and3A_307 = arith.andi %add3A_304, %and3A_306 : vector<16xi32>
          %gather3A_308 = tpu.vector_load_idx %arg12[%add3A_235, %and3A_307] : memref<80x128xf32, #tpu.memory_space<vmem>>[vector<16xi32>, vector<16xi32>], vector<16xf32>,
          %gather3A_309 = tpu.vector_load_idx %arg16[%add3A_235, %and3A_307] : memref<80x128xf32, #tpu.memory_space<vmem>>[vector<16xi32>, vector<16xi32>], vector<16xf32>,
          %mul3A_310 = arith.mulf %gather3A_308, %gather3A_309 : vector<16xf32>
          %add3A_311 = arith.addf %add3A_289, %mul3A_310 : vector<16xf32>
          %add3A_312 = arith.constant 3 : i32
          %add3A_313 = arith.addi %mul3A_280, %add3A_312 : i32
          %broadcast_in_dim3A_314 = vector.broadcast %add3A_313 : i32 to vector<16xi32>
          %add3A_315 = arith.addi %broadcast_in_dim3A_314, %iota3A : vector<16xi32>
          %and3A_316 = arith.constant 127 : i32
          %and3A_317 = vector.broadcast %and3A_316 : i32 to vector<16xi32>
          %and3A_318 = arith.andi %add3A_315, %and3A_317 : vector<16xi32>
          %gather3A_319 = tpu.vector_load_idx %arg12[%add3A_235, %and3A_318] : memref<80x128xf32, #tpu.memory_space<vmem>>[vector<16xi32>, vector<16xi32>], vector<16xf32>,
          %gather3A_320 = tpu.vector_load_idx %arg16[%add3A_235, %and3A_318] : memref<80x128xf32, #tpu.memory_space<vmem>>[vector<16xi32>, vector<16xi32>], vector<16xf32>,
          %mul3A_321 = arith.mulf %gather3A_319, %gather3A_320 : vector<16xf32>
          %add3A_322 = arith.addf %add3A_300, %mul3A_321 : vector<16xf32>
          %add3A_323 = arith.constant 4 : i32
          %add3A_324 = arith.addi %mul3A_280, %add3A_323 : i32
          %broadcast_in_dim3A_325 = vector.broadcast %add3A_324 : i32 to vector<16xi32>
          %add3A_326 = arith.addi %broadcast_in_dim3A_325, %iota3A : vector<16xi32>
          %and3A_327 = arith.constant 127 : i32
          %and3A_328 = vector.broadcast %and3A_327 : i32 to vector<16xi32>
          %and3A_329 = arith.andi %add3A_326, %and3A_328 : vector<16xi32>
          %gather3A_330 = tpu.vector_load_idx %arg12[%add3A_235, %and3A_329] : memref<80x128xf32, #tpu.memory_space<vmem>>[vector<16xi32>, vector<16xi32>], vector<16xf32>,
          %gather3A_331 = tpu.vector_load_idx %arg16[%add3A_235, %and3A_329] : memref<80x128xf32, #tpu.memory_space<vmem>>[vector<16xi32>, vector<16xi32>], vector<16xf32>,
          %mul3A_332 = arith.mulf %gather3A_330, %gather3A_331 : vector<16xf32>
          %add3A_333 = arith.addf %add3A_311, %mul3A_332 : vector<16xf32>
          %add3A_334 = arith.constant 5 : i32
          %add3A_335 = arith.addi %mul3A_280, %add3A_334 : i32
          %broadcast_in_dim3A_336 = vector.broadcast %add3A_335 : i32 to vector<16xi32>
          %add3A_337 = arith.addi %broadcast_in_dim3A_336, %iota3A : vector<16xi32>
          %and3A_338 = arith.constant 127 : i32
          %and3A_339 = vector.broadcast %and3A_338 : i32 to vector<16xi32>
          %and3A_340 = arith.andi %add3A_337, %and3A_339 : vector<16xi32>
          %gather3A_341 = tpu.vector_load_idx %arg12[%add3A_235, %and3A_340] : memref<80x128xf32, #tpu.memory_space<vmem>>[vector<16xi32>, vector<16xi32>], vector<16xf32>,
          %gather3A_342 = tpu.vector_load_idx %arg16[%add3A_235, %and3A_340] : memref<80x128xf32, #tpu.memory_space<vmem>>[vector<16xi32>, vector<16xi32>], vector<16xf32>,
          %mul3A_343 = arith.mulf %gather3A_341, %gather3A_342 : vector<16xf32>
          %add3A_344 = arith.addf %add3A_322, %mul3A_343 : vector<16xf32>
          %add3A_345 = arith.constant 6 : i32
          %add3A_346 = arith.addi %mul3A_280, %add3A_345 : i32
          %broadcast_in_dim3A_347 = vector.broadcast %add3A_346 : i32 to vector<16xi32>
          %add3A_348 = arith.addi %broadcast_in_dim3A_347, %iota3A : vector<16xi32>
          %and3A_349 = arith.constant 127 : i32
          %and3A_350 = vector.broadcast %and3A_349 : i32 to vector<16xi32>
          %and3A_351 = arith.andi %add3A_348, %and3A_350 : vector<16xi32>
          %gather3A_352 = tpu.vector_load_idx %arg12[%add3A_235, %and3A_351] : memref<80x128xf32, #tpu.memory_space<vmem>>[vector<16xi32>, vector<16xi32>], vector<16xf32>,
          %gather3A_353 = tpu.vector_load_idx %arg16[%add3A_235, %and3A_351] : memref<80x128xf32, #tpu.memory_space<vmem>>[vector<16xi32>, vector<16xi32>], vector<16xf32>,
          %mul3A_354 = arith.mulf %gather3A_352, %gather3A_353 : vector<16xf32>
          %add3A_355 = arith.addf %add3A_333, %mul3A_354 : vector<16xf32>
          %add3A_356 = arith.constant 7 : i32
          %add3A_357 = arith.addi %mul3A_280, %add3A_356 : i32
          %broadcast_in_dim3A_358 = vector.broadcast %add3A_357 : i32 to vector<16xi32>
          %add3A_359 = arith.addi %broadcast_in_dim3A_358, %iota3A : vector<16xi32>
          %and3A_360 = arith.constant 127 : i32
          %and3A_361 = vector.broadcast %and3A_360 : i32 to vector<16xi32>
          %and3A_362 = arith.andi %add3A_359, %and3A_361 : vector<16xi32>
          %gather3A_363 = tpu.vector_load_idx %arg12[%add3A_235, %and3A_362] : memref<80x128xf32, #tpu.memory_space<vmem>>[vector<16xi32>, vector<16xi32>], vector<16xf32>,
          %gather3A_364 = tpu.vector_load_idx %arg16[%add3A_235, %and3A_362] : memref<80x128xf32, #tpu.memory_space<vmem>>[vector<16xi32>, vector<16xi32>], vector<16xf32>,
          %mul3A_365 = arith.mulf %gather3A_363, %gather3A_364 : vector<16xf32>
          %add3A_366 = arith.addf %add3A_344, %mul3A_365 : vector<16xf32>
          scf.yield %add3A_355, %add3A_366 : vector<16xf32>, vector<16xf32>
        }
        %scan3A_243 = arith.constant 16 : i32
        %add3A_244 = arith.addf %scan3A_242#0, %scan3A_242#1 : vector<16xf32>
        %mul3A_245 = arith.constant 80 : i32
        %mul3A_246 = arith.muli %add3A_164, %mul3A_245 : i32
        %add3A_247 = arith.constant 48 : i32
        %add3A_248 = arith.addi %mul3A_246, %add3A_247 : i32
        %swap3A_249 = arith.index_cast %add3A_248 : i32 to index
        %swap3A_250 = tpu.vector_load %arg8[%swap3A_249] {strides = array<i32>} : memref<10000xf32, #tpu.memory_space<vmem>>, vector<16xf32>,
        tpu.vector_store %arg8[%swap3A_249], %add3A_244 {strides = array<i32>} : memref<10000xf32, #tpu.memory_space<vmem>>, vector<16xf32>,
        %add3A_251 = arith.constant 64 : i32
        %add3A_252 = vector.broadcast %add3A_251 : i32 to vector<16xi32>
        %add3A_253 = arith.addi %iota3A, %add3A_252 : vector<16xi32>
        %broadcast_in_dim3A_254 = arith.constant 0.000000e+00 : f32
        %broadcast_in_dim3A_255 = vector.broadcast %broadcast_in_dim3A_254 : f32 to vector<16xf32>
        %scan3A_256 = arith.constant 0 : i32
        %scan3A_257 = arith.constant 16 : i32
        %scan3A_258 = arith.addi %scan3A_256, %scan3A_257 : i32
        %scan3A_259 = arith.constant 1 : i32
        %scan3A_260:2 = scf.for %scan3A_276 = %scan3A_256 to %scan3A_258 step %scan3A_259 iter_args(%scan3A_277 = %broadcast_in_dim3A_255, %scan3A_278 = %broadcast_in_dim3A_255) -> (vector<16xf32>, vector<16xf32>)  : i32 {
          %mul3A_279 = arith.constant 8 : i32
          %mul3A_280 = arith.muli %scan3A_276, %mul3A_279 : i32
          %add3A_281 = arith.constant 0 : i32
          %add3A_282 = arith.addi %mul3A_280, %add3A_281 : i32
          %broadcast_in_dim3A_283 = vector.broadcast %add3A_282 : i32 to vector<16xi32>
          %add3A_284 = arith.addi %broadcast_in_dim3A_283, %iota3A : vector<16xi32>
          %and3A = arith.constant 127 : i32
          %and3A_285 = vector.broadcast %and3A : i32 to vector<16xi32>
          %and3A_286 = arith.andi %add3A_284, %and3A_285 : vector<16xi32>
          %gather3A = tpu.vector_load_idx %arg12[%add3A_253, %and3A_286] : memref<80x128xf32, #tpu.memory_space<vmem>>[vector<16xi32>, vector<16xi32>], vector<16xf32>,
          %gather3A_287 = tpu.vector_load_idx %arg16[%add3A_253, %and3A_286] : memref<80x128xf32, #tpu.memory_space<vmem>>[vector<16xi32>, vector<16xi32>], vector<16xf32>,
          %mul3A_288 = arith.mulf %gather3A, %gather3A_287 : vector<16xf32>
          %add3A_289 = arith.addf %scan3A_277, %mul3A_288 : vector<16xf32>
          %add3A_290 = arith.constant 1 : i32
          %add3A_291 = arith.addi %mul3A_280, %add3A_290 : i32
          %broadcast_in_dim3A_292 = vector.broadcast %add3A_291 : i32 to vector<16xi32>
          %add3A_293 = arith.addi %broadcast_in_dim3A_292, %iota3A : vector<16xi32>
          %and3A_294 = arith.constant 127 : i32
          %and3A_295 = vector.broadcast %and3A_294 : i32 to vector<16xi32>
          %and3A_296 = arith.andi %add3A_293, %and3A_295 : vector<16xi32>
          %gather3A_297 = tpu.vector_load_idx %arg12[%add3A_253, %and3A_296] : memref<80x128xf32, #tpu.memory_space<vmem>>[vector<16xi32>, vector<16xi32>], vector<16xf32>,
          %gather3A_298 = tpu.vector_load_idx %arg16[%add3A_253, %and3A_296] : memref<80x128xf32, #tpu.memory_space<vmem>>[vector<16xi32>, vector<16xi32>], vector<16xf32>,
          %mul3A_299 = arith.mulf %gather3A_297, %gather3A_298 : vector<16xf32>
          %add3A_300 = arith.addf %scan3A_278, %mul3A_299 : vector<16xf32>
          %add3A_301 = arith.constant 2 : i32
          %add3A_302 = arith.addi %mul3A_280, %add3A_301 : i32
          %broadcast_in_dim3A_303 = vector.broadcast %add3A_302 : i32 to vector<16xi32>
          %add3A_304 = arith.addi %broadcast_in_dim3A_303, %iota3A : vector<16xi32>
          %and3A_305 = arith.constant 127 : i32
          %and3A_306 = vector.broadcast %and3A_305 : i32 to vector<16xi32>
          %and3A_307 = arith.andi %add3A_304, %and3A_306 : vector<16xi32>
          %gather3A_308 = tpu.vector_load_idx %arg12[%add3A_253, %and3A_307] : memref<80x128xf32, #tpu.memory_space<vmem>>[vector<16xi32>, vector<16xi32>], vector<16xf32>,
          %gather3A_309 = tpu.vector_load_idx %arg16[%add3A_253, %and3A_307] : memref<80x128xf32, #tpu.memory_space<vmem>>[vector<16xi32>, vector<16xi32>], vector<16xf32>,
          %mul3A_310 = arith.mulf %gather3A_308, %gather3A_309 : vector<16xf32>
          %add3A_311 = arith.addf %add3A_289, %mul3A_310 : vector<16xf32>
          %add3A_312 = arith.constant 3 : i32
          %add3A_313 = arith.addi %mul3A_280, %add3A_312 : i32
          %broadcast_in_dim3A_314 = vector.broadcast %add3A_313 : i32 to vector<16xi32>
          %add3A_315 = arith.addi %broadcast_in_dim3A_314, %iota3A : vector<16xi32>
          %and3A_316 = arith.constant 127 : i32
          %and3A_317 = vector.broadcast %and3A_316 : i32 to vector<16xi32>
          %and3A_318 = arith.andi %add3A_315, %and3A_317 : vector<16xi32>
          %gather3A_319 = tpu.vector_load_idx %arg12[%add3A_253, %and3A_318] : memref<80x128xf32, #tpu.memory_space<vmem>>[vector<16xi32>, vector<16xi32>], vector<16xf32>,
          %gather3A_320 = tpu.vector_load_idx %arg16[%add3A_253, %and3A_318] : memref<80x128xf32, #tpu.memory_space<vmem>>[vector<16xi32>, vector<16xi32>], vector<16xf32>,
          %mul3A_321 = arith.mulf %gather3A_319, %gather3A_320 : vector<16xf32>
          %add3A_322 = arith.addf %add3A_300, %mul3A_321 : vector<16xf32>
          %add3A_323 = arith.constant 4 : i32
          %add3A_324 = arith.addi %mul3A_280, %add3A_323 : i32
          %broadcast_in_dim3A_325 = vector.broadcast %add3A_324 : i32 to vector<16xi32>
          %add3A_326 = arith.addi %broadcast_in_dim3A_325, %iota3A : vector<16xi32>
          %and3A_327 = arith.constant 127 : i32
          %and3A_328 = vector.broadcast %and3A_327 : i32 to vector<16xi32>
          %and3A_329 = arith.andi %add3A_326, %and3A_328 : vector<16xi32>
          %gather3A_330 = tpu.vector_load_idx %arg12[%add3A_253, %and3A_329] : memref<80x128xf32, #tpu.memory_space<vmem>>[vector<16xi32>, vector<16xi32>], vector<16xf32>,
          %gather3A_331 = tpu.vector_load_idx %arg16[%add3A_253, %and3A_329] : memref<80x128xf32, #tpu.memory_space<vmem>>[vector<16xi32>, vector<16xi32>], vector<16xf32>,
          %mul3A_332 = arith.mulf %gather3A_330, %gather3A_331 : vector<16xf32>
          %add3A_333 = arith.addf %add3A_311, %mul3A_332 : vector<16xf32>
          %add3A_334 = arith.constant 5 : i32
          %add3A_335 = arith.addi %mul3A_280, %add3A_334 : i32
          %broadcast_in_dim3A_336 = vector.broadcast %add3A_335 : i32 to vector<16xi32>
          %add3A_337 = arith.addi %broadcast_in_dim3A_336, %iota3A : vector<16xi32>
          %and3A_338 = arith.constant 127 : i32
          %and3A_339 = vector.broadcast %and3A_338 : i32 to vector<16xi32>
          %and3A_340 = arith.andi %add3A_337, %and3A_339 : vector<16xi32>
          %gather3A_341 = tpu.vector_load_idx %arg12[%add3A_253, %and3A_340] : memref<80x128xf32, #tpu.memory_space<vmem>>[vector<16xi32>, vector<16xi32>], vector<16xf32>,
          %gather3A_342 = tpu.vector_load_idx %arg16[%add3A_253, %and3A_340] : memref<80x128xf32, #tpu.memory_space<vmem>>[vector<16xi32>, vector<16xi32>], vector<16xf32>,
          %mul3A_343 = arith.mulf %gather3A_341, %gather3A_342 : vector<16xf32>
          %add3A_344 = arith.addf %add3A_322, %mul3A_343 : vector<16xf32>
          %add3A_345 = arith.constant 6 : i32
          %add3A_346 = arith.addi %mul3A_280, %add3A_345 : i32
          %broadcast_in_dim3A_347 = vector.broadcast %add3A_346 : i32 to vector<16xi32>
          %add3A_348 = arith.addi %broadcast_in_dim3A_347, %iota3A : vector<16xi32>
          %and3A_349 = arith.constant 127 : i32
          %and3A_350 = vector.broadcast %and3A_349 : i32 to vector<16xi32>
          %and3A_351 = arith.andi %add3A_348, %and3A_350 : vector<16xi32>
          %gather3A_352 = tpu.vector_load_idx %arg12[%add3A_253, %and3A_351] : memref<80x128xf32, #tpu.memory_space<vmem>>[vector<16xi32>, vector<16xi32>], vector<16xf32>,
          %gather3A_353 = tpu.vector_load_idx %arg16[%add3A_253, %and3A_351] : memref<80x128xf32, #tpu.memory_space<vmem>>[vector<16xi32>, vector<16xi32>], vector<16xf32>,
          %mul3A_354 = arith.mulf %gather3A_352, %gather3A_353 : vector<16xf32>
          %add3A_355 = arith.addf %add3A_333, %mul3A_354 : vector<16xf32>
          %add3A_356 = arith.constant 7 : i32
          %add3A_357 = arith.addi %mul3A_280, %add3A_356 : i32
          %broadcast_in_dim3A_358 = vector.broadcast %add3A_357 : i32 to vector<16xi32>
          %add3A_359 = arith.addi %broadcast_in_dim3A_358, %iota3A : vector<16xi32>
          %and3A_360 = arith.constant 127 : i32
          %and3A_361 = vector.broadcast %and3A_360 : i32 to vector<16xi32>
          %and3A_362 = arith.andi %add3A_359, %and3A_361 : vector<16xi32>
          %gather3A_363 = tpu.vector_load_idx %arg12[%add3A_253, %and3A_362] : memref<80x128xf32, #tpu.memory_space<vmem>>[vector<16xi32>, vector<16xi32>], vector<16xf32>,
          %gather3A_364 = tpu.vector_load_idx %arg16[%add3A_253, %and3A_362] : memref<80x128xf32, #tpu.memory_space<vmem>>[vector<16xi32>, vector<16xi32>], vector<16xf32>,
          %mul3A_365 = arith.mulf %gather3A_363, %gather3A_364 : vector<16xf32>
          %add3A_366 = arith.addf %add3A_344, %mul3A_365 : vector<16xf32>
          scf.yield %add3A_355, %add3A_366 : vector<16xf32>, vector<16xf32>
        }
        %scan3A_261 = arith.constant 16 : i32
        %add3A_262 = arith.addf %scan3A_260#0, %scan3A_260#1 : vector<16xf32>
        %mul3A_263 = arith.constant 80 : i32
        %mul3A_264 = arith.muli %add3A_164, %mul3A_263 : i32
        %add3A_265 = arith.constant 64 : i32
        %add3A_266 = arith.addi %mul3A_264, %add3A_265 : i32
        %swap3A_267 = arith.index_cast %add3A_266 : i32 to index
        %swap3A_268 = tpu.vector_load %arg8[%swap3A_267] {strides = array<i32>} : memref<10000xf32, #tpu.memory_space<vmem>>, vector<16xf32>,
        tpu.vector_store %arg8[%swap3A_267], %add3A_262 {strides = array<i32>} : memref<10000xf32, #tpu.memory_space<vmem>>, vector<16xf32>,
        %add3A_269 = arith.constant 4 : i32
        %add3A_270 = arith.addi %add3A_164, %add3A_269 : i32
        %lt3A_271 = arith.constant 125 : i32
        %lt3A_272 = arith.cmpi slt, %add3A_270, %lt3A_271 : i32
        %convert_element_type3A_273 = arith.extui %lt3A_272 : i1 to i32
        %cond3A_274 = arith.constant 0 : i32
        %cond3A_275 = arith.cmpi ne, %convert_element_type3A_273, %cond3A_274 : i32
        scf.if %cond3A_275 {
          %add3A_276 = arith.constant 4 : i32
          %add3A_277 = arith.addi %add3A_164, %add3A_276 : i32
          %mul3A_278 = arith.constant 80 : i32
          %mul3A_279 = arith.muli %add3A_277, %mul3A_278 : i32
          %add3A_280 = arith.constant 0 : i32
          %add3A_281 = arith.addi %mul3A_279, %add3A_280 : i32
          %dma_start3A_282 = arith.constant 0 : i32
          %dma_start3A_283 = arith.constant 0 : i32
          %dma_start3A_284 = tpu.memref_slice %arg12[%dma_start3A_282, %dma_start3A_283] : memref<80x128xf32, #tpu.memory_space<vmem>> -> memref<40x128xf32, #tpu.memory_space<vmem>>
          %dma_start3A_285 = tpu.memref_slice %arg6[%add3A_281] : memref<10000xi32, #tpu.memory_space<vmem>> -> memref<40xi32, #tpu.memory_space<vmem>>
          %dma_start3A_286 = arith.constant 0 : i32
          %dma_start3A_287 = arith.constant 0 : i32
          %dma_start3A_288 = tpu.memref_slice %arg2[%dma_start3A_286, %dma_start3A_287] : memref<10000x128xf32, #tpu.memory_space<hbm>> -> memref<10000x128xf32, #tpu.memory_space<hbm>>
          tpu.enqueue_indirect_dma source(%dma_start3A_288 : memref<10000x128xf32, #tpu.memory_space<hbm>>) target(%dma_start3A_284 : memref<40x128xf32, #tpu.memory_space<vmem>>) offsets(%dma_start3A_285 : memref<40xi32, #tpu.memory_space<vmem>>) semaphore(%arg23 : memref<!tpu.dma_semaphore, #tpu.memory_space<semaphore_mem>>)
          %mul3A_289 = arith.constant 80 : i32
          %mul3A_290 = arith.muli %add3A_277, %mul3A_289 : i32
          %add3A_291 = arith.constant 0 : i32
          %add3A_292 = arith.addi %mul3A_290, %add3A_291 : i32
          %dma_start3A_293 = arith.constant 0 : i32
          %dma_start3A_294 = arith.constant 0 : i32
          %dma_start3A_295 = tpu.memref_slice %arg16[%dma_start3A_293, %dma_start3A_294] : memref<80x128xf32, #tpu.memory_space<vmem>> -> memref<40x128xf32, #tpu.memory_space<vmem>>
          %dma_start3A_296 = tpu.memref_slice %arg7[%add3A_292] : memref<10000xi32, #tpu.memory_space<vmem>> -> memref<40xi32, #tpu.memory_space<vmem>>
          %dma_start3A_297 = arith.constant 0 : i32
          %dma_start3A_298 = arith.constant 0 : i32
          %dma_start3A_299 = tpu.memref_slice %arg3[%dma_start3A_297, %dma_start3A_298] : memref<10000x128xf32, #tpu.memory_space<hbm>> -> memref<10000x128xf32, #tpu.memory_space<hbm>>
          tpu.enqueue_indirect_dma source(%dma_start3A_299 : memref<10000x128xf32, #tpu.memory_space<hbm>>) target(%dma_start3A_295 : memref<40x128xf32, #tpu.memory_space<vmem>>) offsets(%dma_start3A_296 : memref<40xi32, #tpu.memory_space<vmem>>) semaphore(%arg24 : memref<!tpu.dma_semaphore, #tpu.memory_space<semaphore_mem>>)
          %mul3A_300 = arith.constant 80 : i32
          %mul3A_301 = arith.muli %add3A_277, %mul3A_300 : i32
          %add3A_302 = arith.constant 40 : i32
          %add3A_303 = arith.addi %mul3A_301, %add3A_302 : i32
          %dma_start3A_304 = arith.constant 40 : i32
          %dma_start3A_305 = arith.constant 0 : i32
          %dma_start3A_306 = tpu.memref_slice %arg12[%dma_start3A_304, %dma_start3A_305] : memref<80x128xf32, #tpu.memory_space<vmem>> -> memref<40x128xf32, #tpu.memory_space<vmem>>
          %dma_start3A_307 = tpu.memref_slice %arg6[%add3A_303] : memref<10000xi32, #tpu.memory_space<vmem>> -> memref<40xi32, #tpu.memory_space<vmem>>
          %dma_start3A_308 = arith.constant 0 : i32
          %dma_start3A_309 = arith.constant 0 : i32
          %dma_start3A_310 = tpu.memref_slice %arg2[%dma_start3A_308, %dma_start3A_309] : memref<10000x128xf32, #tpu.memory_space<hbm>> -> memref<10000x128xf32, #tpu.memory_space<hbm>>
          tpu.enqueue_indirect_dma source(%dma_start3A_310 : memref<10000x128xf32, #tpu.memory_space<hbm>>) target(%dma_start3A_306 : memref<40x128xf32, #tpu.memory_space<vmem>>) offsets(%dma_start3A_307 : memref<40xi32, #tpu.memory_space<vmem>>) semaphore(%arg23 : memref<!tpu.dma_semaphore, #tpu.memory_space<semaphore_mem>>)
          %mul3A_311 = arith.constant 80 : i32
          %mul3A_312 = arith.muli %add3A_277, %mul3A_311 : i32
          %add3A_313 = arith.constant 40 : i32
          %add3A_314 = arith.addi %mul3A_312, %add3A_313 : i32
          %dma_start3A_315 = arith.constant 40 : i32
          %dma_start3A_316 = arith.constant 0 : i32
          %dma_start3A_317 = tpu.memref_slice %arg16[%dma_start3A_315, %dma_start3A_316] : memref<80x128xf32, #tpu.memory_space<vmem>> -> memref<40x128xf32, #tpu.memory_space<vmem>>
          %dma_start3A_318 = tpu.memref_slice %arg7[%add3A_314] : memref<10000xi32, #tpu.memory_space<vmem>> -> memref<40xi32, #tpu.memory_space<vmem>>
          %dma_start3A_319 = arith.constant 0 : i32
          %dma_start3A_320 = arith.constant 0 : i32
          %dma_start3A_321 = tpu.memref_slice %arg3[%dma_start3A_319, %dma_start3A_320] : memref<10000x128xf32, #tpu.memory_space<hbm>> -> memref<10000x128xf32, #tpu.memory_space<hbm>>
          tpu.enqueue_indirect_dma source(%dma_start3A_321 : memref<10000x128xf32, #tpu.memory_space<hbm>>) target(%dma_start3A_317 : memref<40x128xf32, #tpu.memory_space<vmem>>) offsets(%dma_start3A_318 : memref<40xi32, #tpu.memory_space<vmem>>) semaphore(%arg24 : memref<!tpu.dma_semaphore, #tpu.memory_space<semaphore_mem>>)
        } else {
        }
      } else {
      }
    }
    %scan3A_135 = arith.constant 32 : i32
    "tpu.region"() ({
      %run_scoped3A_136 = tpu.sem_alloc : memref<!tpu.dma_semaphore, #tpu.memory_space<semaphore_mem>>
      %dma_start3A_137 = tpu.memref_slice %arg5[%mul3A_2] : memref<320000xf32, #tpu.memory_space<hbm>> -> memref<10000xf32, #tpu.memory_space<hbm>>
      %dma_start3A_138 = tpu.memref_slice %arg5[%mul3A_2] : memref<320000xf32, #tpu.memory_space<hbm>> -> memref<10000xf32, #tpu.memory_space<hbm>>
      tpu.enqueue_dma source(%arg8 : memref<10000xf32, #tpu.memory_space<vmem>>) target(%dma_start3A_138 : memref<10000xf32, #tpu.memory_space<hbm>>) target_semaphore(%run_scoped3A_136 : memref<!tpu.dma_semaphore, #tpu.memory_space<semaphore_mem>>)
      %dma_wait3A = tpu.memref_slice %arg5[%mul3A_2] : memref<320000xf32, #tpu.memory_space<hbm>> -> memref<10000xf32, #tpu.memory_space<hbm>>
      %dma_wait3A_139 = tpu.memref_slice %arg5[%mul3A_2] : memref<320000xf32, #tpu.memory_space<hbm>> -> memref<10000xf32, #tpu.memory_space<hbm>>
      tpu.wait_dma2 semaphore(%run_scoped3A_136 : memref<!tpu.dma_semaphore, #tpu.memory_space<semaphore_mem>>) src(%arg8 : memref<10000xf32, #tpu.memory_space<vmem>>) dst(%dma_wait3A_139 : memref<10000xf32, #tpu.memory_space<hbm>>)
      tpu.yield
    }) : () -> ()
    return
  }
}

</mosaic_0001>

<sc_bundles>
// kernel: kernel.3.cloned.1.call-start
scs
__scs_entry_jumppad:
0x0: {  	(pc) =	sbr.rel $0x88, $3  }
0x1: {  	(tag) =	ssettag $0x0;
	lr =	simm.s32 $0x1  }
0x2: {  	[smem:$0x3F9E] =	sst lr;
	_ =	strace $0xD0000000  }
0x3: {  	_ = 	snop  }
0x4: {  	_ = 	snop  }
0x5: {  	_ = 	snop  }
0x6: {  	_ = 	snop  }
0x7: {  	_ = 	snop  }
__scs_overlays_trampoline_lowered:
0x8: {  	[smem:$0x3FAD] =	sst s0  }
0x9: {  	[smem:$0x3FAE] =	sst s1  }
0xa: {  	[smem:$0x3FAF] =	sst s2  }
0xb: {  	[smem:$0x3FB0] =	sst s3  }
0xc: {  	[smem:$0x3FB1] =	sst s4  }
0xd: {  	[smem:$0x3FB2] =	sst s5  }
0xe: {  	[smem:$0x3FB3] =	sst s6  }
0xf: {  	[smem:$0x3FB4] =	sst s7  }
0x10: {  	[smem:$0x3FB5] =	sst s8  }
0x11: {  	[smem:$0x3FB6] =	sst s9;
	s0 =	simm.s32 @!p0 $0x0  }
0x12: {  	s1 =	sld [smem:$0x3F9C];
	s0 =	simm.s32 @p0 $0x1  }
0x13: {  	[smem:$0x3FB7] =	sst s0;
	s0 =	simm.s32 @!p1 $0x0  }
0x14: {  	s2 =	sld [smem:$0x3F9B];
	s0 =	simm.s32 @p1 $0x1  }
0x15: {  	[smem:$0x3FB8] =	sst s0;
	s0 =	simm.s32 @!p2 $0x0  }
0x16: {  	s3 =	sld [smem:$0x3FDB];
	s0 =	simm.s32 @p2 $0x1  }
0x17: {  	s4 =	simm.s32 $0x1BF5;
	[smem:$0x3FBA] =	sst s0  }
0x18: {  	s0 =	sld [smem:$0x3F9D];
	_ =	swait.ge [sflag:s4], $0x0  }
0x19: {  	s7 =	sld [smem:$0x3F9E]  }
0x1a: {  	s8 =	sadd.s32 $0xFFFFE003, lr  }
0x1b: {  	s9 =	sadd.s32 $0xFFFFFEF7, lr;
	s5 =	simm.s32 $0xFFFFFFFF;
	p2 =	slt.u32 s8, $0xFFFFF086  }
0x1c: {  	p1 =	slt.u32 s9, $0xF7A;
	s5 =	simm.s32 @!p2 $0x0  }
0x1d: {  	s5 =	simm.s32 @p1 $0x1;
	p0 =	seq.s32 s7, s2  }
0x1e: {  	s7 =	smul.u32 @!p0 $0xF7A, s2;
	p2 =	seq.s32 @!p0 s5, $0x0  }
0x1f: {  	s9 =	smul.u32 $0xF7A, s1;
	s8 =	simm.s32 @!p0 $0x1BF5;
	p2 =	por !p2, p0  }
0x20: {  	[sflag:s8] =	ssyncset.s32 @!p0 $0xFFFFF086;
	s6 =	sadd.s32 @!p0 s3, s7;
	s7 =	simm.s32 @!p0 $0x108  }
0x21: {  	s3 =	sadd.s32 s3, s9;
	s6 =	sadd.s32 @!p0 $0x88, s6;
	s7 =	simm.s32 @p2 $0x1082  }
0x22: {  	[simem:s7], [sflag:s8] =	dma.local @!p0 [hbm:s6], $0xF7A  }
0x23: {  	s9 =	sor.u32 $0xD0000000, s2;
	s6 =	simm.s32 $0x108;
	_ =	swait.ge @!p0 [sflag:s8], $0x0  }
0x24: {  	s3 =	sadd.s32 $0x88, s3;
	s6 =	simm.s32 @!p1 $0x1082;
	[sflag:s4] =	ssyncset.s32 $0xFFFFF086  }
0x25: {  	[simem:s6], [sflag:s4] =	dma.local [hbm:s3], $0xF7A  }
0x26: {  	[smem:$0x3F9E] =	sst s1;
	(tag) =	ssettag s2;
	_ =	strace s9  }
0x27: {  	s1 =	sld [smem:$0x3FAE]  }
0x28: {  	s2 =	sld [smem:$0x3FAF]  }
0x29: {  	s4 =	sld [smem:$0x3FB1]  }
0x2a: {  	p0 =	seq.s32 s5, $0x0;
	s5 =	sld [smem:$0x3FB2]  }
0x2b: {  	s6 =	sld [smem:$0x3FB3]  }
0x2c: {  	s7 =	sld [smem:$0x3FB4]  }
0x2d: {  	s3 =	simm.s32 $0x108;
	s8 =	sld [smem:$0x3FB5]  }
0x2e: {  	s3 =	simm.s32 @!p0 $0x1082;
	s9 =	sld [smem:$0x3FB6]  }
0x2f: {  	lr =	sadd.s32 s0, s3;
	s0 =	sld [smem:$0x3FAD]  }
0x30: {  	s3 =	sld [smem:$0x3FB0]  }
0x31: {  	[smem:$0x3FB9] =	sst s10  }
0x32: {  	s10 =	sld [smem:$0x3FB7];
	_ =	sdelay $0x3  }
0x33: {  	p0 =	seq.s32 s10, $0x1;
	s10 =	sld [smem:$0x3FB9];
	_ =	sdelay $0x3  }
0x34: {  	[smem:$0x3FB9] =	sst s10  }
0x35: {  	s10 =	sld [smem:$0x3FB8];
	_ =	sdelay $0x3  }
0x36: {  	p1 =	seq.s32 s10, $0x1;
	s10 =	sld [smem:$0x3FB9];
	_ =	sdelay $0x3  }
0x37: {  	[smem:$0x3FB9] =	sst s10  }
0x38: {  	s10 =	sld [smem:$0x3FBA]  }
0x39: {  	_ = 	snop;
	(pc) =	sbr.ind lr, $3  }
0x3a: {  	_ = 	snop  }
0x3b: {  	_ = 	snop  }
0x3c: {  	p2 =	seq.s32 s10, $0x1;
	s10 =	sld [smem:$0x3FB9]  }
0x3d: {  	_ =	shalt  }
0x3e: {  	_ =	shalt  }
0x3f: {  	_ =	shalt  }
0x40: {  	_ =	shalt  }
0x41: {  	_ =	shalt  }
0x42: {  	_ =	shalt  }
0x43: {  	_ =	shalt  }
0x44: {  	_ =	shalt  }
0x45: {  	_ =	shalt  }
0x46: {  	_ =	shalt  }
0x47: {  	_ =	shalt  }
0x48: {  	_ =	shalt  }
0x49: {  	_ =	shalt  }
0x4a: {  	_ =	shalt  }
0x4b: {  	_ =	shalt  }
0x4c: {  	_ =	shalt  }
0x4d: {  	_ =	shalt  }
0x4e: {  	_ =	shalt  }
0x4f: {  	_ =	shalt  }
0x50: {  	_ =	shalt  }
0x51: {  	_ =	shalt  }
0x52: {  	_ =	shalt  }
0x53: {  	_ =	shalt  }
0x54: {  	_ =	shalt  }
0x55: {  	_ =	shalt  }
0x56: {  	_ =	shalt  }
0x57: {  	_ =	shalt  }
0x58: {  	_ =	shalt  }
0x59: {  	_ =	shalt  }
0x5a: {  	_ =	shalt  }
0x5b: {  	_ =	shalt  }
0x5c: {  	_ =	shalt  }
0x5d: {  	_ =	shalt  }
0x5e: {  	_ =	shalt  }
0x5f: {  	_ =	shalt  }
0x60: {  	_ =	shalt  }
0x61: {  	_ =	shalt  }
0x62: {  	_ =	shalt  }
0x63: {  	_ =	shalt  }
0x64: {  	_ =	shalt  }
0x65: {  	_ =	shalt  }
0x66: {  	_ =	shalt  }
0x67: {  	_ =	shalt  }
0x68: {  	_ =	shalt  }
0x69: {  	_ =	shalt  }
0x6a: {  	_ =	shalt  }
0x6b: {  	_ =	shalt  }
0x6c: {  	_ =	shalt  }
0x6d: {  	_ =	shalt  }
0x6e: {  	_ =	shalt  }
0x6f: {  	_ =	shalt  }
0x70: {  	_ =	shalt  }
0x71: {  	_ =	shalt  }
0x72: {  	_ =	shalt  }
0x73: {  	_ =	shalt  }
0x74: {  	_ =	shalt  }
0x75: {  	_ =	shalt  }
0x76: {  	_ =	shalt  }
0x77: {  	_ =	shalt  }
0x78: {  	_ =	shalt  }
0x79: {  	_ =	shalt  }
0x7a: {  	_ =	shalt  }
0x7b: {  	_ =	shalt  }
0x7c: {  	_ =	shalt  }
0x7d: {  	_ =	shalt  }
0x7e: {  	_ =	shalt  }
0x7f: {  	_ =	shalt  }
0x80: {  	_ =	shalt  }
0x81: {  	_ =	shalt  }
0x82: {  	_ =	shalt  }
0x83: {  	_ =	shalt  }
0x84: {  	_ =	shalt  }
0x85: {  	_ =	shalt  }
0x86: {  	_ =	shalt  }
0x87: {  	_ =	shalt  }
.Lfunc_end0:
.L_simem_size_0:
called_computation_lowered:
.L_overlay_start_0:
0x88: {  	s2 =	sld [smem:$0x3FD9]  }
0x89: {  	s3 =	sld [smem:$0x3FFE];
	_ =	sdelay $0x1  }
0x8a: {  	s1 =	srdreg.scid  }
0x8b: {  	s0 =	sand.u32 $0x1, s1  }
0x8c: {  	s17 =	sshll.u32 s0, $0xA;
	s2 =	sadd.s32 s3, s2  }
0x8d: {  	s2 =	sadd.s32 s2, s17  }
0x8e: {  	[smem:$0x3FC5] =	sst s2  }
0x8f: {  	_ = 	snop  }
0x90: {  	s2 =	sld [smem:$0x3FC9]  }
0x91: {  	s18 =	sld [smem:$0x3FC8]  }
0x92: {  	s4 =	sld [smem:$0x3FD0];
	(tm) =	ssettm $0x1  }
0x93: {  	s5 =	sld [smem:$0x3FFB];
	_ =	sdelay $0x3  }
0x94: {  	_ =	strace s5  }
0x95: {  	s5 =	sld [smem:$0x3FFC];
	_ =	sdelay $0x3  }
0x96: {  	_ =	strace s5  }
0x97: {  	s5 =	sld [smem:$0x3FFD];
	_ =	sdelay $0x3  }
0x98: {  	_ =	strace s5  }
0x99: {  	_ =	strace $0x8FFFFFFF  }
0x9a: {  	s19 =	sld [smem:$0x3FDB];
	_ =	sdelay $0x1  }
0x9b: {  	s6 =	simm.s32 $_scs_section_size  }
0x9c: {  	s7 =	simm.s32 $_size__tile_overlayer_lowered;
	s8 =	simm.s32 $_tile_overlayer_lowered  }
0x9d: {  	s22 =	simm.s32 $0x1BFF;
	s21 =	sshll.u32 s8, $0x1;
	s5 =	sadd.s32 s6, s19  }
0x9e: {  	s9 =	simm.s32 $0x0;
	s20 =	sshll.u32 s7, $0x1;
	s7 =	sadd.s32 s21, s5  }
0x9f: {  	[timem:s9], [sflag:s22] =	dma.local [hbm:s7], s20  }
0xa0: {  	_ =	swait.ge [sflag:s22], s20  }
0xa1: {  	s6 =	ssub.s32 $0x0, s20;
	[sflag:s22] =	ssyncset.done $0x0  }
0xa2: {  	[sflag:s22] =	ssyncadd.s32 s6;
	_ =	sdelay $0x1  }
0xa3: {  	s23 =	simm.s32 $0x1B8B  }
0xa4: {  	_ =	swait.ge [sflag:s23], $0x1  }
0xa5: {  	[sflag:s23] =	ssyncset.done $0x0  }
0xa6: {  	s25 =	simm.s32 $0x1B8E;
	s24 =	sld [smem:$0x3FFE];
	[sflag:s23] =	ssyncadd.s32 $0xFFFFFFFF  }
0xa7: {  	s26 =	simm.s32 $execute0_lowered;
	[smem:$0x3FD2] =	sst s25  }
0xa8: {  	s7 =	sshll.u32 s26, $0x1;
	_ =	strace $0x80000046;
	[dreg:$0x1] =	wrdreg $0xFFFFFFFF  }
0xa9: {  	s28 =	simm.s32 $_size_execute0_lowered;
	s5 =	sadd.s32 s5, s7;
	[dreg:$0x0] =	wrdreg $0x0  }
0xaa: {  	s7 =	sshll.u32 s28, $0x1;
	[dreg:$0x2] =	wrdreg s5  }
0xab: {  	[dreg:$0x3] =	wrdreg s7  }
0xac: {  	[dreg:$0x4] =	wrdreg $0xC0  }
0xad: {  	_ =	task [dreg:s9], $0x5FFFF  }
0xae: {  	[dreg:$0x1] =	wrdreg $0xFFFFFFFF  }
0xaf: {  	[dreg:$0x0] =	wrdreg $0x60  }
0xb0: {  	[dreg:$0x2] =	wrdreg s2  }
0xb1: {  	[dreg:$0x3] =	wrdreg s18  }
0xb2: {  	[dreg:$0x4] =	wrdreg s24  }
0xb3: {  	[dreg:$0x5] =	wrdreg s4  }
0xb4: {  	[dreg:$0x6] =	wrdreg $0x9  }
0xb5: {  	_ =	task.clear_ibuf [dreg:s9], $0x7FFFF;
	_ =	strace $0x90000046  }
0xb6: {  	s29 =	simm.s32 $0x9;
	_ =	strace $0x80000048  }
0xb7: {  	_ =	swait.ge [sflag:s29], $0x1  }
0xb8: {  	[sflag:s29] =	ssyncadd.s32 $0xFFFFFFFF  }
0xb9: {  	_ =	strace $0x90000048  }
0xba: {  	_ =	sfence  }
0xbb: {  	s30 =	sld [smem:$0x0];
	_ =	sdelay $0x2  }
0xbc: {  	s31 =	sshll.u32 s1, $0xD;
	s1 =	sshrl.u32 s1, $0x2  }
0xbd: {  	s3 =	sand.u32 $0x4000, s31;
	s1 =	sadd.s32 s1, s30  }
0xbe: {  	s0 =	sor.u32 s3, s0;
	s1 =	sshll.u32 s1, $0x11  }
0xbf: {  	s0 =	sor.u32 s1, s0  }
0xc0: {  	s0 =	sadd.s32 $0x8F2B, s0  }
0xc1: {  	[sflag:s0] =	ssyncadd.remote.s32 $0x1  }
0xc2: {  	_ =	sfence.sel $0xFFFF  }
0xc3: {  	[dreg:$0x0] =	wrdreg $0xFFFFFFFF;
	(pc) =	sbr.abs _section_cstart, $3  }
0xc4: {  	[dreg:$0x1] =	wrdreg $0xFFFFFFFF  }
0xc5: {  	_ =	task.clear_ibuf [dreg:s9], $0x2FFFF;
	_ =	strace $0x9FFFFFFF  }
0xc6: {  	(tm) =	ssettm $0x7FFFFFFF  }
0xc7: {  	_ =	shalt  }
tec
execute0_lowered:
.L_overlay_start_1:
0x0: {  	(tag) =	ssettag $0x1  }
0x1: {  	v0 =	vimm.s32 $0x787;
	vm14 =	vcmask $0x300  }
0x2: {  	vm13 =	vcmask $0x704;
	v1 =	vimm.s32 $0xF87;
	vm12 =	vcmask $0xB08  }
0x3: {  	vm11 =	vcmask $0xF0C;
	vm10 =	vcmask $0x1310;
	vm9 =	vcmask $0x1714  }
0x4: {  	vm7 =	vcmask $0x1B18;
	vm8 =	vcmask $0x1F1C;
	vm6 =	vcmask $0x2320  }
0x5: {  	vm5 =	vcmask $0x2724;
	vm3 =	vcmask $0x2B28;
	vm2 =	vcmask $0x2F2C  }
0x6: {  	vm0 =	vcmask $0x3330;
	vm1 =	vcmask $0x3734;
	vm4 =	vcmask $0x3B38  }
0x7: {  	v5 =	vimm.s32 $0x1787;
	v6 =	vimm.s32 $0x1F87;
	v7 =	vimm.s32 $0x2787  }
0x8: {  	v0 =	vsel vm14, $0x0, v0;
	v1 =	vsel vm14, $0x800, v1;
	v5 =	vsel vm14, $0x1000, v5  }
0x9: {  	v6 =	vsel vm14, $0x1800, v6;
	v7 =	vsel vm14, $0x2000, v7;
	v0 =	vsel vm13, $0x81, v0  }
0xa: {  	v1 =	vsel vm13, $0x881, v1;
	v5 =	vsel vm13, $0x1081, v5;
	v6 =	vsel vm13, $0x1881, v6  }
0xb: {  	v7 =	vsel vm13, $0x2081, v7;
	v0 =	vsel vm12, $0x102, v0;
	v1 =	vsel vm12, $0x902, v1  }
0xc: {  	v5 =	vsel vm12, $0x1102, v5;
	v6 =	vsel vm12, $0x1902, v6;
	v7 =	vsel vm12, $0x2102, v7  }
0xd: {  	v0 =	vsel vm11, $0x183, v0;
	v1 =	vsel vm11, $0x983, v1;
	v5 =	vsel vm11, $0x1183, v5  }
0xe: {  	v6 =	vsel vm11, $0x1983, v6;
	v7 =	vsel vm11, $0x2183, v7;
	v0 =	vsel vm10, $0x204, v0  }
0xf: {  	v1 =	vsel vm10, $0xA04, v1;
	v5 =	vsel vm10, $0x1204, v5;
	v6 =	vsel vm10, $0x1A04, v6  }
0x10: {  	v7 =	vsel vm10, $0x2204, v7;
	v0 =	vsel vm9, $0x285, v0;
	v1 =	vsel vm9, $0xA85, v1  }
0x11: {  	v5 =	vsel vm9, $0x1285, v5;
	v6 =	vsel vm9, $0x1A85, v6;
	v7 =	vsel vm9, $0x2285, v7  }
0x12: {  	s0 =	rddreg [dreg:$0x0];
	v0 =	vsel vm7, $0x306, v0;
	v1 =	vsel vm7, $0xB06, v1;
	v5 =	vsel vm7, $0x1306, v5  }
0x13: {  	s1 =	srdreg.scid;
	s2 =	rddreg [dreg:$0x1];
	v6 =	vsel vm7, $0x1B06, v6;
	v7 =	vsel vm7, $0x2306, v7;
	v0 =	vsel vm8, $0x387, v0  }
0x14: {  	s3 =	stileid.u32;
	s5 =	rddreg [dreg:$0x2];
	v1 =	vsel vm8, $0xB87, v1;
	v5 =	vsel vm8, $0x1387, v5;
	v6 =	vsel vm8, $0x1B87, v6  }
0x15: {  	s6 =	rddreg [dreg:$0x3];
	s4 =	simm.s32 $0x0;
	s9 =	simm.s32 $0x9;
	v7 =	vsel vm8, $0x2387, v7;
	v0 =	vsel vm6, $0x400, v0;
	v1 =	vsel vm6, $0xC00, v1  }
0x16: {  	s11 =	simm.s32 $0x28;
	s12 =	simm.s32 $0x7530;
	s13 =	simm.s32 $0x11530;
	v5 =	vsel vm6, $0x1400, v5;
	v6 =	vsel vm6, $0x1C00, v6;
	v7 =	vsel vm6, $0x2400, v7  }
0x17: {  	s14 =	simm.s32 $0x8930;
	s16 =	simm.s32 $0x12930;
	s18 =	simm.s32 $0x9D30;
	v0 =	vsel vm5, $0x481, v0;
	v1 =	vsel vm5, $0xC81, v1;
	v5 =	vsel vm5, $0x1481, v5  }
0x18: {  	s20 =	simm.s32 $0x13D30;
	s26 =	simm.s32 $0xC530;
	s29 =	simm.s32 $0x16530;
	v6 =	vsel vm5, $0x1C81, v6;
	v7 =	vsel vm5, $0x2481, v7;
	v0 =	vsel vm3, $0x502, v0  }
0x19: {  	s17 =	simm.s32 $0xED30;
	s21 =	simm.s32 $0x18D30;
	s28 =	simm.s32 $0x1;
	v1 =	vsel vm3, $0xD02, v1;
	v5 =	vsel vm3, $0x1502, v5;
	v6 =	vsel vm3, $0x1D02, v6  }
0x1a: {  	s30 =	simm.s32 $0x2;
	s1 =	sand.u32 $0x1, s1;
	s3 =	sshll.u32 s3, $0x1;
	v7 =	vsel vm3, $0x2502, v7;
	v0 =	vsel vm2, $0x583, v0;
	v1 =	vsel vm2, $0xD83, v1  }
0x1b: {  	s15 =	simm.s32 $0x5;
	s3 =	sor.u32 s1, s3;
	s1 =	ssub.s32 $0x2, s1;
	v5 =	vsel vm2, $0x1583, v5;
	v6 =	vsel vm2, $0x1D83, v6;
	v7 =	vsel vm2, $0x2583, v7  }
0x1c: {  	[smem:$0x7FF] =	sst s4;
	s3 =	smul.u32 $0x2710, s3;
	s7 =	sshrl.u32 s1, $0x1;
	v2 =	vsel vm0, $0x604, v0;
	v0 =	vlaneseq.u32;
	v3 =	vsel vm0, $0xE04, v1  }
0x1d: {  	s19 =	simm.s32 $0x6;
	_ =	strace $0x80000047;
	s1 =	ssub.s32 s1, s7;
	v5 =	vsel vm0, $0x1604, v5;
	v6 =	vsel vm0, $0x1E04, v6;
	v9 =	vsel vm0, $0x2604, v7  }
.Ltmp0:
0x1e: {  	s3 =	sshrl.u32 s3, $0x3;
	s1 =	smax.u32 s1, $0x1;
	v2 =	vsel vm1, $0x685, v2;
	v1 =	vmul.u32 $0x80, v0;
	v3 =	vsel vm1, $0xE85, v3;
	(pc) =	sbr.rel .LBB2_1-.Ltmp0, $4  }
0x1f: {  	s5 =	sadd.s32 s3, s5;
	s3 =	sadd.s32 s6, s3;
	[dreg:$0x8] =	wrdreg s1;
	v5 =	vsel vm1, $0x1685, v5;
	v8 =	vsel vm1, $0x1E85, v6;
	v9 =	vsel vm1, $0x2685, v9  }
0x20: {  	s22 =	simm.s32 $0x8;
	s31 =	sadd.s32 $0x400, s5;
	[dreg:$0x7] =	wrdreg s3;
	v2 =	vsel vm4, $0x706, v2;
	v3 =	vsel vm4, $0xF06, v3;
	v5 =	vsel vm4, $0x1706, v5  }
0x21: {  	s23 =	simm.s32 $0x0;
	s5 =	sadd.s32 $0xA040, s5;
	[dreg:$0x5] =	wrdreg s31;
	v7 =	vsel vm4, $0x1F06, v8;
	v9 =	vsel vm4, $0x2706, v9;
	v4 =	vor.u32 $0x800, v1  }
0x22: {  	s1 =	simm.s32 $0x4;
	s3 =	simm.s32 $0x3;
	[dreg:$0x6] =	wrdreg s5;
	v6 =	vor.u32 $0x1000, v1;
	v8 =	vor.u32 $0x1800, v1;
	v10 =	vor.u32 $0x2000, v1  }
.LBB2_50:
0x23: {  	s4 =	simm.s32 $0x0;
	s5 =	rddreg [dreg:$0x7];
	s6 =	simm.s32 $0x4E20  }
0x24: {  	[hbm4b:s5+s4] =	stream.linear.scatter [tilespmem:s6], [sflag:$0x9], $0x2710, $0x38;
	[tilespmem:$0x1B530] =	vst v63  }
0x25: {  	_ =	swait.ge [sflag:s9], $0x2710  }
0x26: {  	s23 =	sadd.s32 $0x1, s23;
	s31 =	rddreg [dreg:$0x8]  }
0x27: {  	p0 =	sne.s32 s23, s31  }
.Ltmp1:
0x28: {  	_ = 	snop;
	(pc) =	sbr.rel @!p0 .LBB2_51-.Ltmp1, $3  }
0x29: {  	_ =	sdelay $0x1  }
0x2a: {  	[sflag:s9] =	ssyncset.done $0x0  }
0x2b: {  	[sflag:s9] =	ssyncadd.s32 $0xFFFFD8F0  }
.LBB2_1:
0x2c: {  	s5 =	rddreg [dreg:$0x5]  }
0x2d: {  	[tilespmem:s4], [sflag:$0x9] =	stream.linear.gather [hbm4b:s5+s4], $0x2710, $0x38;
	[tilespmem:$0x1B530] =	vst v63  }
0x2e: {  	_ =	swait.ge [sflag:s9], $0x2710  }
0x2f: {  	[sflag:s9] =	ssyncset.done $0x0  }
0x30: {  	s6 =	simm.s32 $0x2710;
	s10 =	rddreg [dreg:$0x6];
	[sflag:s9] =	ssyncadd.s32 $0xFFFFD8F0  }
0x31: {  	[tilespmem:s6], [sflag:$0x9] =	stream.linear.gather [hbm4b:s10+s4], $0x2710, $0x38;
	[tilespmem:$0x1B530] =	vst v63  }
0x32: {  	_ =	swait.ge [sflag:s9], $0x2710  }
0x33: {  	[sflag:s9] =	ssyncset.done $0x0  }
0x34: {  	[sflag:s9] =	ssyncadd.s32 $0xFFFFD8F0  }
0x35: {  	[tilespmem:s12], [sflag:$0x1] =	stream.indirect.gather [hbm4b:s0+s11], $0x80, s4, s11, $0xb8;
	[tilespmem:$0x1B530] =	vst v63  }
0x36: {  	_ = 	snop  }
0x37: {  	[tilespmem:s13], [sflag:$0x2] =	stream.indirect.gather [hbm4b:s2+s11], $0x80, s6, s11, $0xb8;
	[tilespmem:$0x1B530] =	vst v63  }
0x38: {  	_ = 	snop  }
0x39: {  	[tilespmem:s14], [sflag:$0x1] =	stream.indirect.gather [hbm4b:s0+s11], $0x80, s11, s11, $0xb8;
	[tilespmem:$0x1B530] =	vst v63  }
0x3a: {  	s24 =	simm.s32 $0x2738  }
0x3b: {  	[tilespmem:s16], [sflag:$0x2] =	stream.indirect.gather [hbm4b:s2+s11], $0x80, s24, s11, $0xb8;
	[tilespmem:$0x1B530] =	vst v63  }
0x3c: {  	s25 =	simm.s32 $0x50  }
0x3d: {  	[tilespmem:s18], [sflag:$0x3] =	stream.indirect.gather [hbm4b:s0+s11], $0x80, s25, s11, $0xb8;
	[tilespmem:$0x1B530] =	vst v63  }
0x3e: {  	s31 =	simm.s32 $0x2760  }
0x3f: {  	[tilespmem:s20], [sflag:$0x4] =	stream.indirect.gather [hbm4b:s2+s11], $0x80, s31, s11, $0xb8;
	[tilespmem:$0x1B530] =	vst v63  }
0x40: {  	s5 =	simm.s32 $0x78;
	s6 =	simm.s32 $0xB130  }
0x41: {  	[tilespmem:s6], [sflag:$0x3] =	stream.indirect.gather [hbm4b:s0+s11], $0x80, s5, s11, $0xb8;
	[tilespmem:$0x1B530] =	vst v63  }
0x42: {  	s7 =	simm.s32 $0x2788;
	s8 =	simm.s32 $0x15130  }
0x43: {  	[tilespmem:s8], [sflag:$0x4] =	stream.indirect.gather [hbm4b:s2+s11], $0x80, s7, s11, $0xb8;
	[tilespmem:$0x1B530] =	vst v63  }
0x44: {  	s10 =	simm.s32 $0xA0  }
0x45: {  	[tilespmem:s26], [sflag:$0x5] =	stream.indirect.gather [hbm4b:s0+s11], $0x80, s10, s11, $0xb8;
	[tilespmem:$0x1B530] =	vst v63  }
0x46: {  	s24 =	simm.s32 $0x27B0  }
0x47: {  	[tilespmem:s29], [sflag:$0x6] =	stream.indirect.gather [hbm4b:s2+s11], $0x80, s24, s11, $0xb8;
	[tilespmem:$0x1B530] =	vst v63  }
0x48: {  	s25 =	simm.s32 $0xC8;
	s31 =	simm.s32 $0xD930  }
0x49: {  	[tilespmem:s31], [sflag:$0x5] =	stream.indirect.gather [hbm4b:s0+s11], $0x80, s25, s11, $0xb8;
	[tilespmem:$0x1B530] =	vst v63  }
0x4a: {  	s5 =	simm.s32 $0x27D8;
	s6 =	simm.s32 $0x17930  }
0x4b: {  	[tilespmem:s6], [sflag:$0x6] =	stream.indirect.gather [hbm4b:s2+s11], $0x80, s5, s11, $0xb8;
	[tilespmem:$0x1B530] =	vst v63  }
0x4c: {  	s7 =	simm.s32 $0xF0  }
0x4d: {  	[tilespmem:s17], [sflag:$0x7] =	stream.indirect.gather [hbm4b:s0+s11], $0x80, s7, s11, $0xb8;
	[tilespmem:$0x1B530] =	vst v63  }
0x4e: {  	s8 =	simm.s32 $0x2800  }
0x4f: {  	[tilespmem:s21], [sflag:$0x8] =	stream.indirect.gather [hbm4b:s2+s11], $0x80, s8, s11, $0xb8;
	[tilespmem:$0x1B530] =	vst v63  }
.Ltmp2:
0x50: {  	_ = 	snop;
	(pc) =	sbr.rel .LBB2_2-.Ltmp2, $4  }
0x51: {  	s10 =	simm.s32 $0x118;
	s24 =	simm.s32 $0x10130  }
0x52: {  	[tilespmem:s24], [sflag:$0x7] =	stream.indirect.gather [hbm4b:s0+s11], $0x80, s10, s11, $0xb8;
	[tilespmem:$0x1B530] =	vst v63  }
0x53: {  	s25 =	simm.s32 $0x2828;
	s31 =	simm.s32 $0x1A130;
	s24 =	simm.s32 $0x0  }
0x54: {  	[tilespmem:s31], [sflag:$0x8] =	stream.indirect.gather [hbm4b:s2+s11], $0x80, s25, s11, $0xb8;
	[tilespmem:$0x1B530] =	vst v63  }
.LBB2_49:
0x55: {  	s24 =	sadd.s32 $0x1, s24  }
0x56: {  	p0 =	sne.s32 s24, $0x20  }
.Ltmp3:
0x57: {  	_ = 	snop;
	(pc) =	sbr.rel @!p0 .LBB2_50-.Ltmp3, $1  }
0x58: {  	_ =	sdelay $0x3  }
.LBB2_2:
0x59: {  	s5 =	simm.s32 $0x7  }
0x5a: {  	v11 =	vadd.s32 s5, v0  }
0x5b: {  	_ =	swait.ge [sflag:s28], $0x2800;
	s8 =	simm.s32 $0x5;
	v11 =	vand.u32 $0x7F, v11  }
0x5c: {  	[sflag:s28] =	ssyncset.done $0x0;
	v12 =	vadd.s32 s8, v0;
	v13 =	vor.u32 v1, v11  }
0x5d: {  	s10 =	simm.s32 $0x3;
	[sflag:s28] =	ssyncadd.s32 $0xFFFFD800;
	v11 =	vand.u32 $0x7F, v12  }
0x5e: {  	_ =	swait.ge [sflag:s30], $0x2800;
	v12 =	vadd.s32 s10, v0;
	v15 =	vor.u32 v1, v11  }
0x5f: {  	s25 =	simm.s32 $0x1;
	[sflag:s30] =	ssyncset.done $0x0;
	v11 =	vand.u32 $0x7F, v12  }
0x60: {  	v12 =	vadd.s32 s25, v0;
	[sflag:s30] =	ssyncadd.s32 $0xFFFFD800;
	v16 =	vor.u32 v1, v11  }
0x61: {  	s31 =	simm.s32 $0x0;
	v12 =	vand.u32 $0x7F, v12;
	v11 =	vld.idx.msk [tilespmem:v13+s12+$0x0], $0xffff  }
0x62: {  	v17 =	vor.u32 v1, v12;
	v12 =	vadd.s32 s31, v0;
	v14 =	vld.idx.msk [tilespmem:v13+s13+$0x0], $0xffff  }
0x63: {  	s4 =	simm.s32 $0x2;
	v13 =	vand.u32 $0x78, v12;
	v12 =	vld.idx.msk [tilespmem:v15+s12+$0x0], $0xffff  }
0x64: {  	v18 =	vadd.s32 s4, v0;
	v19 =	vor.u32 v2, v13;
	v13 =	vld.idx.msk [tilespmem:v15+s13+$0x0], $0xffff  }
0x65: {  	s6 =	simm.s32 $0x4;
	v15 =	vand.u32 $0x7F, v18;
	v24 =	vld.idx.msk [tilespmem:v16+s12+$0x0], $0xffff  }
0x66: {  	v18 =	vadd.s32 s6, v0;
	v15 =	vor.u32 v1, v15;
	v25 =	vld.idx.msk [tilespmem:v16+s13+$0x0], $0xffff  }
0x67: {  	s7 =	simm.s32 $0x6;
	v18 =	vand.u32 $0x7F, v18;
	v16 =	vld.idx.msk [tilespmem:v17+s12+$0x0], $0xffff  }
0x68: {  	v20 =	vadd.s32 s7, v0;
	s10 =	simm.s32 $0xF;
	v21 =	vld.idx.msk [tilespmem:v17+s13+$0x0], $0xffff;
	v18 =	vor.u32 v1, v18  }
0x69: {  	v17 =	vand.u32 $0x7F, v20;
	v20 =	vadd.s32 s10, v0;
	v26 =	vld.idx.msk [tilespmem:v19+s12+$0x0], $0xffff  }
0x6a: {  	v28 =	vor.u32 v1, v17;
	v17 =	vand.u32 $0x7F, v20;
	v27 =	vld.idx.msk [tilespmem:v19+s13+$0x0], $0xffff  }
0x6b: {  	s8 =	simm.s32 $0xD;
	v32 =	vor.u32 v1, v17;
	v30 =	vld.idx.msk [tilespmem:v15+s12+$0x0], $0xffff  }
0x6c: {  	s25 =	simm.s32 $0xB;
	v33 =	vld.idx.msk [tilespmem:v15+s13+$0x0], $0xffff;
	v15 =	vadd.s32 s8, v0  }
0x6d: {  	v31 =	vimm.f32 $0.0e+00;
	s6 =	simm.s32 $0x9;
	v20 =	vadd.s32 s25, v0;
	v17 =	vld.idx.msk [tilespmem:v18+s12+$0x0], $0xffff;
	v15 =	vand.u32 $0x7F, v15  }
0x6e: {  	s25 =	simm.s32 $0x8;
	v22 =	vand.u32 $0x7F, v20;
	v19 =	vadd.s32 s6, v0;
	v20 =	vld.idx.msk [tilespmem:v18+s13+$0x0], $0xffff;
	v23 =	vor.u32 v1, v15  }
0x6f: {  	v22 =	vor.u32 v1, v22;
	v19 =	vand.u32 $0x7F, v19;
	v18 =	vld.idx.msk [tilespmem:v28+s12+$0x0], $0xffff;
	v15 =	vadd.s32 s25, v0  }
0x70: {  	s31 =	simm.s32 $0xA;
	v29 =	vand.u32 $0x78, v15;
	v15 =	vld.idx.msk [tilespmem:v32+s13+$0x0], $0xffff;
	v26 =	vmul.f32 v27, v26;
	v27 =	vmul.f32 v21, v16  }
0x71: {  	v24 =	vmul.f32 v25, v24;
	v19 =	vor.u32 v1, v19;
	v21 =	vld.idx.msk [tilespmem:v28+s13+$0x0], $0xffff;
	v28 =	vadd.s32 s31, v0  }
0x72: {  	s5 =	simm.s32 $0x17;
	v16 =	vld.idx.msk [tilespmem:v32+s12+$0x0], $0xffff;
	v26 =	vadd.f32 v26, v31;
	v25 =	vadd.f32 v27, v31;
	v27 =	vmul.f32 v33, v30  }
.LBB2_3:
0x73: {  	p0 =	sne.s32 s5, $0x7F;
	v29 =	vor.u32 v2, v29;
	v28 =	vand.u32 $0x7F, v28;
	v30 =	vmul.f32 v13, v12;
	v12 =	vld.idx.msk [tilespmem:v23+s12+$0x0], $0xffff  }
0x74: {  	s6 =	sadd.s32 $0xFFFFFFFD, s10;
	v17 =	vmul.f32 v20, v17;
	v13 =	vld.idx.msk [tilespmem:v23+s13+$0x0], $0xffff;
	v23 =	vadd.f32 v27, v26;
	v24 =	vadd.f32 v24, v25  }
0x75: {  	v14 =	vmul.f32 v14, v11;
	v20 =	vor.u32 v1, v28;
	v26 =	vadd.s32 s6, v0;
	v25 =	vld.idx.msk [tilespmem:v22+s12+$0x0], $0xffff  }
0x76: {  	s6 =	sadd.s32 $0xFFFFFFFF, s10;
	s10 =	smov.u32 s5;
	v18 =	vmul.f32 v21, v18;
	v27 =	vld.idx.msk [tilespmem:v22+s13+$0x0], $0xffff;
	v17 =	vadd.f32 v17, v23;
	v22 =	vadd.f32 v30, v24  }
0x77: {  	v23 =	vand.u32 $0x7F, v26;
	v24 =	vadd.s32 s6, v0;
	v11 =	vmov v16;
	v21 =	vld.idx.msk [tilespmem:v19+s12+$0x0], $0xffff  }
0x78: {  	v16 =	vld.idx.msk [tilespmem:v19+s13+$0x0], $0xffff;
	v19 =	vor.u32 v1, v23;
	v26 =	vadd.f32 v18, v17;
	v30 =	vadd.f32 v14, v22  }
0x79: {  	v17 =	vand.u32 $0x7F, v24;
	v14 =	vmov v15;
	v28 =	vld.idx.msk [tilespmem:v29+s12+$0x0], $0xffff  }
0x7a: {  	v15 =	vadd.s32 s5, v0;
	v24 =	vld.idx.msk [tilespmem:v29+s13+$0x0], $0xffff;
	v29 =	vor.u32 v1, v17  }
0x7b: {  	s6 =	sadd.s32 $0xFFFFFFFE, s5;
	v15 =	vand.u32 $0x7F, v15;
	v31 =	vld.idx.msk [tilespmem:v20+s12+$0x0], $0xffff  }
0x7c: {  	s25 =	sadd.s32 $0xFFFFFFFA, s5;
	s31 =	sadd.s32 $0xFFFFFFFC, s5;
	v17 =	vadd.s32 s6, v0;
	v15 =	vor.u32 v1, v15;
	v32 =	vld.idx.msk [tilespmem:v20+s13+$0x0], $0xffff  }
0x7d: {  	v18 =	vadd.s32 s25, v0;
	v22 =	vand.u32 $0x7F, v17;
	v20 =	vadd.s32 s31, v0;
	v17 =	vld.idx.msk [tilespmem:v19+s12+$0x0], $0xffff  }
.Ltmp4:
0x7e: {  	v18 =	vand.u32 $0x7F, v18;
	v23 =	vor.u32 v1, v22;
	v33 =	vand.u32 $0x7F, v20;
	v20 =	vld.idx.msk [tilespmem:v19+s13+$0x0], $0xffff;
	(pc) =	sbr.rel @p0 .LBB2_3-.Ltmp4, $4  }
0x7f: {  	s6 =	sadd.s32 $0xFFFFFFF9, s5;
	v19 =	vor.u32 v1, v18;
	v22 =	vor.u32 v1, v33;
	v18 =	vld.idx.msk [tilespmem:v29+s12+$0x0], $0xffff  }
0x80: {  	v35 =	vmul.f32 v16, v21;
	v33 =	vadd.s32 s6, v0;
	s6 =	sadd.s32 $0xFFFFFFFB, s5;
	v34 =	vmul.f32 v24, v28;
	v21 =	vld.idx.msk [tilespmem:v29+s13+$0x0], $0xffff  }
0x81: {  	v28 =	vadd.s32 s6, v0;
	v24 =	vmul.f32 v27, v25;
	v29 =	vand.u32 $0x78, v33;
	v16 =	vld.idx.msk [tilespmem:v15+s12+$0x0], $0xffff  }
0x82: {  	s5 =	sadd.s32 $0x8, s5;
	v25 =	vadd.f32 v35, v30;
	v26 =	vadd.f32 v34, v26;
	v27 =	vmul.f32 v32, v31;
	v15 =	vld.idx.msk [tilespmem:v15+s13+$0x0], $0xffff  }
0x83: {  	_ =	sdelay $0x3  }
0x84: {  	v30 =	vld.idx.msk [tilespmem:v23+s12+$0x0], $0xffff  }
0x85: {  	v29 =	vor.u32 v2, v29;
	v23 =	vld.idx.msk [tilespmem:v23+s13+$0x0], $0xffff  }
0x86: {  	v28 =	vand.u32 $0x7F, v28;
	s5 =	sadd.s32 $0xFFFFFFFD, s10;
	v31 =	vld.idx.msk [tilespmem:v22+s12+$0x0], $0xffff  }
0x87: {  	v22 =	vld.idx.msk [tilespmem:v22+s13+$0x0], $0xffff;
	v28 =	vor.u32 v1, v28;
	v32 =	vadd.s32 s5, v0  }
0x88: {  	s31 =	sadd.s32 $0xFFFFFFFF, s10;
	v33 =	vld.idx.msk [tilespmem:v19+s12+$0x0], $0xffff;
	v32 =	vand.u32 $0x7F, v32  }
0x89: {  	v19 =	vld.idx.msk [tilespmem:v19+s13+$0x0], $0xffff;
	v34 =	vadd.s32 s31, v0;
	v32 =	vor.u32 v1, v32  }
0x8a: {  	v34 =	vand.u32 $0x7F, v34;
	v35 =	vld.idx.msk [tilespmem:v29+s12+$0x0], $0xffff  }
0x8b: {  	v34 =	vor.u32 v1, v34;
	v29 =	vld.idx.msk [tilespmem:v29+s13+$0x0], $0xffff  }
0x8c: {  	v17 =	vmul.f32 v20, v17;
	v26 =	vadd.f32 v27, v26;
	v20 =	vld.idx.msk [tilespmem:v28+s12+$0x0], $0xffff  }
0x8d: {  	v12 =	vmul.f32 v13, v12;
	v13 =	vadd.f32 v24, v25;
	v24 =	vld.idx.msk [tilespmem:v28+s13+$0x0], $0xffff  }
0x8e: {  	v18 =	vmul.f32 v21, v18;
	v17 =	vadd.f32 v17, v26;
	v21 =	vld.idx.msk [tilespmem:v32+s12+$0x0], $0xffff  }
0x8f: {  	v11 =	vmul.f32 v14, v11;
	v12 =	vadd.f32 v12, v13;
	v13 =	vld.idx.msk [tilespmem:v32+s13+$0x0], $0xffff  }
0x90: {  	v14 =	vadd.f32 v18, v17;
	v17 =	vld.idx.msk [tilespmem:v34+s12+$0x0], $0xffff;
	v18 =	vmul.f32 v29, v35  }
0x91: {  	v11 =	vadd.f32 v11, v12;
	v12 =	vmul.f32 v19, v33;
	v19 =	vld.idx.msk [tilespmem:v34+s13+$0x0], $0xffff  }
0x92: {  	v14 =	vadd.f32 v18, v14;
	v18 =	vmul.f32 v24, v20  }
0x93: {  	v11 =	vadd.f32 v12, v11;
	v20 =	vmul.f32 v22, v31  }
0x94: {  	v13 =	vmul.f32 v13, v21;
	v12 =	vadd.f32 v18, v14  }
0x95: {  	v14 =	vmul.f32 v23, v30;
	v11 =	vadd.f32 v20, v11  }
0x96: {  	s4 =	simm.s32 $0x7;
	v12 =	vadd.f32 v13, v12;
	v13 =	vmul.f32 v19, v17  }
0x97: {  	v15 =	vmul.f32 v15, v16;
	v11 =	vadd.f32 v14, v11;
	v14 =	vadd.s32 s4, v0  }
0x98: {  	s6 =	simm.s32 $0x5;
	v12 =	vadd.f32 v13, v12;
	v13 =	vand.u32 $0x7F, v14  }
0x99: {  	v11 =	vadd.f32 v15, v11;
	v14 =	vadd.s32 s6, v0;
	v13 =	vor.u32 v4, v13  }
0x9a: {  	s7 =	simm.s32 $0x3;
	v14 =	vand.u32 $0x7F, v14  }
0x9b: {  	s25 =	smul.u32 $0x140, s24;
	v11 =	vadd.f32 v11, v12;
	v12 =	vadd.s32 s7, v0;
	v15 =	vor.u32 v4, v14  }
0x9c: {  	s8 =	simm.s32 $0x1;
	v12 =	vand.u32 $0x7F, v12  }
0x9d: {  	[tilespmem:s25+$0x4E20] =	vst v11;
	v11 =	vadd.s32 s8, v0;
	v16 =	vor.u32 v4, v12  }
0x9e: {  	s10 =	simm.s32 $0x0;
	v12 =	vand.u32 $0x7F, v11;
	v11 =	vld.idx.msk [tilespmem:v13+s12+$0x0], $0xffff  }
0x9f: {  	v17 =	vor.u32 v4, v12;
	v12 =	vadd.s32 s10, v0;
	v14 =	vld.idx.msk [tilespmem:v13+s13+$0x0], $0xffff  }
0xa0: {  	s31 =	simm.s32 $0x2;
	v13 =	vand.u32 $0x78, v12;
	v12 =	vld.idx.msk [tilespmem:v15+s12+$0x0], $0xffff  }
0xa1: {  	v18 =	vadd.s32 s31, v0;
	v19 =	vor.u32 v3, v13;
	v13 =	vld.idx.msk [tilespmem:v15+s13+$0x0], $0xffff  }
0xa2: {  	s4 =	simm.s32 $0x4;
	v15 =	vand.u32 $0x7F, v18;
	v24 =	vld.idx.msk [tilespmem:v16+s12+$0x0], $0xffff  }
0xa3: {  	v18 =	vadd.s32 s4, v0;
	v15 =	vor.u32 v4, v15;
	v25 =	vld.idx.msk [tilespmem:v16+s13+$0x0], $0xffff  }
0xa4: {  	s6 =	simm.s32 $0x6;
	v18 =	vand.u32 $0x7F, v18;
	v16 =	vld.idx.msk [tilespmem:v17+s12+$0x0], $0xffff  }
0xa5: {  	v20 =	vadd.s32 s6, v0;
	v18 =	vor.u32 v4, v18;
	v21 =	vld.idx.msk [tilespmem:v17+s13+$0x0], $0xffff  }
0xa6: {  	s10 =	simm.s32 $0xF;
	v17 =	vand.u32 $0x7F, v20;
	v26 =	vld.idx.msk [tilespmem:v19+s12+$0x0], $0xffff  }
0xa7: {  	v20 =	vadd.s32 s10, v0;
	v28 =	vor.u32 v4, v17;
	v27 =	vld.idx.msk [tilespmem:v19+s13+$0x0], $0xffff  }
0xa8: {  	s7 =	simm.s32 $0xD;
	v17 =	vand.u32 $0x7F, v20;
	v30 =	vld.idx.msk [tilespmem:v15+s12+$0x0], $0xffff  }
0xa9: {  	s31 =	simm.s32 $0xB;
	v62 =	vor.u32 v4, v17;
	v63 =	vld.idx.msk [tilespmem:v15+s13+$0x0], $0xffff;
	v15 =	vadd.s32 s7, v0  }
0xaa: {  	v31 =	vimm.f32 $0.0e+00;
	s6 =	simm.s32 $0x9;
	v20 =	vadd.s32 s31, v0;
	v17 =	vld.idx.msk [tilespmem:v18+s12+$0x0], $0xffff;
	v15 =	vand.u32 $0x7F, v15  }
0xab: {  	v19 =	vadd.s32 s6, v0;
	v22 =	vand.u32 $0x7F, v20;
	v20 =	vld.idx.msk [tilespmem:v18+s13+$0x0], $0xffff;
	v23 =	vor.u32 v4, v15  }
0xac: {  	s8 =	simm.s32 $0x8;
	v19 =	vand.u32 $0x7F, v19;
	v22 =	vor.u32 v4, v22;
	v24 =	vmul.f32 v25, v24;
	v18 =	vld.idx.msk [tilespmem:v28+s12+$0x0], $0xffff  }
0xad: {  	s31 =	simm.s32 $0xA;
	v15 =	vadd.s32 s8, v0;
	v26 =	vmul.f32 v27, v26;
	v27 =	vmul.f32 v21, v16;
	v21 =	vld.idx.msk [tilespmem:v28+s13+$0x0], $0xffff  }
0xae: {  	v19 =	vor.u32 v4, v19;
	v29 =	vand.u32 $0x78, v15;
	v28 =	vadd.s32 s31, v0;
	v16 =	vld.idx.msk [tilespmem:v62+s12+$0x0], $0xffff  }
0xaf: {  	s5 =	simm.s32 $0x17;
	v15 =	vld.idx.msk [tilespmem:v62+s13+$0x0], $0xffff;
	v26 =	vadd.f32 v26, v31;
	v25 =	vadd.f32 v27, v31;
	v27 =	vmul.f32 v63, v30  }
.LBB2_5:
0xb0: {  	p0 =	sne.s32 s5, $0x7F;
	v29 =	vor.u32 v3, v29;
	v28 =	vand.u32 $0x7F, v28;
	v30 =	vmul.f32 v13, v12;
	v12 =	vld.idx.msk [tilespmem:v23+s12+$0x0], $0xffff  }
0xb1: {  	s6 =	sadd.s32 $0xFFFFFFFD, s10;
	v17 =	vmul.f32 v20, v17;
	v13 =	vld.idx.msk [tilespmem:v23+s13+$0x0], $0xffff;
	v23 =	vadd.f32 v27, v26;
	v24 =	vadd.f32 v24, v25  }
0xb2: {  	v14 =	vmul.f32 v14, v11;
	v20 =	vor.u32 v4, v28;
	v26 =	vadd.s32 s6, v0;
	v25 =	vld.idx.msk [tilespmem:v22+s12+$0x0], $0xffff  }
0xb3: {  	s6 =	sadd.s32 $0xFFFFFFFF, s10;
	s10 =	smov.u32 s5;
	v18 =	vmul.f32 v21, v18;
	v27 =	vld.idx.msk [tilespmem:v22+s13+$0x0], $0xffff;
	v17 =	vadd.f32 v17, v23;
	v22 =	vadd.f32 v30, v24  }
0xb4: {  	v23 =	vand.u32 $0x7F, v26;
	v24 =	vadd.s32 s6, v0;
	v11 =	vmov v16;
	v21 =	vld.idx.msk [tilespmem:v19+s12+$0x0], $0xffff  }
0xb5: {  	v16 =	vld.idx.msk [tilespmem:v19+s13+$0x0], $0xffff;
	v19 =	vor.u32 v4, v23;
	v26 =	vadd.f32 v18, v17;
	v30 =	vadd.f32 v14, v22  }
0xb6: {  	v17 =	vand.u32 $0x7F, v24;
	v14 =	vmov v15;
	v28 =	vld.idx.msk [tilespmem:v29+s12+$0x0], $0xffff  }
0xb7: {  	v15 =	vadd.s32 s5, v0;
	v24 =	vld.idx.msk [tilespmem:v29+s13+$0x0], $0xffff;
	v29 =	vor.u32 v4, v17  }
0xb8: {  	s6 =	sadd.s32 $0xFFFFFFFE, s5;
	v15 =	vand.u32 $0x7F, v15;
	v31 =	vld.idx.msk [tilespmem:v20+s12+$0x0], $0xffff  }
0xb9: {  	s31 =	sadd.s32 $0xFFFFFFFA, s5;
	s7 =	sadd.s32 $0xFFFFFFFC, s5;
	v17 =	vadd.s32 s6, v0;
	v15 =	vor.u32 v4, v15;
	v32 =	vld.idx.msk [tilespmem:v20+s13+$0x0], $0xffff  }
0xba: {  	v18 =	vadd.s32 s31, v0;
	v22 =	vand.u32 $0x7F, v17;
	v20 =	vadd.s32 s7, v0;
	v17 =	vld.idx.msk [tilespmem:v19+s12+$0x0], $0xffff  }
.Ltmp5:
0xbb: {  	v18 =	vand.u32 $0x7F, v18;
	v23 =	vor.u32 v4, v22;
	v33 =	vand.u32 $0x7F, v20;
	v20 =	vld.idx.msk [tilespmem:v19+s13+$0x0], $0xffff;
	(pc) =	sbr.rel @p0 .LBB2_5-.Ltmp5, $4  }
0xbc: {  	s6 =	sadd.s32 $0xFFFFFFF9, s5;
	v19 =	vor.u32 v4, v18;
	v22 =	vor.u32 v4, v33;
	v18 =	vld.idx.msk [tilespmem:v29+s12+$0x0], $0xffff  }
0xbd: {  	v35 =	vmul.f32 v16, v21;
	v33 =	vadd.s32 s6, v0;
	s6 =	sadd.s32 $0xFFFFFFFB, s5;
	v34 =	vmul.f32 v24, v28;
	v21 =	vld.idx.msk [tilespmem:v29+s13+$0x0], $0xffff  }
0xbe: {  	v28 =	vadd.s32 s6, v0;
	v24 =	vmul.f32 v27, v25;
	v29 =	vand.u32 $0x78, v33;
	v16 =	vld.idx.msk [tilespmem:v15+s12+$0x0], $0xffff  }
0xbf: {  	s5 =	sadd.s32 $0x8, s5;
	v25 =	vadd.f32 v35, v30;
	v26 =	vadd.f32 v34, v26;
	v27 =	vmul.f32 v32, v31;
	v15 =	vld.idx.msk [tilespmem:v15+s13+$0x0], $0xffff  }
0xc0: {  	_ =	sdelay $0x3  }
0xc1: {  	v30 =	vld.idx.msk [tilespmem:v23+s12+$0x0], $0xffff  }
0xc2: {  	v29 =	vor.u32 v3, v29;
	v23 =	vld.idx.msk [tilespmem:v23+s13+$0x0], $0xffff  }
0xc3: {  	v28 =	vand.u32 $0x7F, v28;
	s5 =	sadd.s32 $0xFFFFFFFD, s10;
	v31 =	vld.idx.msk [tilespmem:v22+s12+$0x0], $0xffff  }
0xc4: {  	v22 =	vld.idx.msk [tilespmem:v22+s13+$0x0], $0xffff;
	v28 =	vor.u32 v4, v28;
	v32 =	vadd.s32 s5, v0  }
0xc5: {  	s8 =	sadd.s32 $0xFFFFFFFF, s10;
	v33 =	vld.idx.msk [tilespmem:v19+s12+$0x0], $0xffff;
	v32 =	vand.u32 $0x7F, v32  }
0xc6: {  	v19 =	vld.idx.msk [tilespmem:v19+s13+$0x0], $0xffff;
	v34 =	vadd.s32 s8, v0;
	v32 =	vor.u32 v4, v32  }
0xc7: {  	v34 =	vand.u32 $0x7F, v34;
	v35 =	vld.idx.msk [tilespmem:v29+s12+$0x0], $0xffff  }
0xc8: {  	v34 =	vor.u32 v4, v34;
	v29 =	vld.idx.msk [tilespmem:v29+s13+$0x0], $0xffff  }
0xc9: {  	v17 =	vmul.f32 v20, v17;
	v26 =	vadd.f32 v27, v26;
	v20 =	vld.idx.msk [tilespmem:v28+s12+$0x0], $0xffff  }
0xca: {  	v12 =	vmul.f32 v13, v12;
	v13 =	vadd.f32 v24, v25;
	v24 =	vld.idx.msk [tilespmem:v28+s13+$0x0], $0xffff  }
0xcb: {  	v18 =	vmul.f32 v21, v18;
	v17 =	vadd.f32 v17, v26;
	v21 =	vld.idx.msk [tilespmem:v32+s12+$0x0], $0xffff  }
0xcc: {  	v11 =	vmul.f32 v14, v11;
	v12 =	vadd.f32 v12, v13;
	v13 =	vld.idx.msk [tilespmem:v32+s13+$0x0], $0xffff  }
0xcd: {  	v14 =	vadd.f32 v18, v17;
	v17 =	vld.idx.msk [tilespmem:v34+s12+$0x0], $0xffff;
	v18 =	vmul.f32 v29, v35  }
0xce: {  	v11 =	vadd.f32 v11, v12;
	v12 =	vmul.f32 v19, v33;
	v19 =	vld.idx.msk [tilespmem:v34+s13+$0x0], $0xffff  }
0xcf: {  	v14 =	vadd.f32 v18, v14;
	v18 =	vmul.f32 v24, v20  }
0xd0: {  	v11 =	vadd.f32 v12, v11;
	v20 =	vmul.f32 v22, v31  }
0xd1: {  	v13 =	vmul.f32 v13, v21;
	v12 =	vadd.f32 v18, v14  }
0xd2: {  	v14 =	vmul.f32 v23, v30;
	v11 =	vadd.f32 v20, v11  }
0xd3: {  	s10 =	simm.s32 $0x7;
	v12 =	vadd.f32 v13, v12;
	v13 =	vmul.f32 v19, v17  }
0xd4: {  	v15 =	vmul.f32 v15, v16;
	v11 =	vadd.f32 v14, v11;
	v14 =	vadd.s32 s10, v0  }
0xd5: {  	s31 =	simm.s32 $0x5;
	v12 =	vadd.f32 v13, v12;
	v13 =	vand.u32 $0x7F, v14  }
0xd6: {  	v11 =	vadd.f32 v15, v11;
	v14 =	vadd.s32 s31, v0;
	v13 =	vor.u32 v6, v13  }
0xd7: {  	s4 =	simm.s32 $0x3;
	v14 =	vand.u32 $0x7F, v14  }
0xd8: {  	v11 =	vadd.f32 v11, v12;
	v12 =	vadd.s32 s4, v0;
	v15 =	vor.u32 v6, v14  }
0xd9: {  	s6 =	simm.s32 $0x1;
	v12 =	vand.u32 $0x7F, v12  }
0xda: {  	[tilespmem:s25+$0x4E30] =	vst v11;
	v11 =	vadd.s32 s6, v0;
	v16 =	vor.u32 v6, v12  }
0xdb: {  	s7 =	simm.s32 $0x0;
	v12 =	vand.u32 $0x7F, v11;
	v11 =	vld.idx.msk [tilespmem:v13+s12+$0x0], $0xffff  }
0xdc: {  	v17 =	vor.u32 v6, v12;
	v12 =	vadd.s32 s7, v0;
	v14 =	vld.idx.msk [tilespmem:v13+s13+$0x0], $0xffff  }
0xdd: {  	s8 =	simm.s32 $0x2;
	v13 =	vand.u32 $0x78, v12;
	v12 =	vld.idx.msk [tilespmem:v15+s12+$0x0], $0xffff  }
0xde: {  	v18 =	vadd.s32 s8, v0;
	v19 =	vor.u32 v5, v13;
	v13 =	vld.idx.msk [tilespmem:v15+s13+$0x0], $0xffff  }
0xdf: {  	s10 =	simm.s32 $0x4;
	v15 =	vand.u32 $0x7F, v18;
	v24 =	vld.idx.msk [tilespmem:v16+s12+$0x0], $0xffff  }
0xe0: {  	v18 =	vadd.s32 s10, v0;
	v15 =	vor.u32 v6, v15;
	v25 =	vld.idx.msk [tilespmem:v16+s13+$0x0], $0xffff  }
0xe1: {  	s31 =	simm.s32 $0x6;
	v18 =	vand.u32 $0x7F, v18;
	v16 =	vld.idx.msk [tilespmem:v17+s12+$0x0], $0xffff  }
0xe2: {  	v20 =	vadd.s32 s31, v0;
	v18 =	vor.u32 v6, v18;
	v21 =	vld.idx.msk [tilespmem:v17+s13+$0x0], $0xffff  }
0xe3: {  	s10 =	simm.s32 $0xF;
	v17 =	vand.u32 $0x7F, v20;
	v26 =	vld.idx.msk [tilespmem:v19+s12+$0x0], $0xffff  }
0xe4: {  	v20 =	vadd.s32 s10, v0;
	v28 =	vor.u32 v6, v17;
	v27 =	vld.idx.msk [tilespmem:v19+s13+$0x0], $0xffff  }
0xe5: {  	s4 =	simm.s32 $0xD;
	v17 =	vand.u32 $0x7F, v20;
	v30 =	vld.idx.msk [tilespmem:v15+s12+$0x0], $0xffff  }
0xe6: {  	s7 =	simm.s32 $0xB;
	v62 =	vor.u32 v6, v17;
	v63 =	vld.idx.msk [tilespmem:v15+s13+$0x0], $0xffff;
	v15 =	vadd.s32 s4, v0  }
0xe7: {  	v31 =	vimm.f32 $0.0e+00;
	s6 =	simm.s32 $0x9;
	v20 =	vadd.s32 s7, v0;
	v17 =	vld.idx.msk [tilespmem:v18+s12+$0x0], $0xffff;
	v15 =	vand.u32 $0x7F, v15  }
0xe8: {  	v19 =	vadd.s32 s6, v0;
	v22 =	vand.u32 $0x7F, v20;
	v20 =	vld.idx.msk [tilespmem:v18+s13+$0x0], $0xffff;
	v23 =	vor.u32 v6, v15  }
0xe9: {  	s8 =	simm.s32 $0x8;
	v19 =	vand.u32 $0x7F, v19;
	v22 =	vor.u32 v6, v22;
	v24 =	vmul.f32 v25, v24;
	v18 =	vld.idx.msk [tilespmem:v28+s12+$0x0], $0xffff  }
0xea: {  	s31 =	simm.s32 $0xA;
	v15 =	vadd.s32 s8, v0;
	v26 =	vmul.f32 v27, v26;
	v27 =	vmul.f32 v21, v16;
	v21 =	vld.idx.msk [tilespmem:v28+s13+$0x0], $0xffff  }
0xeb: {  	v19 =	vor.u32 v6, v19;
	v29 =	vand.u32 $0x78, v15;
	v28 =	vadd.s32 s31, v0;
	v16 =	vld.idx.msk [tilespmem:v62+s12+$0x0], $0xffff  }
0xec: {  	s5 =	simm.s32 $0x17;
	v15 =	vld.idx.msk [tilespmem:v62+s13+$0x0], $0xffff;
	v26 =	vadd.f32 v26, v31;
	v25 =	vadd.f32 v27, v31;
	v27 =	vmul.f32 v63, v30  }
.LBB2_7:
0xed: {  	p0 =	sne.s32 s5, $0x7F;
	v29 =	vor.u32 v5, v29;
	v28 =	vand.u32 $0x7F, v28;
	v30 =	vmul.f32 v13, v12;
	v12 =	vld.idx.msk [tilespmem:v23+s12+$0x0], $0xffff  }
0xee: {  	s6 =	sadd.s32 $0xFFFFFFFD, s10;
	v17 =	vmul.f32 v20, v17;
	v13 =	vld.idx.msk [tilespmem:v23+s13+$0x0], $0xffff;
	v23 =	vadd.f32 v27, v26;
	v24 =	vadd.f32 v24, v25  }
0xef: {  	v14 =	vmul.f32 v14, v11;
	v20 =	vor.u32 v6, v28;
	v26 =	vadd.s32 s6, v0;
	v25 =	vld.idx.msk [tilespmem:v22+s12+$0x0], $0xffff  }
0xf0: {  	s6 =	sadd.s32 $0xFFFFFFFF, s10;
	s10 =	smov.u32 s5;
	v18 =	vmul.f32 v21, v18;
	v27 =	vld.idx.msk [tilespmem:v22+s13+$0x0], $0xffff;
	v17 =	vadd.f32 v17, v23;
	v22 =	vadd.f32 v30, v24  }
0xf1: {  	v23 =	vand.u32 $0x7F, v26;
	v24 =	vadd.s32 s6, v0;
	v11 =	vmov v16;
	v21 =	vld.idx.msk [tilespmem:v19+s12+$0x0], $0xffff  }
0xf2: {  	v16 =	vld.idx.msk [tilespmem:v19+s13+$0x0], $0xffff;
	v19 =	vor.u32 v6, v23;
	v26 =	vadd.f32 v18, v17;
	v30 =	vadd.f32 v14, v22  }
0xf3: {  	v17 =	vand.u32 $0x7F, v24;
	v14 =	vmov v15;
	v28 =	vld.idx.msk [tilespmem:v29+s12+$0x0], $0xffff  }
0xf4: {  	v15 =	vadd.s32 s5, v0;
	v24 =	vld.idx.msk [tilespmem:v29+s13+$0x0], $0xffff;
	v29 =	vor.u32 v6, v17  }
0xf5: {  	s6 =	sadd.s32 $0xFFFFFFFE, s5;
	v15 =	vand.u32 $0x7F, v15;
	v31 =	vld.idx.msk [tilespmem:v20+s12+$0x0], $0xffff  }
0xf6: {  	s7 =	sadd.s32 $0xFFFFFFFA, s5;
	s31 =	sadd.s32 $0xFFFFFFFC, s5;
	v17 =	vadd.s32 s6, v0;
	v15 =	vor.u32 v6, v15;
	v32 =	vld.idx.msk [tilespmem:v20+s13+$0x0], $0xffff  }
0xf7: {  	v18 =	vadd.s32 s7, v0;
	v22 =	vand.u32 $0x7F, v17;
	v20 =	vadd.s32 s31, v0;
	v17 =	vld.idx.msk [tilespmem:v19+s12+$0x0], $0xffff  }
.Ltmp6:
0xf8: {  	v18 =	vand.u32 $0x7F, v18;
	v23 =	vor.u32 v6, v22;
	v33 =	vand.u32 $0x7F, v20;
	v20 =	vld.idx.msk [tilespmem:v19+s13+$0x0], $0xffff;
	(pc) =	sbr.rel @p0 .LBB2_7-.Ltmp6, $4  }
0xf9: {  	s6 =	sadd.s32 $0xFFFFFFF9, s5;
	v19 =	vor.u32 v6, v18;
	v22 =	vor.u32 v6, v33;
	v18 =	vld.idx.msk [tilespmem:v29+s12+$0x0], $0xffff  }
0xfa: {  	v35 =	vmul.f32 v16, v21;
	v33 =	vadd.s32 s6, v0;
	s6 =	sadd.s32 $0xFFFFFFFB, s5;
	v34 =	vmul.f32 v24, v28;
	v21 =	vld.idx.msk [tilespmem:v29+s13+$0x0], $0xffff  }
0xfb: {  	v28 =	vadd.s32 s6, v0;
	v24 =	vmul.f32 v27, v25;
	v29 =	vand.u32 $0x78, v33;
	v16 =	vld.idx.msk [tilespmem:v15+s12+$0x0], $0xffff  }
0xfc: {  	s5 =	sadd.s32 $0x8, s5;
	v25 =	vadd.f32 v35, v30;
	v26 =	vadd.f32 v34, v26;
	v27 =	vmul.f32 v32, v31;
	v15 =	vld.idx.msk [tilespmem:v15+s13+$0x0], $0xffff  }
0xfd: {  	_ =	sdelay $0x3  }
0xfe: {  	v30 =	vld.idx.msk [tilespmem:v23+s12+$0x0], $0xffff  }
0xff: {  	v29 =	vor.u32 v5, v29;
	v23 =	vld.idx.msk [tilespmem:v23+s13+$0x0], $0xffff  }
0x100: {  	v28 =	vand.u32 $0x7F, v28;
	s5 =	sadd.s32 $0xFFFFFFFD, s10;
	v31 =	vld.idx.msk [tilespmem:v22+s12+$0x0], $0xffff  }
0x101: {  	v22 =	vld.idx.msk [tilespmem:v22+s13+$0x0], $0xffff;
	v28 =	vor.u32 v6, v28;
	v32 =	vadd.s32 s5, v0  }
0x102: {  	s8 =	sadd.s32 $0xFFFFFFFF, s10;
	v33 =	vld.idx.msk [tilespmem:v19+s12+$0x0], $0xffff;
	v32 =	vand.u32 $0x7F, v32  }
0x103: {  	v19 =	vld.idx.msk [tilespmem:v19+s13+$0x0], $0xffff;
	v34 =	vadd.s32 s8, v0;
	v32 =	vor.u32 v6, v32  }
0x104: {  	v34 =	vand.u32 $0x7F, v34;
	v35 =	vld.idx.msk [tilespmem:v29+s12+$0x0], $0xffff  }
0x105: {  	v34 =	vor.u32 v6, v34;
	v29 =	vld.idx.msk [tilespmem:v29+s13+$0x0], $0xffff  }
0x106: {  	v17 =	vmul.f32 v20, v17;
	v26 =	vadd.f32 v27, v26;
	v20 =	vld.idx.msk [tilespmem:v28+s12+$0x0], $0xffff  }
0x107: {  	v12 =	vmul.f32 v13, v12;
	v13 =	vadd.f32 v24, v25;
	v24 =	vld.idx.msk [tilespmem:v28+s13+$0x0], $0xffff  }
0x108: {  	v18 =	vmul.f32 v21, v18;
	v17 =	vadd.f32 v17, v26;
	v21 =	vld.idx.msk [tilespmem:v32+s12+$0x0], $0xffff  }
0x109: {  	v11 =	vmul.f32 v14, v11;
	v12 =	vadd.f32 v12, v13;
	v13 =	vld.idx.msk [tilespmem:v32+s13+$0x0], $0xffff  }
0x10a: {  	v14 =	vadd.f32 v18, v17;
	v17 =	vld.idx.msk [tilespmem:v34+s12+$0x0], $0xffff;
	v18 =	vmul.f32 v29, v35  }
0x10b: {  	v11 =	vadd.f32 v11, v12;
	v12 =	vmul.f32 v19, v33;
	v19 =	vld.idx.msk [tilespmem:v34+s13+$0x0], $0xffff  }
0x10c: {  	v14 =	vadd.f32 v18, v14;
	v18 =	vmul.f32 v24, v20  }
0x10d: {  	v11 =	vadd.f32 v12, v11;
	v20 =	vmul.f32 v22, v31  }
0x10e: {  	v13 =	vmul.f32 v13, v21;
	v12 =	vadd.f32 v18, v14  }
0x10f: {  	v14 =	vmul.f32 v23, v30;
	v11 =	vadd.f32 v20, v11  }
0x110: {  	s10 =	simm.s32 $0x7;
	v12 =	vadd.f32 v13, v12;
	v13 =	vmul.f32 v19, v17  }
0x111: {  	v15 =	vmul.f32 v15, v16;
	v11 =	vadd.f32 v14, v11;
	v14 =	vadd.s32 s10, v0  }
0x112: {  	s31 =	simm.s32 $0x5;
	v12 =	vadd.f32 v13, v12;
	v13 =	vand.u32 $0x7F, v14  }
0x113: {  	v11 =	vadd.f32 v15, v11;
	v14 =	vadd.s32 s31, v0;
	v13 =	vor.u32 v8, v13  }
0x114: {  	s4 =	simm.s32 $0x3;
	v14 =	vand.u32 $0x7F, v14  }
0x115: {  	v11 =	vadd.f32 v11, v12;
	v12 =	vadd.s32 s4, v0;
	v15 =	vor.u32 v8, v14  }
0x116: {  	s6 =	simm.s32 $0x1;
	v12 =	vand.u32 $0x7F, v12  }
0x117: {  	[tilespmem:s25+$0x4E40] =	vst v11;
	v11 =	vadd.s32 s6, v0;
	v16 =	vor.u32 v8, v12  }
0x118: {  	s7 =	simm.s32 $0x0;
	v12 =	vand.u32 $0x7F, v11;
	v11 =	vld.idx.msk [tilespmem:v13+s12+$0x0], $0xffff  }
0x119: {  	v17 =	vor.u32 v8, v12;
	v12 =	vadd.s32 s7, v0;
	v14 =	vld.idx.msk [tilespmem:v13+s13+$0x0], $0xffff  }
0x11a: {  	s8 =	simm.s32 $0x2;
	v13 =	vand.u32 $0x78, v12;
	v12 =	vld.idx.msk [tilespmem:v15+s12+$0x0], $0xffff  }
0x11b: {  	v18 =	vadd.s32 s8, v0;
	v19 =	vor.u32 v7, v13;
	v13 =	vld.idx.msk [tilespmem:v15+s13+$0x0], $0xffff  }
0x11c: {  	s10 =	simm.s32 $0x4;
	v15 =	vand.u32 $0x7F, v18;
	v24 =	vld.idx.msk [tilespmem:v16+s12+$0x0], $0xffff  }
0x11d: {  	v18 =	vadd.s32 s10, v0;
	v15 =	vor.u32 v8, v15;
	v25 =	vld.idx.msk [tilespmem:v16+s13+$0x0], $0xffff  }
0x11e: {  	s31 =	simm.s32 $0x6;
	v18 =	vand.u32 $0x7F, v18;
	v16 =	vld.idx.msk [tilespmem:v17+s12+$0x0], $0xffff  }
0x11f: {  	v20 =	vadd.s32 s31, v0;
	v18 =	vor.u32 v8, v18;
	v21 =	vld.idx.msk [tilespmem:v17+s13+$0x0], $0xffff  }
0x120: {  	s10 =	simm.s32 $0xF;
	v17 =	vand.u32 $0x7F, v20;
	v26 =	vld.idx.msk [tilespmem:v19+s12+$0x0], $0xffff  }
0x121: {  	v20 =	vadd.s32 s10, v0;
	v28 =	vor.u32 v8, v17;
	v27 =	vld.idx.msk [tilespmem:v19+s13+$0x0], $0xffff  }
0x122: {  	s4 =	simm.s32 $0xD;
	v17 =	vand.u32 $0x7F, v20;
	v30 =	vld.idx.msk [tilespmem:v15+s12+$0x0], $0xffff  }
0x123: {  	s7 =	simm.s32 $0xB;
	v62 =	vor.u32 v8, v17;
	v63 =	vld.idx.msk [tilespmem:v15+s13+$0x0], $0xffff;
	v15 =	vadd.s32 s4, v0  }
0x124: {  	v31 =	vimm.f32 $0.0e+00;
	s6 =	simm.s32 $0x9;
	v20 =	vadd.s32 s7, v0;
	v17 =	vld.idx.msk [tilespmem:v18+s12+$0x0], $0xffff;
	v15 =	vand.u32 $0x7F, v15  }
0x125: {  	v19 =	vadd.s32 s6, v0;
	v22 =	vand.u32 $0x7F, v20;
	v20 =	vld.idx.msk [tilespmem:v18+s13+$0x0], $0xffff;
	v23 =	vor.u32 v8, v15  }
0x126: {  	s8 =	simm.s32 $0x8;
	v19 =	vand.u32 $0x7F, v19;
	v22 =	vor.u32 v8, v22;
	v24 =	vmul.f32 v25, v24;
	v18 =	vld.idx.msk [tilespmem:v28+s12+$0x0], $0xffff  }
0x127: {  	s31 =	simm.s32 $0xA;
	v15 =	vadd.s32 s8, v0;
	v26 =	vmul.f32 v27, v26;
	v27 =	vmul.f32 v21, v16;
	v21 =	vld.idx.msk [tilespmem:v28+s13+$0x0], $0xffff  }
0x128: {  	v19 =	vor.u32 v8, v19;
	v29 =	vand.u32 $0x78, v15;
	v28 =	vadd.s32 s31, v0;
	v16 =	vld.idx.msk [tilespmem:v62+s12+$0x0], $0xffff  }
0x129: {  	s5 =	simm.s32 $0x17;
	v15 =	vld.idx.msk [tilespmem:v62+s13+$0x0], $0xffff;
	v26 =	vadd.f32 v26, v31;
	v25 =	vadd.f32 v27, v31;
	v27 =	vmul.f32 v63, v30  }
.LBB2_9:
0x12a: {  	p0 =	sne.s32 s5, $0x7F;
	v29 =	vor.u32 v7, v29;
	v28 =	vand.u32 $0x7F, v28;
	v30 =	vmul.f32 v13, v12;
	v12 =	vld.idx.msk [tilespmem:v23+s12+$0x0], $0xffff  }
0x12b: {  	s6 =	sadd.s32 $0xFFFFFFFD, s10;
	v17 =	vmul.f32 v20, v17;
	v13 =	vld.idx.msk [tilespmem:v23+s13+$0x0], $0xffff;
	v23 =	vadd.f32 v27, v26;
	v24 =	vadd.f32 v24, v25  }
0x12c: {  	v14 =	vmul.f32 v14, v11;
	v20 =	vor.u32 v8, v28;
	v26 =	vadd.s32 s6, v0;
	v25 =	vld.idx.msk [tilespmem:v22+s12+$0x0], $0xffff  }
0x12d: {  	s6 =	sadd.s32 $0xFFFFFFFF, s10;
	s10 =	smov.u32 s5;
	v18 =	vmul.f32 v21, v18;
	v27 =	vld.idx.msk [tilespmem:v22+s13+$0x0], $0xffff;
	v17 =	vadd.f32 v17, v23;
	v22 =	vadd.f32 v30, v24  }
0x12e: {  	v23 =	vand.u32 $0x7F, v26;
	v24 =	vadd.s32 s6, v0;
	v11 =	vmov v16;
	v21 =	vld.idx.msk [tilespmem:v19+s12+$0x0], $0xffff  }
0x12f: {  	v16 =	vld.idx.msk [tilespmem:v19+s13+$0x0], $0xffff;
	v19 =	vor.u32 v8, v23;
	v26 =	vadd.f32 v18, v17;
	v30 =	vadd.f32 v14, v22  }
0x130: {  	v17 =	vand.u32 $0x7F, v24;
	v14 =	vmov v15;
	v28 =	vld.idx.msk [tilespmem:v29+s12+$0x0], $0xffff  }
0x131: {  	v15 =	vadd.s32 s5, v0;
	v24 =	vld.idx.msk [tilespmem:v29+s13+$0x0], $0xffff;
	v29 =	vor.u32 v8, v17  }
0x132: {  	s6 =	sadd.s32 $0xFFFFFFFE, s5;
	v15 =	vand.u32 $0x7F, v15;
	v31 =	vld.idx.msk [tilespmem:v20+s12+$0x0], $0xffff  }
0x133: {  	s7 =	sadd.s32 $0xFFFFFFFA, s5;
	s31 =	sadd.s32 $0xFFFFFFFC, s5;
	v17 =	vadd.s32 s6, v0;
	v15 =	vor.u32 v8, v15;
	v32 =	vld.idx.msk [tilespmem:v20+s13+$0x0], $0xffff  }
0x134: {  	v18 =	vadd.s32 s7, v0;
	v22 =	vand.u32 $0x7F, v17;
	v20 =	vadd.s32 s31, v0;
	v17 =	vld.idx.msk [tilespmem:v19+s12+$0x0], $0xffff  }
.Ltmp7:
0x135: {  	v18 =	vand.u32 $0x7F, v18;
	v23 =	vor.u32 v8, v22;
	v33 =	vand.u32 $0x7F, v20;
	v20 =	vld.idx.msk [tilespmem:v19+s13+$0x0], $0xffff;
	(pc) =	sbr.rel @p0 .LBB2_9-.Ltmp7, $4  }
0x136: {  	s6 =	sadd.s32 $0xFFFFFFF9, s5;
	v19 =	vor.u32 v8, v18;
	v22 =	vor.u32 v8, v33;
	v18 =	vld.idx.msk [tilespmem:v29+s12+$0x0], $0xffff  }
0x137: {  	v35 =	vmul.f32 v16, v21;
	v33 =	vadd.s32 s6, v0;
	s6 =	sadd.s32 $0xFFFFFFFB, s5;
	v34 =	vmul.f32 v24, v28;
	v21 =	vld.idx.msk [tilespmem:v29+s13+$0x0], $0xffff  }
0x138: {  	v28 =	vadd.s32 s6, v0;
	v24 =	vmul.f32 v27, v25;
	v29 =	vand.u32 $0x78, v33;
	v16 =	vld.idx.msk [tilespmem:v15+s12+$0x0], $0xffff  }
0x139: {  	s5 =	sadd.s32 $0x8, s5;
	v25 =	vadd.f32 v35, v30;
	v26 =	vadd.f32 v34, v26;
	v27 =	vmul.f32 v32, v31;
	v15 =	vld.idx.msk [tilespmem:v15+s13+$0x0], $0xffff  }
0x13a: {  	_ =	sdelay $0x3  }
0x13b: {  	v30 =	vld.idx.msk [tilespmem:v23+s12+$0x0], $0xffff  }
0x13c: {  	v29 =	vor.u32 v7, v29;
	v23 =	vld.idx.msk [tilespmem:v23+s13+$0x0], $0xffff  }
0x13d: {  	v28 =	vand.u32 $0x7F, v28;
	s5 =	sadd.s32 $0xFFFFFFFD, s10;
	v31 =	vld.idx.msk [tilespmem:v22+s12+$0x0], $0xffff  }
0x13e: {  	v22 =	vld.idx.msk [tilespmem:v22+s13+$0x0], $0xffff;
	v28 =	vor.u32 v8, v28;
	v32 =	vadd.s32 s5, v0  }
0x13f: {  	s8 =	sadd.s32 $0xFFFFFFFF, s10;
	v33 =	vld.idx.msk [tilespmem:v19+s12+$0x0], $0xffff;
	v32 =	vand.u32 $0x7F, v32  }
0x140: {  	v19 =	vld.idx.msk [tilespmem:v19+s13+$0x0], $0xffff;
	v34 =	vadd.s32 s8, v0;
	v32 =	vor.u32 v8, v32  }
0x141: {  	v34 =	vand.u32 $0x7F, v34;
	v35 =	vld.idx.msk [tilespmem:v29+s12+$0x0], $0xffff  }
0x142: {  	v34 =	vor.u32 v8, v34;
	v29 =	vld.idx.msk [tilespmem:v29+s13+$0x0], $0xffff  }
0x143: {  	v17 =	vmul.f32 v20, v17;
	v26 =	vadd.f32 v27, v26;
	v20 =	vld.idx.msk [tilespmem:v28+s12+$0x0], $0xffff  }
0x144: {  	v12 =	vmul.f32 v13, v12;
	v13 =	vadd.f32 v24, v25;
	v24 =	vld.idx.msk [tilespmem:v28+s13+$0x0], $0xffff  }
0x145: {  	v18 =	vmul.f32 v21, v18;
	v17 =	vadd.f32 v17, v26;
	v21 =	vld.idx.msk [tilespmem:v32+s12+$0x0], $0xffff  }
0x146: {  	v11 =	vmul.f32 v14, v11;
	v12 =	vadd.f32 v12, v13;
	v13 =	vld.idx.msk [tilespmem:v32+s13+$0x0], $0xffff  }
0x147: {  	v14 =	vadd.f32 v18, v17;
	v17 =	vld.idx.msk [tilespmem:v34+s12+$0x0], $0xffff;
	v18 =	vmul.f32 v29, v35  }
0x148: {  	v11 =	vadd.f32 v11, v12;
	v12 =	vmul.f32 v19, v33;
	v19 =	vld.idx.msk [tilespmem:v34+s13+$0x0], $0xffff  }
0x149: {  	v14 =	vadd.f32 v18, v14;
	v18 =	vmul.f32 v24, v20  }
0x14a: {  	v11 =	vadd.f32 v12, v11;
	v20 =	vmul.f32 v22, v31  }
0x14b: {  	v13 =	vmul.f32 v13, v21;
	v12 =	vadd.f32 v18, v14  }
0x14c: {  	v14 =	vmul.f32 v23, v30;
	v11 =	vadd.f32 v20, v11  }
0x14d: {  	s10 =	simm.s32 $0x7;
	v12 =	vadd.f32 v13, v12;
	v13 =	vmul.f32 v19, v17  }
0x14e: {  	v15 =	vmul.f32 v15, v16;
	v11 =	vadd.f32 v14, v11;
	v14 =	vadd.s32 s10, v0  }
0x14f: {  	s31 =	simm.s32 $0x5;
	v12 =	vadd.f32 v13, v12;
	v13 =	vand.u32 $0x7F, v14  }
0x150: {  	v11 =	vadd.f32 v15, v11;
	v14 =	vadd.s32 s31, v0;
	v13 =	vor.u32 v10, v13  }
0x151: {  	s4 =	simm.s32 $0x3;
	v14 =	vand.u32 $0x7F, v14  }
0x152: {  	v11 =	vadd.f32 v11, v12;
	v12 =	vadd.s32 s4, v0;
	v15 =	vor.u32 v10, v14  }
0x153: {  	s6 =	simm.s32 $0x1;
	v12 =	vand.u32 $0x7F, v12  }
0x154: {  	[tilespmem:s25+$0x4E50] =	vst v11;
	v11 =	vadd.s32 s6, v0;
	v16 =	vor.u32 v10, v12  }
0x155: {  	s7 =	simm.s32 $0x0;
	v12 =	vand.u32 $0x7F, v11;
	v11 =	vld.idx.msk [tilespmem:v13+s12+$0x0], $0xffff  }
0x156: {  	v17 =	vor.u32 v10, v12;
	v12 =	vadd.s32 s7, v0;
	v14 =	vld.idx.msk [tilespmem:v13+s13+$0x0], $0xffff  }
0x157: {  	s8 =	simm.s32 $0x2;
	v13 =	vand.u32 $0x78, v12;
	v12 =	vld.idx.msk [tilespmem:v15+s12+$0x0], $0xffff  }
0x158: {  	v18 =	vadd.s32 s8, v0;
	v19 =	vor.u32 v9, v13;
	v13 =	vld.idx.msk [tilespmem:v15+s13+$0x0], $0xffff  }
0x159: {  	s10 =	simm.s32 $0x4;
	v15 =	vand.u32 $0x7F, v18;
	v24 =	vld.idx.msk [tilespmem:v16+s12+$0x0], $0xffff  }
0x15a: {  	v18 =	vadd.s32 s10, v0;
	v15 =	vor.u32 v10, v15;
	v25 =	vld.idx.msk [tilespmem:v16+s13+$0x0], $0xffff  }
0x15b: {  	s31 =	simm.s32 $0x6;
	v18 =	vand.u32 $0x7F, v18;
	v16 =	vld.idx.msk [tilespmem:v17+s12+$0x0], $0xffff  }
0x15c: {  	v20 =	vadd.s32 s31, v0;
	v18 =	vor.u32 v10, v18;
	v21 =	vld.idx.msk [tilespmem:v17+s13+$0x0], $0xffff  }
0x15d: {  	s10 =	simm.s32 $0xF;
	v17 =	vand.u32 $0x7F, v20;
	v26 =	vld.idx.msk [tilespmem:v19+s12+$0x0], $0xffff  }
0x15e: {  	v20 =	vadd.s32 s10, v0;
	v28 =	vor.u32 v10, v17;
	v27 =	vld.idx.msk [tilespmem:v19+s13+$0x0], $0xffff  }
0x15f: {  	s4 =	simm.s32 $0xD;
	v17 =	vand.u32 $0x7F, v20;
	v30 =	vld.idx.msk [tilespmem:v15+s12+$0x0], $0xffff  }
0x160: {  	s7 =	simm.s32 $0xB;
	v62 =	vor.u32 v10, v17;
	v63 =	vld.idx.msk [tilespmem:v15+s13+$0x0], $0xffff;
	v15 =	vadd.s32 s4, v0  }
0x161: {  	v31 =	vimm.f32 $0.0e+00;
	s6 =	simm.s32 $0x9;
	v20 =	vadd.s32 s7, v0;
	v17 =	vld.idx.msk [tilespmem:v18+s12+$0x0], $0xffff;
	v15 =	vand.u32 $0x7F, v15  }
0x162: {  	v19 =	vadd.s32 s6, v0;
	v22 =	vand.u32 $0x7F, v20;
	v20 =	vld.idx.msk [tilespmem:v18+s13+$0x0], $0xffff;
	v23 =	vor.u32 v10, v15  }
0x163: {  	s8 =	simm.s32 $0x8;
	v19 =	vand.u32 $0x7F, v19;
	v22 =	vor.u32 v10, v22;
	v24 =	vmul.f32 v25, v24;
	v18 =	vld.idx.msk [tilespmem:v28+s12+$0x0], $0xffff  }
0x164: {  	s31 =	simm.s32 $0xA;
	v15 =	vadd.s32 s8, v0;
	v26 =	vmul.f32 v27, v26;
	v27 =	vmul.f32 v21, v16;
	v21 =	vld.idx.msk [tilespmem:v28+s13+$0x0], $0xffff  }
0x165: {  	v19 =	vor.u32 v10, v19;
	v29 =	vand.u32 $0x78, v15;
	v28 =	vadd.s32 s31, v0;
	v16 =	vld.idx.msk [tilespmem:v62+s12+$0x0], $0xffff  }
0x166: {  	s5 =	simm.s32 $0x17;
	v15 =	vld.idx.msk [tilespmem:v62+s13+$0x0], $0xffff;
	v26 =	vadd.f32 v26, v31;
	v25 =	vadd.f32 v27, v31;
	v27 =	vmul.f32 v63, v30  }
.LBB2_11:
0x167: {  	p0 =	sne.s32 s5, $0x7F;
	v29 =	vor.u32 v9, v29;
	v28 =	vand.u32 $0x7F, v28;
	v30 =	vmul.f32 v13, v12;
	v12 =	vld.idx.msk [tilespmem:v23+s12+$0x0], $0xffff  }
0x168: {  	s6 =	sadd.s32 $0xFFFFFFFD, s10;
	v17 =	vmul.f32 v20, v17;
	v13 =	vld.idx.msk [tilespmem:v23+s13+$0x0], $0xffff;
	v23 =	vadd.f32 v27, v26;
	v24 =	vadd.f32 v24, v25  }
0x169: {  	v14 =	vmul.f32 v14, v11;
	v20 =	vor.u32 v10, v28;
	v26 =	vadd.s32 s6, v0;
	v25 =	vld.idx.msk [tilespmem:v22+s12+$0x0], $0xffff  }
0x16a: {  	s6 =	sadd.s32 $0xFFFFFFFF, s10;
	s10 =	smov.u32 s5;
	v18 =	vmul.f32 v21, v18;
	v27 =	vld.idx.msk [tilespmem:v22+s13+$0x0], $0xffff;
	v17 =	vadd.f32 v17, v23;
	v22 =	vadd.f32 v30, v24  }
0x16b: {  	v23 =	vand.u32 $0x7F, v26;
	v24 =	vadd.s32 s6, v0;
	v11 =	vmov v16;
	v21 =	vld.idx.msk [tilespmem:v19+s12+$0x0], $0xffff  }
0x16c: {  	v16 =	vld.idx.msk [tilespmem:v19+s13+$0x0], $0xffff;
	v19 =	vor.u32 v10, v23;
	v26 =	vadd.f32 v18, v17;
	v30 =	vadd.f32 v14, v22  }
0x16d: {  	v17 =	vand.u32 $0x7F, v24;
	v14 =	vmov v15;
	v28 =	vld.idx.msk [tilespmem:v29+s12+$0x0], $0xffff  }
0x16e: {  	v15 =	vadd.s32 s5, v0;
	v24 =	vld.idx.msk [tilespmem:v29+s13+$0x0], $0xffff;
	v29 =	vor.u32 v10, v17  }
0x16f: {  	s6 =	sadd.s32 $0xFFFFFFFE, s5;
	v15 =	vand.u32 $0x7F, v15;
	v31 =	vld.idx.msk [tilespmem:v20+s12+$0x0], $0xffff  }
0x170: {  	s7 =	sadd.s32 $0xFFFFFFFA, s5;
	s31 =	sadd.s32 $0xFFFFFFFC, s5;
	v17 =	vadd.s32 s6, v0;
	v15 =	vor.u32 v10, v15;
	v32 =	vld.idx.msk [tilespmem:v20+s13+$0x0], $0xffff  }
0x171: {  	v18 =	vadd.s32 s7, v0;
	v22 =	vand.u32 $0x7F, v17;
	v20 =	vadd.s32 s31, v0;
	v17 =	vld.idx.msk [tilespmem:v19+s12+$0x0], $0xffff  }
.Ltmp8:
0x172: {  	v18 =	vand.u32 $0x7F, v18;
	v23 =	vor.u32 v10, v22;
	v33 =	vand.u32 $0x7F, v20;
	v20 =	vld.idx.msk [tilespmem:v19+s13+$0x0], $0xffff;
	(pc) =	sbr.rel @p0 .LBB2_11-.Ltmp8, $4  }
0x173: {  	s6 =	sadd.s32 $0xFFFFFFF9, s5;
	v19 =	vor.u32 v10, v18;
	v22 =	vor.u32 v10, v33;
	v18 =	vld.idx.msk [tilespmem:v29+s12+$0x0], $0xffff  }
0x174: {  	v35 =	vmul.f32 v16, v21;
	v33 =	vadd.s32 s6, v0;
	s6 =	sadd.s32 $0xFFFFFFFB, s5;
	v34 =	vmul.f32 v24, v28;
	v21 =	vld.idx.msk [tilespmem:v29+s13+$0x0], $0xffff  }
0x175: {  	v28 =	vadd.s32 s6, v0;
	v24 =	vmul.f32 v27, v25;
	v29 =	vand.u32 $0x78, v33;
	v16 =	vld.idx.msk [tilespmem:v15+s12+$0x0], $0xffff  }
0x176: {  	s5 =	sadd.s32 $0x8, s5;
	v25 =	vadd.f32 v35, v30;
	v26 =	vadd.f32 v34, v26;
	v27 =	vmul.f32 v32, v31;
	v15 =	vld.idx.msk [tilespmem:v15+s13+$0x0], $0xffff  }
0x177: {  	_ =	sdelay $0x3  }
0x178: {  	v30 =	vld.idx.msk [tilespmem:v23+s12+$0x0], $0xffff  }
0x179: {  	v29 =	vor.u32 v9, v29;
	v48 =	vld.idx.msk [tilespmem:v23+s13+$0x0], $0xffff  }
0x17a: {  	v28 =	vand.u32 $0x7F, v28;
	s5 =	sadd.s32 $0xFFFFFFFD, s10;
	v31 =	vld.idx.msk [tilespmem:v22+s12+$0x0], $0xffff  }
0x17b: {  	v49 =	vld.idx.msk [tilespmem:v22+s13+$0x0], $0xffff;
	v28 =	vor.u32 v10, v28;
	v32 =	vadd.s32 s5, v0  }
0x17c: {  	s31 =	sadd.s32 $0xFFFFFFFF, s10;
	v33 =	vld.idx.msk [tilespmem:v19+s12+$0x0], $0xffff;
	v32 =	vand.u32 $0x7F, v32  }
0x17d: {  	v50 =	vld.idx.msk [tilespmem:v19+s13+$0x0], $0xffff;
	v34 =	vadd.s32 s31, v0;
	v32 =	vor.u32 v10, v32  }
0x17e: {  	v34 =	vand.u32 $0x7F, v34;
	v35 =	vld.idx.msk [tilespmem:v29+s12+$0x0], $0xffff  }
0x17f: {  	v17 =	vmul.f32 v20, v17;
	v26 =	vadd.f32 v27, v26;
	v52 =	vor.u32 v10, v34;
	v51 =	vld.idx.msk [tilespmem:v29+s13+$0x0], $0xffff  }
0x180: {  	v12 =	vmul.f32 v13, v12;
	v53 =	vadd.f32 v24, v25;
	v54 =	vld.idx.msk [tilespmem:v28+s12+$0x0], $0xffff  }
0x181: {  	v18 =	vmul.f32 v21, v18;
	v17 =	vadd.f32 v17, v26;
	v55 =	vld.idx.msk [tilespmem:v28+s13+$0x0], $0xffff  }
0x182: {  	v11 =	vmul.f32 v14, v11;
	v12 =	vadd.f32 v12, v53;
	v56 =	vld.idx.msk [tilespmem:v32+s12+$0x0], $0xffff  }
0x183: {  	v57 =	vadd.f32 v18, v17;
	v58 =	vld.idx.msk [tilespmem:v32+s13+$0x0], $0xffff  }
0x184: {  	v11 =	vadd.f32 v11, v12;
	v19 =	vmul.f32 v50, v33;
	v59 =	vld.idx.msk [tilespmem:v52+s12+$0x0], $0xffff;
	v60 =	vmul.f32 v51, v35  }
0x185: {  	v22 =	vmul.f32 v49, v31;
	v61 =	vld.idx.msk [tilespmem:v52+s13+$0x0], $0xffff  }
0x186: {  	v11 =	vadd.f32 v19, v11;
	v62 =	vmul.f32 v55, v54;
	v14 =	vadd.f32 v60, v57  }
0x187: {  	v63 =	vmul.f32 v48, v30  }
0x188: {  	v11 =	vadd.f32 v22, v11;
	v13 =	vmul.f32 v58, v56;
	v14 =	vadd.f32 v62, v14  }
0x189: {  	v15 =	vmul.f32 v15, v16  }
0x18a: {  	v11 =	vadd.f32 v63, v11;
	v12 =	vmul.f32 v61, v59;
	v13 =	vadd.f32 v13, v14  }
0x18b: {  	p0 =	seq.s32 s24, $0x1F  }
.Ltmp9:
0x18c: {  	v11 =	vadd.f32 v15, v11;
	v12 =	vadd.f32 v12, v13;
	(pc) =	sbr.rel @p0 .LBB2_50-.Ltmp9, $3  }
0x18d: {  	_ = 	snop  }
0x18e: {  	v11 =	vadd.f32 v11, v12;
	_ =	sdelay $0x1  }
0x18f: {  	[tilespmem:s25+$0x4E60] =	vst v11  }
0x190: {  	s5 =	sadd.s32 $0x140, s25  }
0x191: {  	[tilespmem:s12], [sflag:$0x1] =	stream.indirect.gather [hbm4b:s0+s11], $0x80, s5, s11, $0xb8;
	[tilespmem:$0x1B530] =	vst v63  }
0x192: {  	s7 =	sadd.s32 $0x2850, s25  }
0x193: {  	[tilespmem:s13], [sflag:$0x2] =	stream.indirect.gather [hbm4b:s2+s11], $0x80, s7, s11, $0xb8;
	[tilespmem:$0x1B530] =	vst v63  }
0x194: {  	s8 =	sadd.s32 $0x168, s25  }
0x195: {  	[tilespmem:s14], [sflag:$0x1] =	stream.indirect.gather [hbm4b:s0+s11], $0x80, s8, s11, $0xb8;
	[tilespmem:$0x1B530] =	vst v63  }
0x196: {  	s31 =	sshll.u32 s24, $0x2;
	s10 =	sadd.s32 $0x2878, s25  }
0x197: {  	[tilespmem:s16], [sflag:$0x2] =	stream.indirect.gather [hbm4b:s2+s11], $0x80, s10, s11, $0xb8;
	[tilespmem:$0x1B530] =	vst v63  }
0x198: {  	s10 =	sor.u32 $0x1, s31  }
0x199: {  	p0 =	sgt.u32 s10, $0x7C  }
.Ltmp10:
0x19a: {  	_ = 	snop;
	(pc) =	sbr.rel @p0 .LBB2_25-.Ltmp10, $1  }
0x19b: {  	_ =	sdelay $0x3  }
0x19c: {  	s5 =	simm.s32 $0x7  }
0x19d: {  	v11 =	vadd.s32 s5, v0  }
0x19e: {  	_ =	swait.ge [sflag:s3], $0x2800;
	s8 =	simm.s32 $0x5;
	v11 =	vand.u32 $0x7F, v11  }
0x19f: {  	[sflag:s3] =	ssyncset.done $0x0;
	v12 =	vadd.s32 s8, v0;
	v13 =	vor.u32 v1, v11  }
0x1a0: {  	s4 =	simm.s32 $0x3;
	[sflag:s3] =	ssyncadd.s32 $0xFFFFD800;
	v11 =	vand.u32 $0x7F, v12  }
0x1a1: {  	_ =	swait.ge [sflag:s1], $0x2800;
	v12 =	vadd.s32 s4, v0;
	v15 =	vor.u32 v1, v11  }
0x1a2: {  	s6 =	simm.s32 $0x1;
	[sflag:s1] =	ssyncset.done $0x0;
	v11 =	vand.u32 $0x7F, v12  }
0x1a3: {  	v12 =	vadd.s32 s6, v0;
	[sflag:s1] =	ssyncadd.s32 $0xFFFFD800;
	v16 =	vor.u32 v1, v11  }
0x1a4: {  	s7 =	simm.s32 $0x0;
	v12 =	vand.u32 $0x7F, v12;
	v11 =	vld.idx.msk [tilespmem:v13+s18+$0x0], $0xffff  }
0x1a5: {  	v17 =	vor.u32 v1, v12;
	v12 =	vadd.s32 s7, v0;
	v14 =	vld.idx.msk [tilespmem:v13+s20+$0x0], $0xffff  }
0x1a6: {  	s8 =	simm.s32 $0x2;
	v13 =	vand.u32 $0x78, v12;
	v12 =	vld.idx.msk [tilespmem:v15+s18+$0x0], $0xffff  }
0x1a7: {  	v18 =	vadd.s32 s8, v0;
	v19 =	vor.u32 v2, v13;
	v13 =	vld.idx.msk [tilespmem:v15+s20+$0x0], $0xffff  }
0x1a8: {  	s4 =	simm.s32 $0x4;
	v15 =	vand.u32 $0x7F, v18;
	v24 =	vld.idx.msk [tilespmem:v16+s18+$0x0], $0xffff  }
0x1a9: {  	v18 =	vadd.s32 s4, v0;
	v15 =	vor.u32 v1, v15;
	v25 =	vld.idx.msk [tilespmem:v16+s20+$0x0], $0xffff  }
0x1aa: {  	s6 =	simm.s32 $0x6;
	v18 =	vand.u32 $0x7F, v18;
	v16 =	vld.idx.msk [tilespmem:v17+s18+$0x0], $0xffff  }
0x1ab: {  	s5 =	simm.s32 $0xF;
	v20 =	vadd.s32 s6, v0;
	v21 =	vld.idx.msk [tilespmem:v17+s20+$0x0], $0xffff;
	v18 =	vor.u32 v1, v18  }
0x1ac: {  	v17 =	vand.u32 $0x7F, v20;
	v20 =	vadd.s32 s5, v0;
	v26 =	vld.idx.msk [tilespmem:v19+s18+$0x0], $0xffff  }
0x1ad: {  	v28 =	vor.u32 v1, v17;
	v17 =	vand.u32 $0x7F, v20;
	v27 =	vld.idx.msk [tilespmem:v19+s20+$0x0], $0xffff  }
0x1ae: {  	s6 =	simm.s32 $0xD;
	v32 =	vor.u32 v1, v17;
	v30 =	vld.idx.msk [tilespmem:v15+s18+$0x0], $0xffff  }
0x1af: {  	s8 =	simm.s32 $0xB;
	v33 =	vld.idx.msk [tilespmem:v15+s20+$0x0], $0xffff;
	v15 =	vadd.s32 s6, v0  }
0x1b0: {  	v31 =	vimm.f32 $0.0e+00;
	s7 =	simm.s32 $0x9;
	v20 =	vadd.s32 s8, v0;
	v17 =	vld.idx.msk [tilespmem:v18+s18+$0x0], $0xffff;
	v15 =	vand.u32 $0x7F, v15  }
0x1b1: {  	v22 =	vand.u32 $0x7F, v20;
	v19 =	vadd.s32 s7, v0;
	s7 =	simm.s32 $0x8;
	v20 =	vld.idx.msk [tilespmem:v18+s20+$0x0], $0xffff;
	v23 =	vor.u32 v1, v15  }
0x1b2: {  	v22 =	vor.u32 v1, v22;
	v19 =	vand.u32 $0x7F, v19;
	v18 =	vld.idx.msk [tilespmem:v28+s18+$0x0], $0xffff;
	v15 =	vadd.s32 s7, v0  }
0x1b3: {  	s8 =	simm.s32 $0xA;
	v29 =	vand.u32 $0x78, v15;
	v15 =	vld.idx.msk [tilespmem:v32+s20+$0x0], $0xffff;
	v26 =	vmul.f32 v27, v26;
	v27 =	vmul.f32 v21, v16  }
0x1b4: {  	v24 =	vmul.f32 v25, v24;
	v19 =	vor.u32 v1, v19;
	v21 =	vld.idx.msk [tilespmem:v28+s20+$0x0], $0xffff;
	v28 =	vadd.s32 s8, v0  }
0x1b5: {  	s6 =	simm.s32 $0x17;
	v16 =	vld.idx.msk [tilespmem:v32+s18+$0x0], $0xffff;
	v26 =	vadd.f32 v26, v31;
	v25 =	vadd.f32 v27, v31;
	v27 =	vmul.f32 v33, v30  }
.LBB2_15:
0x1b6: {  	p0 =	sne.s32 s6, $0x7F;
	v29 =	vor.u32 v2, v29;
	v28 =	vand.u32 $0x7F, v28;
	v30 =	vmul.f32 v13, v12;
	v12 =	vld.idx.msk [tilespmem:v23+s18+$0x0], $0xffff  }
0x1b7: {  	s7 =	sadd.s32 $0xFFFFFFFD, s5;
	v17 =	vmul.f32 v20, v17;
	v13 =	vld.idx.msk [tilespmem:v23+s20+$0x0], $0xffff;
	v23 =	vadd.f32 v27, v26;
	v24 =	vadd.f32 v24, v25  }
0x1b8: {  	v14 =	vmul.f32 v14, v11;
	v20 =	vor.u32 v1, v28;
	v26 =	vadd.s32 s7, v0;
	v25 =	vld.idx.msk [tilespmem:v22+s18+$0x0], $0xffff  }
0x1b9: {  	s7 =	sadd.s32 $0xFFFFFFFF, s5;
	s5 =	smov.u32 s6;
	v18 =	vmul.f32 v21, v18;
	v27 =	vld.idx.msk [tilespmem:v22+s20+$0x0], $0xffff;
	v17 =	vadd.f32 v17, v23;
	v22 =	vadd.f32 v30, v24  }
0x1ba: {  	v23 =	vand.u32 $0x7F, v26;
	v24 =	vadd.s32 s7, v0;
	v11 =	vmov v16;
	v21 =	vld.idx.msk [tilespmem:v19+s18+$0x0], $0xffff  }
0x1bb: {  	v16 =	vld.idx.msk [tilespmem:v19+s20+$0x0], $0xffff;
	v19 =	vor.u32 v1, v23;
	v26 =	vadd.f32 v18, v17;
	v30 =	vadd.f32 v14, v22  }
0x1bc: {  	v17 =	vand.u32 $0x7F, v24;
	v14 =	vmov v15;
	v28 =	vld.idx.msk [tilespmem:v29+s18+$0x0], $0xffff  }
0x1bd: {  	v15 =	vadd.s32 s6, v0;
	v24 =	vld.idx.msk [tilespmem:v29+s20+$0x0], $0xffff;
	v29 =	vor.u32 v1, v17  }
0x1be: {  	s7 =	sadd.s32 $0xFFFFFFFE, s6;
	v15 =	vand.u32 $0x7F, v15;
	v31 =	vld.idx.msk [tilespmem:v20+s18+$0x0], $0xffff  }
0x1bf: {  	s8 =	sadd.s32 $0xFFFFFFFA, s6;
	s4 =	sadd.s32 $0xFFFFFFFC, s6;
	v17 =	vadd.s32 s7, v0;
	v15 =	vor.u32 v1, v15;
	v32 =	vld.idx.msk [tilespmem:v20+s20+$0x0], $0xffff  }
0x1c0: {  	v18 =	vadd.s32 s8, v0;
	v22 =	vand.u32 $0x7F, v17;
	v20 =	vadd.s32 s4, v0;
	v17 =	vld.idx.msk [tilespmem:v19+s18+$0x0], $0xffff  }
.Ltmp11:
0x1c1: {  	v18 =	vand.u32 $0x7F, v18;
	v23 =	vor.u32 v1, v22;
	v33 =	vand.u32 $0x7F, v20;
	v20 =	vld.idx.msk [tilespmem:v19+s20+$0x0], $0xffff;
	(pc) =	sbr.rel @p0 .LBB2_15-.Ltmp11, $4  }
0x1c2: {  	s4 =	sadd.s32 $0xFFFFFFF9, s6;
	v19 =	vor.u32 v1, v18;
	v22 =	vor.u32 v1, v33;
	v18 =	vld.idx.msk [tilespmem:v29+s18+$0x0], $0xffff  }
0x1c3: {  	v35 =	vmul.f32 v16, v21;
	v33 =	vadd.s32 s4, v0;
	s4 =	sadd.s32 $0xFFFFFFFB, s6;
	v34 =	vmul.f32 v24, v28;
	v21 =	vld.idx.msk [tilespmem:v29+s20+$0x0], $0xffff  }
0x1c4: {  	v28 =	vadd.s32 s4, v0;
	v24 =	vmul.f32 v27, v25;
	v29 =	vand.u32 $0x78, v33;
	v16 =	vld.idx.msk [tilespmem:v15+s18+$0x0], $0xffff  }
0x1c5: {  	s6 =	sadd.s32 $0x8, s6;
	v25 =	vadd.f32 v35, v30;
	v26 =	vadd.f32 v34, v26;
	v27 =	vmul.f32 v32, v31;
	v15 =	vld.idx.msk [tilespmem:v15+s20+$0x0], $0xffff  }
0x1c6: {  	_ =	sdelay $0x3  }
0x1c7: {  	v30 =	vld.idx.msk [tilespmem:v23+s18+$0x0], $0xffff  }
0x1c8: {  	v29 =	vor.u32 v2, v29;
	v23 =	vld.idx.msk [tilespmem:v23+s20+$0x0], $0xffff  }
0x1c9: {  	v28 =	vand.u32 $0x7F, v28;
	s4 =	sadd.s32 $0xFFFFFFFD, s5;
	v31 =	vld.idx.msk [tilespmem:v22+s18+$0x0], $0xffff  }
0x1ca: {  	v22 =	vld.idx.msk [tilespmem:v22+s20+$0x0], $0xffff;
	v28 =	vor.u32 v1, v28;
	v32 =	vadd.s32 s4, v0  }
0x1cb: {  	s6 =	sadd.s32 $0xFFFFFFFF, s5;
	v33 =	vld.idx.msk [tilespmem:v19+s18+$0x0], $0xffff;
	v32 =	vand.u32 $0x7F, v32  }
0x1cc: {  	v19 =	vld.idx.msk [tilespmem:v19+s20+$0x0], $0xffff;
	v34 =	vadd.s32 s6, v0;
	v32 =	vor.u32 v1, v32  }
0x1cd: {  	v34 =	vand.u32 $0x7F, v34;
	v35 =	vld.idx.msk [tilespmem:v29+s18+$0x0], $0xffff  }
0x1ce: {  	v34 =	vor.u32 v1, v34;
	v29 =	vld.idx.msk [tilespmem:v29+s20+$0x0], $0xffff  }
0x1cf: {  	v17 =	vmul.f32 v20, v17;
	v26 =	vadd.f32 v27, v26;
	v20 =	vld.idx.msk [tilespmem:v28+s18+$0x0], $0xffff  }
0x1d0: {  	v12 =	vmul.f32 v13, v12;
	v13 =	vadd.f32 v24, v25;
	v24 =	vld.idx.msk [tilespmem:v28+s20+$0x0], $0xffff  }
0x1d1: {  	v18 =	vmul.f32 v21, v18;
	v17 =	vadd.f32 v17, v26;
	v21 =	vld.idx.msk [tilespmem:v32+s18+$0x0], $0xffff  }
0x1d2: {  	v11 =	vmul.f32 v14, v11;
	v12 =	vadd.f32 v12, v13;
	v13 =	vld.idx.msk [tilespmem:v32+s20+$0x0], $0xffff  }
0x1d3: {  	v14 =	vadd.f32 v18, v17;
	v17 =	vld.idx.msk [tilespmem:v34+s18+$0x0], $0xffff;
	v18 =	vmul.f32 v29, v35  }
0x1d4: {  	v11 =	vadd.f32 v11, v12;
	v12 =	vmul.f32 v19, v33;
	v19 =	vld.idx.msk [tilespmem:v34+s20+$0x0], $0xffff  }
0x1d5: {  	v14 =	vadd.f32 v18, v14;
	v18 =	vmul.f32 v24, v20  }
0x1d6: {  	v11 =	vadd.f32 v12, v11;
	v20 =	vmul.f32 v22, v31  }
0x1d7: {  	v13 =	vmul.f32 v13, v21;
	v12 =	vadd.f32 v18, v14  }
0x1d8: {  	v14 =	vmul.f32 v23, v30;
	v11 =	vadd.f32 v20, v11  }
0x1d9: {  	s7 =	simm.s32 $0x7;
	v12 =	vadd.f32 v13, v12;
	v13 =	vmul.f32 v19, v17  }
0x1da: {  	v15 =	vmul.f32 v15, v16;
	v11 =	vadd.f32 v14, v11;
	v14 =	vadd.s32 s7, v0  }
0x1db: {  	s8 =	simm.s32 $0x5;
	v12 =	vadd.f32 v13, v12;
	v13 =	vand.u32 $0x7F, v14  }
0x1dc: {  	v11 =	vadd.f32 v15, v11;
	v14 =	vadd.s32 s8, v0;
	v13 =	vor.u32 v4, v13  }
0x1dd: {  	s10 =	smul.u32 $0x140, s10;
	s6 =	simm.s32 $0x3;
	v14 =	vand.u32 $0x7F, v14  }
0x1de: {  	v11 =	vadd.f32 v11, v12;
	v12 =	vadd.s32 s6, v0;
	v15 =	vor.u32 v4, v14  }
0x1df: {  	s10 =	sshra.s32 s10, $0x2;
	s7 =	simm.s32 $0x1;
	v12 =	vand.u32 $0x7F, v12  }
0x1e0: {  	[tilespmem:s10+$0x4E20] =	vst v11;
	v11 =	vadd.s32 s7, v0;
	v16 =	vor.u32 v4, v12  }
0x1e1: {  	s8 =	simm.s32 $0x0;
	v12 =	vand.u32 $0x7F, v11;
	v11 =	vld.idx.msk [tilespmem:v13+s18+$0x0], $0xffff  }
0x1e2: {  	v17 =	vor.u32 v4, v12;
	v12 =	vadd.s32 s8, v0;
	v14 =	vld.idx.msk [tilespmem:v13+s20+$0x0], $0xffff  }
0x1e3: {  	s5 =	simm.s32 $0x2;
	v13 =	vand.u32 $0x78, v12;
	v12 =	vld.idx.msk [tilespmem:v15+s18+$0x0], $0xffff  }
0x1e4: {  	v18 =	vadd.s32 s5, v0;
	v19 =	vor.u32 v3, v13;
	v13 =	vld.idx.msk [tilespmem:v15+s20+$0x0], $0xffff  }
0x1e5: {  	s6 =	simm.s32 $0x4;
	v15 =	vand.u32 $0x7F, v18;
	v24 =	vld.idx.msk [tilespmem:v16+s18+$0x0], $0xffff  }
0x1e6: {  	v18 =	vadd.s32 s6, v0;
	v15 =	vor.u32 v4, v15;
	v25 =	vld.idx.msk [tilespmem:v16+s20+$0x0], $0xffff  }
0x1e7: {  	s7 =	simm.s32 $0x6;
	v18 =	vand.u32 $0x7F, v18;
	v16 =	vld.idx.msk [tilespmem:v17+s18+$0x0], $0xffff  }
0x1e8: {  	v20 =	vadd.s32 s7, v0;
	v18 =	vor.u32 v4, v18;
	v21 =	vld.idx.msk [tilespmem:v17+s20+$0x0], $0xffff  }
0x1e9: {  	s5 =	simm.s32 $0xF;
	v17 =	vand.u32 $0x7F, v20;
	v26 =	vld.idx.msk [tilespmem:v19+s18+$0x0], $0xffff  }
0x1ea: {  	v20 =	vadd.s32 s5, v0;
	v28 =	vor.u32 v4, v17;
	v27 =	vld.idx.msk [tilespmem:v19+s20+$0x0], $0xffff  }
0x1eb: {  	s8 =	simm.s32 $0xD;
	v17 =	vand.u32 $0x7F, v20;
	v30 =	vld.idx.msk [tilespmem:v15+s18+$0x0], $0xffff  }
0x1ec: {  	s7 =	simm.s32 $0xB;
	v62 =	vor.u32 v4, v17;
	v63 =	vld.idx.msk [tilespmem:v15+s20+$0x0], $0xffff;
	v15 =	vadd.s32 s8, v0  }
0x1ed: {  	v31 =	vimm.f32 $0.0e+00;
	s6 =	simm.s32 $0x9;
	v20 =	vadd.s32 s7, v0;
	v17 =	vld.idx.msk [tilespmem:v18+s18+$0x0], $0xffff;
	v15 =	vand.u32 $0x7F, v15  }
0x1ee: {  	v19 =	vadd.s32 s6, v0;
	v22 =	vand.u32 $0x7F, v20;
	v20 =	vld.idx.msk [tilespmem:v18+s20+$0x0], $0xffff;
	v23 =	vor.u32 v4, v15  }
0x1ef: {  	s7 =	simm.s32 $0x8;
	v19 =	vand.u32 $0x7F, v19;
	v22 =	vor.u32 v4, v22;
	v24 =	vmul.f32 v25, v24;
	v18 =	vld.idx.msk [tilespmem:v28+s18+$0x0], $0xffff  }
0x1f0: {  	s8 =	simm.s32 $0xA;
	v15 =	vadd.s32 s7, v0;
	v26 =	vmul.f32 v27, v26;
	v27 =	vmul.f32 v21, v16;
	v21 =	vld.idx.msk [tilespmem:v28+s20+$0x0], $0xffff  }
0x1f1: {  	v19 =	vor.u32 v4, v19;
	v29 =	vand.u32 $0x78, v15;
	v28 =	vadd.s32 s8, v0;
	v16 =	vld.idx.msk [tilespmem:v62+s18+$0x0], $0xffff  }
0x1f2: {  	s6 =	simm.s32 $0x17;
	v15 =	vld.idx.msk [tilespmem:v62+s20+$0x0], $0xffff;
	v26 =	vadd.f32 v26, v31;
	v25 =	vadd.f32 v27, v31;
	v27 =	vmul.f32 v63, v30  }
.LBB2_17:
0x1f3: {  	p0 =	sne.s32 s6, $0x7F;
	v29 =	vor.u32 v3, v29;
	v28 =	vand.u32 $0x7F, v28;
	v30 =	vmul.f32 v13, v12;
	v12 =	vld.idx.msk [tilespmem:v23+s18+$0x0], $0xffff  }
0x1f4: {  	s4 =	sadd.s32 $0xFFFFFFFD, s5;
	v17 =	vmul.f32 v20, v17;
	v13 =	vld.idx.msk [tilespmem:v23+s20+$0x0], $0xffff;
	v23 =	vadd.f32 v27, v26;
	v24 =	vadd.f32 v24, v25  }
0x1f5: {  	v14 =	vmul.f32 v14, v11;
	v20 =	vor.u32 v4, v28;
	v26 =	vadd.s32 s4, v0;
	v25 =	vld.idx.msk [tilespmem:v22+s18+$0x0], $0xffff  }
0x1f6: {  	s4 =	sadd.s32 $0xFFFFFFFF, s5;
	s5 =	smov.u32 s6;
	v18 =	vmul.f32 v21, v18;
	v27 =	vld.idx.msk [tilespmem:v22+s20+$0x0], $0xffff;
	v17 =	vadd.f32 v17, v23;
	v22 =	vadd.f32 v30, v24  }
0x1f7: {  	v23 =	vand.u32 $0x7F, v26;
	v24 =	vadd.s32 s4, v0;
	v11 =	vmov v16;
	v21 =	vld.idx.msk [tilespmem:v19+s18+$0x0], $0xffff  }
0x1f8: {  	v16 =	vld.idx.msk [tilespmem:v19+s20+$0x0], $0xffff;
	v19 =	vor.u32 v4, v23;
	v26 =	vadd.f32 v18, v17;
	v30 =	vadd.f32 v14, v22  }
0x1f9: {  	v17 =	vand.u32 $0x7F, v24;
	v14 =	vmov v15;
	v28 =	vld.idx.msk [tilespmem:v29+s18+$0x0], $0xffff  }
0x1fa: {  	v15 =	vadd.s32 s6, v0;
	v24 =	vld.idx.msk [tilespmem:v29+s20+$0x0], $0xffff;
	v29 =	vor.u32 v4, v17  }
0x1fb: {  	s4 =	sadd.s32 $0xFFFFFFFE, s6;
	v15 =	vand.u32 $0x7F, v15;
	v31 =	vld.idx.msk [tilespmem:v20+s18+$0x0], $0xffff  }
0x1fc: {  	s7 =	sadd.s32 $0xFFFFFFFA, s6;
	s8 =	sadd.s32 $0xFFFFFFFC, s6;
	v17 =	vadd.s32 s4, v0;
	v15 =	vor.u32 v4, v15;
	v32 =	vld.idx.msk [tilespmem:v20+s20+$0x0], $0xffff  }
0x1fd: {  	v18 =	vadd.s32 s7, v0;
	v22 =	vand.u32 $0x7F, v17;
	v20 =	vadd.s32 s8, v0;
	v17 =	vld.idx.msk [tilespmem:v19+s18+$0x0], $0xffff  }
.Ltmp12:
0x1fe: {  	v18 =	vand.u32 $0x7F, v18;
	v23 =	vor.u32 v4, v22;
	v33 =	vand.u32 $0x7F, v20;
	v20 =	vld.idx.msk [tilespmem:v19+s20+$0x0], $0xffff;
	(pc) =	sbr.rel @p0 .LBB2_17-.Ltmp12, $4  }
0x1ff: {  	s4 =	sadd.s32 $0xFFFFFFF9, s6;
	v19 =	vor.u32 v4, v18;
	v22 =	vor.u32 v4, v33;
	v18 =	vld.idx.msk [tilespmem:v29+s18+$0x0], $0xffff  }
0x200: {  	v35 =	vmul.f32 v16, v21;
	v33 =	vadd.s32 s4, v0;
	s4 =	sadd.s32 $0xFFFFFFFB, s6;
	v34 =	vmul.f32 v24, v28;
	v21 =	vld.idx.msk [tilespmem:v29+s20+$0x0], $0xffff  }
0x201: {  	v28 =	vadd.s32 s4, v0;
	v24 =	vmul.f32 v27, v25;
	v29 =	vand.u32 $0x78, v33;
	v16 =	vld.idx.msk [tilespmem:v15+s18+$0x0], $0xffff  }
0x202: {  	s6 =	sadd.s32 $0x8, s6;
	v25 =	vadd.f32 v35, v30;
	v26 =	vadd.f32 v34, v26;
	v27 =	vmul.f32 v32, v31;
	v15 =	vld.idx.msk [tilespmem:v15+s20+$0x0], $0xffff  }
0x203: {  	_ =	sdelay $0x3  }
0x204: {  	v30 =	vld.idx.msk [tilespmem:v23+s18+$0x0], $0xffff  }
0x205: {  	v29 =	vor.u32 v3, v29;
	v23 =	vld.idx.msk [tilespmem:v23+s20+$0x0], $0xffff  }
0x206: {  	v28 =	vand.u32 $0x7F, v28;
	s4 =	sadd.s32 $0xFFFFFFFD, s5;
	v31 =	vld.idx.msk [tilespmem:v22+s18+$0x0], $0xffff  }
0x207: {  	v22 =	vld.idx.msk [tilespmem:v22+s20+$0x0], $0xffff;
	v28 =	vor.u32 v4, v28;
	v32 =	vadd.s32 s4, v0  }
0x208: {  	s7 =	sadd.s32 $0xFFFFFFFF, s5;
	v33 =	vld.idx.msk [tilespmem:v19+s18+$0x0], $0xffff;
	v32 =	vand.u32 $0x7F, v32  }
0x209: {  	v19 =	vld.idx.msk [tilespmem:v19+s20+$0x0], $0xffff;
	v34 =	vadd.s32 s7, v0;
	v32 =	vor.u32 v4, v32  }
0x20a: {  	v34 =	vand.u32 $0x7F, v34;
	v35 =	vld.idx.msk [tilespmem:v29+s18+$0x0], $0xffff  }
0x20b: {  	v34 =	vor.u32 v4, v34;
	v29 =	vld.idx.msk [tilespmem:v29+s20+$0x0], $0xffff  }
0x20c: {  	v17 =	vmul.f32 v20, v17;
	v26 =	vadd.f32 v27, v26;
	v20 =	vld.idx.msk [tilespmem:v28+s18+$0x0], $0xffff  }
0x20d: {  	v12 =	vmul.f32 v13, v12;
	v13 =	vadd.f32 v24, v25;
	v24 =	vld.idx.msk [tilespmem:v28+s20+$0x0], $0xffff  }
0x20e: {  	v18 =	vmul.f32 v21, v18;
	v17 =	vadd.f32 v17, v26;
	v21 =	vld.idx.msk [tilespmem:v32+s18+$0x0], $0xffff  }
0x20f: {  	v11 =	vmul.f32 v14, v11;
	v12 =	vadd.f32 v12, v13;
	v13 =	vld.idx.msk [tilespmem:v32+s20+$0x0], $0xffff  }
0x210: {  	v14 =	vadd.f32 v18, v17;
	v17 =	vld.idx.msk [tilespmem:v34+s18+$0x0], $0xffff;
	v18 =	vmul.f32 v29, v35  }
0x211: {  	v11 =	vadd.f32 v11, v12;
	v12 =	vmul.f32 v19, v33;
	v19 =	vld.idx.msk [tilespmem:v34+s20+$0x0], $0xffff  }
0x212: {  	v14 =	vadd.f32 v18, v14;
	v18 =	vmul.f32 v24, v20  }
0x213: {  	v11 =	vadd.f32 v12, v11;
	v20 =	vmul.f32 v22, v31  }
0x214: {  	v13 =	vmul.f32 v13, v21;
	v12 =	vadd.f32 v18, v14  }
0x215: {  	v14 =	vmul.f32 v23, v30;
	v11 =	vadd.f32 v20, v11  }
0x216: {  	s8 =	simm.s32 $0x7;
	v12 =	vadd.f32 v13, v12;
	v13 =	vmul.f32 v19, v17  }
0x217: {  	v15 =	vmul.f32 v15, v16;
	v11 =	vadd.f32 v14, v11;
	v14 =	vadd.s32 s8, v0  }
0x218: {  	s5 =	simm.s32 $0x5;
	v12 =	vadd.f32 v13, v12;
	v13 =	vand.u32 $0x7F, v14  }
0x219: {  	v11 =	vadd.f32 v15, v11;
	v14 =	vadd.s32 s5, v0;
	v13 =	vor.u32 v6, v13  }
0x21a: {  	s6 =	simm.s32 $0x3;
	v14 =	vand.u32 $0x7F, v14  }
0x21b: {  	v11 =	vadd.f32 v11, v12;
	v12 =	vadd.s32 s6, v0;
	v15 =	vor.u32 v6, v14  }
0x21c: {  	s7 =	simm.s32 $0x1;
	v12 =	vand.u32 $0x7F, v12  }
0x21d: {  	[tilespmem:s10+$0x4E30] =	vst v11;
	v11 =	vadd.s32 s7, v0;
	v16 =	vor.u32 v6, v12  }
0x21e: {  	s8 =	simm.s32 $0x0;
	v12 =	vand.u32 $0x7F, v11;
	v11 =	vld.idx.msk [tilespmem:v13+s18+$0x0], $0xffff  }
0x21f: {  	v17 =	vor.u32 v6, v12;
	v12 =	vadd.s32 s8, v0;
	v14 =	vld.idx.msk [tilespmem:v13+s20+$0x0], $0xffff  }
0x220: {  	s5 =	simm.s32 $0x2;
	v13 =	vand.u32 $0x78, v12;
	v12 =	vld.idx.msk [tilespmem:v15+s18+$0x0], $0xffff  }
0x221: {  	v18 =	vadd.s32 s5, v0;
	v19 =	vor.u32 v5, v13;
	v13 =	vld.idx.msk [tilespmem:v15+s20+$0x0], $0xffff  }
0x222: {  	s6 =	simm.s32 $0x4;
	v15 =	vand.u32 $0x7F, v18;
	v24 =	vld.idx.msk [tilespmem:v16+s18+$0x0], $0xffff  }
0x223: {  	v18 =	vadd.s32 s6, v0;
	v15 =	vor.u32 v6, v15;
	v25 =	vld.idx.msk [tilespmem:v16+s20+$0x0], $0xffff  }
0x224: {  	s7 =	simm.s32 $0x6;
	v18 =	vand.u32 $0x7F, v18;
	v16 =	vld.idx.msk [tilespmem:v17+s18+$0x0], $0xffff  }
0x225: {  	v20 =	vadd.s32 s7, v0;
	v18 =	vor.u32 v6, v18;
	v21 =	vld.idx.msk [tilespmem:v17+s20+$0x0], $0xffff  }
0x226: {  	s5 =	simm.s32 $0xF;
	v17 =	vand.u32 $0x7F, v20;
	v26 =	vld.idx.msk [tilespmem:v19+s18+$0x0], $0xffff  }
0x227: {  	v20 =	vadd.s32 s5, v0;
	v28 =	vor.u32 v6, v17;
	v27 =	vld.idx.msk [tilespmem:v19+s20+$0x0], $0xffff  }
0x228: {  	s8 =	simm.s32 $0xD;
	v17 =	vand.u32 $0x7F, v20;
	v30 =	vld.idx.msk [tilespmem:v15+s18+$0x0], $0xffff  }
0x229: {  	s7 =	simm.s32 $0xB;
	v62 =	vor.u32 v6, v17;
	v63 =	vld.idx.msk [tilespmem:v15+s20+$0x0], $0xffff;
	v15 =	vadd.s32 s8, v0  }
0x22a: {  	v31 =	vimm.f32 $0.0e+00;
	s6 =	simm.s32 $0x9;
	v20 =	vadd.s32 s7, v0;
	v17 =	vld.idx.msk [tilespmem:v18+s18+$0x0], $0xffff;
	v15 =	vand.u32 $0x7F, v15  }
0x22b: {  	v19 =	vadd.s32 s6, v0;
	v22 =	vand.u32 $0x7F, v20;
	v20 =	vld.idx.msk [tilespmem:v18+s20+$0x0], $0xffff;
	v23 =	vor.u32 v6, v15  }
0x22c: {  	s7 =	simm.s32 $0x8;
	v19 =	vand.u32 $0x7F, v19;
	v22 =	vor.u32 v6, v22;
	v24 =	vmul.f32 v25, v24;
	v18 =	vld.idx.msk [tilespmem:v28+s18+$0x0], $0xffff  }
0x22d: {  	s8 =	simm.s32 $0xA;
	v15 =	vadd.s32 s7, v0;
	v26 =	vmul.f32 v27, v26;
	v27 =	vmul.f32 v21, v16;
	v21 =	vld.idx.msk [tilespmem:v28+s20+$0x0], $0xffff  }
0x22e: {  	v19 =	vor.u32 v6, v19;
	v29 =	vand.u32 $0x78, v15;
	v28 =	vadd.s32 s8, v0;
	v16 =	vld.idx.msk [tilespmem:v62+s18+$0x0], $0xffff  }
0x22f: {  	s6 =	simm.s32 $0x17;
	v15 =	vld.idx.msk [tilespmem:v62+s20+$0x0], $0xffff;
	v26 =	vadd.f32 v26, v31;
	v25 =	vadd.f32 v27, v31;
	v27 =	vmul.f32 v63, v30  }
.LBB2_19:
0x230: {  	p0 =	sne.s32 s6, $0x7F;
	v29 =	vor.u32 v5, v29;
	v28 =	vand.u32 $0x7F, v28;
	v30 =	vmul.f32 v13, v12;
	v12 =	vld.idx.msk [tilespmem:v23+s18+$0x0], $0xffff  }
0x231: {  	s4 =	sadd.s32 $0xFFFFFFFD, s5;
	v17 =	vmul.f32 v20, v17;
	v13 =	vld.idx.msk [tilespmem:v23+s20+$0x0], $0xffff;
	v23 =	vadd.f32 v27, v26;
	v24 =	vadd.f32 v24, v25  }
0x232: {  	v14 =	vmul.f32 v14, v11;
	v20 =	vor.u32 v6, v28;
	v26 =	vadd.s32 s4, v0;
	v25 =	vld.idx.msk [tilespmem:v22+s18+$0x0], $0xffff  }
0x233: {  	s4 =	sadd.s32 $0xFFFFFFFF, s5;
	s5 =	smov.u32 s6;
	v18 =	vmul.f32 v21, v18;
	v27 =	vld.idx.msk [tilespmem:v22+s20+$0x0], $0xffff;
	v17 =	vadd.f32 v17, v23;
	v22 =	vadd.f32 v30, v24  }
0x234: {  	v23 =	vand.u32 $0x7F, v26;
	v24 =	vadd.s32 s4, v0;
	v11 =	vmov v16;
	v21 =	vld.idx.msk [tilespmem:v19+s18+$0x0], $0xffff  }
0x235: {  	v16 =	vld.idx.msk [tilespmem:v19+s20+$0x0], $0xffff;
	v19 =	vor.u32 v6, v23;
	v26 =	vadd.f32 v18, v17;
	v30 =	vadd.f32 v14, v22  }
0x236: {  	v17 =	vand.u32 $0x7F, v24;
	v14 =	vmov v15;
	v28 =	vld.idx.msk [tilespmem:v29+s18+$0x0], $0xffff  }
0x237: {  	v15 =	vadd.s32 s6, v0;
	v24 =	vld.idx.msk [tilespmem:v29+s20+$0x0], $0xffff;
	v29 =	vor.u32 v6, v17  }
0x238: {  	s4 =	sadd.s32 $0xFFFFFFFE, s6;
	v15 =	vand.u32 $0x7F, v15;
	v31 =	vld.idx.msk [tilespmem:v20+s18+$0x0], $0xffff  }
0x239: {  	s7 =	sadd.s32 $0xFFFFFFFA, s6;
	s8 =	sadd.s32 $0xFFFFFFFC, s6;
	v17 =	vadd.s32 s4, v0;
	v15 =	vor.u32 v6, v15;
	v32 =	vld.idx.msk [tilespmem:v20+s20+$0x0], $0xffff  }
0x23a: {  	v18 =	vadd.s32 s7, v0;
	v22 =	vand.u32 $0x7F, v17;
	v20 =	vadd.s32 s8, v0;
	v17 =	vld.idx.msk [tilespmem:v19+s18+$0x0], $0xffff  }
.Ltmp13:
0x23b: {  	v18 =	vand.u32 $0x7F, v18;
	v23 =	vor.u32 v6, v22;
	v33 =	vand.u32 $0x7F, v20;
	v20 =	vld.idx.msk [tilespmem:v19+s20+$0x0], $0xffff;
	(pc) =	sbr.rel @p0 .LBB2_19-.Ltmp13, $4  }
0x23c: {  	s4 =	sadd.s32 $0xFFFFFFF9, s6;
	v19 =	vor.u32 v6, v18;
	v22 =	vor.u32 v6, v33;
	v18 =	vld.idx.msk [tilespmem:v29+s18+$0x0], $0xffff  }
0x23d: {  	v35 =	vmul.f32 v16, v21;
	v33 =	vadd.s32 s4, v0;
	s4 =	sadd.s32 $0xFFFFFFFB, s6;
	v34 =	vmul.f32 v24, v28;
	v21 =	vld.idx.msk [tilespmem:v29+s20+$0x0], $0xffff  }
0x23e: {  	v28 =	vadd.s32 s4, v0;
	v24 =	vmul.f32 v27, v25;
	v29 =	vand.u32 $0x78, v33;
	v16 =	vld.idx.msk [tilespmem:v15+s18+$0x0], $0xffff  }
0x23f: {  	s6 =	sadd.s32 $0x8, s6;
	v25 =	vadd.f32 v35, v30;
	v26 =	vadd.f32 v34, v26;
	v27 =	vmul.f32 v32, v31;
	v15 =	vld.idx.msk [tilespmem:v15+s20+$0x0], $0xffff  }
0x240: {  	_ =	sdelay $0x3  }
0x241: {  	v30 =	vld.idx.msk [tilespmem:v23+s18+$0x0], $0xffff  }
0x242: {  	v29 =	vor.u32 v5, v29;
	v23 =	vld.idx.msk [tilespmem:v23+s20+$0x0], $0xffff  }
0x243: {  	v28 =	vand.u32 $0x7F, v28;
	s4 =	sadd.s32 $0xFFFFFFFD, s5;
	v31 =	vld.idx.msk [tilespmem:v22+s18+$0x0], $0xffff  }
0x244: {  	v22 =	vld.idx.msk [tilespmem:v22+s20+$0x0], $0xffff;
	v28 =	vor.u32 v6, v28;
	v32 =	vadd.s32 s4, v0  }
0x245: {  	s7 =	sadd.s32 $0xFFFFFFFF, s5;
	v33 =	vld.idx.msk [tilespmem:v19+s18+$0x0], $0xffff;
	v32 =	vand.u32 $0x7F, v32  }
0x246: {  	v19 =	vld.idx.msk [tilespmem:v19+s20+$0x0], $0xffff;
	v34 =	vadd.s32 s7, v0;
	v32 =	vor.u32 v6, v32  }
0x247: {  	v34 =	vand.u32 $0x7F, v34;
	v35 =	vld.idx.msk [tilespmem:v29+s18+$0x0], $0xffff  }
0x248: {  	v34 =	vor.u32 v6, v34;
	v29 =	vld.idx.msk [tilespmem:v29+s20+$0x0], $0xffff  }
0x249: {  	v17 =	vmul.f32 v20, v17;
	v26 =	vadd.f32 v27, v26;
	v20 =	vld.idx.msk [tilespmem:v28+s18+$0x0], $0xffff  }
0x24a: {  	v12 =	vmul.f32 v13, v12;
	v13 =	vadd.f32 v24, v25;
	v24 =	vld.idx.msk [tilespmem:v28+s20+$0x0], $0xffff  }
0x24b: {  	v18 =	vmul.f32 v21, v18;
	v17 =	vadd.f32 v17, v26;
	v21 =	vld.idx.msk [tilespmem:v32+s18+$0x0], $0xffff  }
0x24c: {  	v11 =	vmul.f32 v14, v11;
	v12 =	vadd.f32 v12, v13;
	v13 =	vld.idx.msk [tilespmem:v32+s20+$0x0], $0xffff  }
0x24d: {  	v14 =	vadd.f32 v18, v17;
	v17 =	vld.idx.msk [tilespmem:v34+s18+$0x0], $0xffff;
	v18 =	vmul.f32 v29, v35  }
0x24e: {  	v11 =	vadd.f32 v11, v12;
	v12 =	vmul.f32 v19, v33;
	v19 =	vld.idx.msk [tilespmem:v34+s20+$0x0], $0xffff  }
0x24f: {  	v14 =	vadd.f32 v18, v14;
	v18 =	vmul.f32 v24, v20  }
0x250: {  	v11 =	vadd.f32 v12, v11;
	v20 =	vmul.f32 v22, v31  }
0x251: {  	v13 =	vmul.f32 v13, v21;
	v12 =	vadd.f32 v18, v14  }
0x252: {  	v14 =	vmul.f32 v23, v30;
	v11 =	vadd.f32 v20, v11  }
0x253: {  	s8 =	simm.s32 $0x7;
	v12 =	vadd.f32 v13, v12;
	v13 =	vmul.f32 v19, v17  }
0x254: {  	v15 =	vmul.f32 v15, v16;
	v11 =	vadd.f32 v14, v11;
	v14 =	vadd.s32 s8, v0  }
0x255: {  	s5 =	simm.s32 $0x5;
	v12 =	vadd.f32 v13, v12;
	v13 =	vand.u32 $0x7F, v14  }
0x256: {  	v11 =	vadd.f32 v15, v11;
	v14 =	vadd.s32 s5, v0;
	v13 =	vor.u32 v8, v13  }
0x257: {  	s6 =	simm.s32 $0x3;
	v14 =	vand.u32 $0x7F, v14  }
0x258: {  	v11 =	vadd.f32 v11, v12;
	v12 =	vadd.s32 s6, v0;
	v15 =	vor.u32 v8, v14  }
0x259: {  	s7 =	simm.s32 $0x1;
	v12 =	vand.u32 $0x7F, v12  }
0x25a: {  	[tilespmem:s10+$0x4E40] =	vst v11;
	v11 =	vadd.s32 s7, v0;
	v16 =	vor.u32 v8, v12  }
0x25b: {  	s8 =	simm.s32 $0x0;
	v12 =	vand.u32 $0x7F, v11;
	v11 =	vld.idx.msk [tilespmem:v13+s18+$0x0], $0xffff  }
0x25c: {  	v17 =	vor.u32 v8, v12;
	v12 =	vadd.s32 s8, v0;
	v14 =	vld.idx.msk [tilespmem:v13+s20+$0x0], $0xffff  }
0x25d: {  	s5 =	simm.s32 $0x2;
	v13 =	vand.u32 $0x78, v12;
	v12 =	vld.idx.msk [tilespmem:v15+s18+$0x0], $0xffff  }
0x25e: {  	v18 =	vadd.s32 s5, v0;
	v19 =	vor.u32 v7, v13;
	v13 =	vld.idx.msk [tilespmem:v15+s20+$0x0], $0xffff  }
0x25f: {  	s6 =	simm.s32 $0x4;
	v15 =	vand.u32 $0x7F, v18;
	v24 =	vld.idx.msk [tilespmem:v16+s18+$0x0], $0xffff  }
0x260: {  	v18 =	vadd.s32 s6, v0;
	v15 =	vor.u32 v8, v15;
	v25 =	vld.idx.msk [tilespmem:v16+s20+$0x0], $0xffff  }
0x261: {  	s7 =	simm.s32 $0x6;
	v18 =	vand.u32 $0x7F, v18;
	v16 =	vld.idx.msk [tilespmem:v17+s18+$0x0], $0xffff  }
0x262: {  	v20 =	vadd.s32 s7, v0;
	v18 =	vor.u32 v8, v18;
	v21 =	vld.idx.msk [tilespmem:v17+s20+$0x0], $0xffff  }
0x263: {  	s5 =	simm.s32 $0xF;
	v17 =	vand.u32 $0x7F, v20;
	v26 =	vld.idx.msk [tilespmem:v19+s18+$0x0], $0xffff  }
0x264: {  	v20 =	vadd.s32 s5, v0;
	v28 =	vor.u32 v8, v17;
	v27 =	vld.idx.msk [tilespmem:v19+s20+$0x0], $0xffff  }
0x265: {  	s8 =	simm.s32 $0xD;
	v17 =	vand.u32 $0x7F, v20;
	v30 =	vld.idx.msk [tilespmem:v15+s18+$0x0], $0xffff  }
0x266: {  	s7 =	simm.s32 $0xB;
	v62 =	vor.u32 v8, v17;
	v63 =	vld.idx.msk [tilespmem:v15+s20+$0x0], $0xffff;
	v15 =	vadd.s32 s8, v0  }
0x267: {  	v31 =	vimm.f32 $0.0e+00;
	s6 =	simm.s32 $0x9;
	v20 =	vadd.s32 s7, v0;
	v17 =	vld.idx.msk [tilespmem:v18+s18+$0x0], $0xffff;
	v15 =	vand.u32 $0x7F, v15  }
0x268: {  	v19 =	vadd.s32 s6, v0;
	v22 =	vand.u32 $0x7F, v20;
	v20 =	vld.idx.msk [tilespmem:v18+s20+$0x0], $0xffff;
	v23 =	vor.u32 v8, v15  }
0x269: {  	s7 =	simm.s32 $0x8;
	v19 =	vand.u32 $0x7F, v19;
	v22 =	vor.u32 v8, v22;
	v24 =	vmul.f32 v25, v24;
	v18 =	vld.idx.msk [tilespmem:v28+s18+$0x0], $0xffff  }
0x26a: {  	s8 =	simm.s32 $0xA;
	v15 =	vadd.s32 s7, v0;
	v26 =	vmul.f32 v27, v26;
	v27 =	vmul.f32 v21, v16;
	v21 =	vld.idx.msk [tilespmem:v28+s20+$0x0], $0xffff  }
0x26b: {  	v19 =	vor.u32 v8, v19;
	v29 =	vand.u32 $0x78, v15;
	v28 =	vadd.s32 s8, v0;
	v16 =	vld.idx.msk [tilespmem:v62+s18+$0x0], $0xffff  }
0x26c: {  	s6 =	simm.s32 $0x17;
	v15 =	vld.idx.msk [tilespmem:v62+s20+$0x0], $0xffff;
	v26 =	vadd.f32 v26, v31;
	v25 =	vadd.f32 v27, v31;
	v27 =	vmul.f32 v63, v30  }
.LBB2_21:
0x26d: {  	p0 =	sne.s32 s6, $0x7F;
	v29 =	vor.u32 v7, v29;
	v28 =	vand.u32 $0x7F, v28;
	v30 =	vmul.f32 v13, v12;
	v12 =	vld.idx.msk [tilespmem:v23+s18+$0x0], $0xffff  }
0x26e: {  	s4 =	sadd.s32 $0xFFFFFFFD, s5;
	v17 =	vmul.f32 v20, v17;
	v13 =	vld.idx.msk [tilespmem:v23+s20+$0x0], $0xffff;
	v23 =	vadd.f32 v27, v26;
	v24 =	vadd.f32 v24, v25  }
0x26f: {  	v14 =	vmul.f32 v14, v11;
	v20 =	vor.u32 v8, v28;
	v26 =	vadd.s32 s4, v0;
	v25 =	vld.idx.msk [tilespmem:v22+s18+$0x0], $0xffff  }
0x270: {  	s4 =	sadd.s32 $0xFFFFFFFF, s5;
	s5 =	smov.u32 s6;
	v18 =	vmul.f32 v21, v18;
	v27 =	vld.idx.msk [tilespmem:v22+s20+$0x0], $0xffff;
	v17 =	vadd.f32 v17, v23;
	v22 =	vadd.f32 v30, v24  }
0x271: {  	v23 =	vand.u32 $0x7F, v26;
	v24 =	vadd.s32 s4, v0;
	v11 =	vmov v16;
	v21 =	vld.idx.msk [tilespmem:v19+s18+$0x0], $0xffff  }
0x272: {  	v16 =	vld.idx.msk [tilespmem:v19+s20+$0x0], $0xffff;
	v19 =	vor.u32 v8, v23;
	v26 =	vadd.f32 v18, v17;
	v30 =	vadd.f32 v14, v22  }
0x273: {  	v17 =	vand.u32 $0x7F, v24;
	v14 =	vmov v15;
	v28 =	vld.idx.msk [tilespmem:v29+s18+$0x0], $0xffff  }
0x274: {  	v15 =	vadd.s32 s6, v0;
	v24 =	vld.idx.msk [tilespmem:v29+s20+$0x0], $0xffff;
	v29 =	vor.u32 v8, v17  }
0x275: {  	s4 =	sadd.s32 $0xFFFFFFFE, s6;
	v15 =	vand.u32 $0x7F, v15;
	v31 =	vld.idx.msk [tilespmem:v20+s18+$0x0], $0xffff  }
0x276: {  	s7 =	sadd.s32 $0xFFFFFFFA, s6;
	s8 =	sadd.s32 $0xFFFFFFFC, s6;
	v17 =	vadd.s32 s4, v0;
	v15 =	vor.u32 v8, v15;
	v32 =	vld.idx.msk [tilespmem:v20+s20+$0x0], $0xffff  }
0x277: {  	v18 =	vadd.s32 s7, v0;
	v22 =	vand.u32 $0x7F, v17;
	v20 =	vadd.s32 s8, v0;
	v17 =	vld.idx.msk [tilespmem:v19+s18+$0x0], $0xffff  }
.Ltmp14:
0x278: {  	v18 =	vand.u32 $0x7F, v18;
	v23 =	vor.u32 v8, v22;
	v33 =	vand.u32 $0x7F, v20;
	v20 =	vld.idx.msk [tilespmem:v19+s20+$0x0], $0xffff;
	(pc) =	sbr.rel @p0 .LBB2_21-.Ltmp14, $4  }
0x279: {  	s4 =	sadd.s32 $0xFFFFFFF9, s6;
	v19 =	vor.u32 v8, v18;
	v22 =	vor.u32 v8, v33;
	v18 =	vld.idx.msk [tilespmem:v29+s18+$0x0], $0xffff  }
0x27a: {  	v35 =	vmul.f32 v16, v21;
	v33 =	vadd.s32 s4, v0;
	s4 =	sadd.s32 $0xFFFFFFFB, s6;
	v34 =	vmul.f32 v24, v28;
	v21 =	vld.idx.msk [tilespmem:v29+s20+$0x0], $0xffff  }
0x27b: {  	v28 =	vadd.s32 s4, v0;
	v24 =	vmul.f32 v27, v25;
	v29 =	vand.u32 $0x78, v33;
	v16 =	vld.idx.msk [tilespmem:v15+s18+$0x0], $0xffff  }
0x27c: {  	s6 =	sadd.s32 $0x8, s6;
	v25 =	vadd.f32 v35, v30;
	v26 =	vadd.f32 v34, v26;
	v27 =	vmul.f32 v32, v31;
	v15 =	vld.idx.msk [tilespmem:v15+s20+$0x0], $0xffff  }
0x27d: {  	_ =	sdelay $0x3  }
0x27e: {  	v30 =	vld.idx.msk [tilespmem:v23+s18+$0x0], $0xffff  }
0x27f: {  	v29 =	vor.u32 v7, v29;
	v23 =	vld.idx.msk [tilespmem:v23+s20+$0x0], $0xffff  }
0x280: {  	v28 =	vand.u32 $0x7F, v28;
	s4 =	sadd.s32 $0xFFFFFFFD, s5;
	v31 =	vld.idx.msk [tilespmem:v22+s18+$0x0], $0xffff  }
0x281: {  	v22 =	vld.idx.msk [tilespmem:v22+s20+$0x0], $0xffff;
	v28 =	vor.u32 v8, v28;
	v32 =	vadd.s32 s4, v0  }
0x282: {  	s7 =	sadd.s32 $0xFFFFFFFF, s5;
	v33 =	vld.idx.msk [tilespmem:v19+s18+$0x0], $0xffff;
	v32 =	vand.u32 $0x7F, v32  }
0x283: {  	v19 =	vld.idx.msk [tilespmem:v19+s20+$0x0], $0xffff;
	v34 =	vadd.s32 s7, v0;
	v32 =	vor.u32 v8, v32  }
0x284: {  	v34 =	vand.u32 $0x7F, v34;
	v35 =	vld.idx.msk [tilespmem:v29+s18+$0x0], $0xffff  }
0x285: {  	v34 =	vor.u32 v8, v34;
	v29 =	vld.idx.msk [tilespmem:v29+s20+$0x0], $0xffff  }
0x286: {  	v17 =	vmul.f32 v20, v17;
	v26 =	vadd.f32 v27, v26;
	v20 =	vld.idx.msk [tilespmem:v28+s18+$0x0], $0xffff  }
0x287: {  	v12 =	vmul.f32 v13, v12;
	v13 =	vadd.f32 v24, v25;
	v24 =	vld.idx.msk [tilespmem:v28+s20+$0x0], $0xffff  }
0x288: {  	v18 =	vmul.f32 v21, v18;
	v17 =	vadd.f32 v17, v26;
	v21 =	vld.idx.msk [tilespmem:v32+s18+$0x0], $0xffff  }
0x289: {  	v11 =	vmul.f32 v14, v11;
	v12 =	vadd.f32 v12, v13;
	v13 =	vld.idx.msk [tilespmem:v32+s20+$0x0], $0xffff  }
0x28a: {  	v14 =	vadd.f32 v18, v17;
	v17 =	vld.idx.msk [tilespmem:v34+s18+$0x0], $0xffff;
	v18 =	vmul.f32 v29, v35  }
0x28b: {  	v11 =	vadd.f32 v11, v12;
	v12 =	vmul.f32 v19, v33;
	v19 =	vld.idx.msk [tilespmem:v34+s20+$0x0], $0xffff  }
0x28c: {  	v14 =	vadd.f32 v18, v14;
	v18 =	vmul.f32 v24, v20  }
0x28d: {  	v11 =	vadd.f32 v12, v11;
	v20 =	vmul.f32 v22, v31  }
0x28e: {  	v13 =	vmul.f32 v13, v21;
	v12 =	vadd.f32 v18, v14  }
0x28f: {  	v14 =	vmul.f32 v23, v30;
	v11 =	vadd.f32 v20, v11  }
0x290: {  	s8 =	simm.s32 $0x7;
	v12 =	vadd.f32 v13, v12;
	v13 =	vmul.f32 v19, v17  }
0x291: {  	v15 =	vmul.f32 v15, v16;
	v11 =	vadd.f32 v14, v11;
	v14 =	vadd.s32 s8, v0  }
0x292: {  	s5 =	simm.s32 $0x5;
	v12 =	vadd.f32 v13, v12;
	v13 =	vand.u32 $0x7F, v14  }
0x293: {  	v11 =	vadd.f32 v15, v11;
	v14 =	vadd.s32 s5, v0;
	v13 =	vor.u32 v10, v13  }
0x294: {  	s6 =	simm.s32 $0x3;
	v14 =	vand.u32 $0x7F, v14  }
0x295: {  	v11 =	vadd.f32 v11, v12;
	v12 =	vadd.s32 s6, v0;
	v15 =	vor.u32 v10, v14  }
0x296: {  	s7 =	simm.s32 $0x1;
	v12 =	vand.u32 $0x7F, v12  }
0x297: {  	[tilespmem:s10+$0x4E50] =	vst v11;
	v11 =	vadd.s32 s7, v0;
	v16 =	vor.u32 v10, v12  }
0x298: {  	s8 =	simm.s32 $0x0;
	v12 =	vand.u32 $0x7F, v11;
	v11 =	vld.idx.msk [tilespmem:v13+s18+$0x0], $0xffff  }
0x299: {  	v17 =	vor.u32 v10, v12;
	v12 =	vadd.s32 s8, v0;
	v14 =	vld.idx.msk [tilespmem:v13+s20+$0x0], $0xffff  }
0x29a: {  	s5 =	simm.s32 $0x2;
	v13 =	vand.u32 $0x78, v12;
	v12 =	vld.idx.msk [tilespmem:v15+s18+$0x0], $0xffff  }
0x29b: {  	v18 =	vadd.s32 s5, v0;
	v19 =	vor.u32 v9, v13;
	v13 =	vld.idx.msk [tilespmem:v15+s20+$0x0], $0xffff  }
0x29c: {  	s6 =	simm.s32 $0x4;
	v15 =	vand.u32 $0x7F, v18;
	v24 =	vld.idx.msk [tilespmem:v16+s18+$0x0], $0xffff  }
0x29d: {  	v18 =	vadd.s32 s6, v0;
	v15 =	vor.u32 v10, v15;
	v25 =	vld.idx.msk [tilespmem:v16+s20+$0x0], $0xffff  }
0x29e: {  	s7 =	simm.s32 $0x6;
	v18 =	vand.u32 $0x7F, v18;
	v16 =	vld.idx.msk [tilespmem:v17+s18+$0x0], $0xffff  }
0x29f: {  	v20 =	vadd.s32 s7, v0;
	v18 =	vor.u32 v10, v18;
	v21 =	vld.idx.msk [tilespmem:v17+s20+$0x0], $0xffff  }
0x2a0: {  	s5 =	simm.s32 $0xF;
	v17 =	vand.u32 $0x7F, v20;
	v26 =	vld.idx.msk [tilespmem:v19+s18+$0x0], $0xffff  }
0x2a1: {  	v20 =	vadd.s32 s5, v0;
	v28 =	vor.u32 v10, v17;
	v27 =	vld.idx.msk [tilespmem:v19+s20+$0x0], $0xffff  }
0x2a2: {  	s8 =	simm.s32 $0xD;
	v17 =	vand.u32 $0x7F, v20;
	v30 =	vld.idx.msk [tilespmem:v15+s18+$0x0], $0xffff  }
0x2a3: {  	s7 =	simm.s32 $0xB;
	v62 =	vor.u32 v10, v17;
	v63 =	vld.idx.msk [tilespmem:v15+s20+$0x0], $0xffff;
	v15 =	vadd.s32 s8, v0  }
0x2a4: {  	v31 =	vimm.f32 $0.0e+00;
	s6 =	simm.s32 $0x9;
	v20 =	vadd.s32 s7, v0;
	v17 =	vld.idx.msk [tilespmem:v18+s18+$0x0], $0xffff;
	v15 =	vand.u32 $0x7F, v15  }
0x2a5: {  	v19 =	vadd.s32 s6, v0;
	v22 =	vand.u32 $0x7F, v20;
	v20 =	vld.idx.msk [tilespmem:v18+s20+$0x0], $0xffff;
	v23 =	vor.u32 v10, v15  }
0x2a6: {  	s7 =	simm.s32 $0x8;
	v19 =	vand.u32 $0x7F, v19;
	v22 =	vor.u32 v10, v22;
	v24 =	vmul.f32 v25, v24;
	v18 =	vld.idx.msk [tilespmem:v28+s18+$0x0], $0xffff  }
0x2a7: {  	s8 =	simm.s32 $0xA;
	v15 =	vadd.s32 s7, v0;
	v26 =	vmul.f32 v27, v26;
	v27 =	vmul.f32 v21, v16;
	v21 =	vld.idx.msk [tilespmem:v28+s20+$0x0], $0xffff  }
0x2a8: {  	v19 =	vor.u32 v10, v19;
	v29 =	vand.u32 $0x78, v15;
	v28 =	vadd.s32 s8, v0;
	v16 =	vld.idx.msk [tilespmem:v62+s18+$0x0], $0xffff  }
0x2a9: {  	s6 =	simm.s32 $0x17;
	v15 =	vld.idx.msk [tilespmem:v62+s20+$0x0], $0xffff;
	v26 =	vadd.f32 v26, v31;
	v25 =	vadd.f32 v27, v31;
	v27 =	vmul.f32 v63, v30  }
.LBB2_23:
0x2aa: {  	p0 =	sne.s32 s6, $0x7F;
	v29 =	vor.u32 v9, v29;
	v28 =	vand.u32 $0x7F, v28;
	v30 =	vmul.f32 v13, v12;
	v12 =	vld.idx.msk [tilespmem:v23+s18+$0x0], $0xffff  }
0x2ab: {  	s4 =	sadd.s32 $0xFFFFFFFD, s5;
	v17 =	vmul.f32 v20, v17;
	v13 =	vld.idx.msk [tilespmem:v23+s20+$0x0], $0xffff;
	v23 =	vadd.f32 v27, v26;
	v24 =	vadd.f32 v24, v25  }
0x2ac: {  	v14 =	vmul.f32 v14, v11;
	v20 =	vor.u32 v10, v28;
	v26 =	vadd.s32 s4, v0;
	v25 =	vld.idx.msk [tilespmem:v22+s18+$0x0], $0xffff  }
0x2ad: {  	s4 =	sadd.s32 $0xFFFFFFFF, s5;
	s5 =	smov.u32 s6;
	v18 =	vmul.f32 v21, v18;
	v27 =	vld.idx.msk [tilespmem:v22+s20+$0x0], $0xffff;
	v17 =	vadd.f32 v17, v23;
	v22 =	vadd.f32 v30, v24  }
0x2ae: {  	v23 =	vand.u32 $0x7F, v26;
	v24 =	vadd.s32 s4, v0;
	v11 =	vmov v16;
	v21 =	vld.idx.msk [tilespmem:v19+s18+$0x0], $0xffff  }
0x2af: {  	v16 =	vld.idx.msk [tilespmem:v19+s20+$0x0], $0xffff;
	v19 =	vor.u32 v10, v23;
	v26 =	vadd.f32 v18, v17;
	v30 =	vadd.f32 v14, v22  }
0x2b0: {  	v17 =	vand.u32 $0x7F, v24;
	v14 =	vmov v15;
	v28 =	vld.idx.msk [tilespmem:v29+s18+$0x0], $0xffff  }
0x2b1: {  	v15 =	vadd.s32 s6, v0;
	v24 =	vld.idx.msk [tilespmem:v29+s20+$0x0], $0xffff;
	v29 =	vor.u32 v10, v17  }
0x2b2: {  	s4 =	sadd.s32 $0xFFFFFFFE, s6;
	v15 =	vand.u32 $0x7F, v15;
	v31 =	vld.idx.msk [tilespmem:v20+s18+$0x0], $0xffff  }
0x2b3: {  	s7 =	sadd.s32 $0xFFFFFFFA, s6;
	s8 =	sadd.s32 $0xFFFFFFFC, s6;
	v17 =	vadd.s32 s4, v0;
	v15 =	vor.u32 v10, v15;
	v32 =	vld.idx.msk [tilespmem:v20+s20+$0x0], $0xffff  }
0x2b4: {  	v18 =	vadd.s32 s7, v0;
	v22 =	vand.u32 $0x7F, v17;
	v20 =	vadd.s32 s8, v0;
	v17 =	vld.idx.msk [tilespmem:v19+s18+$0x0], $0xffff  }
.Ltmp15:
0x2b5: {  	v18 =	vand.u32 $0x7F, v18;
	v23 =	vor.u32 v10, v22;
	v33 =	vand.u32 $0x7F, v20;
	v20 =	vld.idx.msk [tilespmem:v19+s20+$0x0], $0xffff;
	(pc) =	sbr.rel @p0 .LBB2_23-.Ltmp15, $4  }
0x2b6: {  	s4 =	sadd.s32 $0xFFFFFFF9, s6;
	v19 =	vor.u32 v10, v18;
	v22 =	vor.u32 v10, v33;
	v18 =	vld.idx.msk [tilespmem:v29+s18+$0x0], $0xffff  }
0x2b7: {  	v35 =	vmul.f32 v16, v21;
	v33 =	vadd.s32 s4, v0;
	s4 =	sadd.s32 $0xFFFFFFFB, s6;
	v34 =	vmul.f32 v24, v28;
	v21 =	vld.idx.msk [tilespmem:v29+s20+$0x0], $0xffff  }
0x2b8: {  	v28 =	vadd.s32 s4, v0;
	v24 =	vmul.f32 v27, v25;
	v29 =	vand.u32 $0x78, v33;
	v16 =	vld.idx.msk [tilespmem:v15+s18+$0x0], $0xffff  }
0x2b9: {  	s6 =	sadd.s32 $0x8, s6;
	v25 =	vadd.f32 v35, v30;
	v26 =	vadd.f32 v34, v26;
	v27 =	vmul.f32 v32, v31;
	v15 =	vld.idx.msk [tilespmem:v15+s20+$0x0], $0xffff  }
0x2ba: {  	_ =	sdelay $0x3  }
0x2bb: {  	v30 =	vld.idx.msk [tilespmem:v23+s18+$0x0], $0xffff  }
0x2bc: {  	v29 =	vor.u32 v9, v29;
	v48 =	vld.idx.msk [tilespmem:v23+s20+$0x0], $0xffff  }
0x2bd: {  	v28 =	vand.u32 $0x7F, v28;
	s4 =	sadd.s32 $0xFFFFFFFD, s5;
	v31 =	vld.idx.msk [tilespmem:v22+s18+$0x0], $0xffff  }
0x2be: {  	v49 =	vld.idx.msk [tilespmem:v22+s20+$0x0], $0xffff;
	v28 =	vor.u32 v10, v28;
	v32 =	vadd.s32 s4, v0  }
0x2bf: {  	s8 =	sadd.s32 $0xFFFFFFFF, s5;
	v33 =	vld.idx.msk [tilespmem:v19+s18+$0x0], $0xffff;
	v32 =	vand.u32 $0x7F, v32  }
0x2c0: {  	v50 =	vld.idx.msk [tilespmem:v19+s20+$0x0], $0xffff;
	v34 =	vadd.s32 s8, v0;
	v32 =	vor.u32 v10, v32  }
0x2c1: {  	v34 =	vand.u32 $0x7F, v34;
	v35 =	vld.idx.msk [tilespmem:v29+s18+$0x0], $0xffff  }
0x2c2: {  	v17 =	vmul.f32 v20, v17;
	v26 =	vadd.f32 v27, v26;
	v52 =	vor.u32 v10, v34;
	v51 =	vld.idx.msk [tilespmem:v29+s20+$0x0], $0xffff  }
0x2c3: {  	v12 =	vmul.f32 v13, v12;
	v53 =	vadd.f32 v24, v25;
	v54 =	vld.idx.msk [tilespmem:v28+s18+$0x0], $0xffff  }
0x2c4: {  	v18 =	vmul.f32 v21, v18;
	v17 =	vadd.f32 v17, v26;
	v55 =	vld.idx.msk [tilespmem:v28+s20+$0x0], $0xffff  }
0x2c5: {  	v11 =	vmul.f32 v14, v11;
	v12 =	vadd.f32 v12, v53;
	v56 =	vld.idx.msk [tilespmem:v32+s18+$0x0], $0xffff  }
0x2c6: {  	v57 =	vadd.f32 v18, v17;
	v58 =	vld.idx.msk [tilespmem:v32+s20+$0x0], $0xffff  }
0x2c7: {  	v11 =	vadd.f32 v11, v12;
	v19 =	vmul.f32 v50, v33;
	v59 =	vld.idx.msk [tilespmem:v52+s18+$0x0], $0xffff;
	v60 =	vmul.f32 v51, v35  }
0x2c8: {  	v22 =	vmul.f32 v49, v31;
	v61 =	vld.idx.msk [tilespmem:v52+s20+$0x0], $0xffff  }
0x2c9: {  	v11 =	vadd.f32 v19, v11;
	v62 =	vmul.f32 v55, v54;
	v14 =	vadd.f32 v60, v57  }
0x2ca: {  	v63 =	vmul.f32 v48, v30  }
0x2cb: {  	v11 =	vadd.f32 v22, v11;
	v13 =	vmul.f32 v58, v56;
	v14 =	vadd.f32 v62, v14  }
0x2cc: {  	v15 =	vmul.f32 v15, v16  }
0x2cd: {  	v11 =	vadd.f32 v63, v11;
	v12 =	vmul.f32 v61, v59;
	v13 =	vadd.f32 v13, v14;
	_ =	sdelay $0x1  }
0x2ce: {  	v11 =	vadd.f32 v15, v11;
	v12 =	vadd.f32 v12, v13;
	_ =	sdelay $0x1  }
0x2cf: {  	v11 =	vadd.f32 v11, v12  }
0x2d0: {  	p0 =	sgt.u32 s24, $0x1D  }
0x2d1: {  	s4 =	sadd.s32 @!p0 $0x190, s25;
	s5 =	simm.s32 @!p0 $0x28;
	s6 =	simm.s32 @!p0 $0x9D30;
	[tilespmem:s10+$0x4E60] =	vst v11  }
0x2d2: {  	[tilespmem:s6], [sflag:$0x3] =	stream.indirect.gather @!p0 [hbm4b:s0+s5], $0x80, s4, s5, $0xb8;
	[tilespmem:$0x1B530] =	vst v63  }
0x2d3: {  	s4 =	sadd.s32 @!p0 $0x28A0, s25;
	s6 =	simm.s32 @!p0 $0x13D30  }
0x2d4: {  	[tilespmem:s6], [sflag:$0x4] =	stream.indirect.gather @!p0 [hbm4b:s2+s5], $0x80, s4, s5, $0xb8;
	[tilespmem:$0x1B530] =	vst v63  }
0x2d5: {  	s4 =	sadd.s32 @!p0 $0x1B8, s25;
	s6 =	simm.s32 @!p0 $0xB130  }
0x2d6: {  	[tilespmem:s6], [sflag:$0x3] =	stream.indirect.gather @!p0 [hbm4b:s0+s5], $0x80, s4, s5, $0xb8;
	[tilespmem:$0x1B530] =	vst v63  }
0x2d7: {  	s4 =	sadd.s32 @!p0 $0x28C8, s25;
	s6 =	simm.s32 @!p0 $0x15130  }
0x2d8: {  	[tilespmem:s6], [sflag:$0x4] =	stream.indirect.gather @!p0 [hbm4b:s2+s5], $0x80, s4, s5, $0xb8;
	[tilespmem:$0x1B530] =	vst v63  }
.LBB2_25:
0x2d9: {  	s10 =	sor.u32 $0x2, s31  }
0x2da: {  	p0 =	sgt.u32 s10, $0x7C  }
.Ltmp16:
0x2db: {  	_ = 	snop;
	(pc) =	sbr.rel @p0 .LBB2_37-.Ltmp16, $1  }
0x2dc: {  	_ =	sdelay $0x3  }
0x2dd: {  	s4 =	simm.s32 $0x7  }
0x2de: {  	v11 =	vadd.s32 s4, v0  }
0x2df: {  	_ =	swait.ge [sflag:s15], $0x2800;
	s5 =	simm.s32 $0x5;
	v11 =	vand.u32 $0x7F, v11  }
0x2e0: {  	[sflag:s15] =	ssyncset.done $0x0;
	v12 =	vadd.s32 s5, v0;
	v13 =	vor.u32 v1, v11  }
0x2e1: {  	s6 =	simm.s32 $0x3;
	[sflag:s15] =	ssyncadd.s32 $0xFFFFD800;
	v11 =	vand.u32 $0x7F, v12  }
0x2e2: {  	_ =	swait.ge [sflag:s19], $0x2800;
	v12 =	vadd.s32 s6, v0;
	v15 =	vor.u32 v1, v11  }
0x2e3: {  	s7 =	simm.s32 $0x1;
	[sflag:s19] =	ssyncset.done $0x0;
	v11 =	vand.u32 $0x7F, v12  }
0x2e4: {  	v12 =	vadd.s32 s7, v0;
	[sflag:s19] =	ssyncadd.s32 $0xFFFFD800;
	v16 =	vor.u32 v1, v11  }
0x2e5: {  	s8 =	simm.s32 $0x0;
	v12 =	vand.u32 $0x7F, v12;
	v11 =	vld.idx.msk [tilespmem:v13+s26+$0x0], $0xffff  }
0x2e6: {  	v17 =	vor.u32 v1, v12;
	v12 =	vadd.s32 s8, v0;
	v14 =	vld.idx.msk [tilespmem:v13+s29+$0x0], $0xffff  }
0x2e7: {  	s5 =	simm.s32 $0x2;
	v13 =	vand.u32 $0x78, v12;
	v12 =	vld.idx.msk [tilespmem:v15+s26+$0x0], $0xffff  }
0x2e8: {  	v18 =	vadd.s32 s5, v0;
	v19 =	vor.u32 v2, v13;
	v13 =	vld.idx.msk [tilespmem:v15+s29+$0x0], $0xffff  }
0x2e9: {  	s6 =	simm.s32 $0x4;
	v15 =	vand.u32 $0x7F, v18;
	v24 =	vld.idx.msk [tilespmem:v16+s26+$0x0], $0xffff  }
0x2ea: {  	v18 =	vadd.s32 s6, v0;
	v15 =	vor.u32 v1, v15;
	v25 =	vld.idx.msk [tilespmem:v16+s29+$0x0], $0xffff  }
0x2eb: {  	s7 =	simm.s32 $0x6;
	v18 =	vand.u32 $0x7F, v18;
	v16 =	vld.idx.msk [tilespmem:v17+s26+$0x0], $0xffff  }
0x2ec: {  	s5 =	simm.s32 $0xF;
	v20 =	vadd.s32 s7, v0;
	v21 =	vld.idx.msk [tilespmem:v17+s29+$0x0], $0xffff;
	v18 =	vor.u32 v1, v18  }
0x2ed: {  	v17 =	vand.u32 $0x7F, v20;
	v20 =	vadd.s32 s5, v0;
	v26 =	vld.idx.msk [tilespmem:v19+s26+$0x0], $0xffff  }
0x2ee: {  	v28 =	vor.u32 v1, v17;
	v17 =	vand.u32 $0x7F, v20;
	v27 =	vld.idx.msk [tilespmem:v19+s29+$0x0], $0xffff  }
0x2ef: {  	s8 =	simm.s32 $0xD;
	v32 =	vor.u32 v1, v17;
	v30 =	vld.idx.msk [tilespmem:v15+s26+$0x0], $0xffff  }
0x2f0: {  	s7 =	simm.s32 $0xB;
	v33 =	vld.idx.msk [tilespmem:v15+s29+$0x0], $0xffff;
	v15 =	vadd.s32 s8, v0  }
0x2f1: {  	v31 =	vimm.f32 $0.0e+00;
	s6 =	simm.s32 $0x9;
	v20 =	vadd.s32 s7, v0;
	v17 =	vld.idx.msk [tilespmem:v18+s26+$0x0], $0xffff;
	v15 =	vand.u32 $0x7F, v15  }
0x2f2: {  	s7 =	simm.s32 $0x8;
	v22 =	vand.u32 $0x7F, v20;
	v19 =	vadd.s32 s6, v0;
	v20 =	vld.idx.msk [tilespmem:v18+s29+$0x0], $0xffff;
	v23 =	vor.u32 v1, v15  }
0x2f3: {  	v22 =	vor.u32 v1, v22;
	v19 =	vand.u32 $0x7F, v19;
	v18 =	vld.idx.msk [tilespmem:v28+s26+$0x0], $0xffff;
	v15 =	vadd.s32 s7, v0  }
0x2f4: {  	s8 =	simm.s32 $0xA;
	v29 =	vand.u32 $0x78, v15;
	v15 =	vld.idx.msk [tilespmem:v32+s29+$0x0], $0xffff;
	v26 =	vmul.f32 v27, v26;
	v27 =	vmul.f32 v21, v16  }
0x2f5: {  	v24 =	vmul.f32 v25, v24;
	v19 =	vor.u32 v1, v19;
	v21 =	vld.idx.msk [tilespmem:v28+s29+$0x0], $0xffff;
	v28 =	vadd.s32 s8, v0  }
0x2f6: {  	s6 =	simm.s32 $0x17;
	v16 =	vld.idx.msk [tilespmem:v32+s26+$0x0], $0xffff;
	v26 =	vadd.f32 v26, v31;
	v25 =	vadd.f32 v27, v31;
	v27 =	vmul.f32 v33, v30  }
.LBB2_27:
0x2f7: {  	p0 =	sne.s32 s6, $0x7F;
	v29 =	vor.u32 v2, v29;
	v28 =	vand.u32 $0x7F, v28;
	v30 =	vmul.f32 v13, v12;
	v12 =	vld.idx.msk [tilespmem:v23+s26+$0x0], $0xffff  }
0x2f8: {  	s4 =	sadd.s32 $0xFFFFFFFD, s5;
	v17 =	vmul.f32 v20, v17;
	v13 =	vld.idx.msk [tilespmem:v23+s29+$0x0], $0xffff;
	v23 =	vadd.f32 v27, v26;
	v24 =	vadd.f32 v24, v25  }
0x2f9: {  	v14 =	vmul.f32 v14, v11;
	v20 =	vor.u32 v1, v28;
	v26 =	vadd.s32 s4, v0;
	v25 =	vld.idx.msk [tilespmem:v22+s26+$0x0], $0xffff  }
0x2fa: {  	s4 =	sadd.s32 $0xFFFFFFFF, s5;
	s5 =	smov.u32 s6;
	v18 =	vmul.f32 v21, v18;
	v27 =	vld.idx.msk [tilespmem:v22+s29+$0x0], $0xffff;
	v17 =	vadd.f32 v17, v23;
	v22 =	vadd.f32 v30, v24  }
0x2fb: {  	v23 =	vand.u32 $0x7F, v26;
	v24 =	vadd.s32 s4, v0;
	v11 =	vmov v16;
	v21 =	vld.idx.msk [tilespmem:v19+s26+$0x0], $0xffff  }
0x2fc: {  	v16 =	vld.idx.msk [tilespmem:v19+s29+$0x0], $0xffff;
	v19 =	vor.u32 v1, v23;
	v26 =	vadd.f32 v18, v17;
	v30 =	vadd.f32 v14, v22  }
0x2fd: {  	v17 =	vand.u32 $0x7F, v24;
	v14 =	vmov v15;
	v28 =	vld.idx.msk [tilespmem:v29+s26+$0x0], $0xffff  }
0x2fe: {  	v15 =	vadd.s32 s6, v0;
	v24 =	vld.idx.msk [tilespmem:v29+s29+$0x0], $0xffff;
	v29 =	vor.u32 v1, v17  }
0x2ff: {  	s4 =	sadd.s32 $0xFFFFFFFE, s6;
	v15 =	vand.u32 $0x7F, v15;
	v31 =	vld.idx.msk [tilespmem:v20+s26+$0x0], $0xffff  }
0x300: {  	s7 =	sadd.s32 $0xFFFFFFFA, s6;
	s8 =	sadd.s32 $0xFFFFFFFC, s6;
	v17 =	vadd.s32 s4, v0;
	v15 =	vor.u32 v1, v15;
	v32 =	vld.idx.msk [tilespmem:v20+s29+$0x0], $0xffff  }
0x301: {  	v18 =	vadd.s32 s7, v0;
	v22 =	vand.u32 $0x7F, v17;
	v20 =	vadd.s32 s8, v0;
	v17 =	vld.idx.msk [tilespmem:v19+s26+$0x0], $0xffff  }
.Ltmp17:
0x302: {  	v18 =	vand.u32 $0x7F, v18;
	v23 =	vor.u32 v1, v22;
	v33 =	vand.u32 $0x7F, v20;
	v20 =	vld.idx.msk [tilespmem:v19+s29+$0x0], $0xffff;
	(pc) =	sbr.rel @p0 .LBB2_27-.Ltmp17, $4  }
0x303: {  	s4 =	sadd.s32 $0xFFFFFFF9, s6;
	v19 =	vor.u32 v1, v18;
	v22 =	vor.u32 v1, v33;
	v18 =	vld.idx.msk [tilespmem:v29+s26+$0x0], $0xffff  }
0x304: {  	v35 =	vmul.f32 v16, v21;
	v33 =	vadd.s32 s4, v0;
	s4 =	sadd.s32 $0xFFFFFFFB, s6;
	v34 =	vmul.f32 v24, v28;
	v21 =	vld.idx.msk [tilespmem:v29+s29+$0x0], $0xffff  }
0x305: {  	v28 =	vadd.s32 s4, v0;
	v24 =	vmul.f32 v27, v25;
	v29 =	vand.u32 $0x78, v33;
	v16 =	vld.idx.msk [tilespmem:v15+s26+$0x0], $0xffff  }
0x306: {  	s6 =	sadd.s32 $0x8, s6;
	v25 =	vadd.f32 v35, v30;
	v26 =	vadd.f32 v34, v26;
	v27 =	vmul.f32 v32, v31;
	v15 =	vld.idx.msk [tilespmem:v15+s29+$0x0], $0xffff  }
0x307: {  	_ =	sdelay $0x3  }
0x308: {  	v30 =	vld.idx.msk [tilespmem:v23+s26+$0x0], $0xffff  }
0x309: {  	v29 =	vor.u32 v2, v29;
	v23 =	vld.idx.msk [tilespmem:v23+s29+$0x0], $0xffff  }
0x30a: {  	v28 =	vand.u32 $0x7F, v28;
	s4 =	sadd.s32 $0xFFFFFFFD, s5;
	v31 =	vld.idx.msk [tilespmem:v22+s26+$0x0], $0xffff  }
0x30b: {  	v22 =	vld.idx.msk [tilespmem:v22+s29+$0x0], $0xffff;
	v28 =	vor.u32 v1, v28;
	v32 =	vadd.s32 s4, v0  }
0x30c: {  	s6 =	sadd.s32 $0xFFFFFFFF, s5;
	v33 =	vld.idx.msk [tilespmem:v19+s26+$0x0], $0xffff;
	v32 =	vand.u32 $0x7F, v32  }
0x30d: {  	v19 =	vld.idx.msk [tilespmem:v19+s29+$0x0], $0xffff;
	v34 =	vadd.s32 s6, v0;
	v32 =	vor.u32 v1, v32  }
0x30e: {  	v34 =	vand.u32 $0x7F, v34;
	v35 =	vld.idx.msk [tilespmem:v29+s26+$0x0], $0xffff  }
0x30f: {  	v34 =	vor.u32 v1, v34;
	v29 =	vld.idx.msk [tilespmem:v29+s29+$0x0], $0xffff  }
0x310: {  	v17 =	vmul.f32 v20, v17;
	v26 =	vadd.f32 v27, v26;
	v20 =	vld.idx.msk [tilespmem:v28+s26+$0x0], $0xffff  }
0x311: {  	v12 =	vmul.f32 v13, v12;
	v13 =	vadd.f32 v24, v25;
	v24 =	vld.idx.msk [tilespmem:v28+s29+$0x0], $0xffff  }
0x312: {  	v18 =	vmul.f32 v21, v18;
	v17 =	vadd.f32 v17, v26;
	v21 =	vld.idx.msk [tilespmem:v32+s26+$0x0], $0xffff  }
0x313: {  	v11 =	vmul.f32 v14, v11;
	v12 =	vadd.f32 v12, v13;
	v13 =	vld.idx.msk [tilespmem:v32+s29+$0x0], $0xffff  }
0x314: {  	v14 =	vadd.f32 v18, v17;
	v17 =	vld.idx.msk [tilespmem:v34+s26+$0x0], $0xffff;
	v18 =	vmul.f32 v29, v35  }
0x315: {  	v11 =	vadd.f32 v11, v12;
	v12 =	vmul.f32 v19, v33;
	v19 =	vld.idx.msk [tilespmem:v34+s29+$0x0], $0xffff  }
0x316: {  	v14 =	vadd.f32 v18, v14;
	v18 =	vmul.f32 v24, v20  }
0x317: {  	v11 =	vadd.f32 v12, v11;
	v20 =	vmul.f32 v22, v31  }
0x318: {  	v13 =	vmul.f32 v13, v21;
	v12 =	vadd.f32 v18, v14  }
0x319: {  	v14 =	vmul.f32 v23, v30;
	v11 =	vadd.f32 v20, v11  }
0x31a: {  	s7 =	simm.s32 $0x7;
	v12 =	vadd.f32 v13, v12;
	v13 =	vmul.f32 v19, v17  }
0x31b: {  	v15 =	vmul.f32 v15, v16;
	v11 =	vadd.f32 v14, v11;
	v14 =	vadd.s32 s7, v0  }
0x31c: {  	s8 =	simm.s32 $0x5;
	v12 =	vadd.f32 v13, v12;
	v13 =	vand.u32 $0x7F, v14  }
0x31d: {  	v11 =	vadd.f32 v15, v11;
	v14 =	vadd.s32 s8, v0;
	v13 =	vor.u32 v4, v13  }
0x31e: {  	s10 =	smul.u32 $0x140, s10;
	s6 =	simm.s32 $0x3;
	v14 =	vand.u32 $0x7F, v14  }
0x31f: {  	v11 =	vadd.f32 v11, v12;
	v12 =	vadd.s32 s6, v0;
	v15 =	vor.u32 v4, v14  }
0x320: {  	s10 =	sshra.s32 s10, $0x2;
	s7 =	simm.s32 $0x1;
	v12 =	vand.u32 $0x7F, v12  }
0x321: {  	[tilespmem:s10+$0x4E20] =	vst v11;
	v11 =	vadd.s32 s7, v0;
	v16 =	vor.u32 v4, v12  }
0x322: {  	s8 =	simm.s32 $0x0;
	v12 =	vand.u32 $0x7F, v11;
	v11 =	vld.idx.msk [tilespmem:v13+s26+$0x0], $0xffff  }
0x323: {  	v17 =	vor.u32 v4, v12;
	v12 =	vadd.s32 s8, v0;
	v14 =	vld.idx.msk [tilespmem:v13+s29+$0x0], $0xffff  }
0x324: {  	s5 =	simm.s32 $0x2;
	v13 =	vand.u32 $0x78, v12;
	v12 =	vld.idx.msk [tilespmem:v15+s26+$0x0], $0xffff  }
0x325: {  	v18 =	vadd.s32 s5, v0;
	v19 =	vor.u32 v3, v13;
	v13 =	vld.idx.msk [tilespmem:v15+s29+$0x0], $0xffff  }
0x326: {  	s6 =	simm.s32 $0x4;
	v15 =	vand.u32 $0x7F, v18;
	v24 =	vld.idx.msk [tilespmem:v16+s26+$0x0], $0xffff  }
0x327: {  	v18 =	vadd.s32 s6, v0;
	v15 =	vor.u32 v4, v15;
	v25 =	vld.idx.msk [tilespmem:v16+s29+$0x0], $0xffff  }
0x328: {  	s7 =	simm.s32 $0x6;
	v18 =	vand.u32 $0x7F, v18;
	v16 =	vld.idx.msk [tilespmem:v17+s26+$0x0], $0xffff  }
0x329: {  	v20 =	vadd.s32 s7, v0;
	v18 =	vor.u32 v4, v18;
	v21 =	vld.idx.msk [tilespmem:v17+s29+$0x0], $0xffff  }
0x32a: {  	s5 =	simm.s32 $0xF;
	v17 =	vand.u32 $0x7F, v20;
	v26 =	vld.idx.msk [tilespmem:v19+s26+$0x0], $0xffff  }
0x32b: {  	v20 =	vadd.s32 s5, v0;
	v28 =	vor.u32 v4, v17;
	v27 =	vld.idx.msk [tilespmem:v19+s29+$0x0], $0xffff  }
0x32c: {  	s8 =	simm.s32 $0xD;
	v17 =	vand.u32 $0x7F, v20;
	v30 =	vld.idx.msk [tilespmem:v15+s26+$0x0], $0xffff  }
0x32d: {  	s7 =	simm.s32 $0xB;
	v62 =	vor.u32 v4, v17;
	v63 =	vld.idx.msk [tilespmem:v15+s29+$0x0], $0xffff;
	v15 =	vadd.s32 s8, v0  }
0x32e: {  	v31 =	vimm.f32 $0.0e+00;
	s6 =	simm.s32 $0x9;
	v20 =	vadd.s32 s7, v0;
	v17 =	vld.idx.msk [tilespmem:v18+s26+$0x0], $0xffff;
	v15 =	vand.u32 $0x7F, v15  }
0x32f: {  	v19 =	vadd.s32 s6, v0;
	v22 =	vand.u32 $0x7F, v20;
	v20 =	vld.idx.msk [tilespmem:v18+s29+$0x0], $0xffff;
	v23 =	vor.u32 v4, v15  }
0x330: {  	s7 =	simm.s32 $0x8;
	v19 =	vand.u32 $0x7F, v19;
	v22 =	vor.u32 v4, v22;
	v24 =	vmul.f32 v25, v24;
	v18 =	vld.idx.msk [tilespmem:v28+s26+$0x0], $0xffff  }
0x331: {  	s8 =	simm.s32 $0xA;
	v15 =	vadd.s32 s7, v0;
	v26 =	vmul.f32 v27, v26;
	v27 =	vmul.f32 v21, v16;
	v21 =	vld.idx.msk [tilespmem:v28+s29+$0x0], $0xffff  }
0x332: {  	v19 =	vor.u32 v4, v19;
	v29 =	vand.u32 $0x78, v15;
	v28 =	vadd.s32 s8, v0;
	v16 =	vld.idx.msk [tilespmem:v62+s26+$0x0], $0xffff  }
0x333: {  	s6 =	simm.s32 $0x17;
	v15 =	vld.idx.msk [tilespmem:v62+s29+$0x0], $0xffff;
	v26 =	vadd.f32 v26, v31;
	v25 =	vadd.f32 v27, v31;
	v27 =	vmul.f32 v63, v30  }
.LBB2_29:
0x334: {  	p0 =	sne.s32 s6, $0x7F;
	v29 =	vor.u32 v3, v29;
	v28 =	vand.u32 $0x7F, v28;
	v30 =	vmul.f32 v13, v12;
	v12 =	vld.idx.msk [tilespmem:v23+s26+$0x0], $0xffff  }
0x335: {  	s4 =	sadd.s32 $0xFFFFFFFD, s5;
	v17 =	vmul.f32 v20, v17;
	v13 =	vld.idx.msk [tilespmem:v23+s29+$0x0], $0xffff;
	v23 =	vadd.f32 v27, v26;
	v24 =	vadd.f32 v24, v25  }
0x336: {  	v14 =	vmul.f32 v14, v11;
	v20 =	vor.u32 v4, v28;
	v26 =	vadd.s32 s4, v0;
	v25 =	vld.idx.msk [tilespmem:v22+s26+$0x0], $0xffff  }
0x337: {  	s4 =	sadd.s32 $0xFFFFFFFF, s5;
	s5 =	smov.u32 s6;
	v18 =	vmul.f32 v21, v18;
	v27 =	vld.idx.msk [tilespmem:v22+s29+$0x0], $0xffff;
	v17 =	vadd.f32 v17, v23;
	v22 =	vadd.f32 v30, v24  }
0x338: {  	v23 =	vand.u32 $0x7F, v26;
	v24 =	vadd.s32 s4, v0;
	v11 =	vmov v16;
	v21 =	vld.idx.msk [tilespmem:v19+s26+$0x0], $0xffff  }
0x339: {  	v16 =	vld.idx.msk [tilespmem:v19+s29+$0x0], $0xffff;
	v19 =	vor.u32 v4, v23;
	v26 =	vadd.f32 v18, v17;
	v30 =	vadd.f32 v14, v22  }
0x33a: {  	v17 =	vand.u32 $0x7F, v24;
	v14 =	vmov v15;
	v28 =	vld.idx.msk [tilespmem:v29+s26+$0x0], $0xffff  }
0x33b: {  	v15 =	vadd.s32 s6, v0;
	v24 =	vld.idx.msk [tilespmem:v29+s29+$0x0], $0xffff;
	v29 =	vor.u32 v4, v17  }
0x33c: {  	s4 =	sadd.s32 $0xFFFFFFFE, s6;
	v15 =	vand.u32 $0x7F, v15;
	v31 =	vld.idx.msk [tilespmem:v20+s26+$0x0], $0xffff  }
0x33d: {  	s7 =	sadd.s32 $0xFFFFFFFA, s6;
	s8 =	sadd.s32 $0xFFFFFFFC, s6;
	v17 =	vadd.s32 s4, v0;
	v15 =	vor.u32 v4, v15;
	v32 =	vld.idx.msk [tilespmem:v20+s29+$0x0], $0xffff  }
0x33e: {  	v18 =	vadd.s32 s7, v0;
	v22 =	vand.u32 $0x7F, v17;
	v20 =	vadd.s32 s8, v0;
	v17 =	vld.idx.msk [tilespmem:v19+s26+$0x0], $0xffff  }
.Ltmp18:
0x33f: {  	v18 =	vand.u32 $0x7F, v18;
	v23 =	vor.u32 v4, v22;
	v33 =	vand.u32 $0x7F, v20;
	v20 =	vld.idx.msk [tilespmem:v19+s29+$0x0], $0xffff;
	(pc) =	sbr.rel @p0 .LBB2_29-.Ltmp18, $4  }
0x340: {  	s4 =	sadd.s32 $0xFFFFFFF9, s6;
	v19 =	vor.u32 v4, v18;
	v22 =	vor.u32 v4, v33;
	v18 =	vld.idx.msk [tilespmem:v29+s26+$0x0], $0xffff  }
0x341: {  	v35 =	vmul.f32 v16, v21;
	v33 =	vadd.s32 s4, v0;
	s4 =	sadd.s32 $0xFFFFFFFB, s6;
	v34 =	vmul.f32 v24, v28;
	v21 =	vld.idx.msk [tilespmem:v29+s29+$0x0], $0xffff  }
0x342: {  	v28 =	vadd.s32 s4, v0;
	v24 =	vmul.f32 v27, v25;
	v29 =	vand.u32 $0x78, v33;
	v16 =	vld.idx.msk [tilespmem:v15+s26+$0x0], $0xffff  }
0x343: {  	s6 =	sadd.s32 $0x8, s6;
	v25 =	vadd.f32 v35, v30;
	v26 =	vadd.f32 v34, v26;
	v27 =	vmul.f32 v32, v31;
	v15 =	vld.idx.msk [tilespmem:v15+s29+$0x0], $0xffff  }
0x344: {  	_ =	sdelay $0x3  }
0x345: {  	v30 =	vld.idx.msk [tilespmem:v23+s26+$0x0], $0xffff  }
0x346: {  	v29 =	vor.u32 v3, v29;
	v23 =	vld.idx.msk [tilespmem:v23+s29+$0x0], $0xffff  }
0x347: {  	v28 =	vand.u32 $0x7F, v28;
	s4 =	sadd.s32 $0xFFFFFFFD, s5;
	v31 =	vld.idx.msk [tilespmem:v22+s26+$0x0], $0xffff  }
0x348: {  	v22 =	vld.idx.msk [tilespmem:v22+s29+$0x0], $0xffff;
	v28 =	vor.u32 v4, v28;
	v32 =	vadd.s32 s4, v0  }
0x349: {  	s7 =	sadd.s32 $0xFFFFFFFF, s5;
	v33 =	vld.idx.msk [tilespmem:v19+s26+$0x0], $0xffff;
	v32 =	vand.u32 $0x7F, v32  }
0x34a: {  	v19 =	vld.idx.msk [tilespmem:v19+s29+$0x0], $0xffff;
	v34 =	vadd.s32 s7, v0;
	v32 =	vor.u32 v4, v32  }
0x34b: {  	v34 =	vand.u32 $0x7F, v34;
	v35 =	vld.idx.msk [tilespmem:v29+s26+$0x0], $0xffff  }
0x34c: {  	v34 =	vor.u32 v4, v34;
	v29 =	vld.idx.msk [tilespmem:v29+s29+$0x0], $0xffff  }
0x34d: {  	v17 =	vmul.f32 v20, v17;
	v26 =	vadd.f32 v27, v26;
	v20 =	vld.idx.msk [tilespmem:v28+s26+$0x0], $0xffff  }
0x34e: {  	v12 =	vmul.f32 v13, v12;
	v13 =	vadd.f32 v24, v25;
	v24 =	vld.idx.msk [tilespmem:v28+s29+$0x0], $0xffff  }
0x34f: {  	v18 =	vmul.f32 v21, v18;
	v17 =	vadd.f32 v17, v26;
	v21 =	vld.idx.msk [tilespmem:v32+s26+$0x0], $0xffff  }
0x350: {  	v11 =	vmul.f32 v14, v11;
	v12 =	vadd.f32 v12, v13;
	v13 =	vld.idx.msk [tilespmem:v32+s29+$0x0], $0xffff  }
0x351: {  	v14 =	vadd.f32 v18, v17;
	v17 =	vld.idx.msk [tilespmem:v34+s26+$0x0], $0xffff;
	v18 =	vmul.f32 v29, v35  }
0x352: {  	v11 =	vadd.f32 v11, v12;
	v12 =	vmul.f32 v19, v33;
	v19 =	vld.idx.msk [tilespmem:v34+s29+$0x0], $0xffff  }
0x353: {  	v14 =	vadd.f32 v18, v14;
	v18 =	vmul.f32 v24, v20  }
0x354: {  	v11 =	vadd.f32 v12, v11;
	v20 =	vmul.f32 v22, v31  }
0x355: {  	v13 =	vmul.f32 v13, v21;
	v12 =	vadd.f32 v18, v14  }
0x356: {  	v14 =	vmul.f32 v23, v30;
	v11 =	vadd.f32 v20, v11  }
0x357: {  	s8 =	simm.s32 $0x7;
	v12 =	vadd.f32 v13, v12;
	v13 =	vmul.f32 v19, v17  }
0x358: {  	v15 =	vmul.f32 v15, v16;
	v11 =	vadd.f32 v14, v11;
	v14 =	vadd.s32 s8, v0  }
0x359: {  	s5 =	simm.s32 $0x5;
	v12 =	vadd.f32 v13, v12;
	v13 =	vand.u32 $0x7F, v14  }
0x35a: {  	v11 =	vadd.f32 v15, v11;
	v14 =	vadd.s32 s5, v0;
	v13 =	vor.u32 v6, v13  }
0x35b: {  	s6 =	simm.s32 $0x3;
	v14 =	vand.u32 $0x7F, v14  }
0x35c: {  	v11 =	vadd.f32 v11, v12;
	v12 =	vadd.s32 s6, v0;
	v15 =	vor.u32 v6, v14  }
0x35d: {  	s7 =	simm.s32 $0x1;
	v12 =	vand.u32 $0x7F, v12  }
0x35e: {  	[tilespmem:s10+$0x4E30] =	vst v11;
	v11 =	vadd.s32 s7, v0;
	v16 =	vor.u32 v6, v12  }
0x35f: {  	s8 =	simm.s32 $0x0;
	v12 =	vand.u32 $0x7F, v11;
	v11 =	vld.idx.msk [tilespmem:v13+s26+$0x0], $0xffff  }
0x360: {  	v17 =	vor.u32 v6, v12;
	v12 =	vadd.s32 s8, v0;
	v14 =	vld.idx.msk [tilespmem:v13+s29+$0x0], $0xffff  }
0x361: {  	s5 =	simm.s32 $0x2;
	v13 =	vand.u32 $0x78, v12;
	v12 =	vld.idx.msk [tilespmem:v15+s26+$0x0], $0xffff  }
0x362: {  	v18 =	vadd.s32 s5, v0;
	v19 =	vor.u32 v5, v13;
	v13 =	vld.idx.msk [tilespmem:v15+s29+$0x0], $0xffff  }
0x363: {  	s6 =	simm.s32 $0x4;
	v15 =	vand.u32 $0x7F, v18;
	v24 =	vld.idx.msk [tilespmem:v16+s26+$0x0], $0xffff  }
0x364: {  	v18 =	vadd.s32 s6, v0;
	v15 =	vor.u32 v6, v15;
	v25 =	vld.idx.msk [tilespmem:v16+s29+$0x0], $0xffff  }
0x365: {  	s7 =	simm.s32 $0x6;
	v18 =	vand.u32 $0x7F, v18;
	v16 =	vld.idx.msk [tilespmem:v17+s26+$0x0], $0xffff  }
0x366: {  	v20 =	vadd.s32 s7, v0;
	v18 =	vor.u32 v6, v18;
	v21 =	vld.idx.msk [tilespmem:v17+s29+$0x0], $0xffff  }
0x367: {  	s5 =	simm.s32 $0xF;
	v17 =	vand.u32 $0x7F, v20;
	v26 =	vld.idx.msk [tilespmem:v19+s26+$0x0], $0xffff  }
0x368: {  	v20 =	vadd.s32 s5, v0;
	v28 =	vor.u32 v6, v17;
	v27 =	vld.idx.msk [tilespmem:v19+s29+$0x0], $0xffff  }
0x369: {  	s8 =	simm.s32 $0xD;
	v17 =	vand.u32 $0x7F, v20;
	v30 =	vld.idx.msk [tilespmem:v15+s26+$0x0], $0xffff  }
0x36a: {  	s7 =	simm.s32 $0xB;
	v62 =	vor.u32 v6, v17;
	v63 =	vld.idx.msk [tilespmem:v15+s29+$0x0], $0xffff;
	v15 =	vadd.s32 s8, v0  }
0x36b: {  	v31 =	vimm.f32 $0.0e+00;
	s6 =	simm.s32 $0x9;
	v20 =	vadd.s32 s7, v0;
	v17 =	vld.idx.msk [tilespmem:v18+s26+$0x0], $0xffff;
	v15 =	vand.u32 $0x7F, v15  }
0x36c: {  	v19 =	vadd.s32 s6, v0;
	v22 =	vand.u32 $0x7F, v20;
	v20 =	vld.idx.msk [tilespmem:v18+s29+$0x0], $0xffff;
	v23 =	vor.u32 v6, v15  }
0x36d: {  	s7 =	simm.s32 $0x8;
	v19 =	vand.u32 $0x7F, v19;
	v22 =	vor.u32 v6, v22;
	v24 =	vmul.f32 v25, v24;
	v18 =	vld.idx.msk [tilespmem:v28+s26+$0x0], $0xffff  }
0x36e: {  	s8 =	simm.s32 $0xA;
	v15 =	vadd.s32 s7, v0;
	v26 =	vmul.f32 v27, v26;
	v27 =	vmul.f32 v21, v16;
	v21 =	vld.idx.msk [tilespmem:v28+s29+$0x0], $0xffff  }
0x36f: {  	v19 =	vor.u32 v6, v19;
	v29 =	vand.u32 $0x78, v15;
	v28 =	vadd.s32 s8, v0;
	v16 =	vld.idx.msk [tilespmem:v62+s26+$0x0], $0xffff  }
0x370: {  	s6 =	simm.s32 $0x17;
	v15 =	vld.idx.msk [tilespmem:v62+s29+$0x0], $0xffff;
	v26 =	vadd.f32 v26, v31;
	v25 =	vadd.f32 v27, v31;
	v27 =	vmul.f32 v63, v30  }
.LBB2_31:
0x371: {  	p0 =	sne.s32 s6, $0x7F;
	v29 =	vor.u32 v5, v29;
	v28 =	vand.u32 $0x7F, v28;
	v30 =	vmul.f32 v13, v12;
	v12 =	vld.idx.msk [tilespmem:v23+s26+$0x0], $0xffff  }
0x372: {  	s4 =	sadd.s32 $0xFFFFFFFD, s5;
	v17 =	vmul.f32 v20, v17;
	v13 =	vld.idx.msk [tilespmem:v23+s29+$0x0], $0xffff;
	v23 =	vadd.f32 v27, v26;
	v24 =	vadd.f32 v24, v25  }
0x373: {  	v14 =	vmul.f32 v14, v11;
	v20 =	vor.u32 v6, v28;
	v26 =	vadd.s32 s4, v0;
	v25 =	vld.idx.msk [tilespmem:v22+s26+$0x0], $0xffff  }
0x374: {  	s4 =	sadd.s32 $0xFFFFFFFF, s5;
	s5 =	smov.u32 s6;
	v18 =	vmul.f32 v21, v18;
	v27 =	vld.idx.msk [tilespmem:v22+s29+$0x0], $0xffff;
	v17 =	vadd.f32 v17, v23;
	v22 =	vadd.f32 v30, v24  }
0x375: {  	v23 =	vand.u32 $0x7F, v26;
	v24 =	vadd.s32 s4, v0;
	v11 =	vmov v16;
	v21 =	vld.idx.msk [tilespmem:v19+s26+$0x0], $0xffff  }
0x376: {  	v16 =	vld.idx.msk [tilespmem:v19+s29+$0x0], $0xffff;
	v19 =	vor.u32 v6, v23;
	v26 =	vadd.f32 v18, v17;
	v30 =	vadd.f32 v14, v22  }
0x377: {  	v17 =	vand.u32 $0x7F, v24;
	v14 =	vmov v15;
	v28 =	vld.idx.msk [tilespmem:v29+s26+$0x0], $0xffff  }
0x378: {  	v15 =	vadd.s32 s6, v0;
	v24 =	vld.idx.msk [tilespmem:v29+s29+$0x0], $0xffff;
	v29 =	vor.u32 v6, v17  }
0x379: {  	s4 =	sadd.s32 $0xFFFFFFFE, s6;
	v15 =	vand.u32 $0x7F, v15;
	v31 =	vld.idx.msk [tilespmem:v20+s26+$0x0], $0xffff  }
0x37a: {  	s7 =	sadd.s32 $0xFFFFFFFA, s6;
	s8 =	sadd.s32 $0xFFFFFFFC, s6;
	v17 =	vadd.s32 s4, v0;
	v15 =	vor.u32 v6, v15;
	v32 =	vld.idx.msk [tilespmem:v20+s29+$0x0], $0xffff  }
0x37b: {  	v18 =	vadd.s32 s7, v0;
	v22 =	vand.u32 $0x7F, v17;
	v20 =	vadd.s32 s8, v0;
	v17 =	vld.idx.msk [tilespmem:v19+s26+$0x0], $0xffff  }
.Ltmp19:
0x37c: {  	v18 =	vand.u32 $0x7F, v18;
	v23 =	vor.u32 v6, v22;
	v33 =	vand.u32 $0x7F, v20;
	v20 =	vld.idx.msk [tilespmem:v19+s29+$0x0], $0xffff;
	(pc) =	sbr.rel @p0 .LBB2_31-.Ltmp19, $4  }
0x37d: {  	s4 =	sadd.s32 $0xFFFFFFF9, s6;
	v19 =	vor.u32 v6, v18;
	v22 =	vor.u32 v6, v33;
	v18 =	vld.idx.msk [tilespmem:v29+s26+$0x0], $0xffff  }
0x37e: {  	v35 =	vmul.f32 v16, v21;
	v33 =	vadd.s32 s4, v0;
	s4 =	sadd.s32 $0xFFFFFFFB, s6;
	v34 =	vmul.f32 v24, v28;
	v21 =	vld.idx.msk [tilespmem:v29+s29+$0x0], $0xffff  }
0x37f: {  	v28 =	vadd.s32 s4, v0;
	v24 =	vmul.f32 v27, v25;
	v29 =	vand.u32 $0x78, v33;
	v16 =	vld.idx.msk [tilespmem:v15+s26+$0x0], $0xffff  }
0x380: {  	s6 =	sadd.s32 $0x8, s6;
	v25 =	vadd.f32 v35, v30;
	v26 =	vadd.f32 v34, v26;
	v27 =	vmul.f32 v32, v31;
	v15 =	vld.idx.msk [tilespmem:v15+s29+$0x0], $0xffff  }
0x381: {  	_ =	sdelay $0x3  }
0x382: {  	v30 =	vld.idx.msk [tilespmem:v23+s26+$0x0], $0xffff  }
0x383: {  	v29 =	vor.u32 v5, v29;
	v23 =	vld.idx.msk [tilespmem:v23+s29+$0x0], $0xffff  }
0x384: {  	v28 =	vand.u32 $0x7F, v28;
	s4 =	sadd.s32 $0xFFFFFFFD, s5;
	v31 =	vld.idx.msk [tilespmem:v22+s26+$0x0], $0xffff  }
0x385: {  	v22 =	vld.idx.msk [tilespmem:v22+s29+$0x0], $0xffff;
	v28 =	vor.u32 v6, v28;
	v32 =	vadd.s32 s4, v0  }
0x386: {  	s7 =	sadd.s32 $0xFFFFFFFF, s5;
	v33 =	vld.idx.msk [tilespmem:v19+s26+$0x0], $0xffff;
	v32 =	vand.u32 $0x7F, v32  }
0x387: {  	v19 =	vld.idx.msk [tilespmem:v19+s29+$0x0], $0xffff;
	v34 =	vadd.s32 s7, v0;
	v32 =	vor.u32 v6, v32  }
0x388: {  	v34 =	vand.u32 $0x7F, v34;
	v35 =	vld.idx.msk [tilespmem:v29+s26+$0x0], $0xffff  }
0x389: {  	v34 =	vor.u32 v6, v34;
	v29 =	vld.idx.msk [tilespmem:v29+s29+$0x0], $0xffff  }
0x38a: {  	v17 =	vmul.f32 v20, v17;
	v26 =	vadd.f32 v27, v26;
	v20 =	vld.idx.msk [tilespmem:v28+s26+$0x0], $0xffff  }
0x38b: {  	v12 =	vmul.f32 v13, v12;
	v13 =	vadd.f32 v24, v25;
	v24 =	vld.idx.msk [tilespmem:v28+s29+$0x0], $0xffff  }
0x38c: {  	v18 =	vmul.f32 v21, v18;
	v17 =	vadd.f32 v17, v26;
	v21 =	vld.idx.msk [tilespmem:v32+s26+$0x0], $0xffff  }
0x38d: {  	v11 =	vmul.f32 v14, v11;
	v12 =	vadd.f32 v12, v13;
	v13 =	vld.idx.msk [tilespmem:v32+s29+$0x0], $0xffff  }
0x38e: {  	v14 =	vadd.f32 v18, v17;
	v17 =	vld.idx.msk [tilespmem:v34+s26+$0x0], $0xffff;
	v18 =	vmul.f32 v29, v35  }
0x38f: {  	v11 =	vadd.f32 v11, v12;
	v12 =	vmul.f32 v19, v33;
	v19 =	vld.idx.msk [tilespmem:v34+s29+$0x0], $0xffff  }
0x390: {  	v14 =	vadd.f32 v18, v14;
	v18 =	vmul.f32 v24, v20  }
0x391: {  	v11 =	vadd.f32 v12, v11;
	v20 =	vmul.f32 v22, v31  }
0x392: {  	v13 =	vmul.f32 v13, v21;
	v12 =	vadd.f32 v18, v14  }
0x393: {  	v14 =	vmul.f32 v23, v30;
	v11 =	vadd.f32 v20, v11  }
0x394: {  	s8 =	simm.s32 $0x7;
	v12 =	vadd.f32 v13, v12;
	v13 =	vmul.f32 v19, v17  }
0x395: {  	v15 =	vmul.f32 v15, v16;
	v11 =	vadd.f32 v14, v11;
	v14 =	vadd.s32 s8, v0  }
0x396: {  	s5 =	simm.s32 $0x5;
	v12 =	vadd.f32 v13, v12;
	v13 =	vand.u32 $0x7F, v14  }
0x397: {  	v11 =	vadd.f32 v15, v11;
	v14 =	vadd.s32 s5, v0;
	v13 =	vor.u32 v8, v13  }
0x398: {  	s6 =	simm.s32 $0x3;
	v14 =	vand.u32 $0x7F, v14  }
0x399: {  	v11 =	vadd.f32 v11, v12;
	v12 =	vadd.s32 s6, v0;
	v15 =	vor.u32 v8, v14  }
0x39a: {  	s7 =	simm.s32 $0x1;
	v12 =	vand.u32 $0x7F, v12  }
0x39b: {  	[tilespmem:s10+$0x4E40] =	vst v11;
	v11 =	vadd.s32 s7, v0;
	v16 =	vor.u32 v8, v12  }
0x39c: {  	s8 =	simm.s32 $0x0;
	v12 =	vand.u32 $0x7F, v11;
	v11 =	vld.idx.msk [tilespmem:v13+s26+$0x0], $0xffff  }
0x39d: {  	v17 =	vor.u32 v8, v12;
	v12 =	vadd.s32 s8, v0;
	v14 =	vld.idx.msk [tilespmem:v13+s29+$0x0], $0xffff  }
0x39e: {  	s5 =	simm.s32 $0x2;
	v13 =	vand.u32 $0x78, v12;
	v12 =	vld.idx.msk [tilespmem:v15+s26+$0x0], $0xffff  }
0x39f: {  	v18 =	vadd.s32 s5, v0;
	v19 =	vor.u32 v7, v13;
	v13 =	vld.idx.msk [tilespmem:v15+s29+$0x0], $0xffff  }
0x3a0: {  	s6 =	simm.s32 $0x4;
	v15 =	vand.u32 $0x7F, v18;
	v24 =	vld.idx.msk [tilespmem:v16+s26+$0x0], $0xffff  }
0x3a1: {  	v18 =	vadd.s32 s6, v0;
	v15 =	vor.u32 v8, v15;
	v25 =	vld.idx.msk [tilespmem:v16+s29+$0x0], $0xffff  }
0x3a2: {  	s7 =	simm.s32 $0x6;
	v18 =	vand.u32 $0x7F, v18;
	v16 =	vld.idx.msk [tilespmem:v17+s26+$0x0], $0xffff  }
0x3a3: {  	v20 =	vadd.s32 s7, v0;
	v18 =	vor.u32 v8, v18;
	v21 =	vld.idx.msk [tilespmem:v17+s29+$0x0], $0xffff  }
0x3a4: {  	s5 =	simm.s32 $0xF;
	v17 =	vand.u32 $0x7F, v20;
	v26 =	vld.idx.msk [tilespmem:v19+s26+$0x0], $0xffff  }
0x3a5: {  	v20 =	vadd.s32 s5, v0;
	v28 =	vor.u32 v8, v17;
	v27 =	vld.idx.msk [tilespmem:v19+s29+$0x0], $0xffff  }
0x3a6: {  	s8 =	simm.s32 $0xD;
	v17 =	vand.u32 $0x7F, v20;
	v30 =	vld.idx.msk [tilespmem:v15+s26+$0x0], $0xffff  }
0x3a7: {  	s7 =	simm.s32 $0xB;
	v62 =	vor.u32 v8, v17;
	v63 =	vld.idx.msk [tilespmem:v15+s29+$0x0], $0xffff;
	v15 =	vadd.s32 s8, v0  }
0x3a8: {  	v31 =	vimm.f32 $0.0e+00;
	s6 =	simm.s32 $0x9;
	v20 =	vadd.s32 s7, v0;
	v17 =	vld.idx.msk [tilespmem:v18+s26+$0x0], $0xffff;
	v15 =	vand.u32 $0x7F, v15  }
0x3a9: {  	v19 =	vadd.s32 s6, v0;
	v22 =	vand.u32 $0x7F, v20;
	v20 =	vld.idx.msk [tilespmem:v18+s29+$0x0], $0xffff;
	v23 =	vor.u32 v8, v15  }
0x3aa: {  	s7 =	simm.s32 $0x8;
	v19 =	vand.u32 $0x7F, v19;
	v22 =	vor.u32 v8, v22;
	v24 =	vmul.f32 v25, v24;
	v18 =	vld.idx.msk [tilespmem:v28+s26+$0x0], $0xffff  }
0x3ab: {  	s8 =	simm.s32 $0xA;
	v15 =	vadd.s32 s7, v0;
	v26 =	vmul.f32 v27, v26;
	v27 =	vmul.f32 v21, v16;
	v21 =	vld.idx.msk [tilespmem:v28+s29+$0x0], $0xffff  }
0x3ac: {  	v19 =	vor.u32 v8, v19;
	v29 =	vand.u32 $0x78, v15;
	v28 =	vadd.s32 s8, v0;
	v16 =	vld.idx.msk [tilespmem:v62+s26+$0x0], $0xffff  }
0x3ad: {  	s6 =	simm.s32 $0x17;
	v15 =	vld.idx.msk [tilespmem:v62+s29+$0x0], $0xffff;
	v26 =	vadd.f32 v26, v31;
	v25 =	vadd.f32 v27, v31;
	v27 =	vmul.f32 v63, v30  }
.LBB2_33:
0x3ae: {  	p0 =	sne.s32 s6, $0x7F;
	v29 =	vor.u32 v7, v29;
	v28 =	vand.u32 $0x7F, v28;
	v30 =	vmul.f32 v13, v12;
	v12 =	vld.idx.msk [tilespmem:v23+s26+$0x0], $0xffff  }
0x3af: {  	s4 =	sadd.s32 $0xFFFFFFFD, s5;
	v17 =	vmul.f32 v20, v17;
	v13 =	vld.idx.msk [tilespmem:v23+s29+$0x0], $0xffff;
	v23 =	vadd.f32 v27, v26;
	v24 =	vadd.f32 v24, v25  }
0x3b0: {  	v14 =	vmul.f32 v14, v11;
	v20 =	vor.u32 v8, v28;
	v26 =	vadd.s32 s4, v0;
	v25 =	vld.idx.msk [tilespmem:v22+s26+$0x0], $0xffff  }
0x3b1: {  	s4 =	sadd.s32 $0xFFFFFFFF, s5;
	s5 =	smov.u32 s6;
	v18 =	vmul.f32 v21, v18;
	v27 =	vld.idx.msk [tilespmem:v22+s29+$0x0], $0xffff;
	v17 =	vadd.f32 v17, v23;
	v22 =	vadd.f32 v30, v24  }
0x3b2: {  	v23 =	vand.u32 $0x7F, v26;
	v24 =	vadd.s32 s4, v0;
	v11 =	vmov v16;
	v21 =	vld.idx.msk [tilespmem:v19+s26+$0x0], $0xffff  }
0x3b3: {  	v16 =	vld.idx.msk [tilespmem:v19+s29+$0x0], $0xffff;
	v19 =	vor.u32 v8, v23;
	v26 =	vadd.f32 v18, v17;
	v30 =	vadd.f32 v14, v22  }
0x3b4: {  	v17 =	vand.u32 $0x7F, v24;
	v14 =	vmov v15;
	v28 =	vld.idx.msk [tilespmem:v29+s26+$0x0], $0xffff  }
0x3b5: {  	v15 =	vadd.s32 s6, v0;
	v24 =	vld.idx.msk [tilespmem:v29+s29+$0x0], $0xffff;
	v29 =	vor.u32 v8, v17  }
0x3b6: {  	s4 =	sadd.s32 $0xFFFFFFFE, s6;
	v15 =	vand.u32 $0x7F, v15;
	v31 =	vld.idx.msk [tilespmem:v20+s26+$0x0], $0xffff  }
0x3b7: {  	s7 =	sadd.s32 $0xFFFFFFFA, s6;
	s8 =	sadd.s32 $0xFFFFFFFC, s6;
	v17 =	vadd.s32 s4, v0;
	v15 =	vor.u32 v8, v15;
	v32 =	vld.idx.msk [tilespmem:v20+s29+$0x0], $0xffff  }
0x3b8: {  	v18 =	vadd.s32 s7, v0;
	v22 =	vand.u32 $0x7F, v17;
	v20 =	vadd.s32 s8, v0;
	v17 =	vld.idx.msk [tilespmem:v19+s26+$0x0], $0xffff  }
.Ltmp20:
0x3b9: {  	v18 =	vand.u32 $0x7F, v18;
	v23 =	vor.u32 v8, v22;
	v33 =	vand.u32 $0x7F, v20;
	v20 =	vld.idx.msk [tilespmem:v19+s29+$0x0], $0xffff;
	(pc) =	sbr.rel @p0 .LBB2_33-.Ltmp20, $4  }
0x3ba: {  	s4 =	sadd.s32 $0xFFFFFFF9, s6;
	v19 =	vor.u32 v8, v18;
	v22 =	vor.u32 v8, v33;
	v18 =	vld.idx.msk [tilespmem:v29+s26+$0x0], $0xffff  }
0x3bb: {  	v35 =	vmul.f32 v16, v21;
	v33 =	vadd.s32 s4, v0;
	s4 =	sadd.s32 $0xFFFFFFFB, s6;
	v34 =	vmul.f32 v24, v28;
	v21 =	vld.idx.msk [tilespmem:v29+s29+$0x0], $0xffff  }
0x3bc: {  	v28 =	vadd.s32 s4, v0;
	v24 =	vmul.f32 v27, v25;
	v29 =	vand.u32 $0x78, v33;
	v16 =	vld.idx.msk [tilespmem:v15+s26+$0x0], $0xffff  }
0x3bd: {  	s6 =	sadd.s32 $0x8, s6;
	v25 =	vadd.f32 v35, v30;
	v26 =	vadd.f32 v34, v26;
	v27 =	vmul.f32 v32, v31;
	v15 =	vld.idx.msk [tilespmem:v15+s29+$0x0], $0xffff  }
0x3be: {  	_ =	sdelay $0x3  }
0x3bf: {  	v30 =	vld.idx.msk [tilespmem:v23+s26+$0x0], $0xffff  }
0x3c0: {  	v29 =	vor.u32 v7, v29;
	v23 =	vld.idx.msk [tilespmem:v23+s29+$0x0], $0xffff  }
0x3c1: {  	v28 =	vand.u32 $0x7F, v28;
	s4 =	sadd.s32 $0xFFFFFFFD, s5;
	v31 =	vld.idx.msk [tilespmem:v22+s26+$0x0], $0xffff  }
0x3c2: {  	v22 =	vld.idx.msk [tilespmem:v22+s29+$0x0], $0xffff;
	v28 =	vor.u32 v8, v28;
	v32 =	vadd.s32 s4, v0  }
0x3c3: {  	s7 =	sadd.s32 $0xFFFFFFFF, s5;
	v33 =	vld.idx.msk [tilespmem:v19+s26+$0x0], $0xffff;
	v32 =	vand.u32 $0x7F, v32  }
0x3c4: {  	v19 =	vld.idx.msk [tilespmem:v19+s29+$0x0], $0xffff;
	v34 =	vadd.s32 s7, v0;
	v32 =	vor.u32 v8, v32  }
0x3c5: {  	v34 =	vand.u32 $0x7F, v34;
	v35 =	vld.idx.msk [tilespmem:v29+s26+$0x0], $0xffff  }
0x3c6: {  	v34 =	vor.u32 v8, v34;
	v29 =	vld.idx.msk [tilespmem:v29+s29+$0x0], $0xffff  }
0x3c7: {  	v17 =	vmul.f32 v20, v17;
	v26 =	vadd.f32 v27, v26;
	v20 =	vld.idx.msk [tilespmem:v28+s26+$0x0], $0xffff  }
0x3c8: {  	v12 =	vmul.f32 v13, v12;
	v13 =	vadd.f32 v24, v25;
	v24 =	vld.idx.msk [tilespmem:v28+s29+$0x0], $0xffff  }
0x3c9: {  	v18 =	vmul.f32 v21, v18;
	v17 =	vadd.f32 v17, v26;
	v21 =	vld.idx.msk [tilespmem:v32+s26+$0x0], $0xffff  }
0x3ca: {  	v11 =	vmul.f32 v14, v11;
	v12 =	vadd.f32 v12, v13;
	v13 =	vld.idx.msk [tilespmem:v32+s29+$0x0], $0xffff  }
0x3cb: {  	v14 =	vadd.f32 v18, v17;
	v17 =	vld.idx.msk [tilespmem:v34+s26+$0x0], $0xffff;
	v18 =	vmul.f32 v29, v35  }
0x3cc: {  	v11 =	vadd.f32 v11, v12;
	v12 =	vmul.f32 v19, v33;
	v19 =	vld.idx.msk [tilespmem:v34+s29+$0x0], $0xffff  }
0x3cd: {  	v14 =	vadd.f32 v18, v14;
	v18 =	vmul.f32 v24, v20  }
0x3ce: {  	v11 =	vadd.f32 v12, v11;
	v20 =	vmul.f32 v22, v31  }
0x3cf: {  	v13 =	vmul.f32 v13, v21;
	v12 =	vadd.f32 v18, v14  }
0x3d0: {  	v14 =	vmul.f32 v23, v30;
	v11 =	vadd.f32 v20, v11  }
0x3d1: {  	s8 =	simm.s32 $0x7;
	v12 =	vadd.f32 v13, v12;
	v13 =	vmul.f32 v19, v17  }
0x3d2: {  	v15 =	vmul.f32 v15, v16;
	v11 =	vadd.f32 v14, v11;
	v14 =	vadd.s32 s8, v0  }
0x3d3: {  	s5 =	simm.s32 $0x5;
	v12 =	vadd.f32 v13, v12;
	v13 =	vand.u32 $0x7F, v14  }
0x3d4: {  	v11 =	vadd.f32 v15, v11;
	v14 =	vadd.s32 s5, v0;
	v13 =	vor.u32 v10, v13  }
0x3d5: {  	s6 =	simm.s32 $0x3;
	v14 =	vand.u32 $0x7F, v14  }
0x3d6: {  	v11 =	vadd.f32 v11, v12;
	v12 =	vadd.s32 s6, v0;
	v15 =	vor.u32 v10, v14  }
0x3d7: {  	s7 =	simm.s32 $0x1;
	v12 =	vand.u32 $0x7F, v12  }
0x3d8: {  	[tilespmem:s10+$0x4E50] =	vst v11;
	v11 =	vadd.s32 s7, v0;
	v16 =	vor.u32 v10, v12  }
0x3d9: {  	s8 =	simm.s32 $0x0;
	v12 =	vand.u32 $0x7F, v11;
	v11 =	vld.idx.msk [tilespmem:v13+s26+$0x0], $0xffff  }
0x3da: {  	v17 =	vor.u32 v10, v12;
	v12 =	vadd.s32 s8, v0;
	v14 =	vld.idx.msk [tilespmem:v13+s29+$0x0], $0xffff  }
0x3db: {  	s5 =	simm.s32 $0x2;
	v13 =	vand.u32 $0x78, v12;
	v12 =	vld.idx.msk [tilespmem:v15+s26+$0x0], $0xffff  }
0x3dc: {  	v18 =	vadd.s32 s5, v0;
	v19 =	vor.u32 v9, v13;
	v13 =	vld.idx.msk [tilespmem:v15+s29+$0x0], $0xffff  }
0x3dd: {  	s6 =	simm.s32 $0x4;
	v15 =	vand.u32 $0x7F, v18;
	v24 =	vld.idx.msk [tilespmem:v16+s26+$0x0], $0xffff  }
0x3de: {  	v18 =	vadd.s32 s6, v0;
	v15 =	vor.u32 v10, v15;
	v25 =	vld.idx.msk [tilespmem:v16+s29+$0x0], $0xffff  }
0x3df: {  	s7 =	simm.s32 $0x6;
	v18 =	vand.u32 $0x7F, v18;
	v16 =	vld.idx.msk [tilespmem:v17+s26+$0x0], $0xffff  }
0x3e0: {  	v20 =	vadd.s32 s7, v0;
	v18 =	vor.u32 v10, v18;
	v21 =	vld.idx.msk [tilespmem:v17+s29+$0x0], $0xffff  }
0x3e1: {  	s5 =	simm.s32 $0xF;
	v17 =	vand.u32 $0x7F, v20;
	v26 =	vld.idx.msk [tilespmem:v19+s26+$0x0], $0xffff  }
0x3e2: {  	v20 =	vadd.s32 s5, v0;
	v28 =	vor.u32 v10, v17;
	v27 =	vld.idx.msk [tilespmem:v19+s29+$0x0], $0xffff  }
0x3e3: {  	s8 =	simm.s32 $0xD;
	v17 =	vand.u32 $0x7F, v20;
	v30 =	vld.idx.msk [tilespmem:v15+s26+$0x0], $0xffff  }
0x3e4: {  	s7 =	simm.s32 $0xB;
	v62 =	vor.u32 v10, v17;
	v63 =	vld.idx.msk [tilespmem:v15+s29+$0x0], $0xffff;
	v15 =	vadd.s32 s8, v0  }
0x3e5: {  	v31 =	vimm.f32 $0.0e+00;
	s6 =	simm.s32 $0x9;
	v20 =	vadd.s32 s7, v0;
	v17 =	vld.idx.msk [tilespmem:v18+s26+$0x0], $0xffff;
	v15 =	vand.u32 $0x7F, v15  }
0x3e6: {  	v19 =	vadd.s32 s6, v0;
	v22 =	vand.u32 $0x7F, v20;
	v20 =	vld.idx.msk [tilespmem:v18+s29+$0x0], $0xffff;
	v23 =	vor.u32 v10, v15  }
0x3e7: {  	s7 =	simm.s32 $0x8;
	v19 =	vand.u32 $0x7F, v19;
	v22 =	vor.u32 v10, v22;
	v24 =	vmul.f32 v25, v24;
	v18 =	vld.idx.msk [tilespmem:v28+s26+$0x0], $0xffff  }
0x3e8: {  	s8 =	simm.s32 $0xA;
	v15 =	vadd.s32 s7, v0;
	v26 =	vmul.f32 v27, v26;
	v27 =	vmul.f32 v21, v16;
	v21 =	vld.idx.msk [tilespmem:v28+s29+$0x0], $0xffff  }
0x3e9: {  	v19 =	vor.u32 v10, v19;
	v29 =	vand.u32 $0x78, v15;
	v28 =	vadd.s32 s8, v0;
	v16 =	vld.idx.msk [tilespmem:v62+s26+$0x0], $0xffff  }
0x3ea: {  	s6 =	simm.s32 $0x17;
	v15 =	vld.idx.msk [tilespmem:v62+s29+$0x0], $0xffff;
	v26 =	vadd.f32 v26, v31;
	v25 =	vadd.f32 v27, v31;
	v27 =	vmul.f32 v63, v30  }
.LBB2_35:
0x3eb: {  	p0 =	sne.s32 s6, $0x7F;
	v29 =	vor.u32 v9, v29;
	v28 =	vand.u32 $0x7F, v28;
	v30 =	vmul.f32 v13, v12;
	v12 =	vld.idx.msk [tilespmem:v23+s26+$0x0], $0xffff  }
0x3ec: {  	s4 =	sadd.s32 $0xFFFFFFFD, s5;
	v17 =	vmul.f32 v20, v17;
	v13 =	vld.idx.msk [tilespmem:v23+s29+$0x0], $0xffff;
	v23 =	vadd.f32 v27, v26;
	v24 =	vadd.f32 v24, v25  }
0x3ed: {  	v14 =	vmul.f32 v14, v11;
	v20 =	vor.u32 v10, v28;
	v26 =	vadd.s32 s4, v0;
	v25 =	vld.idx.msk [tilespmem:v22+s26+$0x0], $0xffff  }
0x3ee: {  	s4 =	sadd.s32 $0xFFFFFFFF, s5;
	s5 =	smov.u32 s6;
	v18 =	vmul.f32 v21, v18;
	v27 =	vld.idx.msk [tilespmem:v22+s29+$0x0], $0xffff;
	v17 =	vadd.f32 v17, v23;
	v22 =	vadd.f32 v30, v24  }
0x3ef: {  	v23 =	vand.u32 $0x7F, v26;
	v24 =	vadd.s32 s4, v0;
	v11 =	vmov v16;
	v21 =	vld.idx.msk [tilespmem:v19+s26+$0x0], $0xffff  }
0x3f0: {  	v16 =	vld.idx.msk [tilespmem:v19+s29+$0x0], $0xffff;
	v19 =	vor.u32 v10, v23;
	v26 =	vadd.f32 v18, v17;
	v30 =	vadd.f32 v14, v22  }
0x3f1: {  	v17 =	vand.u32 $0x7F, v24;
	v14 =	vmov v15;
	v28 =	vld.idx.msk [tilespmem:v29+s26+$0x0], $0xffff  }
0x3f2: {  	v15 =	vadd.s32 s6, v0;
	v24 =	vld.idx.msk [tilespmem:v29+s29+$0x0], $0xffff;
	v29 =	vor.u32 v10, v17  }
0x3f3: {  	s4 =	sadd.s32 $0xFFFFFFFE, s6;
	v15 =	vand.u32 $0x7F, v15;
	v31 =	vld.idx.msk [tilespmem:v20+s26+$0x0], $0xffff  }
0x3f4: {  	s7 =	sadd.s32 $0xFFFFFFFA, s6;
	s8 =	sadd.s32 $0xFFFFFFFC, s6;
	v17 =	vadd.s32 s4, v0;
	v15 =	vor.u32 v10, v15;
	v32 =	vld.idx.msk [tilespmem:v20+s29+$0x0], $0xffff  }
0x3f5: {  	v18 =	vadd.s32 s7, v0;
	v22 =	vand.u32 $0x7F, v17;
	v20 =	vadd.s32 s8, v0;
	v17 =	vld.idx.msk [tilespmem:v19+s26+$0x0], $0xffff  }
.Ltmp21:
0x3f6: {  	v18 =	vand.u32 $0x7F, v18;
	v23 =	vor.u32 v10, v22;
	v33 =	vand.u32 $0x7F, v20;
	v20 =	vld.idx.msk [tilespmem:v19+s29+$0x0], $0xffff;
	(pc) =	sbr.rel @p0 .LBB2_35-.Ltmp21, $4  }
0x3f7: {  	s4 =	sadd.s32 $0xFFFFFFF9, s6;
	v19 =	vor.u32 v10, v18;
	v22 =	vor.u32 v10, v33;
	v18 =	vld.idx.msk [tilespmem:v29+s26+$0x0], $0xffff  }
0x3f8: {  	v35 =	vmul.f32 v16, v21;
	v33 =	vadd.s32 s4, v0;
	s4 =	sadd.s32 $0xFFFFFFFB, s6;
	v34 =	vmul.f32 v24, v28;
	v21 =	vld.idx.msk [tilespmem:v29+s29+$0x0], $0xffff  }
0x3f9: {  	v28 =	vadd.s32 s4, v0;
	v24 =	vmul.f32 v27, v25;
	v29 =	vand.u32 $0x78, v33;
	v16 =	vld.idx.msk [tilespmem:v15+s26+$0x0], $0xffff  }
0x3fa: {  	s6 =	sadd.s32 $0x8, s6;
	v25 =	vadd.f32 v35, v30;
	v26 =	vadd.f32 v34, v26;
	v27 =	vmul.f32 v32, v31;
	v15 =	vld.idx.msk [tilespmem:v15+s29+$0x0], $0xffff  }
0x3fb: {  	_ =	sdelay $0x3  }
0x3fc: {  	v30 =	vld.idx.msk [tilespmem:v23+s26+$0x0], $0xffff  }
0x3fd: {  	v29 =	vor.u32 v9, v29;
	v48 =	vld.idx.msk [tilespmem:v23+s29+$0x0], $0xffff  }
0x3fe: {  	v28 =	vand.u32 $0x7F, v28;
	s4 =	sadd.s32 $0xFFFFFFFD, s5;
	v31 =	vld.idx.msk [tilespmem:v22+s26+$0x0], $0xffff  }
0x3ff: {  	v49 =	vld.idx.msk [tilespmem:v22+s29+$0x0], $0xffff;
	v28 =	vor.u32 v10, v28;
	v32 =	vadd.s32 s4, v0  }
0x400: {  	s8 =	sadd.s32 $0xFFFFFFFF, s5;
	v33 =	vld.idx.msk [tilespmem:v19+s26+$0x0], $0xffff;
	v32 =	vand.u32 $0x7F, v32  }
0x401: {  	v50 =	vld.idx.msk [tilespmem:v19+s29+$0x0], $0xffff;
	v34 =	vadd.s32 s8, v0;
	v32 =	vor.u32 v10, v32  }
0x402: {  	v34 =	vand.u32 $0x7F, v34;
	v35 =	vld.idx.msk [tilespmem:v29+s26+$0x0], $0xffff  }
0x403: {  	v17 =	vmul.f32 v20, v17;
	v26 =	vadd.f32 v27, v26;
	v52 =	vor.u32 v10, v34;
	v51 =	vld.idx.msk [tilespmem:v29+s29+$0x0], $0xffff  }
0x404: {  	v12 =	vmul.f32 v13, v12;
	v53 =	vadd.f32 v24, v25;
	v54 =	vld.idx.msk [tilespmem:v28+s26+$0x0], $0xffff  }
0x405: {  	v18 =	vmul.f32 v21, v18;
	v17 =	vadd.f32 v17, v26;
	v55 =	vld.idx.msk [tilespmem:v28+s29+$0x0], $0xffff  }
0x406: {  	v11 =	vmul.f32 v14, v11;
	v12 =	vadd.f32 v12, v53;
	v56 =	vld.idx.msk [tilespmem:v32+s26+$0x0], $0xffff  }
0x407: {  	v57 =	vadd.f32 v18, v17;
	v58 =	vld.idx.msk [tilespmem:v32+s29+$0x0], $0xffff  }
0x408: {  	v11 =	vadd.f32 v11, v12;
	v19 =	vmul.f32 v50, v33;
	v59 =	vld.idx.msk [tilespmem:v52+s26+$0x0], $0xffff;
	v60 =	vmul.f32 v51, v35  }
0x409: {  	v22 =	vmul.f32 v49, v31;
	v61 =	vld.idx.msk [tilespmem:v52+s29+$0x0], $0xffff  }
0x40a: {  	v11 =	vadd.f32 v19, v11;
	v62 =	vmul.f32 v55, v54;
	v14 =	vadd.f32 v60, v57  }
0x40b: {  	v63 =	vmul.f32 v48, v30  }
0x40c: {  	v11 =	vadd.f32 v22, v11;
	v13 =	vmul.f32 v58, v56;
	v14 =	vadd.f32 v62, v14  }
0x40d: {  	v15 =	vmul.f32 v15, v16  }
0x40e: {  	v11 =	vadd.f32 v63, v11;
	v12 =	vmul.f32 v61, v59;
	v13 =	vadd.f32 v13, v14;
	_ =	sdelay $0x1  }
0x40f: {  	v11 =	vadd.f32 v15, v11;
	v12 =	vadd.f32 v12, v13;
	_ =	sdelay $0x1  }
0x410: {  	v11 =	vadd.f32 v11, v12  }
0x411: {  	p0 =	sgt.u32 s24, $0x1D  }
0x412: {  	s4 =	sadd.s32 @!p0 $0x1E0, s25;
	s5 =	simm.s32 @!p0 $0x28;
	s6 =	simm.s32 @!p0 $0xC530;
	[tilespmem:s10+$0x4E60] =	vst v11  }
0x413: {  	[tilespmem:s6], [sflag:$0x5] =	stream.indirect.gather @!p0 [hbm4b:s0+s5], $0x80, s4, s5, $0xb8;
	[tilespmem:$0x1B530] =	vst v63  }
0x414: {  	s4 =	sadd.s32 @!p0 $0x28F0, s25;
	s6 =	simm.s32 @!p0 $0x16530  }
0x415: {  	[tilespmem:s6], [sflag:$0x6] =	stream.indirect.gather @!p0 [hbm4b:s2+s5], $0x80, s4, s5, $0xb8;
	[tilespmem:$0x1B530] =	vst v63  }
0x416: {  	s4 =	sadd.s32 @!p0 $0x208, s25;
	s6 =	simm.s32 @!p0 $0xD930  }
0x417: {  	[tilespmem:s6], [sflag:$0x5] =	stream.indirect.gather @!p0 [hbm4b:s0+s5], $0x80, s4, s5, $0xb8;
	[tilespmem:$0x1B530] =	vst v63  }
0x418: {  	s4 =	sadd.s32 @!p0 $0x2918, s25;
	s6 =	simm.s32 @!p0 $0x17930  }
0x419: {  	[tilespmem:s6], [sflag:$0x6] =	stream.indirect.gather @!p0 [hbm4b:s2+s5], $0x80, s4, s5, $0xb8;
	[tilespmem:$0x1B530] =	vst v63  }
.LBB2_37:
0x41a: {  	s10 =	sor.u32 $0x3, s31  }
0x41b: {  	p0 =	sgt.u32 s10, $0x7C  }
.Ltmp22:
0x41c: {  	_ = 	snop;
	(pc) =	sbr.rel @p0 .LBB2_49-.Ltmp22, $1  }
0x41d: {  	_ =	sdelay $0x3  }
0x41e: {  	s4 =	simm.s32 $0x7  }
0x41f: {  	v11 =	vadd.s32 s4, v0  }
0x420: {  	s5 =	simm.s32 $0x5;
	_ =	swait.ge [sflag:s4], $0x2800;
	v11 =	vand.u32 $0x7F, v11  }
0x421: {  	v12 =	vadd.s32 s5, v0;
	[sflag:s4] =	ssyncset.done $0x0;
	v13 =	vor.u32 v1, v11  }
0x422: {  	s8 =	simm.s32 $0x3;
	[sflag:s4] =	ssyncadd.s32 $0xFFFFD800;
	v11 =	vand.u32 $0x7F, v12  }
0x423: {  	v12 =	vadd.s32 s8, v0;
	_ =	swait.ge [sflag:s22], $0x2800;
	v15 =	vor.u32 v1, v11  }
0x424: {  	s31 =	simm.s32 $0x1;
	v11 =	vand.u32 $0x7F, v12;
	[sflag:s22] =	ssyncset.done $0x0  }
0x425: {  	v12 =	vadd.s32 s31, v0;
	v16 =	vor.u32 v1, v11;
	[sflag:s22] =	ssyncadd.s32 $0xFFFFD800  }
0x426: {  	s5 =	simm.s32 $0x0;
	v12 =	vand.u32 $0x7F, v12;
	v11 =	vld.idx.msk [tilespmem:v13+s17+$0x0], $0xffff  }
0x427: {  	v17 =	vor.u32 v1, v12;
	v12 =	vadd.s32 s5, v0;
	v14 =	vld.idx.msk [tilespmem:v13+s21+$0x0], $0xffff  }
0x428: {  	s6 =	simm.s32 $0x2;
	v13 =	vand.u32 $0x78, v12;
	v12 =	vld.idx.msk [tilespmem:v15+s17+$0x0], $0xffff  }
0x429: {  	v18 =	vadd.s32 s6, v0;
	v19 =	vor.u32 v2, v13;
	v13 =	vld.idx.msk [tilespmem:v15+s21+$0x0], $0xffff  }
0x42a: {  	s7 =	simm.s32 $0x4;
	v15 =	vand.u32 $0x7F, v18;
	v24 =	vld.idx.msk [tilespmem:v16+s17+$0x0], $0xffff  }
0x42b: {  	v18 =	vadd.s32 s7, v0;
	v15 =	vor.u32 v1, v15;
	v25 =	vld.idx.msk [tilespmem:v16+s21+$0x0], $0xffff  }
0x42c: {  	s8 =	simm.s32 $0x6;
	v18 =	vand.u32 $0x7F, v18;
	v16 =	vld.idx.msk [tilespmem:v17+s17+$0x0], $0xffff  }
0x42d: {  	v20 =	vadd.s32 s8, v0;
	s5 =	simm.s32 $0xF;
	v21 =	vld.idx.msk [tilespmem:v17+s21+$0x0], $0xffff;
	v18 =	vor.u32 v1, v18  }
0x42e: {  	v17 =	vand.u32 $0x7F, v20;
	v20 =	vadd.s32 s5, v0;
	v26 =	vld.idx.msk [tilespmem:v19+s17+$0x0], $0xffff  }
0x42f: {  	v28 =	vor.u32 v1, v17;
	v17 =	vand.u32 $0x7F, v20;
	v27 =	vld.idx.msk [tilespmem:v19+s21+$0x0], $0xffff  }
0x430: {  	s31 =	simm.s32 $0xD;
	v32 =	vor.u32 v1, v17;
	v30 =	vld.idx.msk [tilespmem:v15+s17+$0x0], $0xffff  }
0x431: {  	s7 =	simm.s32 $0xB;
	v33 =	vld.idx.msk [tilespmem:v15+s21+$0x0], $0xffff;
	v15 =	vadd.s32 s31, v0  }
0x432: {  	v31 =	vimm.f32 $0.0e+00;
	s6 =	simm.s32 $0x9;
	v20 =	vadd.s32 s7, v0;
	v17 =	vld.idx.msk [tilespmem:v18+s17+$0x0], $0xffff;
	v15 =	vand.u32 $0x7F, v15  }
0x433: {  	s8 =	simm.s32 $0x8;
	v22 =	vand.u32 $0x7F, v20;
	v19 =	vadd.s32 s6, v0;
	v20 =	vld.idx.msk [tilespmem:v18+s21+$0x0], $0xffff;
	v23 =	vor.u32 v1, v15  }
0x434: {  	v22 =	vor.u32 v1, v22;
	v19 =	vand.u32 $0x7F, v19;
	v18 =	vld.idx.msk [tilespmem:v28+s17+$0x0], $0xffff;
	v15 =	vadd.s32 s8, v0  }
0x435: {  	s31 =	simm.s32 $0xA;
	v29 =	vand.u32 $0x78, v15;
	v15 =	vld.idx.msk [tilespmem:v32+s21+$0x0], $0xffff;
	v26 =	vmul.f32 v27, v26;
	v27 =	vmul.f32 v21, v16  }
0x436: {  	v24 =	vmul.f32 v25, v24;
	v19 =	vor.u32 v1, v19;
	v21 =	vld.idx.msk [tilespmem:v28+s21+$0x0], $0xffff;
	v28 =	vadd.s32 s31, v0  }
0x437: {  	s6 =	simm.s32 $0x17;
	v16 =	vld.idx.msk [tilespmem:v32+s17+$0x0], $0xffff;
	v26 =	vadd.f32 v26, v31;
	v25 =	vadd.f32 v27, v31;
	v27 =	vmul.f32 v33, v30  }
.LBB2_39:
0x438: {  	p0 =	sne.s32 s6, $0x7F;
	v29 =	vor.u32 v2, v29;
	v28 =	vand.u32 $0x7F, v28;
	v30 =	vmul.f32 v13, v12;
	v12 =	vld.idx.msk [tilespmem:v23+s17+$0x0], $0xffff  }
0x439: {  	s4 =	sadd.s32 $0xFFFFFFFD, s5;
	v17 =	vmul.f32 v20, v17;
	v13 =	vld.idx.msk [tilespmem:v23+s21+$0x0], $0xffff;
	v23 =	vadd.f32 v27, v26;
	v24 =	vadd.f32 v24, v25  }
0x43a: {  	v14 =	vmul.f32 v14, v11;
	v20 =	vor.u32 v1, v28;
	v26 =	vadd.s32 s4, v0;
	v25 =	vld.idx.msk [tilespmem:v22+s17+$0x0], $0xffff  }
0x43b: {  	s4 =	sadd.s32 $0xFFFFFFFF, s5;
	s5 =	smov.u32 s6;
	v18 =	vmul.f32 v21, v18;
	v27 =	vld.idx.msk [tilespmem:v22+s21+$0x0], $0xffff;
	v17 =	vadd.f32 v17, v23;
	v22 =	vadd.f32 v30, v24  }
0x43c: {  	v23 =	vand.u32 $0x7F, v26;
	v24 =	vadd.s32 s4, v0;
	v11 =	vmov v16;
	v21 =	vld.idx.msk [tilespmem:v19+s17+$0x0], $0xffff  }
0x43d: {  	v16 =	vld.idx.msk [tilespmem:v19+s21+$0x0], $0xffff;
	v19 =	vor.u32 v1, v23;
	v26 =	vadd.f32 v18, v17;
	v30 =	vadd.f32 v14, v22  }
0x43e: {  	v17 =	vand.u32 $0x7F, v24;
	v14 =	vmov v15;
	v28 =	vld.idx.msk [tilespmem:v29+s17+$0x0], $0xffff  }
0x43f: {  	v15 =	vadd.s32 s6, v0;
	v24 =	vld.idx.msk [tilespmem:v29+s21+$0x0], $0xffff;
	v29 =	vor.u32 v1, v17  }
0x440: {  	s4 =	sadd.s32 $0xFFFFFFFE, s6;
	v15 =	vand.u32 $0x7F, v15;
	v31 =	vld.idx.msk [tilespmem:v20+s17+$0x0], $0xffff  }
0x441: {  	s7 =	sadd.s32 $0xFFFFFFFA, s6;
	s8 =	sadd.s32 $0xFFFFFFFC, s6;
	v17 =	vadd.s32 s4, v0;
	v15 =	vor.u32 v1, v15;
	v32 =	vld.idx.msk [tilespmem:v20+s21+$0x0], $0xffff  }
0x442: {  	v18 =	vadd.s32 s7, v0;
	v22 =	vand.u32 $0x7F, v17;
	v20 =	vadd.s32 s8, v0;
	v17 =	vld.idx.msk [tilespmem:v19+s17+$0x0], $0xffff  }
.Ltmp23:
0x443: {  	v18 =	vand.u32 $0x7F, v18;
	v23 =	vor.u32 v1, v22;
	v33 =	vand.u32 $0x7F, v20;
	v20 =	vld.idx.msk [tilespmem:v19+s21+$0x0], $0xffff;
	(pc) =	sbr.rel @p0 .LBB2_39-.Ltmp23, $4  }
0x444: {  	s4 =	sadd.s32 $0xFFFFFFF9, s6;
	v19 =	vor.u32 v1, v18;
	v22 =	vor.u32 v1, v33;
	v18 =	vld.idx.msk [tilespmem:v29+s17+$0x0], $0xffff  }
0x445: {  	v35 =	vmul.f32 v16, v21;
	v33 =	vadd.s32 s4, v0;
	s4 =	sadd.s32 $0xFFFFFFFB, s6;
	v34 =	vmul.f32 v24, v28;
	v21 =	vld.idx.msk [tilespmem:v29+s21+$0x0], $0xffff  }
0x446: {  	v28 =	vadd.s32 s4, v0;
	v24 =	vmul.f32 v27, v25;
	v29 =	vand.u32 $0x78, v33;
	v16 =	vld.idx.msk [tilespmem:v15+s17+$0x0], $0xffff  }
0x447: {  	s6 =	sadd.s32 $0x8, s6;
	v25 =	vadd.f32 v35, v30;
	v26 =	vadd.f32 v34, v26;
	v27 =	vmul.f32 v32, v31;
	v15 =	vld.idx.msk [tilespmem:v15+s21+$0x0], $0xffff  }
0x448: {  	_ =	sdelay $0x3  }
0x449: {  	v30 =	vld.idx.msk [tilespmem:v23+s17+$0x0], $0xffff  }
0x44a: {  	v29 =	vor.u32 v2, v29;
	v23 =	vld.idx.msk [tilespmem:v23+s21+$0x0], $0xffff  }
0x44b: {  	v28 =	vand.u32 $0x7F, v28;
	s4 =	sadd.s32 $0xFFFFFFFD, s5;
	v31 =	vld.idx.msk [tilespmem:v22+s17+$0x0], $0xffff  }
0x44c: {  	v22 =	vld.idx.msk [tilespmem:v22+s21+$0x0], $0xffff;
	v28 =	vor.u32 v1, v28;
	v32 =	vadd.s32 s4, v0  }
0x44d: {  	s5 =	sadd.s32 $0xFFFFFFFF, s5;
	v33 =	vld.idx.msk [tilespmem:v19+s17+$0x0], $0xffff;
	v32 =	vand.u32 $0x7F, v32  }
0x44e: {  	v19 =	vld.idx.msk [tilespmem:v19+s21+$0x0], $0xffff;
	v34 =	vadd.s32 s5, v0;
	v32 =	vor.u32 v1, v32  }
0x44f: {  	v34 =	vand.u32 $0x7F, v34;
	v35 =	vld.idx.msk [tilespmem:v29+s17+$0x0], $0xffff  }
0x450: {  	v34 =	vor.u32 v1, v34;
	v29 =	vld.idx.msk [tilespmem:v29+s21+$0x0], $0xffff  }
0x451: {  	v17 =	vmul.f32 v20, v17;
	v26 =	vadd.f32 v27, v26;
	v20 =	vld.idx.msk [tilespmem:v28+s17+$0x0], $0xffff  }
0x452: {  	v12 =	vmul.f32 v13, v12;
	v13 =	vadd.f32 v24, v25;
	v24 =	vld.idx.msk [tilespmem:v28+s21+$0x0], $0xffff  }
0x453: {  	v18 =	vmul.f32 v21, v18;
	v17 =	vadd.f32 v17, v26;
	v21 =	vld.idx.msk [tilespmem:v32+s17+$0x0], $0xffff  }
0x454: {  	v11 =	vmul.f32 v14, v11;
	v12 =	vadd.f32 v12, v13;
	v13 =	vld.idx.msk [tilespmem:v32+s21+$0x0], $0xffff  }
0x455: {  	v14 =	vadd.f32 v18, v17;
	v17 =	vld.idx.msk [tilespmem:v34+s17+$0x0], $0xffff;
	v18 =	vmul.f32 v29, v35  }
0x456: {  	v11 =	vadd.f32 v11, v12;
	v12 =	vmul.f32 v19, v33;
	v19 =	vld.idx.msk [tilespmem:v34+s21+$0x0], $0xffff  }
0x457: {  	v14 =	vadd.f32 v18, v14;
	v18 =	vmul.f32 v24, v20  }
0x458: {  	v11 =	vadd.f32 v12, v11;
	v20 =	vmul.f32 v22, v31  }
0x459: {  	v13 =	vmul.f32 v13, v21;
	v12 =	vadd.f32 v18, v14  }
0x45a: {  	v14 =	vmul.f32 v23, v30;
	v11 =	vadd.f32 v20, v11  }
0x45b: {  	s6 =	simm.s32 $0x7;
	v12 =	vadd.f32 v13, v12;
	v13 =	vmul.f32 v19, v17  }
0x45c: {  	v15 =	vmul.f32 v15, v16;
	v11 =	vadd.f32 v14, v11;
	v14 =	vadd.s32 s6, v0  }
0x45d: {  	s7 =	simm.s32 $0x5;
	v12 =	vadd.f32 v13, v12;
	v13 =	vand.u32 $0x7F, v14  }
0x45e: {  	v11 =	vadd.f32 v15, v11;
	v14 =	vadd.s32 s7, v0;
	v13 =	vor.u32 v4, v13  }
0x45f: {  	s8 =	smul.u32 $0x140, s10;
	s10 =	simm.s32 $0x3;
	v14 =	vand.u32 $0x7F, v14  }
0x460: {  	v11 =	vadd.f32 v11, v12;
	v12 =	vadd.s32 s10, v0;
	v15 =	vor.u32 v4, v14  }
0x461: {  	s31 =	simm.s32 $0x1;
	s10 =	sshra.s32 s8, $0x2;
	v12 =	vand.u32 $0x7F, v12  }
0x462: {  	[tilespmem:s10+$0x4E20] =	vst v11;
	v11 =	vadd.s32 s31, v0;
	v16 =	vor.u32 v4, v12  }
0x463: {  	s5 =	simm.s32 $0x0;
	v12 =	vand.u32 $0x7F, v11;
	v11 =	vld.idx.msk [tilespmem:v13+s17+$0x0], $0xffff  }
0x464: {  	v17 =	vor.u32 v4, v12;
	v12 =	vadd.s32 s5, v0;
	v14 =	vld.idx.msk [tilespmem:v13+s21+$0x0], $0xffff  }
0x465: {  	s6 =	simm.s32 $0x2;
	v13 =	vand.u32 $0x78, v12;
	v12 =	vld.idx.msk [tilespmem:v15+s17+$0x0], $0xffff  }
0x466: {  	v18 =	vadd.s32 s6, v0;
	v19 =	vor.u32 v3, v13;
	v13 =	vld.idx.msk [tilespmem:v15+s21+$0x0], $0xffff  }
0x467: {  	s7 =	simm.s32 $0x4;
	v15 =	vand.u32 $0x7F, v18;
	v24 =	vld.idx.msk [tilespmem:v16+s17+$0x0], $0xffff  }
0x468: {  	v18 =	vadd.s32 s7, v0;
	v15 =	vor.u32 v4, v15;
	v25 =	vld.idx.msk [tilespmem:v16+s21+$0x0], $0xffff  }
0x469: {  	s8 =	simm.s32 $0x6;
	v18 =	vand.u32 $0x7F, v18;
	v16 =	vld.idx.msk [tilespmem:v17+s17+$0x0], $0xffff  }
0x46a: {  	v20 =	vadd.s32 s8, v0;
	v18 =	vor.u32 v4, v18;
	v21 =	vld.idx.msk [tilespmem:v17+s21+$0x0], $0xffff  }
0x46b: {  	s5 =	simm.s32 $0xF;
	v17 =	vand.u32 $0x7F, v20;
	v26 =	vld.idx.msk [tilespmem:v19+s17+$0x0], $0xffff  }
0x46c: {  	v20 =	vadd.s32 s5, v0;
	v28 =	vor.u32 v4, v17;
	v27 =	vld.idx.msk [tilespmem:v19+s21+$0x0], $0xffff  }
0x46d: {  	s31 =	simm.s32 $0xD;
	v17 =	vand.u32 $0x7F, v20;
	v30 =	vld.idx.msk [tilespmem:v15+s17+$0x0], $0xffff  }
0x46e: {  	s7 =	simm.s32 $0xB;
	v62 =	vor.u32 v4, v17;
	v63 =	vld.idx.msk [tilespmem:v15+s21+$0x0], $0xffff;
	v15 =	vadd.s32 s31, v0  }
0x46f: {  	v31 =	vimm.f32 $0.0e+00;
	s6 =	simm.s32 $0x9;
	v20 =	vadd.s32 s7, v0;
	v17 =	vld.idx.msk [tilespmem:v18+s17+$0x0], $0xffff;
	v15 =	vand.u32 $0x7F, v15  }
0x470: {  	v19 =	vadd.s32 s6, v0;
	v22 =	vand.u32 $0x7F, v20;
	v20 =	vld.idx.msk [tilespmem:v18+s21+$0x0], $0xffff;
	v23 =	vor.u32 v4, v15  }
0x471: {  	s8 =	simm.s32 $0x8;
	v19 =	vand.u32 $0x7F, v19;
	v22 =	vor.u32 v4, v22;
	v24 =	vmul.f32 v25, v24;
	v18 =	vld.idx.msk [tilespmem:v28+s17+$0x0], $0xffff  }
0x472: {  	s31 =	simm.s32 $0xA;
	v15 =	vadd.s32 s8, v0;
	v26 =	vmul.f32 v27, v26;
	v27 =	vmul.f32 v21, v16;
	v21 =	vld.idx.msk [tilespmem:v28+s21+$0x0], $0xffff  }
0x473: {  	v19 =	vor.u32 v4, v19;
	v29 =	vand.u32 $0x78, v15;
	v28 =	vadd.s32 s31, v0;
	v16 =	vld.idx.msk [tilespmem:v62+s17+$0x0], $0xffff  }
0x474: {  	s6 =	simm.s32 $0x17;
	v15 =	vld.idx.msk [tilespmem:v62+s21+$0x0], $0xffff;
	v26 =	vadd.f32 v26, v31;
	v25 =	vadd.f32 v27, v31;
	v27 =	vmul.f32 v63, v30  }
.LBB2_41:
0x475: {  	p0 =	sne.s32 s6, $0x7F;
	v29 =	vor.u32 v3, v29;
	v28 =	vand.u32 $0x7F, v28;
	v30 =	vmul.f32 v13, v12;
	v12 =	vld.idx.msk [tilespmem:v23+s17+$0x0], $0xffff  }
0x476: {  	s4 =	sadd.s32 $0xFFFFFFFD, s5;
	v17 =	vmul.f32 v20, v17;
	v13 =	vld.idx.msk [tilespmem:v23+s21+$0x0], $0xffff;
	v23 =	vadd.f32 v27, v26;
	v24 =	vadd.f32 v24, v25  }
0x477: {  	v14 =	vmul.f32 v14, v11;
	v20 =	vor.u32 v4, v28;
	v26 =	vadd.s32 s4, v0;
	v25 =	vld.idx.msk [tilespmem:v22+s17+$0x0], $0xffff  }
0x478: {  	s4 =	sadd.s32 $0xFFFFFFFF, s5;
	s5 =	smov.u32 s6;
	v18 =	vmul.f32 v21, v18;
	v27 =	vld.idx.msk [tilespmem:v22+s21+$0x0], $0xffff;
	v17 =	vadd.f32 v17, v23;
	v22 =	vadd.f32 v30, v24  }
0x479: {  	v23 =	vand.u32 $0x7F, v26;
	v24 =	vadd.s32 s4, v0;
	v11 =	vmov v16;
	v21 =	vld.idx.msk [tilespmem:v19+s17+$0x0], $0xffff  }
0x47a: {  	v16 =	vld.idx.msk [tilespmem:v19+s21+$0x0], $0xffff;
	v19 =	vor.u32 v4, v23;
	v26 =	vadd.f32 v18, v17;
	v30 =	vadd.f32 v14, v22  }
0x47b: {  	v17 =	vand.u32 $0x7F, v24;
	v14 =	vmov v15;
	v28 =	vld.idx.msk [tilespmem:v29+s17+$0x0], $0xffff  }
0x47c: {  	v15 =	vadd.s32 s6, v0;
	v24 =	vld.idx.msk [tilespmem:v29+s21+$0x0], $0xffff;
	v29 =	vor.u32 v4, v17  }
0x47d: {  	s4 =	sadd.s32 $0xFFFFFFFE, s6;
	v15 =	vand.u32 $0x7F, v15;
	v31 =	vld.idx.msk [tilespmem:v20+s17+$0x0], $0xffff  }
0x47e: {  	s7 =	sadd.s32 $0xFFFFFFFA, s6;
	s8 =	sadd.s32 $0xFFFFFFFC, s6;
	v17 =	vadd.s32 s4, v0;
	v15 =	vor.u32 v4, v15;
	v32 =	vld.idx.msk [tilespmem:v20+s21+$0x0], $0xffff  }
0x47f: {  	v18 =	vadd.s32 s7, v0;
	v22 =	vand.u32 $0x7F, v17;
	v20 =	vadd.s32 s8, v0;
	v17 =	vld.idx.msk [tilespmem:v19+s17+$0x0], $0xffff  }
.Ltmp24:
0x480: {  	v18 =	vand.u32 $0x7F, v18;
	v23 =	vor.u32 v4, v22;
	v33 =	vand.u32 $0x7F, v20;
	v20 =	vld.idx.msk [tilespmem:v19+s21+$0x0], $0xffff;
	(pc) =	sbr.rel @p0 .LBB2_41-.Ltmp24, $4  }
0x481: {  	s4 =	sadd.s32 $0xFFFFFFF9, s6;
	v19 =	vor.u32 v4, v18;
	v22 =	vor.u32 v4, v33;
	v18 =	vld.idx.msk [tilespmem:v29+s17+$0x0], $0xffff  }
0x482: {  	v35 =	vmul.f32 v16, v21;
	v33 =	vadd.s32 s4, v0;
	s4 =	sadd.s32 $0xFFFFFFFB, s6;
	v34 =	vmul.f32 v24, v28;
	v21 =	vld.idx.msk [tilespmem:v29+s21+$0x0], $0xffff  }
0x483: {  	v28 =	vadd.s32 s4, v0;
	v24 =	vmul.f32 v27, v25;
	v29 =	vand.u32 $0x78, v33;
	v16 =	vld.idx.msk [tilespmem:v15+s17+$0x0], $0xffff  }
0x484: {  	s6 =	sadd.s32 $0x8, s6;
	v25 =	vadd.f32 v35, v30;
	v26 =	vadd.f32 v34, v26;
	v27 =	vmul.f32 v32, v31;
	v15 =	vld.idx.msk [tilespmem:v15+s21+$0x0], $0xffff  }
0x485: {  	_ =	sdelay $0x3  }
0x486: {  	v30 =	vld.idx.msk [tilespmem:v23+s17+$0x0], $0xffff  }
0x487: {  	v29 =	vor.u32 v3, v29;
	v23 =	vld.idx.msk [tilespmem:v23+s21+$0x0], $0xffff  }
0x488: {  	v28 =	vand.u32 $0x7F, v28;
	s4 =	sadd.s32 $0xFFFFFFFD, s5;
	v31 =	vld.idx.msk [tilespmem:v22+s17+$0x0], $0xffff  }
0x489: {  	v22 =	vld.idx.msk [tilespmem:v22+s21+$0x0], $0xffff;
	v28 =	vor.u32 v4, v28;
	v32 =	vadd.s32 s4, v0  }
0x48a: {  	s5 =	sadd.s32 $0xFFFFFFFF, s5;
	v33 =	vld.idx.msk [tilespmem:v19+s17+$0x0], $0xffff;
	v32 =	vand.u32 $0x7F, v32  }
0x48b: {  	v19 =	vld.idx.msk [tilespmem:v19+s21+$0x0], $0xffff;
	v34 =	vadd.s32 s5, v0;
	v32 =	vor.u32 v4, v32  }
0x48c: {  	v34 =	vand.u32 $0x7F, v34;
	v35 =	vld.idx.msk [tilespmem:v29+s17+$0x0], $0xffff  }
0x48d: {  	v34 =	vor.u32 v4, v34;
	v29 =	vld.idx.msk [tilespmem:v29+s21+$0x0], $0xffff  }
0x48e: {  	v17 =	vmul.f32 v20, v17;
	v26 =	vadd.f32 v27, v26;
	v20 =	vld.idx.msk [tilespmem:v28+s17+$0x0], $0xffff  }
0x48f: {  	v12 =	vmul.f32 v13, v12;
	v13 =	vadd.f32 v24, v25;
	v24 =	vld.idx.msk [tilespmem:v28+s21+$0x0], $0xffff  }
0x490: {  	v18 =	vmul.f32 v21, v18;
	v17 =	vadd.f32 v17, v26;
	v21 =	vld.idx.msk [tilespmem:v32+s17+$0x0], $0xffff  }
0x491: {  	v11 =	vmul.f32 v14, v11;
	v12 =	vadd.f32 v12, v13;
	v13 =	vld.idx.msk [tilespmem:v32+s21+$0x0], $0xffff  }
0x492: {  	v14 =	vadd.f32 v18, v17;
	v17 =	vld.idx.msk [tilespmem:v34+s17+$0x0], $0xffff;
	v18 =	vmul.f32 v29, v35  }
0x493: {  	v11 =	vadd.f32 v11, v12;
	v12 =	vmul.f32 v19, v33;
	v19 =	vld.idx.msk [tilespmem:v34+s21+$0x0], $0xffff  }
0x494: {  	v14 =	vadd.f32 v18, v14;
	v18 =	vmul.f32 v24, v20  }
0x495: {  	v11 =	vadd.f32 v12, v11;
	v20 =	vmul.f32 v22, v31  }
0x496: {  	v13 =	vmul.f32 v13, v21;
	v12 =	vadd.f32 v18, v14  }
0x497: {  	v14 =	vmul.f32 v23, v30;
	v11 =	vadd.f32 v20, v11  }
0x498: {  	s6 =	simm.s32 $0x7;
	v12 =	vadd.f32 v13, v12;
	v13 =	vmul.f32 v19, v17  }
0x499: {  	v15 =	vmul.f32 v15, v16;
	v11 =	vadd.f32 v14, v11;
	v14 =	vadd.s32 s6, v0  }
0x49a: {  	s7 =	simm.s32 $0x5;
	v12 =	vadd.f32 v13, v12;
	v13 =	vand.u32 $0x7F, v14  }
0x49b: {  	v11 =	vadd.f32 v15, v11;
	v14 =	vadd.s32 s7, v0;
	v13 =	vor.u32 v6, v13  }
0x49c: {  	s8 =	simm.s32 $0x3;
	v14 =	vand.u32 $0x7F, v14  }
0x49d: {  	v11 =	vadd.f32 v11, v12;
	v12 =	vadd.s32 s8, v0;
	v15 =	vor.u32 v6, v14  }
0x49e: {  	s31 =	simm.s32 $0x1;
	v12 =	vand.u32 $0x7F, v12  }
0x49f: {  	[tilespmem:s10+$0x4E30] =	vst v11;
	v11 =	vadd.s32 s31, v0;
	v16 =	vor.u32 v6, v12  }
0x4a0: {  	s5 =	simm.s32 $0x0;
	v12 =	vand.u32 $0x7F, v11;
	v11 =	vld.idx.msk [tilespmem:v13+s17+$0x0], $0xffff  }
0x4a1: {  	v17 =	vor.u32 v6, v12;
	v12 =	vadd.s32 s5, v0;
	v14 =	vld.idx.msk [tilespmem:v13+s21+$0x0], $0xffff  }
0x4a2: {  	s6 =	simm.s32 $0x2;
	v13 =	vand.u32 $0x78, v12;
	v12 =	vld.idx.msk [tilespmem:v15+s17+$0x0], $0xffff  }
0x4a3: {  	v18 =	vadd.s32 s6, v0;
	v19 =	vor.u32 v5, v13;
	v13 =	vld.idx.msk [tilespmem:v15+s21+$0x0], $0xffff  }
0x4a4: {  	s7 =	simm.s32 $0x4;
	v15 =	vand.u32 $0x7F, v18;
	v24 =	vld.idx.msk [tilespmem:v16+s17+$0x0], $0xffff  }
0x4a5: {  	v18 =	vadd.s32 s7, v0;
	v15 =	vor.u32 v6, v15;
	v25 =	vld.idx.msk [tilespmem:v16+s21+$0x0], $0xffff  }
0x4a6: {  	s8 =	simm.s32 $0x6;
	v18 =	vand.u32 $0x7F, v18;
	v16 =	vld.idx.msk [tilespmem:v17+s17+$0x0], $0xffff  }
0x4a7: {  	v20 =	vadd.s32 s8, v0;
	v18 =	vor.u32 v6, v18;
	v21 =	vld.idx.msk [tilespmem:v17+s21+$0x0], $0xffff  }
0x4a8: {  	s5 =	simm.s32 $0xF;
	v17 =	vand.u32 $0x7F, v20;
	v26 =	vld.idx.msk [tilespmem:v19+s17+$0x0], $0xffff  }
0x4a9: {  	v20 =	vadd.s32 s5, v0;
	v28 =	vor.u32 v6, v17;
	v27 =	vld.idx.msk [tilespmem:v19+s21+$0x0], $0xffff  }
0x4aa: {  	s31 =	simm.s32 $0xD;
	v17 =	vand.u32 $0x7F, v20;
	v30 =	vld.idx.msk [tilespmem:v15+s17+$0x0], $0xffff  }
0x4ab: {  	s7 =	simm.s32 $0xB;
	v62 =	vor.u32 v6, v17;
	v63 =	vld.idx.msk [tilespmem:v15+s21+$0x0], $0xffff;
	v15 =	vadd.s32 s31, v0  }
0x4ac: {  	v31 =	vimm.f32 $0.0e+00;
	s6 =	simm.s32 $0x9;
	v20 =	vadd.s32 s7, v0;
	v17 =	vld.idx.msk [tilespmem:v18+s17+$0x0], $0xffff;
	v15 =	vand.u32 $0x7F, v15  }
0x4ad: {  	v19 =	vadd.s32 s6, v0;
	v22 =	vand.u32 $0x7F, v20;
	v20 =	vld.idx.msk [tilespmem:v18+s21+$0x0], $0xffff;
	v23 =	vor.u32 v6, v15  }
0x4ae: {  	s8 =	simm.s32 $0x8;
	v19 =	vand.u32 $0x7F, v19;
	v22 =	vor.u32 v6, v22;
	v24 =	vmul.f32 v25, v24;
	v18 =	vld.idx.msk [tilespmem:v28+s17+$0x0], $0xffff  }
0x4af: {  	s31 =	simm.s32 $0xA;
	v15 =	vadd.s32 s8, v0;
	v26 =	vmul.f32 v27, v26;
	v27 =	vmul.f32 v21, v16;
	v21 =	vld.idx.msk [tilespmem:v28+s21+$0x0], $0xffff  }
0x4b0: {  	v19 =	vor.u32 v6, v19;
	v29 =	vand.u32 $0x78, v15;
	v28 =	vadd.s32 s31, v0;
	v16 =	vld.idx.msk [tilespmem:v62+s17+$0x0], $0xffff  }
0x4b1: {  	s6 =	simm.s32 $0x17;
	v15 =	vld.idx.msk [tilespmem:v62+s21+$0x0], $0xffff;
	v26 =	vadd.f32 v26, v31;
	v25 =	vadd.f32 v27, v31;
	v27 =	vmul.f32 v63, v30  }
.LBB2_43:
0x4b2: {  	p0 =	sne.s32 s6, $0x7F;
	v29 =	vor.u32 v5, v29;
	v28 =	vand.u32 $0x7F, v28;
	v30 =	vmul.f32 v13, v12;
	v12 =	vld.idx.msk [tilespmem:v23+s17+$0x0], $0xffff  }
0x4b3: {  	s4 =	sadd.s32 $0xFFFFFFFD, s5;
	v17 =	vmul.f32 v20, v17;
	v13 =	vld.idx.msk [tilespmem:v23+s21+$0x0], $0xffff;
	v23 =	vadd.f32 v27, v26;
	v24 =	vadd.f32 v24, v25  }
0x4b4: {  	v14 =	vmul.f32 v14, v11;
	v20 =	vor.u32 v6, v28;
	v26 =	vadd.s32 s4, v0;
	v25 =	vld.idx.msk [tilespmem:v22+s17+$0x0], $0xffff  }
0x4b5: {  	s4 =	sadd.s32 $0xFFFFFFFF, s5;
	s5 =	smov.u32 s6;
	v18 =	vmul.f32 v21, v18;
	v27 =	vld.idx.msk [tilespmem:v22+s21+$0x0], $0xffff;
	v17 =	vadd.f32 v17, v23;
	v22 =	vadd.f32 v30, v24  }
0x4b6: {  	v23 =	vand.u32 $0x7F, v26;
	v24 =	vadd.s32 s4, v0;
	v11 =	vmov v16;
	v21 =	vld.idx.msk [tilespmem:v19+s17+$0x0], $0xffff  }
0x4b7: {  	v16 =	vld.idx.msk [tilespmem:v19+s21+$0x0], $0xffff;
	v19 =	vor.u32 v6, v23;
	v26 =	vadd.f32 v18, v17;
	v30 =	vadd.f32 v14, v22  }
0x4b8: {  	v17 =	vand.u32 $0x7F, v24;
	v14 =	vmov v15;
	v28 =	vld.idx.msk [tilespmem:v29+s17+$0x0], $0xffff  }
0x4b9: {  	v15 =	vadd.s32 s6, v0;
	v24 =	vld.idx.msk [tilespmem:v29+s21+$0x0], $0xffff;
	v29 =	vor.u32 v6, v17  }
0x4ba: {  	s4 =	sadd.s32 $0xFFFFFFFE, s6;
	v15 =	vand.u32 $0x7F, v15;
	v31 =	vld.idx.msk [tilespmem:v20+s17+$0x0], $0xffff  }
0x4bb: {  	s7 =	sadd.s32 $0xFFFFFFFA, s6;
	s8 =	sadd.s32 $0xFFFFFFFC, s6;
	v17 =	vadd.s32 s4, v0;
	v15 =	vor.u32 v6, v15;
	v32 =	vld.idx.msk [tilespmem:v20+s21+$0x0], $0xffff  }
0x4bc: {  	v18 =	vadd.s32 s7, v0;
	v22 =	vand.u32 $0x7F, v17;
	v20 =	vadd.s32 s8, v0;
	v17 =	vld.idx.msk [tilespmem:v19+s17+$0x0], $0xffff  }
.Ltmp25:
0x4bd: {  	v18 =	vand.u32 $0x7F, v18;
	v23 =	vor.u32 v6, v22;
	v33 =	vand.u32 $0x7F, v20;
	v20 =	vld.idx.msk [tilespmem:v19+s21+$0x0], $0xffff;
	(pc) =	sbr.rel @p0 .LBB2_43-.Ltmp25, $4  }
0x4be: {  	s4 =	sadd.s32 $0xFFFFFFF9, s6;
	v19 =	vor.u32 v6, v18;
	v22 =	vor.u32 v6, v33;
	v18 =	vld.idx.msk [tilespmem:v29+s17+$0x0], $0xffff  }
0x4bf: {  	v35 =	vmul.f32 v16, v21;
	v33 =	vadd.s32 s4, v0;
	s4 =	sadd.s32 $0xFFFFFFFB, s6;
	v34 =	vmul.f32 v24, v28;
	v21 =	vld.idx.msk [tilespmem:v29+s21+$0x0], $0xffff  }
0x4c0: {  	v28 =	vadd.s32 s4, v0;
	v24 =	vmul.f32 v27, v25;
	v29 =	vand.u32 $0x78, v33;
	v16 =	vld.idx.msk [tilespmem:v15+s17+$0x0], $0xffff  }
0x4c1: {  	s6 =	sadd.s32 $0x8, s6;
	v25 =	vadd.f32 v35, v30;
	v26 =	vadd.f32 v34, v26;
	v27 =	vmul.f32 v32, v31;
	v15 =	vld.idx.msk [tilespmem:v15+s21+$0x0], $0xffff  }
0x4c2: {  	_ =	sdelay $0x3  }
0x4c3: {  	v30 =	vld.idx.msk [tilespmem:v23+s17+$0x0], $0xffff  }
0x4c4: {  	v29 =	vor.u32 v5, v29;
	v23 =	vld.idx.msk [tilespmem:v23+s21+$0x0], $0xffff  }
0x4c5: {  	v28 =	vand.u32 $0x7F, v28;
	s4 =	sadd.s32 $0xFFFFFFFD, s5;
	v31 =	vld.idx.msk [tilespmem:v22+s17+$0x0], $0xffff  }
0x4c6: {  	v22 =	vld.idx.msk [tilespmem:v22+s21+$0x0], $0xffff;
	v28 =	vor.u32 v6, v28;
	v32 =	vadd.s32 s4, v0  }
0x4c7: {  	s5 =	sadd.s32 $0xFFFFFFFF, s5;
	v33 =	vld.idx.msk [tilespmem:v19+s17+$0x0], $0xffff;
	v32 =	vand.u32 $0x7F, v32  }
0x4c8: {  	v19 =	vld.idx.msk [tilespmem:v19+s21+$0x0], $0xffff;
	v34 =	vadd.s32 s5, v0;
	v32 =	vor.u32 v6, v32  }
0x4c9: {  	v34 =	vand.u32 $0x7F, v34;
	v35 =	vld.idx.msk [tilespmem:v29+s17+$0x0], $0xffff  }
0x4ca: {  	v34 =	vor.u32 v6, v34;
	v29 =	vld.idx.msk [tilespmem:v29+s21+$0x0], $0xffff  }
0x4cb: {  	v17 =	vmul.f32 v20, v17;
	v26 =	vadd.f32 v27, v26;
	v20 =	vld.idx.msk [tilespmem:v28+s17+$0x0], $0xffff  }
0x4cc: {  	v12 =	vmul.f32 v13, v12;
	v13 =	vadd.f32 v24, v25;
	v24 =	vld.idx.msk [tilespmem:v28+s21+$0x0], $0xffff  }
0x4cd: {  	v18 =	vmul.f32 v21, v18;
	v17 =	vadd.f32 v17, v26;
	v21 =	vld.idx.msk [tilespmem:v32+s17+$0x0], $0xffff  }
0x4ce: {  	v11 =	vmul.f32 v14, v11;
	v12 =	vadd.f32 v12, v13;
	v13 =	vld.idx.msk [tilespmem:v32+s21+$0x0], $0xffff  }
0x4cf: {  	v14 =	vadd.f32 v18, v17;
	v17 =	vld.idx.msk [tilespmem:v34+s17+$0x0], $0xffff;
	v18 =	vmul.f32 v29, v35  }
0x4d0: {  	v11 =	vadd.f32 v11, v12;
	v12 =	vmul.f32 v19, v33;
	v19 =	vld.idx.msk [tilespmem:v34+s21+$0x0], $0xffff  }
0x4d1: {  	v14 =	vadd.f32 v18, v14;
	v18 =	vmul.f32 v24, v20  }
0x4d2: {  	v11 =	vadd.f32 v12, v11;
	v20 =	vmul.f32 v22, v31  }
0x4d3: {  	v13 =	vmul.f32 v13, v21;
	v12 =	vadd.f32 v18, v14  }
0x4d4: {  	v14 =	vmul.f32 v23, v30;
	v11 =	vadd.f32 v20, v11  }
0x4d5: {  	s6 =	simm.s32 $0x7;
	v12 =	vadd.f32 v13, v12;
	v13 =	vmul.f32 v19, v17  }
0x4d6: {  	v15 =	vmul.f32 v15, v16;
	v11 =	vadd.f32 v14, v11;
	v14 =	vadd.s32 s6, v0  }
0x4d7: {  	s7 =	simm.s32 $0x5;
	v12 =	vadd.f32 v13, v12;
	v13 =	vand.u32 $0x7F, v14  }
0x4d8: {  	v11 =	vadd.f32 v15, v11;
	v14 =	vadd.s32 s7, v0;
	v13 =	vor.u32 v8, v13  }
0x4d9: {  	s8 =	simm.s32 $0x3;
	v14 =	vand.u32 $0x7F, v14  }
0x4da: {  	v11 =	vadd.f32 v11, v12;
	v12 =	vadd.s32 s8, v0;
	v15 =	vor.u32 v8, v14  }
0x4db: {  	s31 =	simm.s32 $0x1;
	v12 =	vand.u32 $0x7F, v12  }
0x4dc: {  	[tilespmem:s10+$0x4E40] =	vst v11;
	v11 =	vadd.s32 s31, v0;
	v16 =	vor.u32 v8, v12  }
0x4dd: {  	s5 =	simm.s32 $0x0;
	v12 =	vand.u32 $0x7F, v11;
	v11 =	vld.idx.msk [tilespmem:v13+s17+$0x0], $0xffff  }
0x4de: {  	v17 =	vor.u32 v8, v12;
	v12 =	vadd.s32 s5, v0;
	v14 =	vld.idx.msk [tilespmem:v13+s21+$0x0], $0xffff  }
0x4df: {  	s6 =	simm.s32 $0x2;
	v13 =	vand.u32 $0x78, v12;
	v12 =	vld.idx.msk [tilespmem:v15+s17+$0x0], $0xffff  }
0x4e0: {  	v18 =	vadd.s32 s6, v0;
	v19 =	vor.u32 v7, v13;
	v13 =	vld.idx.msk [tilespmem:v15+s21+$0x0], $0xffff  }
0x4e1: {  	s7 =	simm.s32 $0x4;
	v15 =	vand.u32 $0x7F, v18;
	v24 =	vld.idx.msk [tilespmem:v16+s17+$0x0], $0xffff  }
0x4e2: {  	v18 =	vadd.s32 s7, v0;
	v15 =	vor.u32 v8, v15;
	v25 =	vld.idx.msk [tilespmem:v16+s21+$0x0], $0xffff  }
0x4e3: {  	s8 =	simm.s32 $0x6;
	v18 =	vand.u32 $0x7F, v18;
	v16 =	vld.idx.msk [tilespmem:v17+s17+$0x0], $0xffff  }
0x4e4: {  	v20 =	vadd.s32 s8, v0;
	v18 =	vor.u32 v8, v18;
	v21 =	vld.idx.msk [tilespmem:v17+s21+$0x0], $0xffff  }
0x4e5: {  	s5 =	simm.s32 $0xF;
	v17 =	vand.u32 $0x7F, v20;
	v26 =	vld.idx.msk [tilespmem:v19+s17+$0x0], $0xffff  }
0x4e6: {  	v20 =	vadd.s32 s5, v0;
	v28 =	vor.u32 v8, v17;
	v27 =	vld.idx.msk [tilespmem:v19+s21+$0x0], $0xffff  }
0x4e7: {  	s31 =	simm.s32 $0xD;
	v17 =	vand.u32 $0x7F, v20;
	v30 =	vld.idx.msk [tilespmem:v15+s17+$0x0], $0xffff  }
0x4e8: {  	s7 =	simm.s32 $0xB;
	v62 =	vor.u32 v8, v17;
	v63 =	vld.idx.msk [tilespmem:v15+s21+$0x0], $0xffff;
	v15 =	vadd.s32 s31, v0  }
0x4e9: {  	v31 =	vimm.f32 $0.0e+00;
	s6 =	simm.s32 $0x9;
	v20 =	vadd.s32 s7, v0;
	v17 =	vld.idx.msk [tilespmem:v18+s17+$0x0], $0xffff;
	v15 =	vand.u32 $0x7F, v15  }
0x4ea: {  	v19 =	vadd.s32 s6, v0;
	v22 =	vand.u32 $0x7F, v20;
	v20 =	vld.idx.msk [tilespmem:v18+s21+$0x0], $0xffff;
	v23 =	vor.u32 v8, v15  }
0x4eb: {  	s8 =	simm.s32 $0x8;
	v19 =	vand.u32 $0x7F, v19;
	v22 =	vor.u32 v8, v22;
	v24 =	vmul.f32 v25, v24;
	v18 =	vld.idx.msk [tilespmem:v28+s17+$0x0], $0xffff  }
0x4ec: {  	s31 =	simm.s32 $0xA;
	v15 =	vadd.s32 s8, v0;
	v26 =	vmul.f32 v27, v26;
	v27 =	vmul.f32 v21, v16;
	v21 =	vld.idx.msk [tilespmem:v28+s21+$0x0], $0xffff  }
0x4ed: {  	v19 =	vor.u32 v8, v19;
	v29 =	vand.u32 $0x78, v15;
	v28 =	vadd.s32 s31, v0;
	v16 =	vld.idx.msk [tilespmem:v62+s17+$0x0], $0xffff  }
0x4ee: {  	s6 =	simm.s32 $0x17;
	v15 =	vld.idx.msk [tilespmem:v62+s21+$0x0], $0xffff;
	v26 =	vadd.f32 v26, v31;
	v25 =	vadd.f32 v27, v31;
	v27 =	vmul.f32 v63, v30  }
.LBB2_45:
0x4ef: {  	p0 =	sne.s32 s6, $0x7F;
	v29 =	vor.u32 v7, v29;
	v28 =	vand.u32 $0x7F, v28;
	v30 =	vmul.f32 v13, v12;
	v12 =	vld.idx.msk [tilespmem:v23+s17+$0x0], $0xffff  }
0x4f0: {  	s4 =	sadd.s32 $0xFFFFFFFD, s5;
	v17 =	vmul.f32 v20, v17;
	v13 =	vld.idx.msk [tilespmem:v23+s21+$0x0], $0xffff;
	v23 =	vadd.f32 v27, v26;
	v24 =	vadd.f32 v24, v25  }
0x4f1: {  	v14 =	vmul.f32 v14, v11;
	v20 =	vor.u32 v8, v28;
	v26 =	vadd.s32 s4, v0;
	v25 =	vld.idx.msk [tilespmem:v22+s17+$0x0], $0xffff  }
0x4f2: {  	s4 =	sadd.s32 $0xFFFFFFFF, s5;
	s5 =	smov.u32 s6;
	v18 =	vmul.f32 v21, v18;
	v27 =	vld.idx.msk [tilespmem:v22+s21+$0x0], $0xffff;
	v17 =	vadd.f32 v17, v23;
	v22 =	vadd.f32 v30, v24  }
0x4f3: {  	v23 =	vand.u32 $0x7F, v26;
	v24 =	vadd.s32 s4, v0;
	v11 =	vmov v16;
	v21 =	vld.idx.msk [tilespmem:v19+s17+$0x0], $0xffff  }
0x4f4: {  	v16 =	vld.idx.msk [tilespmem:v19+s21+$0x0], $0xffff;
	v19 =	vor.u32 v8, v23;
	v26 =	vadd.f32 v18, v17;
	v30 =	vadd.f32 v14, v22  }
0x4f5: {  	v17 =	vand.u32 $0x7F, v24;
	v14 =	vmov v15;
	v28 =	vld.idx.msk [tilespmem:v29+s17+$0x0], $0xffff  }
0x4f6: {  	v15 =	vadd.s32 s6, v0;
	v24 =	vld.idx.msk [tilespmem:v29+s21+$0x0], $0xffff;
	v29 =	vor.u32 v8, v17  }
0x4f7: {  	s4 =	sadd.s32 $0xFFFFFFFE, s6;
	v15 =	vand.u32 $0x7F, v15;
	v31 =	vld.idx.msk [tilespmem:v20+s17+$0x0], $0xffff  }
0x4f8: {  	s7 =	sadd.s32 $0xFFFFFFFA, s6;
	s8 =	sadd.s32 $0xFFFFFFFC, s6;
	v17 =	vadd.s32 s4, v0;
	v15 =	vor.u32 v8, v15;
	v32 =	vld.idx.msk [tilespmem:v20+s21+$0x0], $0xffff  }
0x4f9: {  	v18 =	vadd.s32 s7, v0;
	v22 =	vand.u32 $0x7F, v17;
	v20 =	vadd.s32 s8, v0;
	v17 =	vld.idx.msk [tilespmem:v19+s17+$0x0], $0xffff  }
.Ltmp26:
0x4fa: {  	v18 =	vand.u32 $0x7F, v18;
	v23 =	vor.u32 v8, v22;
	v33 =	vand.u32 $0x7F, v20;
	v20 =	vld.idx.msk [tilespmem:v19+s21+$0x0], $0xffff;
	(pc) =	sbr.rel @p0 .LBB2_45-.Ltmp26, $4  }
0x4fb: {  	s4 =	sadd.s32 $0xFFFFFFF9, s6;
	v19 =	vor.u32 v8, v18;
	v22 =	vor.u32 v8, v33;
	v18 =	vld.idx.msk [tilespmem:v29+s17+$0x0], $0xffff  }
0x4fc: {  	v35 =	vmul.f32 v16, v21;
	v33 =	vadd.s32 s4, v0;
	s4 =	sadd.s32 $0xFFFFFFFB, s6;
	v34 =	vmul.f32 v24, v28;
	v21 =	vld.idx.msk [tilespmem:v29+s21+$0x0], $0xffff  }
0x4fd: {  	v28 =	vadd.s32 s4, v0;
	v24 =	vmul.f32 v27, v25;
	v29 =	vand.u32 $0x78, v33;
	v16 =	vld.idx.msk [tilespmem:v15+s17+$0x0], $0xffff  }
0x4fe: {  	s6 =	sadd.s32 $0x8, s6;
	v25 =	vadd.f32 v35, v30;
	v26 =	vadd.f32 v34, v26;
	v27 =	vmul.f32 v32, v31;
	v15 =	vld.idx.msk [tilespmem:v15+s21+$0x0], $0xffff  }
0x4ff: {  	_ =	sdelay $0x3  }
0x500: {  	v30 =	vld.idx.msk [tilespmem:v23+s17+$0x0], $0xffff  }
0x501: {  	v29 =	vor.u32 v7, v29;
	v23 =	vld.idx.msk [tilespmem:v23+s21+$0x0], $0xffff  }
0x502: {  	v28 =	vand.u32 $0x7F, v28;
	s4 =	sadd.s32 $0xFFFFFFFD, s5;
	v31 =	vld.idx.msk [tilespmem:v22+s17+$0x0], $0xffff  }
0x503: {  	v22 =	vld.idx.msk [tilespmem:v22+s21+$0x0], $0xffff;
	v28 =	vor.u32 v8, v28;
	v32 =	vadd.s32 s4, v0  }
0x504: {  	s5 =	sadd.s32 $0xFFFFFFFF, s5;
	v33 =	vld.idx.msk [tilespmem:v19+s17+$0x0], $0xffff;
	v32 =	vand.u32 $0x7F, v32  }
0x505: {  	v19 =	vld.idx.msk [tilespmem:v19+s21+$0x0], $0xffff;
	v34 =	vadd.s32 s5, v0;
	v32 =	vor.u32 v8, v32  }
0x506: {  	v34 =	vand.u32 $0x7F, v34;
	v35 =	vld.idx.msk [tilespmem:v29+s17+$0x0], $0xffff  }
0x507: {  	v34 =	vor.u32 v8, v34;
	v29 =	vld.idx.msk [tilespmem:v29+s21+$0x0], $0xffff  }
0x508: {  	v17 =	vmul.f32 v20, v17;
	v26 =	vadd.f32 v27, v26;
	v20 =	vld.idx.msk [tilespmem:v28+s17+$0x0], $0xffff  }
0x509: {  	v12 =	vmul.f32 v13, v12;
	v13 =	vadd.f32 v24, v25;
	v24 =	vld.idx.msk [tilespmem:v28+s21+$0x0], $0xffff  }
0x50a: {  	v18 =	vmul.f32 v21, v18;
	v17 =	vadd.f32 v17, v26;
	v21 =	vld.idx.msk [tilespmem:v32+s17+$0x0], $0xffff  }
0x50b: {  	v11 =	vmul.f32 v14, v11;
	v12 =	vadd.f32 v12, v13;
	v13 =	vld.idx.msk [tilespmem:v32+s21+$0x0], $0xffff  }
0x50c: {  	v14 =	vadd.f32 v18, v17;
	v17 =	vld.idx.msk [tilespmem:v34+s17+$0x0], $0xffff;
	v18 =	vmul.f32 v29, v35  }
0x50d: {  	v11 =	vadd.f32 v11, v12;
	v12 =	vmul.f32 v19, v33;
	v19 =	vld.idx.msk [tilespmem:v34+s21+$0x0], $0xffff  }
0x50e: {  	v14 =	vadd.f32 v18, v14;
	v18 =	vmul.f32 v24, v20  }
0x50f: {  	v11 =	vadd.f32 v12, v11;
	v20 =	vmul.f32 v22, v31  }
0x510: {  	v13 =	vmul.f32 v13, v21;
	v12 =	vadd.f32 v18, v14  }
0x511: {  	v14 =	vmul.f32 v23, v30;
	v11 =	vadd.f32 v20, v11  }
0x512: {  	s6 =	simm.s32 $0x7;
	v12 =	vadd.f32 v13, v12;
	v13 =	vmul.f32 v19, v17  }
0x513: {  	v15 =	vmul.f32 v15, v16;
	v11 =	vadd.f32 v14, v11;
	v14 =	vadd.s32 s6, v0  }
0x514: {  	s7 =	simm.s32 $0x5;
	v12 =	vadd.f32 v13, v12;
	v13 =	vand.u32 $0x7F, v14  }
0x515: {  	v11 =	vadd.f32 v15, v11;
	v14 =	vadd.s32 s7, v0;
	v13 =	vor.u32 v10, v13  }
0x516: {  	s8 =	simm.s32 $0x3;
	v14 =	vand.u32 $0x7F, v14  }
0x517: {  	v11 =	vadd.f32 v11, v12;
	v12 =	vadd.s32 s8, v0;
	v15 =	vor.u32 v10, v14  }
0x518: {  	s31 =	simm.s32 $0x1;
	v12 =	vand.u32 $0x7F, v12  }
0x519: {  	[tilespmem:s10+$0x4E50] =	vst v11;
	v11 =	vadd.s32 s31, v0;
	v16 =	vor.u32 v10, v12  }
0x51a: {  	s5 =	simm.s32 $0x0;
	v12 =	vand.u32 $0x7F, v11;
	v11 =	vld.idx.msk [tilespmem:v13+s17+$0x0], $0xffff  }
0x51b: {  	v17 =	vor.u32 v10, v12;
	v12 =	vadd.s32 s5, v0;
	v14 =	vld.idx.msk [tilespmem:v13+s21+$0x0], $0xffff  }
0x51c: {  	s6 =	simm.s32 $0x2;
	v13 =	vand.u32 $0x78, v12;
	v12 =	vld.idx.msk [tilespmem:v15+s17+$0x0], $0xffff  }
0x51d: {  	v18 =	vadd.s32 s6, v0;
	v19 =	vor.u32 v9, v13;
	v13 =	vld.idx.msk [tilespmem:v15+s21+$0x0], $0xffff  }
0x51e: {  	s7 =	simm.s32 $0x4;
	v15 =	vand.u32 $0x7F, v18;
	v24 =	vld.idx.msk [tilespmem:v16+s17+$0x0], $0xffff  }
0x51f: {  	v18 =	vadd.s32 s7, v0;
	v15 =	vor.u32 v10, v15;
	v25 =	vld.idx.msk [tilespmem:v16+s21+$0x0], $0xffff  }
0x520: {  	s8 =	simm.s32 $0x6;
	v18 =	vand.u32 $0x7F, v18;
	v16 =	vld.idx.msk [tilespmem:v17+s17+$0x0], $0xffff  }
0x521: {  	v20 =	vadd.s32 s8, v0;
	v18 =	vor.u32 v10, v18;
	v21 =	vld.idx.msk [tilespmem:v17+s21+$0x0], $0xffff  }
0x522: {  	s5 =	simm.s32 $0xF;
	v17 =	vand.u32 $0x7F, v20;
	v26 =	vld.idx.msk [tilespmem:v19+s17+$0x0], $0xffff  }
0x523: {  	v20 =	vadd.s32 s5, v0;
	v28 =	vor.u32 v10, v17;
	v27 =	vld.idx.msk [tilespmem:v19+s21+$0x0], $0xffff  }
0x524: {  	s31 =	simm.s32 $0xD;
	v17 =	vand.u32 $0x7F, v20;
	v30 =	vld.idx.msk [tilespmem:v15+s17+$0x0], $0xffff  }
0x525: {  	s7 =	simm.s32 $0xB;
	v62 =	vor.u32 v10, v17;
	v63 =	vld.idx.msk [tilespmem:v15+s21+$0x0], $0xffff;
	v15 =	vadd.s32 s31, v0  }
0x526: {  	v31 =	vimm.f32 $0.0e+00;
	s6 =	simm.s32 $0x9;
	v20 =	vadd.s32 s7, v0;
	v17 =	vld.idx.msk [tilespmem:v18+s17+$0x0], $0xffff;
	v15 =	vand.u32 $0x7F, v15  }
0x527: {  	v19 =	vadd.s32 s6, v0;
	v22 =	vand.u32 $0x7F, v20;
	v20 =	vld.idx.msk [tilespmem:v18+s21+$0x0], $0xffff;
	v23 =	vor.u32 v10, v15  }
0x528: {  	s8 =	simm.s32 $0x8;
	v19 =	vand.u32 $0x7F, v19;
	v22 =	vor.u32 v10, v22;
	v24 =	vmul.f32 v25, v24;
	v18 =	vld.idx.msk [tilespmem:v28+s17+$0x0], $0xffff  }
0x529: {  	s31 =	simm.s32 $0xA;
	v15 =	vadd.s32 s8, v0;
	v26 =	vmul.f32 v27, v26;
	v27 =	vmul.f32 v21, v16;
	v21 =	vld.idx.msk [tilespmem:v28+s21+$0x0], $0xffff  }
0x52a: {  	v19 =	vor.u32 v10, v19;
	v29 =	vand.u32 $0x78, v15;
	v28 =	vadd.s32 s31, v0;
	v16 =	vld.idx.msk [tilespmem:v62+s17+$0x0], $0xffff  }
0x52b: {  	s6 =	simm.s32 $0x17;
	v15 =	vld.idx.msk [tilespmem:v62+s21+$0x0], $0xffff;
	v26 =	vadd.f32 v26, v31;
	v25 =	vadd.f32 v27, v31;
	v27 =	vmul.f32 v63, v30  }
.LBB2_47:
0x52c: {  	p0 =	sne.s32 s6, $0x7F;
	v29 =	vor.u32 v9, v29;
	v28 =	vand.u32 $0x7F, v28;
	v30 =	vmul.f32 v13, v12;
	v12 =	vld.idx.msk [tilespmem:v23+s17+$0x0], $0xffff  }
0x52d: {  	s4 =	sadd.s32 $0xFFFFFFFD, s5;
	v17 =	vmul.f32 v20, v17;
	v13 =	vld.idx.msk [tilespmem:v23+s21+$0x0], $0xffff;
	v23 =	vadd.f32 v27, v26;
	v24 =	vadd.f32 v24, v25  }
0x52e: {  	v14 =	vmul.f32 v14, v11;
	v20 =	vor.u32 v10, v28;
	v26 =	vadd.s32 s4, v0;
	v25 =	vld.idx.msk [tilespmem:v22+s17+$0x0], $0xffff  }
0x52f: {  	s4 =	sadd.s32 $0xFFFFFFFF, s5;
	s5 =	smov.u32 s6;
	v18 =	vmul.f32 v21, v18;
	v27 =	vld.idx.msk [tilespmem:v22+s21+$0x0], $0xffff;
	v17 =	vadd.f32 v17, v23;
	v22 =	vadd.f32 v30, v24  }
0x530: {  	v23 =	vand.u32 $0x7F, v26;
	v24 =	vadd.s32 s4, v0;
	v11 =	vmov v16;
	v21 =	vld.idx.msk [tilespmem:v19+s17+$0x0], $0xffff  }
0x531: {  	v16 =	vld.idx.msk [tilespmem:v19+s21+$0x0], $0xffff;
	v19 =	vor.u32 v10, v23;
	v26 =	vadd.f32 v18, v17;
	v30 =	vadd.f32 v14, v22  }
0x532: {  	v17 =	vand.u32 $0x7F, v24;
	v14 =	vmov v15;
	v28 =	vld.idx.msk [tilespmem:v29+s17+$0x0], $0xffff  }
0x533: {  	v15 =	vadd.s32 s6, v0;
	v24 =	vld.idx.msk [tilespmem:v29+s21+$0x0], $0xffff;
	v29 =	vor.u32 v10, v17  }
0x534: {  	s4 =	sadd.s32 $0xFFFFFFFE, s6;
	v15 =	vand.u32 $0x7F, v15;
	v31 =	vld.idx.msk [tilespmem:v20+s17+$0x0], $0xffff  }
0x535: {  	s7 =	sadd.s32 $0xFFFFFFFA, s6;
	s8 =	sadd.s32 $0xFFFFFFFC, s6;
	v17 =	vadd.s32 s4, v0;
	v15 =	vor.u32 v10, v15;
	v32 =	vld.idx.msk [tilespmem:v20+s21+$0x0], $0xffff  }
0x536: {  	v18 =	vadd.s32 s7, v0;
	v22 =	vand.u32 $0x7F, v17;
	v20 =	vadd.s32 s8, v0;
	v17 =	vld.idx.msk [tilespmem:v19+s17+$0x0], $0xffff  }
.Ltmp27:
0x537: {  	v18 =	vand.u32 $0x7F, v18;
	v23 =	vor.u32 v10, v22;
	v33 =	vand.u32 $0x7F, v20;
	v20 =	vld.idx.msk [tilespmem:v19+s21+$0x0], $0xffff;
	(pc) =	sbr.rel @p0 .LBB2_47-.Ltmp27, $4  }
0x538: {  	s4 =	sadd.s32 $0xFFFFFFF9, s6;
	v19 =	vor.u32 v10, v18;
	v22 =	vor.u32 v10, v33;
	v18 =	vld.idx.msk [tilespmem:v29+s17+$0x0], $0xffff  }
0x539: {  	v35 =	vmul.f32 v16, v21;
	v33 =	vadd.s32 s4, v0;
	s4 =	sadd.s32 $0xFFFFFFFB, s6;
	v34 =	vmul.f32 v24, v28;
	v21 =	vld.idx.msk [tilespmem:v29+s21+$0x0], $0xffff  }
0x53a: {  	v28 =	vadd.s32 s4, v0;
	v24 =	vmul.f32 v27, v25;
	v29 =	vand.u32 $0x78, v33;
	v16 =	vld.idx.msk [tilespmem:v15+s17+$0x0], $0xffff  }
0x53b: {  	s6 =	sadd.s32 $0x8, s6;
	v25 =	vadd.f32 v35, v30;
	v26 =	vadd.f32 v34, v26;
	v27 =	vmul.f32 v32, v31;
	v15 =	vld.idx.msk [tilespmem:v15+s21+$0x0], $0xffff  }
0x53c: {  	_ =	sdelay $0x3  }
0x53d: {  	v30 =	vld.idx.msk [tilespmem:v23+s17+$0x0], $0xffff  }
0x53e: {  	v29 =	vor.u32 v9, v29;
	v48 =	vld.idx.msk [tilespmem:v23+s21+$0x0], $0xffff  }
0x53f: {  	v28 =	vand.u32 $0x7F, v28;
	s4 =	sadd.s32 $0xFFFFFFFD, s5;
	v31 =	vld.idx.msk [tilespmem:v22+s17+$0x0], $0xffff  }
0x540: {  	v49 =	vld.idx.msk [tilespmem:v22+s21+$0x0], $0xffff;
	v28 =	vor.u32 v10, v28;
	v32 =	vadd.s32 s4, v0  }
0x541: {  	s31 =	sadd.s32 $0xFFFFFFFF, s5;
	v33 =	vld.idx.msk [tilespmem:v19+s17+$0x0], $0xffff;
	v32 =	vand.u32 $0x7F, v32  }
0x542: {  	v50 =	vld.idx.msk [tilespmem:v19+s21+$0x0], $0xffff;
	v34 =	vadd.s32 s31, v0;
	v32 =	vor.u32 v10, v32  }
0x543: {  	v34 =	vand.u32 $0x7F, v34;
	v35 =	vld.idx.msk [tilespmem:v29+s17+$0x0], $0xffff  }
0x544: {  	v17 =	vmul.f32 v20, v17;
	v26 =	vadd.f32 v27, v26;
	v52 =	vor.u32 v10, v34;
	v51 =	vld.idx.msk [tilespmem:v29+s21+$0x0], $0xffff  }
0x545: {  	v12 =	vmul.f32 v13, v12;
	v53 =	vadd.f32 v24, v25;
	v54 =	vld.idx.msk [tilespmem:v28+s17+$0x0], $0xffff  }
0x546: {  	v18 =	vmul.f32 v21, v18;
	v17 =	vadd.f32 v17, v26;
	v55 =	vld.idx.msk [tilespmem:v28+s21+$0x0], $0xffff  }
0x547: {  	v11 =	vmul.f32 v14, v11;
	v12 =	vadd.f32 v12, v53;
	v56 =	vld.idx.msk [tilespmem:v32+s17+$0x0], $0xffff  }
0x548: {  	v57 =	vadd.f32 v18, v17;
	v58 =	vld.idx.msk [tilespmem:v32+s21+$0x0], $0xffff  }
0x549: {  	v11 =	vadd.f32 v11, v12;
	v19 =	vmul.f32 v50, v33;
	v59 =	vld.idx.msk [tilespmem:v52+s17+$0x0], $0xffff;
	v60 =	vmul.f32 v51, v35  }
0x54a: {  	v22 =	vmul.f32 v49, v31;
	v61 =	vld.idx.msk [tilespmem:v52+s21+$0x0], $0xffff  }
0x54b: {  	v11 =	vadd.f32 v19, v11;
	v62 =	vmul.f32 v55, v54;
	v14 =	vadd.f32 v60, v57  }
0x54c: {  	v63 =	vmul.f32 v48, v30  }
0x54d: {  	v11 =	vadd.f32 v22, v11;
	v13 =	vmul.f32 v58, v56;
	v14 =	vadd.f32 v62, v14  }
0x54e: {  	v15 =	vmul.f32 v15, v16  }
0x54f: {  	v11 =	vadd.f32 v63, v11;
	v12 =	vmul.f32 v61, v59;
	v13 =	vadd.f32 v13, v14;
	_ =	sdelay $0x1  }
0x550: {  	v11 =	vadd.f32 v15, v11;
	v12 =	vadd.f32 v12, v13;
	_ =	sdelay $0x1  }
0x551: {  	v11 =	vadd.f32 v11, v12  }
0x552: {  	p0 =	sgt.u32 s24, $0x1D  }
0x553: {  	s4 =	sadd.s32 @!p0 $0x230, s25;
	s5 =	simm.s32 @!p0 $0x28;
	s6 =	simm.s32 @!p0 $0xED30;
	[tilespmem:s10+$0x4E60] =	vst v11  }
0x554: {  	[tilespmem:s6], [sflag:$0x7] =	stream.indirect.gather @!p0 [hbm4b:s0+s5], $0x80, s4, s5, $0xb8;
	[tilespmem:$0x1B530] =	vst v63  }
0x555: {  	s4 =	sadd.s32 @!p0 $0x2940, s25;
	s6 =	simm.s32 @!p0 $0x18D30  }
0x556: {  	[tilespmem:s6], [sflag:$0x8] =	stream.indirect.gather @!p0 [hbm4b:s2+s5], $0x80, s4, s5, $0xb8;
	[tilespmem:$0x1B530] =	vst v63  }
.Ltmp28:
0x557: {  	_ = 	snop;
	(pc) =	sbr.rel .LBB2_49-.Ltmp28, $4  }
0x558: {  	s4 =	sadd.s32 @!p0 $0x258, s25;
	s6 =	simm.s32 @!p0 $0x10130  }
0x559: {  	[tilespmem:s6], [sflag:$0x7] =	stream.indirect.gather @!p0 [hbm4b:s0+s5], $0x80, s4, s5, $0xb8;
	[tilespmem:$0x1B530] =	vst v63  }
0x55a: {  	s4 =	sadd.s32 @!p0 $0x2968, s25;
	s6 =	simm.s32 @!p0 $0x1A130  }
0x55b: {  	[tilespmem:s6], [sflag:$0x8] =	stream.indirect.gather @!p0 [hbm4b:s2+s5], $0x80, s4, s5, $0xb8;
	[tilespmem:$0x1B530] =	vst v63  }
.LBB2_51:
0x55c: {  	_ =	sfence.sel $0x180000  }
0x55d: {  	[bflag:$0x0] =	sbarrier.arrive $0xFFFF  }
0x55e: {  	_ =	strace $0x90000047  }
0x55f: {  	s0 =	stileid.u32;
	[bflag:$0x2] =	sbarrier.arrive $0xFFFF  }
0x560: {  	p0 =	sne.s32 s0, $0x0;
	s0 =	rddreg [dreg:$0x4]  }
0x561: {  	s0 =	sadd.s32 @!p0 $0x100000, s0  }
0x562: {  	[sflag:s0] =	ssyncadd.tile.s32 @!p0 $0x1;
	_ =	shalt  }
.Lfunc_end2:
_tile_overlayer_lowered:
.L_overlay_start_2:
0x563: {  	(tag) =	ssettag $0x2  }
0x564: {  	s0 =	rddreg [dreg:$0x0];
	s2 =	stileid.u32  }
0x565: {  	s1 =	rddreg [dreg:$0x1];
	p0 =	sne.s32 s2, $0x0  }
0x566: {  	s3 =	rddreg [dreg:$0x2];
	[bflag:$0x3] =	sbarrier.arrive $0xFFFF;
	s2 =	simm.s32 @!p0 $0x1C09  }
0x567: {  	[timem:s3], [sflag:s2] =	dma.local @!p0 [hbm:s0], s1  }
0x568: {  	s0 =	simm.s32 @!p0 $0x9  }
0x569: {  	_ =	swait.ge @!p0 [sflag:s0], s1  }
0x56a: {  	s1 =	ssub.s32 @!p0 $0x0, s1;
	[sflag:s0] =	ssyncset.done @!p0 $0x0  }
0x56b: {  	[sflag:s0] =	ssyncadd.s32 @!p0 s1  }
0x56c: {  	[bflag:$0x3] =	sbarrier.arrive $0xFFFF  }
0x56d: {  	_ =	shalt  }

</sc_bundles>
